<compile_context>
chip_gen: v7x
topology: tpu7x:2x2x1
jax: 0.10.2.dev20260603
libtpu: 0.0.44.dev20260713+nightly
codegen_flags: <defaults>
</compile_context>

<pallas_src>
import functools

import jax
import jax.numpy as jnp
from jax import lax
from jax.experimental import pallas as pl
from jax.experimental.pallas import tpu as pltpu
from jax.experimental.pallas import tpu_sc as plsc

N_NODES = 10000
NP = 10240
NC = 2
NS = 16
NW = NC * NS
K = 128
ROWS_PT = NP // NS



def _sc_mesh():
    return plsc.VectorSubcoreMesh(core_axis_name="c", subcore_axis_name="s")


FAST_CORE = 0
STEAL_FRAC = 0.0


@functools.lru_cache(maxsize=None)
def _make_prop(chunks: int, steal: int, d: int, kk: int):
    keep = chunks - steal

    def body(feats_hbm, src_hbm, dst_hbm, out_hbm,
             src_v, dst_v, rows_v, zero_v, acc_sh, gsem):
        c = lax.axis_index("c")
        s = lax.axis_index("s")
        wid = s * NC + c
        cnt = lax.select(c == FAST_CORE,
                         jnp.int32(chunks + steal), jnp.int32(keep))

        z16 = jnp.zeros((16,), jnp.float32)
        for i in range(16):
            for j in range(d // 16):
                zero_v[i, pl.ds(j * 16, 16)] = z16
        base = s * ROWS_PT

        def zbody(k2, carry):
            pltpu.sync_copy(zero_v, acc_sh.at[pl.ds(base + k2 * 16, 16)])
            return carry

        lax.fori_loop(0, ROWS_PT // 16, zbody, 0)
        pltpu.sync_copy(acc_sh.at[pl.ds(base + ROWS_PT - 16, 16)], zero_v)

        pltpu.sync_copy(src_hbm.at[wid], src_v.at[pl.ds(0, chunks)])
        pltpu.sync_copy(dst_hbm.at[wid], dst_v.at[pl.ds(0, chunks)])

        if steal:
            @pl.when(c == FAST_CORE)
            def _():
                pw = wid + 1 - 2 * FAST_CORE
                pltpu.sync_copy(src_hbm.at[pw, pl.ds(keep, steal)],
                                src_v.at[pl.ds(chunks, steal)])
                pltpu.sync_copy(dst_hbm.at[pw, pl.ds(keep, steal)],
                                dst_v.at[pl.ds(chunks, steal)])

        plsc.subcore_barrier()

        def lbody(ch, carry):
            pltpu.async_copy(
                feats_hbm.at[src_v.at[ch]], rows_v.at[0], gsem).wait()
            pltpu.sync_copy(rows_v.at[0], acc_sh.at[dst_v.at[ch]], add=True)
            return carry

        lax.fori_loop(0, cnt, lbody, 0)

        pltpu.sync_copy(acc_sh.at[pl.ds(base, 16)], zero_v)
        plsc.subcore_barrier()
        pltpu.sync_copy(acc_sh.at[pl.ds(base, ROWS_PT)],
                        out_hbm.at[c, pl.ds(base, ROWS_PT)])

    return pl.kernel(
        body,
        out_type=jax.ShapeDtypeStruct((NC, NP, d), jnp.float32),
        mesh=_sc_mesh(),
        scratch_types=[
            pltpu.VMEM((chunks + steal, kk), jnp.int32),
            pltpu.VMEM((chunks + steal, kk), jnp.int32),
            pltpu.VMEM((1, kk, d), jnp.float32),
            pltpu.VMEM((16, d), jnp.float32),
            pltpu.VMEM_SHARED((NP, d), jnp.float32),
            pltpu.SemaphoreType.DMA,
        ],
        compiler_params=pltpu.CompilerParams(use_tc_tiling_on_sc=False),
    )


@functools.lru_cache(maxsize=None)
def _make_deg(chunks: int):
    d = 16

    def body(dst_hbm, out_hbm, dst_v, ones_v, zero_v, acc_sh):
        c = lax.axis_index("c")
        s = lax.axis_index("s")
        wid = s * NC + c
        cnt = jnp.int32(chunks)

        z16 = jnp.zeros((16,), jnp.float32)
        o16 = jnp.ones((16,), jnp.float32)
        for i in range(16):
            zero_v[i, pl.ds(0, 16)] = z16
        for i in range(K):
            ones_v[i, pl.ds(0, 16)] = o16
        base = s * ROWS_PT

        def zbody(k2, carry):
            pltpu.sync_copy(zero_v, acc_sh.at[pl.ds(base + k2 * 16, 16)])
            return carry

        lax.fori_loop(0, ROWS_PT // 16, zbody, 0)
        pltpu.sync_copy(acc_sh.at[pl.ds(base + ROWS_PT - 16, 16)], zero_v)
        pltpu.sync_copy(dst_hbm.at[wid], dst_v)
        plsc.subcore_barrier()

        def lbody(ch, carry):
            pltpu.sync_copy(ones_v, acc_sh.at[dst_v.at[ch]], add=True)
            return carry

        lax.fori_loop(0, cnt, lbody, 0)

        pltpu.sync_copy(acc_sh.at[pl.ds(base, 16)], zero_v)
        plsc.subcore_barrier()
        pltpu.sync_copy(acc_sh.at[pl.ds(base, ROWS_PT)],
                        out_hbm.at[c, pl.ds(base, ROWS_PT)])

    return pl.kernel(
        body,
        out_type=jax.ShapeDtypeStruct((NC, NP, d), jnp.float32),
        mesh=_sc_mesh(),
        scratch_types=[
            pltpu.VMEM((chunks, K), jnp.int32),
            pltpu.VMEM((K, d), jnp.float32),
            pltpu.VMEM((16, d), jnp.float32),
            pltpu.VMEM_SHARED((NP, d), jnp.float32),
        ],
        compiler_params=pltpu.CompilerParams(use_tc_tiling_on_sc=False),
    )



BN = 1000


def _tc_call(body, n, out_specs, out_shapes, in_specs, *args):
    return pl.pallas_call(
        body,
        grid=(n // BN,),
        in_specs=in_specs,
        out_specs=out_specs,
        out_shape=out_shapes,
    )(*args)


def _bs_rows(width):
    return pl.BlockSpec((BN, width), lambda i: (i, 0))


def _bs_pair(width):
    return pl.BlockSpec((NC, BN, width), lambda i: (0, i, 0))


def _bs_full(a, b):
    return pl.BlockSpec((a, b), lambda i: (0, 0))


def _stage_a(degp, x, w1):
    def body(degp_ref, x_ref, w1_ref, dinv_ref, us1_ref):
        deg = degp_ref[0, :, 0:1] + degp_ref[1, :, 0:1] + 1.0
        dinv = lax.rsqrt(deg)
        dinv_ref[...] = dinv
        us1_ref[...] = jnp.dot(x_ref[...], w1_ref[...],
                               preferred_element_type=jnp.float32) * dinv

    n = x.shape[0]
    return _tc_call(
        body, n,
        [_bs_rows(1), _bs_rows(w1.shape[1])],
        [jax.ShapeDtypeStruct((n, 1), jnp.float32),
         jax.ShapeDtypeStruct((n, w1.shape[1]), jnp.float32)],
        [_bs_pair(16), _bs_rows(x.shape[1]), _bs_full(*w1.shape)],
        degp, x, w1)


def _stage_b(us1, p1, dinv, b1, w2):
    def body(us1_ref, p1_ref, dinv_ref, b1_ref, w2_ref, us2_ref):
        dinv = dinv_ref[...]
        h = dinv * (us1_ref[...] + p1_ref[0] + p1_ref[1]) + b1_ref[...]
        h = jnp.maximum(h, 0.0)
        us2_ref[...] = jnp.dot(h, w2_ref[...],
                               preferred_element_type=jnp.float32) * dinv

    n, d = us1.shape
    return _tc_call(
        body, n,
        _bs_rows(w2.shape[1]),
        jax.ShapeDtypeStruct((n, w2.shape[1]), jnp.float32),
        [_bs_rows(d), _bs_pair(d), _bs_rows(1), _bs_full(*b1.shape),
         _bs_full(*w2.shape)],
        us1, p1, dinv, b1, w2)


def _stage_c(us2, p2, dinv, b2):
    def body(us2_ref, p2_ref, dinv_ref, b2_ref, zs_ref):
        dinv = dinv_ref[...]
        z = dinv * (us2_ref[...] + p2_ref[0] + p2_ref[1]) + b2_ref[...]
        zs_ref[...] = z * dinv

    n, d = us2.shape
    return _tc_call(
        body, n,
        _bs_rows(d),
        jax.ShapeDtypeStruct((n, d), jnp.float32),
        [_bs_rows(d), _bs_pair(d), _bs_rows(1), _bs_full(*b2.shape)],
        us2, p2, dinv, b2)


def _stage_d(zs, p3, dinv, w3, b3):
    def body(zs_ref, p3_ref, dinv_ref, w3_ref, b3_ref, ds_ref):
        dinv = dinv_ref[...]
        m3 = dinv * (zs_ref[...] + p3_ref[0] + p3_ref[1])
        dd = jnp.maximum(jnp.dot(m3, w3_ref[...],
                                 preferred_element_type=jnp.float32)
                         + b3_ref[...], 0.0)
        ds_ref[...] = dd * dinv

    n, d = zs.shape
    return _tc_call(
        body, n,
        _bs_rows(w3.shape[1]),
        jax.ShapeDtypeStruct((n, w3.shape[1]), jnp.float32),
        [_bs_rows(d), _bs_pair(d), _bs_rows(1), _bs_full(*w3.shape),
         _bs_full(*b3.shape)],
        zs, p3, dinv, w3, b3)


def _stage_e(ds, p4, dinv, w4, b4):
    def body(ds_ref, p4_ref, dinv_ref, w4_ref, b4_ref, out_ref):
        dinv = dinv_ref[...]
        m4 = dinv * (ds_ref[...] + p4_ref[0] + p4_ref[1])
        out_ref[...] = jnp.dot(m4, w4_ref[...],
                               preferred_element_type=jnp.float32) + b4_ref[...]

    n, d = ds.shape
    return _tc_call(
        body, n,
        _bs_rows(w4.shape[1]),
        jax.ShapeDtypeStruct((n, w4.shape[1]), jnp.float32),
        [_bs_rows(d), _bs_pair(d), _bs_rows(1), _bs_full(*w4.shape),
         _bs_full(*b4.shape)],
        ds, p4, dinv, w4, b4)



def kernel(x, edge_index, W1, b1, W2, b2, W3, b3, W4, b4):
    n = x.shape[0]
    e = edge_index.shape[1]
    e_pad = -(-e // (NW * K)) * (NW * K)
    chunks = e_pad // (NW * K)
    steal = int(round(chunks * STEAL_FRAC))

    src = edge_index[0].astype(jnp.int32)
    dst = edge_index[1].astype(jnp.int32)
    src_r = jnp.concatenate(
        [src, jnp.zeros((e_pad - e,), jnp.int32)]).reshape(NW, chunks, K)
    dst_r = jnp.concatenate(
        [dst, jnp.full((e_pad - e,), n, jnp.int32)]).reshape(NW, chunks, K)
    b1r, b2r, b3r, b4r = (b.reshape(1, -1) for b in (b1, b2, b3, b4))

    degp = _make_deg(chunks)(dst_r)
    dinv, us1 = _stage_a(degp, x, W1)
    p1 = _make_prop(chunks, steal, us1.shape[1], K)(us1, src_r, dst_r)
    us2 = _stage_b(us1, p1, dinv, b1r, W2)
    p2 = _make_prop(chunks, steal, us2.shape[1], K)(us2, src_r, dst_r)
    zs = _stage_c(us2, p2, dinv, b2r)
    p3 = _make_prop(chunks, steal, zs.shape[1], K)(zs, src_r, dst_r)
    ds = _stage_d(zs, p3, dinv, W3, b3r)
    p4 = _make_prop(chunks, steal, ds.shape[1], K)(ds, src_r, dst_r)
    recon = _stage_e(ds, p4, dinv, W4, b4r)
    return recon

# --- scband reference (transcript-rebuilt; emitter-appended) ---
"""Pipeline reference for scband-gcnae-22814866276793 (READ-ONLY COPY).

The authoritative reference and input builder live on the scoring server;
editing this copy changes nothing except your own understanding.
"""

import jax, jax.numpy as jnp
import numpy as np

N_NODES = 10000
N_EDGES = 320000
IN_CH = 128
HID_CH = 64
OUT_CH = 32


def glorot(key, shape):
    limit = float(np.sqrt(6.0 / (shape[0] + shape[1])))
    return jax.random.uniform(key, shape, dtype=jnp.float32, minval=-limit, maxval=limit)


def setup_inputs(seed: int = 0) -> dict:
    key = jax.random.key(seed)
    ks = jax.random.split(key, 10)
    x = jax.random.normal(ks[0], (N_NODES, IN_CH), dtype=jnp.float32)
    edge_index = jax.random.randint(ks[1], (2, N_EDGES), 0, N_NODES, dtype=jnp.int64 if jax.config.jax_enable_x64 else jnp.int32).astype(jnp.int32)
    W1 = glorot(ks[2], (IN_CH, HID_CH)); b1 = jnp.zeros((HID_CH,), jnp.float32)
    W2 = glorot(ks[3], (HID_CH, OUT_CH)); b2 = jnp.zeros((OUT_CH,), jnp.float32)
    W3 = glorot(ks[4], (OUT_CH, HID_CH)); b3 = jnp.zeros((HID_CH,), jnp.float32)
    W4 = glorot(ks[5], (HID_CH, IN_CH)); b4 = jnp.zeros((IN_CH,), jnp.float32)
    return {"x": x, "edge_index": edge_index, "W1": W1, "b1": b1, "W2": W2, "b2": b2, "W3": W3, "b3": b3, "W4": W4, "b4": b4}


def gcn_conv(x, src, dst, norm, W, b, num_nodes):
    # PyG GCNConv: h = x @ W, propagate with symmetric norm, add bias
    h = x @ W
    msg = jnp.take(h, src, axis=0) * norm[:, None]
    out = jnp.zeros((num_nodes, h.shape[1]), dtype=h.dtype).at[dst].add(msg)
    return out + b


def _edges_with_loops_and_norm(edge_index, num_nodes):
    loop = jnp.arange(num_nodes, dtype=edge_index.dtype)
    src = jnp.concatenate([edge_index[0], loop])
    dst = jnp.concatenate([edge_index[1], loop])
    deg = jnp.zeros((num_nodes,), jnp.float32).at[dst].add(1.0)
    dinv = jnp.where(deg > 0, jax.lax.rsqrt(deg), 0.0)
    norm = jnp.take(dinv, src) * jnp.take(dinv, dst)
    return src, dst, norm


def reference(x, edge_index, W1, b1, W2, b2, W3, b3, W4, b4):
    num_nodes = x.shape[0]
    src, dst, norm = _edges_with_loops_and_norm(edge_index, num_nodes)
    # encode
    h = gcn_conv(x, src, dst, norm, W1, b1, num_nodes)
    h = jax.nn.relu(h)
    z = gcn_conv(h, src, dst, norm, W2, b2, num_nodes)
    # decode
    d = gcn_conv(z, src, dst, norm, W3, b3, num_nodes)
    d = jax.nn.relu(d)
    recon_x = gcn_conv(d, src, dst, norm, W4, b4, num_nodes)
    return recon_x

if __name__ == "__main__":
    import jax
    _d = setup_inputs()
    print(jax.jit(kernel)(*tuple(_d.values())))

</pallas_src>

<mosaic_0001>
#map = affine_map<(d0, d1) -> (0, 0, 0)>
module attributes {stable_mosaic.version = 14 : i64} {
  func.func @body(%arg0: i32, %arg1: i32, %arg2: memref<32x79x128xi32, #tpu.memory_space<hbm>>, %arg3: memref<2x10240x16xf32, #tpu.memory_space<hbm>>, %arg4: memref<79x128xi32, #tpu.memory_space<vmem>>, %arg5: memref<128x16xf32, #tpu.memory_space<vmem>>, %arg6: memref<16x16xf32, #tpu.memory_space<vmem>>, %arg7: memref<10240x16xf32, #tpu.memory_space<vmem_shared>>) attributes {dimension_semantics = [#tpu.dimension_semantics<core_parallel>, #tpu.dimension_semantics<subcore_parallel>], iteration_bounds = array<i64: 2, 16>, scalar_prefetch = 0 : i64, scratch_operands = 4 : i64, tpu.core_type = #tpu.core_type<sc_vector_subcore>, window_params = [{transform_indices = #map}, {transform_indices = #map}]} {
    %mul3A = arith.constant 2 : i32
    %mul3A_0 = arith.muli %arg1, %mul3A : i32
    %add3A = arith.addi %mul3A_0, %arg0 : i32
    %broadcast_in_dim3A = arith.constant 0.000000e+00 : f32
    %broadcast_in_dim3A_1 = vector.broadcast %broadcast_in_dim3A : f32 to vector<16xf32>
    %broadcast_in_dim3A_2 = arith.constant 1.000000e+00 : f32
    %broadcast_in_dim3A_3 = vector.broadcast %broadcast_in_dim3A_2 : f32 to vector<16xf32>
    %swap3A = arith.constant 0 : i32
    %swap3A_4 = arith.index_cast %swap3A : i32 to index
    %swap3A_5 = arith.constant 0 : index
    %swap3A_6 = tpu.vector_load %arg6[%swap3A_4, %swap3A_5] {strides = array<i32>} : memref<16x16xf32, #tpu.memory_space<vmem>>, vector<1x16xf32>,
    %swap3A_7 = vector.shape_cast %swap3A_6 : vector<1x16xf32> to vector<16xf32>
    %swap3A_8 = vector.shape_cast %broadcast_in_dim3A_1 : vector<16xf32> to vector<1x16xf32>
    tpu.vector_store %arg6[%swap3A_4, %swap3A_5], %swap3A_8 {strides = array<i32>} : memref<16x16xf32, #tpu.memory_space<vmem>>, vector<1x16xf32>,
    %swap3A_9 = arith.constant 1 : i32
    %swap3A_10 = arith.index_cast %swap3A_9 : i32 to index
    %swap3A_11 = arith.constant 0 : index
    %swap3A_12 = tpu.vector_load %arg6[%swap3A_10, %swap3A_11] {strides = array<i32>} : memref<16x16xf32, #tpu.memory_space<vmem>>, vector<1x16xf32>,
    %swap3A_13 = vector.shape_cast %swap3A_12 : vector<1x16xf32> to vector<16xf32>
    %swap3A_14 = vector.shape_cast %broadcast_in_dim3A_1 : vector<16xf32> to vector<1x16xf32>
    tpu.vector_store %arg6[%swap3A_10, %swap3A_11], %swap3A_14 {strides = array<i32>} : memref<16x16xf32, #tpu.memory_space<vmem>>, vector<1x16xf32>,
    %swap3A_15 = arith.constant 2 : i32
    %swap3A_16 = arith.index_cast %swap3A_15 : i32 to index
    %swap3A_17 = arith.constant 0 : index
    %swap3A_18 = tpu.vector_load %arg6[%swap3A_16, %swap3A_17] {strides = array<i32>} : memref<16x16xf32, #tpu.memory_space<vmem>>, vector<1x16xf32>,
    %swap3A_19 = vector.shape_cast %swap3A_18 : vector<1x16xf32> to vector<16xf32>
    %swap3A_20 = vector.shape_cast %broadcast_in_dim3A_1 : vector<16xf32> to vector<1x16xf32>
    tpu.vector_store %arg6[%swap3A_16, %swap3A_17], %swap3A_20 {strides = array<i32>} : memref<16x16xf32, #tpu.memory_space<vmem>>, vector<1x16xf32>,
    %swap3A_21 = arith.constant 3 : i32
    %swap3A_22 = arith.index_cast %swap3A_21 : i32 to index
    %swap3A_23 = arith.constant 0 : index
    %swap3A_24 = tpu.vector_load %arg6[%swap3A_22, %swap3A_23] {strides = array<i32>} : memref<16x16xf32, #tpu.memory_space<vmem>>, vector<1x16xf32>,
    %swap3A_25 = vector.shape_cast %swap3A_24 : vector<1x16xf32> to vector<16xf32>
    %swap3A_26 = vector.shape_cast %broadcast_in_dim3A_1 : vector<16xf32> to vector<1x16xf32>
    tpu.vector_store %arg6[%swap3A_22, %swap3A_23], %swap3A_26 {strides = array<i32>} : memref<16x16xf32, #tpu.memory_space<vmem>>, vector<1x16xf32>,
    %swap3A_27 = arith.constant 4 : i32
    %swap3A_28 = arith.index_cast %swap3A_27 : i32 to index
    %swap3A_29 = arith.constant 0 : index
    %swap3A_30 = tpu.vector_load %arg6[%swap3A_28, %swap3A_29] {strides = array<i32>} : memref<16x16xf32, #tpu.memory_space<vmem>>, vector<1x16xf32>,
    %swap3A_31 = vector.shape_cast %swap3A_30 : vector<1x16xf32> to vector<16xf32>
    %swap3A_32 = vector.shape_cast %broadcast_in_dim3A_1 : vector<16xf32> to vector<1x16xf32>
    tpu.vector_store %arg6[%swap3A_28, %swap3A_29], %swap3A_32 {strides = array<i32>} : memref<16x16xf32, #tpu.memory_space<vmem>>, vector<1x16xf32>,
    %swap3A_33 = arith.constant 5 : i32
    %swap3A_34 = arith.index_cast %swap3A_33 : i32 to index
    %swap3A_35 = arith.constant 0 : index
    %swap3A_36 = tpu.vector_load %arg6[%swap3A_34, %swap3A_35] {strides = array<i32>} : memref<16x16xf32, #tpu.memory_space<vmem>>, vector<1x16xf32>,
    %swap3A_37 = vector.shape_cast %swap3A_36 : vector<1x16xf32> to vector<16xf32>
    %swap3A_38 = vector.shape_cast %broadcast_in_dim3A_1 : vector<16xf32> to vector<1x16xf32>
    tpu.vector_store %arg6[%swap3A_34, %swap3A_35], %swap3A_38 {strides = array<i32>} : memref<16x16xf32, #tpu.memory_space<vmem>>, vector<1x16xf32>,
    %swap3A_39 = arith.constant 6 : i32
    %swap3A_40 = arith.index_cast %swap3A_39 : i32 to index
    %swap3A_41 = arith.constant 0 : index
    %swap3A_42 = tpu.vector_load %arg6[%swap3A_40, %swap3A_41] {strides = array<i32>} : memref<16x16xf32, #tpu.memory_space<vmem>>, vector<1x16xf32>,
    %swap3A_43 = vector.shape_cast %swap3A_42 : vector<1x16xf32> to vector<16xf32>
    %swap3A_44 = vector.shape_cast %broadcast_in_dim3A_1 : vector<16xf32> to vector<1x16xf32>
    tpu.vector_store %arg6[%swap3A_40, %swap3A_41], %swap3A_44 {strides = array<i32>} : memref<16x16xf32, #tpu.memory_space<vmem>>, vector<1x16xf32>,
    %swap3A_45 = arith.constant 7 : i32
    %swap3A_46 = arith.index_cast %swap3A_45 : i32 to index
    %swap3A_47 = arith.constant 0 : index
    %swap3A_48 = tpu.vector_load %arg6[%swap3A_46, %swap3A_47] {strides = array<i32>} : memref<16x16xf32, #tpu.memory_space<vmem>>, vector<1x16xf32>,
    %swap3A_49 = vector.shape_cast %swap3A_48 : vector<1x16xf32> to vector<16xf32>
    %swap3A_50 = vector.shape_cast %broadcast_in_dim3A_1 : vector<16xf32> to vector<1x16xf32>
    tpu.vector_store %arg6[%swap3A_46, %swap3A_47], %swap3A_50 {strides = array<i32>} : memref<16x16xf32, #tpu.memory_space<vmem>>, vector<1x16xf32>,
    %swap3A_51 = arith.constant 8 : i32
    %swap3A_52 = arith.index_cast %swap3A_51 : i32 to index
    %swap3A_53 = arith.constant 0 : index
    %swap3A_54 = tpu.vector_load %arg6[%swap3A_52, %swap3A_53] {strides = array<i32>} : memref<16x16xf32, #tpu.memory_space<vmem>>, vector<1x16xf32>,
    %swap3A_55 = vector.shape_cast %swap3A_54 : vector<1x16xf32> to vector<16xf32>
    %swap3A_56 = vector.shape_cast %broadcast_in_dim3A_1 : vector<16xf32> to vector<1x16xf32>
    tpu.vector_store %arg6[%swap3A_52, %swap3A_53], %swap3A_56 {strides = array<i32>} : memref<16x16xf32, #tpu.memory_space<vmem>>, vector<1x16xf32>,
    %swap3A_57 = arith.constant 9 : i32
    %swap3A_58 = arith.index_cast %swap3A_57 : i32 to index
    %swap3A_59 = arith.constant 0 : index
    %swap3A_60 = tpu.vector_load %arg6[%swap3A_58, %swap3A_59] {strides = array<i32>} : memref<16x16xf32, #tpu.memory_space<vmem>>, vector<1x16xf32>,
    %swap3A_61 = vector.shape_cast %swap3A_60 : vector<1x16xf32> to vector<16xf32>
    %swap3A_62 = vector.shape_cast %broadcast_in_dim3A_1 : vector<16xf32> to vector<1x16xf32>
    tpu.vector_store %arg6[%swap3A_58, %swap3A_59], %swap3A_62 {strides = array<i32>} : memref<16x16xf32, #tpu.memory_space<vmem>>, vector<1x16xf32>,
    %swap3A_63 = arith.constant 10 : i32
    %swap3A_64 = arith.index_cast %swap3A_63 : i32 to index
    %swap3A_65 = arith.constant 0 : index
    %swap3A_66 = tpu.vector_load %arg6[%swap3A_64, %swap3A_65] {strides = array<i32>} : memref<16x16xf32, #tpu.memory_space<vmem>>, vector<1x16xf32>,
    %swap3A_67 = vector.shape_cast %swap3A_66 : vector<1x16xf32> to vector<16xf32>
    %swap3A_68 = vector.shape_cast %broadcast_in_dim3A_1 : vector<16xf32> to vector<1x16xf32>
    tpu.vector_store %arg6[%swap3A_64, %swap3A_65], %swap3A_68 {strides = array<i32>} : memref<16x16xf32, #tpu.memory_space<vmem>>, vector<1x16xf32>,
    %swap3A_69 = arith.constant 11 : i32
    %swap3A_70 = arith.index_cast %swap3A_69 : i32 to index
    %swap3A_71 = arith.constant 0 : index
    %swap3A_72 = tpu.vector_load %arg6[%swap3A_70, %swap3A_71] {strides = array<i32>} : memref<16x16xf32, #tpu.memory_space<vmem>>, vector<1x16xf32>,
    %swap3A_73 = vector.shape_cast %swap3A_72 : vector<1x16xf32> to vector<16xf32>
    %swap3A_74 = vector.shape_cast %broadcast_in_dim3A_1 : vector<16xf32> to vector<1x16xf32>
    tpu.vector_store %arg6[%swap3A_70, %swap3A_71], %swap3A_74 {strides = array<i32>} : memref<16x16xf32, #tpu.memory_space<vmem>>, vector<1x16xf32>,
    %swap3A_75 = arith.constant 12 : i32
    %swap3A_76 = arith.index_cast %swap3A_75 : i32 to index
    %swap3A_77 = arith.constant 0 : index
    %swap3A_78 = tpu.vector_load %arg6[%swap3A_76, %swap3A_77] {strides = array<i32>} : memref<16x16xf32, #tpu.memory_space<vmem>>, vector<1x16xf32>,
    %swap3A_79 = vector.shape_cast %swap3A_78 : vector<1x16xf32> to vector<16xf32>
    %swap3A_80 = vector.shape_cast %broadcast_in_dim3A_1 : vector<16xf32> to vector<1x16xf32>
    tpu.vector_store %arg6[%swap3A_76, %swap3A_77], %swap3A_80 {strides = array<i32>} : memref<16x16xf32, #tpu.memory_space<vmem>>, vector<1x16xf32>,
    %swap3A_81 = arith.constant 13 : i32
    %swap3A_82 = arith.index_cast %swap3A_81 : i32 to index
    %swap3A_83 = arith.constant 0 : index
    %swap3A_84 = tpu.vector_load %arg6[%swap3A_82, %swap3A_83] {strides = array<i32>} : memref<16x16xf32, #tpu.memory_space<vmem>>, vector<1x16xf32>,
    %swap3A_85 = vector.shape_cast %swap3A_84 : vector<1x16xf32> to vector<16xf32>
    %swap3A_86 = vector.shape_cast %broadcast_in_dim3A_1 : vector<16xf32> to vector<1x16xf32>
    tpu.vector_store %arg6[%swap3A_82, %swap3A_83], %swap3A_86 {strides = array<i32>} : memref<16x16xf32, #tpu.memory_space<vmem>>, vector<1x16xf32>,
    %swap3A_87 = arith.constant 14 : i32
    %swap3A_88 = arith.index_cast %swap3A_87 : i32 to index
    %swap3A_89 = arith.constant 0 : index
    %swap3A_90 = tpu.vector_load %arg6[%swap3A_88, %swap3A_89] {strides = array<i32>} : memref<16x16xf32, #tpu.memory_space<vmem>>, vector<1x16xf32>,
    %swap3A_91 = vector.shape_cast %swap3A_90 : vector<1x16xf32> to vector<16xf32>
    %swap3A_92 = vector.shape_cast %broadcast_in_dim3A_1 : vector<16xf32> to vector<1x16xf32>
    tpu.vector_store %arg6[%swap3A_88, %swap3A_89], %swap3A_92 {strides = array<i32>} : memref<16x16xf32, #tpu.memory_space<vmem>>, vector<1x16xf32>,
    %swap3A_93 = arith.constant 15 : i32
    %swap3A_94 = arith.index_cast %swap3A_93 : i32 to index
    %swap3A_95 = arith.constant 0 : index
    %swap3A_96 = tpu.vector_load %arg6[%swap3A_94, %swap3A_95] {strides = array<i32>} : memref<16x16xf32, #tpu.memory_space<vmem>>, vector<1x16xf32>,
    %swap3A_97 = vector.shape_cast %swap3A_96 : vector<1x16xf32> to vector<16xf32>
    %swap3A_98 = vector.shape_cast %broadcast_in_dim3A_1 : vector<16xf32> to vector<1x16xf32>
    tpu.vector_store %arg6[%swap3A_94, %swap3A_95], %swap3A_98 {strides = array<i32>} : memref<16x16xf32, #tpu.memory_space<vmem>>, vector<1x16xf32>,
    %swap3A_99 = arith.constant 0 : i32
    %swap3A_100 = arith.index_cast %swap3A_99 : i32 to index
    %swap3A_101 = arith.constant 0 : index
    %swap3A_102 = tpu.vector_load %arg5[%swap3A_100, %swap3A_101] {strides = array<i32>} : memref<128x16xf32, #tpu.memory_space<vmem>>, vector<1x16xf32>,
    %swap3A_103 = vector.shape_cast %swap3A_102 : vector<1x16xf32> to vector<16xf32>
    %swap3A_104 = vector.shape_cast %broadcast_in_dim3A_3 : vector<16xf32> to vector<1x16xf32>
    tpu.vector_store %arg5[%swap3A_100, %swap3A_101], %swap3A_104 {strides = array<i32>} : memref<128x16xf32, #tpu.memory_space<vmem>>, vector<1x16xf32>,
    %swap3A_105 = arith.constant 1 : i32
    %swap3A_106 = arith.index_cast %swap3A_105 : i32 to index
    %swap3A_107 = arith.constant 0 : index
    %swap3A_108 = tpu.vector_load %arg5[%swap3A_106, %swap3A_107] {strides = array<i32>} : memref<128x16xf32, #tpu.memory_space<vmem>>, vector<1x16xf32>,
    %swap3A_109 = vector.shape_cast %swap3A_108 : vector<1x16xf32> to vector<16xf32>
    %swap3A_110 = vector.shape_cast %broadcast_in_dim3A_3 : vector<16xf32> to vector<1x16xf32>
    tpu.vector_store %arg5[%swap3A_106, %swap3A_107], %swap3A_110 {strides = array<i32>} : memref<128x16xf32, #tpu.memory_space<vmem>>, vector<1x16xf32>,
    %swap3A_111 = arith.constant 2 : i32
    %swap3A_112 = arith.index_cast %swap3A_111 : i32 to index
    %swap3A_113 = arith.constant 0 : index
    %swap3A_114 = tpu.vector_load %arg5[%swap3A_112, %swap3A_113] {strides = array<i32>} : memref<128x16xf32, #tpu.memory_space<vmem>>, vector<1x16xf32>,
    %swap3A_115 = vector.shape_cast %swap3A_114 : vector<1x16xf32> to vector<16xf32>
    %swap3A_116 = vector.shape_cast %broadcast_in_dim3A_3 : vector<16xf32> to vector<1x16xf32>
    tpu.vector_store %arg5[%swap3A_112, %swap3A_113], %swap3A_116 {strides = array<i32>} : memref<128x16xf32, #tpu.memory_space<vmem>>, vector<1x16xf32>,
    %swap3A_117 = arith.constant 3 : i32
    %swap3A_118 = arith.index_cast %swap3A_117 : i32 to index
    %swap3A_119 = arith.constant 0 : index
    %swap3A_120 = tpu.vector_load %arg5[%swap3A_118, %swap3A_119] {strides = array<i32>} : memref<128x16xf32, #tpu.memory_space<vmem>>, vector<1x16xf32>,
    %swap3A_121 = vector.shape_cast %swap3A_120 : vector<1x16xf32> to vector<16xf32>
    %swap3A_122 = vector.shape_cast %broadcast_in_dim3A_3 : vector<16xf32> to vector<1x16xf32>
    tpu.vector_store %arg5[%swap3A_118, %swap3A_119], %swap3A_122 {strides = array<i32>} : memref<128x16xf32, #tpu.memory_space<vmem>>, vector<1x16xf32>,
    %swap3A_123 = arith.constant 4 : i32
    %swap3A_124 = arith.index_cast %swap3A_123 : i32 to index
    %swap3A_125 = arith.constant 0 : index
    %swap3A_126 = tpu.vector_load %arg5[%swap3A_124, %swap3A_125] {strides = array<i32>} : memref<128x16xf32, #tpu.memory_space<vmem>>, vector<1x16xf32>,
    %swap3A_127 = vector.shape_cast %swap3A_126 : vector<1x16xf32> to vector<16xf32>
    %swap3A_128 = vector.shape_cast %broadcast_in_dim3A_3 : vector<16xf32> to vector<1x16xf32>
    tpu.vector_store %arg5[%swap3A_124, %swap3A_125], %swap3A_128 {strides = array<i32>} : memref<128x16xf32, #tpu.memory_space<vmem>>, vector<1x16xf32>,
    %swap3A_129 = arith.constant 5 : i32
    %swap3A_130 = arith.index_cast %swap3A_129 : i32 to index
    %swap3A_131 = arith.constant 0 : index
    %swap3A_132 = tpu.vector_load %arg5[%swap3A_130, %swap3A_131] {strides = array<i32>} : memref<128x16xf32, #tpu.memory_space<vmem>>, vector<1x16xf32>,
    %swap3A_133 = vector.shape_cast %swap3A_132 : vector<1x16xf32> to vector<16xf32>
    %swap3A_134 = vector.shape_cast %broadcast_in_dim3A_3 : vector<16xf32> to vector<1x16xf32>
    tpu.vector_store %arg5[%swap3A_130, %swap3A_131], %swap3A_134 {strides = array<i32>} : memref<128x16xf32, #tpu.memory_space<vmem>>, vector<1x16xf32>,
    %swap3A_135 = arith.constant 6 : i32
    %swap3A_136 = arith.index_cast %swap3A_135 : i32 to index
    %swap3A_137 = arith.constant 0 : index
    %swap3A_138 = tpu.vector_load %arg5[%swap3A_136, %swap3A_137] {strides = array<i32>} : memref<128x16xf32, #tpu.memory_space<vmem>>, vector<1x16xf32>,
    %swap3A_139 = vector.shape_cast %swap3A_138 : vector<1x16xf32> to vector<16xf32>
    %swap3A_140 = vector.shape_cast %broadcast_in_dim3A_3 : vector<16xf32> to vector<1x16xf32>
    tpu.vector_store %arg5[%swap3A_136, %swap3A_137], %swap3A_140 {strides = array<i32>} : memref<128x16xf32, #tpu.memory_space<vmem>>, vector<1x16xf32>,
    %swap3A_141 = arith.constant 7 : i32
    %swap3A_142 = arith.index_cast %swap3A_141 : i32 to index
    %swap3A_143 = arith.constant 0 : index
    %swap3A_144 = tpu.vector_load %arg5[%swap3A_142, %swap3A_143] {strides = array<i32>} : memref<128x16xf32, #tpu.memory_space<vmem>>, vector<1x16xf32>,
    %swap3A_145 = vector.shape_cast %swap3A_144 : vector<1x16xf32> to vector<16xf32>
    %swap3A_146 = vector.shape_cast %broadcast_in_dim3A_3 : vector<16xf32> to vector<1x16xf32>
    tpu.vector_store %arg5[%swap3A_142, %swap3A_143], %swap3A_146 {strides = array<i32>} : memref<128x16xf32, #tpu.memory_space<vmem>>, vector<1x16xf32>,
    %swap3A_147 = arith.constant 8 : i32
    %swap3A_148 = arith.index_cast %swap3A_147 : i32 to index
    %swap3A_149 = arith.constant 0 : index
    %swap3A_150 = tpu.vector_load %arg5[%swap3A_148, %swap3A_149] {strides = array<i32>} : memref<128x16xf32, #tpu.memory_space<vmem>>, vector<1x16xf32>,
    %swap3A_151 = vector.shape_cast %swap3A_150 : vector<1x16xf32> to vector<16xf32>
    %swap3A_152 = vector.shape_cast %broadcast_in_dim3A_3 : vector<16xf32> to vector<1x16xf32>
    tpu.vector_store %arg5[%swap3A_148, %swap3A_149], %swap3A_152 {strides = array<i32>} : memref<128x16xf32, #tpu.memory_space<vmem>>, vector<1x16xf32>,
    %swap3A_153 = arith.constant 9 : i32
    %swap3A_154 = arith.index_cast %swap3A_153 : i32 to index
    %swap3A_155 = arith.constant 0 : index
    %swap3A_156 = tpu.vector_load %arg5[%swap3A_154, %swap3A_155] {strides = array<i32>} : memref<128x16xf32, #tpu.memory_space<vmem>>, vector<1x16xf32>,
    %swap3A_157 = vector.shape_cast %swap3A_156 : vector<1x16xf32> to vector<16xf32>
    %swap3A_158 = vector.shape_cast %broadcast_in_dim3A_3 : vector<16xf32> to vector<1x16xf32>
    tpu.vector_store %arg5[%swap3A_154, %swap3A_155], %swap3A_158 {strides = array<i32>} : memref<128x16xf32, #tpu.memory_space<vmem>>, vector<1x16xf32>,
    %swap3A_159 = arith.constant 10 : i32
    %swap3A_160 = arith.index_cast %swap3A_159 : i32 to index
    %swap3A_161 = arith.constant 0 : index
    %swap3A_162 = tpu.vector_load %arg5[%swap3A_160, %swap3A_161] {strides = array<i32>} : memref<128x16xf32, #tpu.memory_space<vmem>>, vector<1x16xf32>,
    %swap3A_163 = vector.shape_cast %swap3A_162 : vector<1x16xf32> to vector<16xf32>
    %swap3A_164 = vector.shape_cast %broadcast_in_dim3A_3 : vector<16xf32> to vector<1x16xf32>
    tpu.vector_store %arg5[%swap3A_160, %swap3A_161], %swap3A_164 {strides = array<i32>} : memref<128x16xf32, #tpu.memory_space<vmem>>, vector<1x16xf32>,
    %swap3A_165 = arith.constant 11 : i32
    %swap3A_166 = arith.index_cast %swap3A_165 : i32 to index
    %swap3A_167 = arith.constant 0 : index
    %swap3A_168 = tpu.vector_load %arg5[%swap3A_166, %swap3A_167] {strides = array<i32>} : memref<128x16xf32, #tpu.memory_space<vmem>>, vector<1x16xf32>,
    %swap3A_169 = vector.shape_cast %swap3A_168 : vector<1x16xf32> to vector<16xf32>
    %swap3A_170 = vector.shape_cast %broadcast_in_dim3A_3 : vector<16xf32> to vector<1x16xf32>
    tpu.vector_store %arg5[%swap3A_166, %swap3A_167], %swap3A_170 {strides = array<i32>} : memref<128x16xf32, #tpu.memory_space<vmem>>, vector<1x16xf32>,
    %swap3A_171 = arith.constant 12 : i32
    %swap3A_172 = arith.index_cast %swap3A_171 : i32 to index
    %swap3A_173 = arith.constant 0 : index
    %swap3A_174 = tpu.vector_load %arg5[%swap3A_172, %swap3A_173] {strides = array<i32>} : memref<128x16xf32, #tpu.memory_space<vmem>>, vector<1x16xf32>,
    %swap3A_175 = vector.shape_cast %swap3A_174 : vector<1x16xf32> to vector<16xf32>
    %swap3A_176 = vector.shape_cast %broadcast_in_dim3A_3 : vector<16xf32> to vector<1x16xf32>
    tpu.vector_store %arg5[%swap3A_172, %swap3A_173], %swap3A_176 {strides = array<i32>} : memref<128x16xf32, #tpu.memory_space<vmem>>, vector<1x16xf32>,
    %swap3A_177 = arith.constant 13 : i32
    %swap3A_178 = arith.index_cast %swap3A_177 : i32 to index
    %swap3A_179 = arith.constant 0 : index
    %swap3A_180 = tpu.vector_load %arg5[%swap3A_178, %swap3A_179] {strides = array<i32>} : memref<128x16xf32, #tpu.memory_space<vmem>>, vector<1x16xf32>,
    %swap3A_181 = vector.shape_cast %swap3A_180 : vector<1x16xf32> to vector<16xf32>
    %swap3A_182 = vector.shape_cast %broadcast_in_dim3A_3 : vector<16xf32> to vector<1x16xf32>
    tpu.vector_store %arg5[%swap3A_178, %swap3A_179], %swap3A_182 {strides = array<i32>} : memref<128x16xf32, #tpu.memory_space<vmem>>, vector<1x16xf32>,
    %swap3A_183 = arith.constant 14 : i32
    %swap3A_184 = arith.index_cast %swap3A_183 : i32 to index
    %swap3A_185 = arith.constant 0 : index
    %swap3A_186 = tpu.vector_load %arg5[%swap3A_184, %swap3A_185] {strides = array<i32>} : memref<128x16xf32, #tpu.memory_space<vmem>>, vector<1x16xf32>,
    %swap3A_187 = vector.shape_cast %swap3A_186 : vector<1x16xf32> to vector<16xf32>
    %swap3A_188 = vector.shape_cast %broadcast_in_dim3A_3 : vector<16xf32> to vector<1x16xf32>
    tpu.vector_store %arg5[%swap3A_184, %swap3A_185], %swap3A_188 {strides = array<i32>} : memref<128x16xf32, #tpu.memory_space<vmem>>, vector<1x16xf32>,
    %swap3A_189 = arith.constant 15 : i32
    %swap3A_190 = arith.index_cast %swap3A_189 : i32 to index
    %swap3A_191 = arith.constant 0 : index
    %swap3A_192 = tpu.vector_load %arg5[%swap3A_190, %swap3A_191] {strides = array<i32>} : memref<128x16xf32, #tpu.memory_space<vmem>>, vector<1x16xf32>,
    %swap3A_193 = vector.shape_cast %swap3A_192 : vector<1x16xf32> to vector<16xf32>
    %swap3A_194 = vector.shape_cast %broadcast_in_dim3A_3 : vector<16xf32> to vector<1x16xf32>
    tpu.vector_store %arg5[%swap3A_190, %swap3A_191], %swap3A_194 {strides = array<i32>} : memref<128x16xf32, #tpu.memory_space<vmem>>, vector<1x16xf32>,
    %swap3A_195 = arith.constant 16 : i32
    %swap3A_196 = arith.index_cast %swap3A_195 : i32 to index
    %swap3A_197 = arith.constant 0 : index
    %swap3A_198 = tpu.vector_load %arg5[%swap3A_196, %swap3A_197] {strides = array<i32>} : memref<128x16xf32, #tpu.memory_space<vmem>>, vector<1x16xf32>,
    %swap3A_199 = vector.shape_cast %swap3A_198 : vector<1x16xf32> to vector<16xf32>
    %swap3A_200 = vector.shape_cast %broadcast_in_dim3A_3 : vector<16xf32> to vector<1x16xf32>
    tpu.vector_store %arg5[%swap3A_196, %swap3A_197], %swap3A_200 {strides = array<i32>} : memref<128x16xf32, #tpu.memory_space<vmem>>, vector<1x16xf32>,
    %swap3A_201 = arith.constant 17 : i32
    %swap3A_202 = arith.index_cast %swap3A_201 : i32 to index
    %swap3A_203 = arith.constant 0 : index
    %swap3A_204 = tpu.vector_load %arg5[%swap3A_202, %swap3A_203] {strides = array<i32>} : memref<128x16xf32, #tpu.memory_space<vmem>>, vector<1x16xf32>,
    %swap3A_205 = vector.shape_cast %swap3A_204 : vector<1x16xf32> to vector<16xf32>
    %swap3A_206 = vector.shape_cast %broadcast_in_dim3A_3 : vector<16xf32> to vector<1x16xf32>
    tpu.vector_store %arg5[%swap3A_202, %swap3A_203], %swap3A_206 {strides = array<i32>} : memref<128x16xf32, #tpu.memory_space<vmem>>, vector<1x16xf32>,
    %swap3A_207 = arith.constant 18 : i32
    %swap3A_208 = arith.index_cast %swap3A_207 : i32 to index
    %swap3A_209 = arith.constant 0 : index
    %swap3A_210 = tpu.vector_load %arg5[%swap3A_208, %swap3A_209] {strides = array<i32>} : memref<128x16xf32, #tpu.memory_space<vmem>>, vector<1x16xf32>,
    %swap3A_211 = vector.shape_cast %swap3A_210 : vector<1x16xf32> to vector<16xf32>
    %swap3A_212 = vector.shape_cast %broadcast_in_dim3A_3 : vector<16xf32> to vector<1x16xf32>
    tpu.vector_store %arg5[%swap3A_208, %swap3A_209], %swap3A_212 {strides = array<i32>} : memref<128x16xf32, #tpu.memory_space<vmem>>, vector<1x16xf32>,
    %swap3A_213 = arith.constant 19 : i32
    %swap3A_214 = arith.index_cast %swap3A_213 : i32 to index
    %swap3A_215 = arith.constant 0 : index
    %swap3A_216 = tpu.vector_load %arg5[%swap3A_214, %swap3A_215] {strides = array<i32>} : memref<128x16xf32, #tpu.memory_space<vmem>>, vector<1x16xf32>,
    %swap3A_217 = vector.shape_cast %swap3A_216 : vector<1x16xf32> to vector<16xf32>
    %swap3A_218 = vector.shape_cast %broadcast_in_dim3A_3 : vector<16xf32> to vector<1x16xf32>
    tpu.vector_store %arg5[%swap3A_214, %swap3A_215], %swap3A_218 {strides = array<i32>} : memref<128x16xf32, #tpu.memory_space<vmem>>, vector<1x16xf32>,
    %swap3A_219 = arith.constant 20 : i32
    %swap3A_220 = arith.index_cast %swap3A_219 : i32 to index
    %swap3A_221 = arith.constant 0 : index
    %swap3A_222 = tpu.vector_load %arg5[%swap3A_220, %swap3A_221] {strides = array<i32>} : memref<128x16xf32, #tpu.memory_space<vmem>>, vector<1x16xf32>,
    %swap3A_223 = vector.shape_cast %swap3A_222 : vector<1x16xf32> to vector<16xf32>
    %swap3A_224 = vector.shape_cast %broadcast_in_dim3A_3 : vector<16xf32> to vector<1x16xf32>
    tpu.vector_store %arg5[%swap3A_220, %swap3A_221], %swap3A_224 {strides = array<i32>} : memref<128x16xf32, #tpu.memory_space<vmem>>, vector<1x16xf32>,
    %swap3A_225 = arith.constant 21 : i32
    %swap3A_226 = arith.index_cast %swap3A_225 : i32 to index
    %swap3A_227 = arith.constant 0 : index
    %swap3A_228 = tpu.vector_load %arg5[%swap3A_226, %swap3A_227] {strides = array<i32>} : memref<128x16xf32, #tpu.memory_space<vmem>>, vector<1x16xf32>,
    %swap3A_229 = vector.shape_cast %swap3A_228 : vector<1x16xf32> to vector<16xf32>
    %swap3A_230 = vector.shape_cast %broadcast_in_dim3A_3 : vector<16xf32> to vector<1x16xf32>
    tpu.vector_store %arg5[%swap3A_226, %swap3A_227], %swap3A_230 {strides = array<i32>} : memref<128x16xf32, #tpu.memory_space<vmem>>, vector<1x16xf32>,
    %swap3A_231 = arith.constant 22 : i32
    %swap3A_232 = arith.index_cast %swap3A_231 : i32 to index
    %swap3A_233 = arith.constant 0 : index
    %swap3A_234 = tpu.vector_load %arg5[%swap3A_232, %swap3A_233] {strides = array<i32>} : memref<128x16xf32, #tpu.memory_space<vmem>>, vector<1x16xf32>,
    %swap3A_235 = vector.shape_cast %swap3A_234 : vector<1x16xf32> to vector<16xf32>
    %swap3A_236 = vector.shape_cast %broadcast_in_dim3A_3 : vector<16xf32> to vector<1x16xf32>
    tpu.vector_store %arg5[%swap3A_232, %swap3A_233], %swap3A_236 {strides = array<i32>} : memref<128x16xf32, #tpu.memory_space<vmem>>, vector<1x16xf32>,
    %swap3A_237 = arith.constant 23 : i32
    %swap3A_238 = arith.index_cast %swap3A_237 : i32 to index
    %swap3A_239 = arith.constant 0 : index
    %swap3A_240 = tpu.vector_load %arg5[%swap3A_238, %swap3A_239] {strides = array<i32>} : memref<128x16xf32, #tpu.memory_space<vmem>>, vector<1x16xf32>,
    %swap3A_241 = vector.shape_cast %swap3A_240 : vector<1x16xf32> to vector<16xf32>
    %swap3A_242 = vector.shape_cast %broadcast_in_dim3A_3 : vector<16xf32> to vector<1x16xf32>
    tpu.vector_store %arg5[%swap3A_238, %swap3A_239], %swap3A_242 {strides = array<i32>} : memref<128x16xf32, #tpu.memory_space<vmem>>, vector<1x16xf32>,
    %swap3A_243 = arith.constant 24 : i32
    %swap3A_244 = arith.index_cast %swap3A_243 : i32 to index
    %swap3A_245 = arith.constant 0 : index
    %swap3A_246 = tpu.vector_load %arg5[%swap3A_244, %swap3A_245] {strides = array<i32>} : memref<128x16xf32, #tpu.memory_space<vmem>>, vector<1x16xf32>,
    %swap3A_247 = vector.shape_cast %swap3A_246 : vector<1x16xf32> to vector<16xf32>
    %swap3A_248 = vector.shape_cast %broadcast_in_dim3A_3 : vector<16xf32> to vector<1x16xf32>
    tpu.vector_store %arg5[%swap3A_244, %swap3A_245], %swap3A_248 {strides = array<i32>} : memref<128x16xf32, #tpu.memory_space<vmem>>, vector<1x16xf32>,
    %swap3A_249 = arith.constant 25 : i32
    %swap3A_250 = arith.index_cast %swap3A_249 : i32 to index
    %swap3A_251 = arith.constant 0 : index
    %swap3A_252 = tpu.vector_load %arg5[%swap3A_250, %swap3A_251] {strides = array<i32>} : memref<128x16xf32, #tpu.memory_space<vmem>>, vector<1x16xf32>,
    %swap3A_253 = vector.shape_cast %swap3A_252 : vector<1x16xf32> to vector<16xf32>
    %swap3A_254 = vector.shape_cast %broadcast_in_dim3A_3 : vector<16xf32> to vector<1x16xf32>
    tpu.vector_store %arg5[%swap3A_250, %swap3A_251], %swap3A_254 {strides = array<i32>} : memref<128x16xf32, #tpu.memory_space<vmem>>, vector<1x16xf32>,
    %swap3A_255 = arith.constant 26 : i32
    %swap3A_256 = arith.index_cast %swap3A_255 : i32 to index
    %swap3A_257 = arith.constant 0 : index
    %swap3A_258 = tpu.vector_load %arg5[%swap3A_256, %swap3A_257] {strides = array<i32>} : memref<128x16xf32, #tpu.memory_space<vmem>>, vector<1x16xf32>,
    %swap3A_259 = vector.shape_cast %swap3A_258 : vector<1x16xf32> to vector<16xf32>
    %swap3A_260 = vector.shape_cast %broadcast_in_dim3A_3 : vector<16xf32> to vector<1x16xf32>
    tpu.vector_store %arg5[%swap3A_256, %swap3A_257], %swap3A_260 {strides = array<i32>} : memref<128x16xf32, #tpu.memory_space<vmem>>, vector<1x16xf32>,
    %swap3A_261 = arith.constant 27 : i32
    %swap3A_262 = arith.index_cast %swap3A_261 : i32 to index
    %swap3A_263 = arith.constant 0 : index
    %swap3A_264 = tpu.vector_load %arg5[%swap3A_262, %swap3A_263] {strides = array<i32>} : memref<128x16xf32, #tpu.memory_space<vmem>>, vector<1x16xf32>,
    %swap3A_265 = vector.shape_cast %swap3A_264 : vector<1x16xf32> to vector<16xf32>
    %swap3A_266 = vector.shape_cast %broadcast_in_dim3A_3 : vector<16xf32> to vector<1x16xf32>
    tpu.vector_store %arg5[%swap3A_262, %swap3A_263], %swap3A_266 {strides = array<i32>} : memref<128x16xf32, #tpu.memory_space<vmem>>, vector<1x16xf32>,
    %swap3A_267 = arith.constant 28 : i32
    %swap3A_268 = arith.index_cast %swap3A_267 : i32 to index
    %swap3A_269 = arith.constant 0 : index
    %swap3A_270 = tpu.vector_load %arg5[%swap3A_268, %swap3A_269] {strides = array<i32>} : memref<128x16xf32, #tpu.memory_space<vmem>>, vector<1x16xf32>,
    %swap3A_271 = vector.shape_cast %swap3A_270 : vector<1x16xf32> to vector<16xf32>
    %swap3A_272 = vector.shape_cast %broadcast_in_dim3A_3 : vector<16xf32> to vector<1x16xf32>
    tpu.vector_store %arg5[%swap3A_268, %swap3A_269], %swap3A_272 {strides = array<i32>} : memref<128x16xf32, #tpu.memory_space<vmem>>, vector<1x16xf32>,
    %swap3A_273 = arith.constant 29 : i32
    %swap3A_274 = arith.index_cast %swap3A_273 : i32 to index
    %swap3A_275 = arith.constant 0 : index
    %swap3A_276 = tpu.vector_load %arg5[%swap3A_274, %swap3A_275] {strides = array<i32>} : memref<128x16xf32, #tpu.memory_space<vmem>>, vector<1x16xf32>,
    %swap3A_277 = vector.shape_cast %swap3A_276 : vector<1x16xf32> to vector<16xf32>
    %swap3A_278 = vector.shape_cast %broadcast_in_dim3A_3 : vector<16xf32> to vector<1x16xf32>
    tpu.vector_store %arg5[%swap3A_274, %swap3A_275], %swap3A_278 {strides = array<i32>} : memref<128x16xf32, #tpu.memory_space<vmem>>, vector<1x16xf32>,
    %swap3A_279 = arith.constant 30 : i32
    %swap3A_280 = arith.index_cast %swap3A_279 : i32 to index
    %swap3A_281 = arith.constant 0 : index
    %swap3A_282 = tpu.vector_load %arg5[%swap3A_280, %swap3A_281] {strides = array<i32>} : memref<128x16xf32, #tpu.memory_space<vmem>>, vector<1x16xf32>,
    %swap3A_283 = vector.shape_cast %swap3A_282 : vector<1x16xf32> to vector<16xf32>
    %swap3A_284 = vector.shape_cast %broadcast_in_dim3A_3 : vector<16xf32> to vector<1x16xf32>
    tpu.vector_store %arg5[%swap3A_280, %swap3A_281], %swap3A_284 {strides = array<i32>} : memref<128x16xf32, #tpu.memory_space<vmem>>, vector<1x16xf32>,
    %swap3A_285 = arith.constant 31 : i32
    %swap3A_286 = arith.index_cast %swap3A_285 : i32 to index
    %swap3A_287 = arith.constant 0 : index
    %swap3A_288 = tpu.vector_load %arg5[%swap3A_286, %swap3A_287] {strides = array<i32>} : memref<128x16xf32, #tpu.memory_space<vmem>>, vector<1x16xf32>,
    %swap3A_289 = vector.shape_cast %swap3A_288 : vector<1x16xf32> to vector<16xf32>
    %swap3A_290 = vector.shape_cast %broadcast_in_dim3A_3 : vector<16xf32> to vector<1x16xf32>
    tpu.vector_store %arg5[%swap3A_286, %swap3A_287], %swap3A_290 {strides = array<i32>} : memref<128x16xf32, #tpu.memory_space<vmem>>, vector<1x16xf32>,
    %swap3A_291 = arith.constant 32 : i32
    %swap3A_292 = arith.index_cast %swap3A_291 : i32 to index
    %swap3A_293 = arith.constant 0 : index
    %swap3A_294 = tpu.vector_load %arg5[%swap3A_292, %swap3A_293] {strides = array<i32>} : memref<128x16xf32, #tpu.memory_space<vmem>>, vector<1x16xf32>,
    %swap3A_295 = vector.shape_cast %swap3A_294 : vector<1x16xf32> to vector<16xf32>
    %swap3A_296 = vector.shape_cast %broadcast_in_dim3A_3 : vector<16xf32> to vector<1x16xf32>
    tpu.vector_store %arg5[%swap3A_292, %swap3A_293], %swap3A_296 {strides = array<i32>} : memref<128x16xf32, #tpu.memory_space<vmem>>, vector<1x16xf32>,
    %swap3A_297 = arith.constant 33 : i32
    %swap3A_298 = arith.index_cast %swap3A_297 : i32 to index
    %swap3A_299 = arith.constant 0 : index
    %swap3A_300 = tpu.vector_load %arg5[%swap3A_298, %swap3A_299] {strides = array<i32>} : memref<128x16xf32, #tpu.memory_space<vmem>>, vector<1x16xf32>,
    %swap3A_301 = vector.shape_cast %swap3A_300 : vector<1x16xf32> to vector<16xf32>
    %swap3A_302 = vector.shape_cast %broadcast_in_dim3A_3 : vector<16xf32> to vector<1x16xf32>
    tpu.vector_store %arg5[%swap3A_298, %swap3A_299], %swap3A_302 {strides = array<i32>} : memref<128x16xf32, #tpu.memory_space<vmem>>, vector<1x16xf32>,
    %swap3A_303 = arith.constant 34 : i32
    %swap3A_304 = arith.index_cast %swap3A_303 : i32 to index
    %swap3A_305 = arith.constant 0 : index
    %swap3A_306 = tpu.vector_load %arg5[%swap3A_304, %swap3A_305] {strides = array<i32>} : memref<128x16xf32, #tpu.memory_space<vmem>>, vector<1x16xf32>,
    %swap3A_307 = vector.shape_cast %swap3A_306 : vector<1x16xf32> to vector<16xf32>
    %swap3A_308 = vector.shape_cast %broadcast_in_dim3A_3 : vector<16xf32> to vector<1x16xf32>
    tpu.vector_store %arg5[%swap3A_304, %swap3A_305], %swap3A_308 {strides = array<i32>} : memref<128x16xf32, #tpu.memory_space<vmem>>, vector<1x16xf32>,
    %swap3A_309 = arith.constant 35 : i32
    %swap3A_310 = arith.index_cast %swap3A_309 : i32 to index
    %swap3A_311 = arith.constant 0 : index
    %swap3A_312 = tpu.vector_load %arg5[%swap3A_310, %swap3A_311] {strides = array<i32>} : memref<128x16xf32, #tpu.memory_space<vmem>>, vector<1x16xf32>,
    %swap3A_313 = vector.shape_cast %swap3A_312 : vector<1x16xf32> to vector<16xf32>
    %swap3A_314 = vector.shape_cast %broadcast_in_dim3A_3 : vector<16xf32> to vector<1x16xf32>
    tpu.vector_store %arg5[%swap3A_310, %swap3A_311], %swap3A_314 {strides = array<i32>} : memref<128x16xf32, #tpu.memory_space<vmem>>, vector<1x16xf32>,
    %swap3A_315 = arith.constant 36 : i32
    %swap3A_316 = arith.index_cast %swap3A_315 : i32 to index
    %swap3A_317 = arith.constant 0 : index
    %swap3A_318 = tpu.vector_load %arg5[%swap3A_316, %swap3A_317] {strides = array<i32>} : memref<128x16xf32, #tpu.memory_space<vmem>>, vector<1x16xf32>,
    %swap3A_319 = vector.shape_cast %swap3A_318 : vector<1x16xf32> to vector<16xf32>
    %swap3A_320 = vector.shape_cast %broadcast_in_dim3A_3 : vector<16xf32> to vector<1x16xf32>
    tpu.vector_store %arg5[%swap3A_316, %swap3A_317], %swap3A_320 {strides = array<i32>} : memref<128x16xf32, #tpu.memory_space<vmem>>, vector<1x16xf32>,
    %swap3A_321 = arith.constant 37 : i32
    %swap3A_322 = arith.index_cast %swap3A_321 : i32 to index
    %swap3A_323 = arith.constant 0 : index
    %swap3A_324 = tpu.vector_load %arg5[%swap3A_322, %swap3A_323] {strides = array<i32>} : memref<128x16xf32, #tpu.memory_space<vmem>>, vector<1x16xf32>,
    %swap3A_325 = vector.shape_cast %swap3A_324 : vector<1x16xf32> to vector<16xf32>
    %swap3A_326 = vector.shape_cast %broadcast_in_dim3A_3 : vector<16xf32> to vector<1x16xf32>
    tpu.vector_store %arg5[%swap3A_322, %swap3A_323], %swap3A_326 {strides = array<i32>} : memref<128x16xf32, #tpu.memory_space<vmem>>, vector<1x16xf32>,
    %swap3A_327 = arith.constant 38 : i32
    %swap3A_328 = arith.index_cast %swap3A_327 : i32 to index
    %swap3A_329 = arith.constant 0 : index
    %swap3A_330 = tpu.vector_load %arg5[%swap3A_328, %swap3A_329] {strides = array<i32>} : memref<128x16xf32, #tpu.memory_space<vmem>>, vector<1x16xf32>,
    %swap3A_331 = vector.shape_cast %swap3A_330 : vector<1x16xf32> to vector<16xf32>
    %swap3A_332 = vector.shape_cast %broadcast_in_dim3A_3 : vector<16xf32> to vector<1x16xf32>
    tpu.vector_store %arg5[%swap3A_328, %swap3A_329], %swap3A_332 {strides = array<i32>} : memref<128x16xf32, #tpu.memory_space<vmem>>, vector<1x16xf32>,
    %swap3A_333 = arith.constant 39 : i32
    %swap3A_334 = arith.index_cast %swap3A_333 : i32 to index
    %swap3A_335 = arith.constant 0 : index
    %swap3A_336 = tpu.vector_load %arg5[%swap3A_334, %swap3A_335] {strides = array<i32>} : memref<128x16xf32, #tpu.memory_space<vmem>>, vector<1x16xf32>,
    %swap3A_337 = vector.shape_cast %swap3A_336 : vector<1x16xf32> to vector<16xf32>
    %swap3A_338 = vector.shape_cast %broadcast_in_dim3A_3 : vector<16xf32> to vector<1x16xf32>
    tpu.vector_store %arg5[%swap3A_334, %swap3A_335], %swap3A_338 {strides = array<i32>} : memref<128x16xf32, #tpu.memory_space<vmem>>, vector<1x16xf32>,
    %swap3A_339 = arith.constant 40 : i32
    %swap3A_340 = arith.index_cast %swap3A_339 : i32 to index
    %swap3A_341 = arith.constant 0 : index
    %swap3A_342 = tpu.vector_load %arg5[%swap3A_340, %swap3A_341] {strides = array<i32>} : memref<128x16xf32, #tpu.memory_space<vmem>>, vector<1x16xf32>,
    %swap3A_343 = vector.shape_cast %swap3A_342 : vector<1x16xf32> to vector<16xf32>
    %swap3A_344 = vector.shape_cast %broadcast_in_dim3A_3 : vector<16xf32> to vector<1x16xf32>
    tpu.vector_store %arg5[%swap3A_340, %swap3A_341], %swap3A_344 {strides = array<i32>} : memref<128x16xf32, #tpu.memory_space<vmem>>, vector<1x16xf32>,
    %swap3A_345 = arith.constant 41 : i32
    %swap3A_346 = arith.index_cast %swap3A_345 : i32 to index
    %swap3A_347 = arith.constant 0 : index
    %swap3A_348 = tpu.vector_load %arg5[%swap3A_346, %swap3A_347] {strides = array<i32>} : memref<128x16xf32, #tpu.memory_space<vmem>>, vector<1x16xf32>,
    %swap3A_349 = vector.shape_cast %swap3A_348 : vector<1x16xf32> to vector<16xf32>
    %swap3A_350 = vector.shape_cast %broadcast_in_dim3A_3 : vector<16xf32> to vector<1x16xf32>
    tpu.vector_store %arg5[%swap3A_346, %swap3A_347], %swap3A_350 {strides = array<i32>} : memref<128x16xf32, #tpu.memory_space<vmem>>, vector<1x16xf32>,
    %swap3A_351 = arith.constant 42 : i32
    %swap3A_352 = arith.index_cast %swap3A_351 : i32 to index
    %swap3A_353 = arith.constant 0 : index
    %swap3A_354 = tpu.vector_load %arg5[%swap3A_352, %swap3A_353] {strides = array<i32>} : memref<128x16xf32, #tpu.memory_space<vmem>>, vector<1x16xf32>,
    %swap3A_355 = vector.shape_cast %swap3A_354 : vector<1x16xf32> to vector<16xf32>
    %swap3A_356 = vector.shape_cast %broadcast_in_dim3A_3 : vector<16xf32> to vector<1x16xf32>
    tpu.vector_store %arg5[%swap3A_352, %swap3A_353], %swap3A_356 {strides = array<i32>} : memref<128x16xf32, #tpu.memory_space<vmem>>, vector<1x16xf32>,
    %swap3A_357 = arith.constant 43 : i32
    %swap3A_358 = arith.index_cast %swap3A_357 : i32 to index
    %swap3A_359 = arith.constant 0 : index
    %swap3A_360 = tpu.vector_load %arg5[%swap3A_358, %swap3A_359] {strides = array<i32>} : memref<128x16xf32, #tpu.memory_space<vmem>>, vector<1x16xf32>,
    %swap3A_361 = vector.shape_cast %swap3A_360 : vector<1x16xf32> to vector<16xf32>
    %swap3A_362 = vector.shape_cast %broadcast_in_dim3A_3 : vector<16xf32> to vector<1x16xf32>
    tpu.vector_store %arg5[%swap3A_358, %swap3A_359], %swap3A_362 {strides = array<i32>} : memref<128x16xf32, #tpu.memory_space<vmem>>, vector<1x16xf32>,
    %swap3A_363 = arith.constant 44 : i32
    %swap3A_364 = arith.index_cast %swap3A_363 : i32 to index
    %swap3A_365 = arith.constant 0 : index
    %swap3A_366 = tpu.vector_load %arg5[%swap3A_364, %swap3A_365] {strides = array<i32>} : memref<128x16xf32, #tpu.memory_space<vmem>>, vector<1x16xf32>,
    %swap3A_367 = vector.shape_cast %swap3A_366 : vector<1x16xf32> to vector<16xf32>
    %swap3A_368 = vector.shape_cast %broadcast_in_dim3A_3 : vector<16xf32> to vector<1x16xf32>
    tpu.vector_store %arg5[%swap3A_364, %swap3A_365], %swap3A_368 {strides = array<i32>} : memref<128x16xf32, #tpu.memory_space<vmem>>, vector<1x16xf32>,
    %swap3A_369 = arith.constant 45 : i32
    %swap3A_370 = arith.index_cast %swap3A_369 : i32 to index
    %swap3A_371 = arith.constant 0 : index
    %swap3A_372 = tpu.vector_load %arg5[%swap3A_370, %swap3A_371] {strides = array<i32>} : memref<128x16xf32, #tpu.memory_space<vmem>>, vector<1x16xf32>,
    %swap3A_373 = vector.shape_cast %swap3A_372 : vector<1x16xf32> to vector<16xf32>
    %swap3A_374 = vector.shape_cast %broadcast_in_dim3A_3 : vector<16xf32> to vector<1x16xf32>
    tpu.vector_store %arg5[%swap3A_370, %swap3A_371], %swap3A_374 {strides = array<i32>} : memref<128x16xf32, #tpu.memory_space<vmem>>, vector<1x16xf32>,
    %swap3A_375 = arith.constant 46 : i32
    %swap3A_376 = arith.index_cast %swap3A_375 : i32 to index
    %swap3A_377 = arith.constant 0 : index
    %swap3A_378 = tpu.vector_load %arg5[%swap3A_376, %swap3A_377] {strides = array<i32>} : memref<128x16xf32, #tpu.memory_space<vmem>>, vector<1x16xf32>,
    %swap3A_379 = vector.shape_cast %swap3A_378 : vector<1x16xf32> to vector<16xf32>
    %swap3A_380 = vector.shape_cast %broadcast_in_dim3A_3 : vector<16xf32> to vector<1x16xf32>
    tpu.vector_store %arg5[%swap3A_376, %swap3A_377], %swap3A_380 {strides = array<i32>} : memref<128x16xf32, #tpu.memory_space<vmem>>, vector<1x16xf32>,
    %swap3A_381 = arith.constant 47 : i32
    %swap3A_382 = arith.index_cast %swap3A_381 : i32 to index
    %swap3A_383 = arith.constant 0 : index
    %swap3A_384 = tpu.vector_load %arg5[%swap3A_382, %swap3A_383] {strides = array<i32>} : memref<128x16xf32, #tpu.memory_space<vmem>>, vector<1x16xf32>,
    %swap3A_385 = vector.shape_cast %swap3A_384 : vector<1x16xf32> to vector<16xf32>
    %swap3A_386 = vector.shape_cast %broadcast_in_dim3A_3 : vector<16xf32> to vector<1x16xf32>
    tpu.vector_store %arg5[%swap3A_382, %swap3A_383], %swap3A_386 {strides = array<i32>} : memref<128x16xf32, #tpu.memory_space<vmem>>, vector<1x16xf32>,
    %swap3A_387 = arith.constant 48 : i32
    %swap3A_388 = arith.index_cast %swap3A_387 : i32 to index
    %swap3A_389 = arith.constant 0 : index
    %swap3A_390 = tpu.vector_load %arg5[%swap3A_388, %swap3A_389] {strides = array<i32>} : memref<128x16xf32, #tpu.memory_space<vmem>>, vector<1x16xf32>,
    %swap3A_391 = vector.shape_cast %swap3A_390 : vector<1x16xf32> to vector<16xf32>
    %swap3A_392 = vector.shape_cast %broadcast_in_dim3A_3 : vector<16xf32> to vector<1x16xf32>
    tpu.vector_store %arg5[%swap3A_388, %swap3A_389], %swap3A_392 {strides = array<i32>} : memref<128x16xf32, #tpu.memory_space<vmem>>, vector<1x16xf32>,
    %swap3A_393 = arith.constant 49 : i32
    %swap3A_394 = arith.index_cast %swap3A_393 : i32 to index
    %swap3A_395 = arith.constant 0 : index
    %swap3A_396 = tpu.vector_load %arg5[%swap3A_394, %swap3A_395] {strides = array<i32>} : memref<128x16xf32, #tpu.memory_space<vmem>>, vector<1x16xf32>,
    %swap3A_397 = vector.shape_cast %swap3A_396 : vector<1x16xf32> to vector<16xf32>
    %swap3A_398 = vector.shape_cast %broadcast_in_dim3A_3 : vector<16xf32> to vector<1x16xf32>
    tpu.vector_store %arg5[%swap3A_394, %swap3A_395], %swap3A_398 {strides = array<i32>} : memref<128x16xf32, #tpu.memory_space<vmem>>, vector<1x16xf32>,
    %swap3A_399 = arith.constant 50 : i32
    %swap3A_400 = arith.index_cast %swap3A_399 : i32 to index
    %swap3A_401 = arith.constant 0 : index
    %swap3A_402 = tpu.vector_load %arg5[%swap3A_400, %swap3A_401] {strides = array<i32>} : memref<128x16xf32, #tpu.memory_space<vmem>>, vector<1x16xf32>,
    %swap3A_403 = vector.shape_cast %swap3A_402 : vector<1x16xf32> to vector<16xf32>
    %swap3A_404 = vector.shape_cast %broadcast_in_dim3A_3 : vector<16xf32> to vector<1x16xf32>
    tpu.vector_store %arg5[%swap3A_400, %swap3A_401], %swap3A_404 {strides = array<i32>} : memref<128x16xf32, #tpu.memory_space<vmem>>, vector<1x16xf32>,
    %swap3A_405 = arith.constant 51 : i32
    %swap3A_406 = arith.index_cast %swap3A_405 : i32 to index
    %swap3A_407 = arith.constant 0 : index
    %swap3A_408 = tpu.vector_load %arg5[%swap3A_406, %swap3A_407] {strides = array<i32>} : memref<128x16xf32, #tpu.memory_space<vmem>>, vector<1x16xf32>,
    %swap3A_409 = vector.shape_cast %swap3A_408 : vector<1x16xf32> to vector<16xf32>
    %swap3A_410 = vector.shape_cast %broadcast_in_dim3A_3 : vector<16xf32> to vector<1x16xf32>
    tpu.vector_store %arg5[%swap3A_406, %swap3A_407], %swap3A_410 {strides = array<i32>} : memref<128x16xf32, #tpu.memory_space<vmem>>, vector<1x16xf32>,
    %swap3A_411 = arith.constant 52 : i32
    %swap3A_412 = arith.index_cast %swap3A_411 : i32 to index
    %swap3A_413 = arith.constant 0 : index
    %swap3A_414 = tpu.vector_load %arg5[%swap3A_412, %swap3A_413] {strides = array<i32>} : memref<128x16xf32, #tpu.memory_space<vmem>>, vector<1x16xf32>,
    %swap3A_415 = vector.shape_cast %swap3A_414 : vector<1x16xf32> to vector<16xf32>
    %swap3A_416 = vector.shape_cast %broadcast_in_dim3A_3 : vector<16xf32> to vector<1x16xf32>
    tpu.vector_store %arg5[%swap3A_412, %swap3A_413], %swap3A_416 {strides = array<i32>} : memref<128x16xf32, #tpu.memory_space<vmem>>, vector<1x16xf32>,
    %swap3A_417 = arith.constant 53 : i32
    %swap3A_418 = arith.index_cast %swap3A_417 : i32 to index
    %swap3A_419 = arith.constant 0 : index
    %swap3A_420 = tpu.vector_load %arg5[%swap3A_418, %swap3A_419] {strides = array<i32>} : memref<128x16xf32, #tpu.memory_space<vmem>>, vector<1x16xf32>,
    %swap3A_421 = vector.shape_cast %swap3A_420 : vector<1x16xf32> to vector<16xf32>
    %swap3A_422 = vector.shape_cast %broadcast_in_dim3A_3 : vector<16xf32> to vector<1x16xf32>
    tpu.vector_store %arg5[%swap3A_418, %swap3A_419], %swap3A_422 {strides = array<i32>} : memref<128x16xf32, #tpu.memory_space<vmem>>, vector<1x16xf32>,
    %swap3A_423 = arith.constant 54 : i32
    %swap3A_424 = arith.index_cast %swap3A_423 : i32 to index
    %swap3A_425 = arith.constant 0 : index
    %swap3A_426 = tpu.vector_load %arg5[%swap3A_424, %swap3A_425] {strides = array<i32>} : memref<128x16xf32, #tpu.memory_space<vmem>>, vector<1x16xf32>,
    %swap3A_427 = vector.shape_cast %swap3A_426 : vector<1x16xf32> to vector<16xf32>
    %swap3A_428 = vector.shape_cast %broadcast_in_dim3A_3 : vector<16xf32> to vector<1x16xf32>
    tpu.vector_store %arg5[%swap3A_424, %swap3A_425], %swap3A_428 {strides = array<i32>} : memref<128x16xf32, #tpu.memory_space<vmem>>, vector<1x16xf32>,
    %swap3A_429 = arith.constant 55 : i32
    %swap3A_430 = arith.index_cast %swap3A_429 : i32 to index
    %swap3A_431 = arith.constant 0 : index
    %swap3A_432 = tpu.vector_load %arg5[%swap3A_430, %swap3A_431] {strides = array<i32>} : memref<128x16xf32, #tpu.memory_space<vmem>>, vector<1x16xf32>,
    %swap3A_433 = vector.shape_cast %swap3A_432 : vector<1x16xf32> to vector<16xf32>
    %swap3A_434 = vector.shape_cast %broadcast_in_dim3A_3 : vector<16xf32> to vector<1x16xf32>
    tpu.vector_store %arg5[%swap3A_430, %swap3A_431], %swap3A_434 {strides = array<i32>} : memref<128x16xf32, #tpu.memory_space<vmem>>, vector<1x16xf32>,
    %swap3A_435 = arith.constant 56 : i32
    %swap3A_436 = arith.index_cast %swap3A_435 : i32 to index
    %swap3A_437 = arith.constant 0 : index
    %swap3A_438 = tpu.vector_load %arg5[%swap3A_436, %swap3A_437] {strides = array<i32>} : memref<128x16xf32, #tpu.memory_space<vmem>>, vector<1x16xf32>,
    %swap3A_439 = vector.shape_cast %swap3A_438 : vector<1x16xf32> to vector<16xf32>
    %swap3A_440 = vector.shape_cast %broadcast_in_dim3A_3 : vector<16xf32> to vector<1x16xf32>
    tpu.vector_store %arg5[%swap3A_436, %swap3A_437], %swap3A_440 {strides = array<i32>} : memref<128x16xf32, #tpu.memory_space<vmem>>, vector<1x16xf32>,
    %swap3A_441 = arith.constant 57 : i32
    %swap3A_442 = arith.index_cast %swap3A_441 : i32 to index
    %swap3A_443 = arith.constant 0 : index
    %swap3A_444 = tpu.vector_load %arg5[%swap3A_442, %swap3A_443] {strides = array<i32>} : memref<128x16xf32, #tpu.memory_space<vmem>>, vector<1x16xf32>,
    %swap3A_445 = vector.shape_cast %swap3A_444 : vector<1x16xf32> to vector<16xf32>
    %swap3A_446 = vector.shape_cast %broadcast_in_dim3A_3 : vector<16xf32> to vector<1x16xf32>
    tpu.vector_store %arg5[%swap3A_442, %swap3A_443], %swap3A_446 {strides = array<i32>} : memref<128x16xf32, #tpu.memory_space<vmem>>, vector<1x16xf32>,
    %swap3A_447 = arith.constant 58 : i32
    %swap3A_448 = arith.index_cast %swap3A_447 : i32 to index
    %swap3A_449 = arith.constant 0 : index
    %swap3A_450 = tpu.vector_load %arg5[%swap3A_448, %swap3A_449] {strides = array<i32>} : memref<128x16xf32, #tpu.memory_space<vmem>>, vector<1x16xf32>,
    %swap3A_451 = vector.shape_cast %swap3A_450 : vector<1x16xf32> to vector<16xf32>
    %swap3A_452 = vector.shape_cast %broadcast_in_dim3A_3 : vector<16xf32> to vector<1x16xf32>
    tpu.vector_store %arg5[%swap3A_448, %swap3A_449], %swap3A_452 {strides = array<i32>} : memref<128x16xf32, #tpu.memory_space<vmem>>, vector<1x16xf32>,
    %swap3A_453 = arith.constant 59 : i32
    %swap3A_454 = arith.index_cast %swap3A_453 : i32 to index
    %swap3A_455 = arith.constant 0 : index
    %swap3A_456 = tpu.vector_load %arg5[%swap3A_454, %swap3A_455] {strides = array<i32>} : memref<128x16xf32, #tpu.memory_space<vmem>>, vector<1x16xf32>,
    %swap3A_457 = vector.shape_cast %swap3A_456 : vector<1x16xf32> to vector<16xf32>
    %swap3A_458 = vector.shape_cast %broadcast_in_dim3A_3 : vector<16xf32> to vector<1x16xf32>
    tpu.vector_store %arg5[%swap3A_454, %swap3A_455], %swap3A_458 {strides = array<i32>} : memref<128x16xf32, #tpu.memory_space<vmem>>, vector<1x16xf32>,
    %swap3A_459 = arith.constant 60 : i32
    %swap3A_460 = arith.index_cast %swap3A_459 : i32 to index
    %swap3A_461 = arith.constant 0 : index
    %swap3A_462 = tpu.vector_load %arg5[%swap3A_460, %swap3A_461] {strides = array<i32>} : memref<128x16xf32, #tpu.memory_space<vmem>>, vector<1x16xf32>,
    %swap3A_463 = vector.shape_cast %swap3A_462 : vector<1x16xf32> to vector<16xf32>
    %swap3A_464 = vector.shape_cast %broadcast_in_dim3A_3 : vector<16xf32> to vector<1x16xf32>
    tpu.vector_store %arg5[%swap3A_460, %swap3A_461], %swap3A_464 {strides = array<i32>} : memref<128x16xf32, #tpu.memory_space<vmem>>, vector<1x16xf32>,
    %swap3A_465 = arith.constant 61 : i32
    %swap3A_466 = arith.index_cast %swap3A_465 : i32 to index
    %swap3A_467 = arith.constant 0 : index
    %swap3A_468 = tpu.vector_load %arg5[%swap3A_466, %swap3A_467] {strides = array<i32>} : memref<128x16xf32, #tpu.memory_space<vmem>>, vector<1x16xf32>,
    %swap3A_469 = vector.shape_cast %swap3A_468 : vector<1x16xf32> to vector<16xf32>
    %swap3A_470 = vector.shape_cast %broadcast_in_dim3A_3 : vector<16xf32> to vector<1x16xf32>
    tpu.vector_store %arg5[%swap3A_466, %swap3A_467], %swap3A_470 {strides = array<i32>} : memref<128x16xf32, #tpu.memory_space<vmem>>, vector<1x16xf32>,
    %swap3A_471 = arith.constant 62 : i32
    %swap3A_472 = arith.index_cast %swap3A_471 : i32 to index
    %swap3A_473 = arith.constant 0 : index
    %swap3A_474 = tpu.vector_load %arg5[%swap3A_472, %swap3A_473] {strides = array<i32>} : memref<128x16xf32, #tpu.memory_space<vmem>>, vector<1x16xf32>,
    %swap3A_475 = vector.shape_cast %swap3A_474 : vector<1x16xf32> to vector<16xf32>
    %swap3A_476 = vector.shape_cast %broadcast_in_dim3A_3 : vector<16xf32> to vector<1x16xf32>
    tpu.vector_store %arg5[%swap3A_472, %swap3A_473], %swap3A_476 {strides = array<i32>} : memref<128x16xf32, #tpu.memory_space<vmem>>, vector<1x16xf32>,
    %swap3A_477 = arith.constant 63 : i32
    %swap3A_478 = arith.index_cast %swap3A_477 : i32 to index
    %swap3A_479 = arith.constant 0 : index
    %swap3A_480 = tpu.vector_load %arg5[%swap3A_478, %swap3A_479] {strides = array<i32>} : memref<128x16xf32, #tpu.memory_space<vmem>>, vector<1x16xf32>,
    %swap3A_481 = vector.shape_cast %swap3A_480 : vector<1x16xf32> to vector<16xf32>
    %swap3A_482 = vector.shape_cast %broadcast_in_dim3A_3 : vector<16xf32> to vector<1x16xf32>
    tpu.vector_store %arg5[%swap3A_478, %swap3A_479], %swap3A_482 {strides = array<i32>} : memref<128x16xf32, #tpu.memory_space<vmem>>, vector<1x16xf32>,
    %swap3A_483 = arith.constant 64 : i32
    %swap3A_484 = arith.index_cast %swap3A_483 : i32 to index
    %swap3A_485 = arith.constant 0 : index
    %swap3A_486 = tpu.vector_load %arg5[%swap3A_484, %swap3A_485] {strides = array<i32>} : memref<128x16xf32, #tpu.memory_space<vmem>>, vector<1x16xf32>,
    %swap3A_487 = vector.shape_cast %swap3A_486 : vector<1x16xf32> to vector<16xf32>
    %swap3A_488 = vector.shape_cast %broadcast_in_dim3A_3 : vector<16xf32> to vector<1x16xf32>
    tpu.vector_store %arg5[%swap3A_484, %swap3A_485], %swap3A_488 {strides = array<i32>} : memref<128x16xf32, #tpu.memory_space<vmem>>, vector<1x16xf32>,
    %swap3A_489 = arith.constant 65 : i32
    %swap3A_490 = arith.index_cast %swap3A_489 : i32 to index
    %swap3A_491 = arith.constant 0 : index
    %swap3A_492 = tpu.vector_load %arg5[%swap3A_490, %swap3A_491] {strides = array<i32>} : memref<128x16xf32, #tpu.memory_space<vmem>>, vector<1x16xf32>,
    %swap3A_493 = vector.shape_cast %swap3A_492 : vector<1x16xf32> to vector<16xf32>
    %swap3A_494 = vector.shape_cast %broadcast_in_dim3A_3 : vector<16xf32> to vector<1x16xf32>
    tpu.vector_store %arg5[%swap3A_490, %swap3A_491], %swap3A_494 {strides = array<i32>} : memref<128x16xf32, #tpu.memory_space<vmem>>, vector<1x16xf32>,
    %swap3A_495 = arith.constant 66 : i32
    %swap3A_496 = arith.index_cast %swap3A_495 : i32 to index
    %swap3A_497 = arith.constant 0 : index
    %swap3A_498 = tpu.vector_load %arg5[%swap3A_496, %swap3A_497] {strides = array<i32>} : memref<128x16xf32, #tpu.memory_space<vmem>>, vector<1x16xf32>,
    %swap3A_499 = vector.shape_cast %swap3A_498 : vector<1x16xf32> to vector<16xf32>
    %swap3A_500 = vector.shape_cast %broadcast_in_dim3A_3 : vector<16xf32> to vector<1x16xf32>
    tpu.vector_store %arg5[%swap3A_496, %swap3A_497], %swap3A_500 {strides = array<i32>} : memref<128x16xf32, #tpu.memory_space<vmem>>, vector<1x16xf32>,
    %swap3A_501 = arith.constant 67 : i32
    %swap3A_502 = arith.index_cast %swap3A_501 : i32 to index
    %swap3A_503 = arith.constant 0 : index
    %swap3A_504 = tpu.vector_load %arg5[%swap3A_502, %swap3A_503] {strides = array<i32>} : memref<128x16xf32, #tpu.memory_space<vmem>>, vector<1x16xf32>,
    %swap3A_505 = vector.shape_cast %swap3A_504 : vector<1x16xf32> to vector<16xf32>
    %swap3A_506 = vector.shape_cast %broadcast_in_dim3A_3 : vector<16xf32> to vector<1x16xf32>
    tpu.vector_store %arg5[%swap3A_502, %swap3A_503], %swap3A_506 {strides = array<i32>} : memref<128x16xf32, #tpu.memory_space<vmem>>, vector<1x16xf32>,
    %swap3A_507 = arith.constant 68 : i32
    %swap3A_508 = arith.index_cast %swap3A_507 : i32 to index
    %swap3A_509 = arith.constant 0 : index
    %swap3A_510 = tpu.vector_load %arg5[%swap3A_508, %swap3A_509] {strides = array<i32>} : memref<128x16xf32, #tpu.memory_space<vmem>>, vector<1x16xf32>,
    %swap3A_511 = vector.shape_cast %swap3A_510 : vector<1x16xf32> to vector<16xf32>
    %swap3A_512 = vector.shape_cast %broadcast_in_dim3A_3 : vector<16xf32> to vector<1x16xf32>
    tpu.vector_store %arg5[%swap3A_508, %swap3A_509], %swap3A_512 {strides = array<i32>} : memref<128x16xf32, #tpu.memory_space<vmem>>, vector<1x16xf32>,
    %swap3A_513 = arith.constant 69 : i32
    %swap3A_514 = arith.index_cast %swap3A_513 : i32 to index
    %swap3A_515 = arith.constant 0 : index
    %swap3A_516 = tpu.vector_load %arg5[%swap3A_514, %swap3A_515] {strides = array<i32>} : memref<128x16xf32, #tpu.memory_space<vmem>>, vector<1x16xf32>,
    %swap3A_517 = vector.shape_cast %swap3A_516 : vector<1x16xf32> to vector<16xf32>
    %swap3A_518 = vector.shape_cast %broadcast_in_dim3A_3 : vector<16xf32> to vector<1x16xf32>
    tpu.vector_store %arg5[%swap3A_514, %swap3A_515], %swap3A_518 {strides = array<i32>} : memref<128x16xf32, #tpu.memory_space<vmem>>, vector<1x16xf32>,
    %swap3A_519 = arith.constant 70 : i32
    %swap3A_520 = arith.index_cast %swap3A_519 : i32 to index
    %swap3A_521 = arith.constant 0 : index
    %swap3A_522 = tpu.vector_load %arg5[%swap3A_520, %swap3A_521] {strides = array<i32>} : memref<128x16xf32, #tpu.memory_space<vmem>>, vector<1x16xf32>,
    %swap3A_523 = vector.shape_cast %swap3A_522 : vector<1x16xf32> to vector<16xf32>
    %swap3A_524 = vector.shape_cast %broadcast_in_dim3A_3 : vector<16xf32> to vector<1x16xf32>
    tpu.vector_store %arg5[%swap3A_520, %swap3A_521], %swap3A_524 {strides = array<i32>} : memref<128x16xf32, #tpu.memory_space<vmem>>, vector<1x16xf32>,
    %swap3A_525 = arith.constant 71 : i32
    %swap3A_526 = arith.index_cast %swap3A_525 : i32 to index
    %swap3A_527 = arith.constant 0 : index
    %swap3A_528 = tpu.vector_load %arg5[%swap3A_526, %swap3A_527] {strides = array<i32>} : memref<128x16xf32, #tpu.memory_space<vmem>>, vector<1x16xf32>,
    %swap3A_529 = vector.shape_cast %swap3A_528 : vector<1x16xf32> to vector<16xf32>
    %swap3A_530 = vector.shape_cast %broadcast_in_dim3A_3 : vector<16xf32> to vector<1x16xf32>
    tpu.vector_store %arg5[%swap3A_526, %swap3A_527], %swap3A_530 {strides = array<i32>} : memref<128x16xf32, #tpu.memory_space<vmem>>, vector<1x16xf32>,
    %swap3A_531 = arith.constant 72 : i32
    %swap3A_532 = arith.index_cast %swap3A_531 : i32 to index
    %swap3A_533 = arith.constant 0 : index
    %swap3A_534 = tpu.vector_load %arg5[%swap3A_532, %swap3A_533] {strides = array<i32>} : memref<128x16xf32, #tpu.memory_space<vmem>>, vector<1x16xf32>,
    %swap3A_535 = vector.shape_cast %swap3A_534 : vector<1x16xf32> to vector<16xf32>
    %swap3A_536 = vector.shape_cast %broadcast_in_dim3A_3 : vector<16xf32> to vector<1x16xf32>
    tpu.vector_store %arg5[%swap3A_532, %swap3A_533], %swap3A_536 {strides = array<i32>} : memref<128x16xf32, #tpu.memory_space<vmem>>, vector<1x16xf32>,
    %swap3A_537 = arith.constant 73 : i32
    %swap3A_538 = arith.index_cast %swap3A_537 : i32 to index
    %swap3A_539 = arith.constant 0 : index
    %swap3A_540 = tpu.vector_load %arg5[%swap3A_538, %swap3A_539] {strides = array<i32>} : memref<128x16xf32, #tpu.memory_space<vmem>>, vector<1x16xf32>,
    %swap3A_541 = vector.shape_cast %swap3A_540 : vector<1x16xf32> to vector<16xf32>
    %swap3A_542 = vector.shape_cast %broadcast_in_dim3A_3 : vector<16xf32> to vector<1x16xf32>
    tpu.vector_store %arg5[%swap3A_538, %swap3A_539], %swap3A_542 {strides = array<i32>} : memref<128x16xf32, #tpu.memory_space<vmem>>, vector<1x16xf32>,
    %swap3A_543 = arith.constant 74 : i32
    %swap3A_544 = arith.index_cast %swap3A_543 : i32 to index
    %swap3A_545 = arith.constant 0 : index
    %swap3A_546 = tpu.vector_load %arg5[%swap3A_544, %swap3A_545] {strides = array<i32>} : memref<128x16xf32, #tpu.memory_space<vmem>>, vector<1x16xf32>,
    %swap3A_547 = vector.shape_cast %swap3A_546 : vector<1x16xf32> to vector<16xf32>
    %swap3A_548 = vector.shape_cast %broadcast_in_dim3A_3 : vector<16xf32> to vector<1x16xf32>
    tpu.vector_store %arg5[%swap3A_544, %swap3A_545], %swap3A_548 {strides = array<i32>} : memref<128x16xf32, #tpu.memory_space<vmem>>, vector<1x16xf32>,
    %swap3A_549 = arith.constant 75 : i32
    %swap3A_550 = arith.index_cast %swap3A_549 : i32 to index
    %swap3A_551 = arith.constant 0 : index
    %swap3A_552 = tpu.vector_load %arg5[%swap3A_550, %swap3A_551] {strides = array<i32>} : memref<128x16xf32, #tpu.memory_space<vmem>>, vector<1x16xf32>,
    %swap3A_553 = vector.shape_cast %swap3A_552 : vector<1x16xf32> to vector<16xf32>
    %swap3A_554 = vector.shape_cast %broadcast_in_dim3A_3 : vector<16xf32> to vector<1x16xf32>
    tpu.vector_store %arg5[%swap3A_550, %swap3A_551], %swap3A_554 {strides = array<i32>} : memref<128x16xf32, #tpu.memory_space<vmem>>, vector<1x16xf32>,
    %swap3A_555 = arith.constant 76 : i32
    %swap3A_556 = arith.index_cast %swap3A_555 : i32 to index
    %swap3A_557 = arith.constant 0 : index
    %swap3A_558 = tpu.vector_load %arg5[%swap3A_556, %swap3A_557] {strides = array<i32>} : memref<128x16xf32, #tpu.memory_space<vmem>>, vector<1x16xf32>,
    %swap3A_559 = vector.shape_cast %swap3A_558 : vector<1x16xf32> to vector<16xf32>
    %swap3A_560 = vector.shape_cast %broadcast_in_dim3A_3 : vector<16xf32> to vector<1x16xf32>
    tpu.vector_store %arg5[%swap3A_556, %swap3A_557], %swap3A_560 {strides = array<i32>} : memref<128x16xf32, #tpu.memory_space<vmem>>, vector<1x16xf32>,
    %swap3A_561 = arith.constant 77 : i32
    %swap3A_562 = arith.index_cast %swap3A_561 : i32 to index
    %swap3A_563 = arith.constant 0 : index
    %swap3A_564 = tpu.vector_load %arg5[%swap3A_562, %swap3A_563] {strides = array<i32>} : memref<128x16xf32, #tpu.memory_space<vmem>>, vector<1x16xf32>,
    %swap3A_565 = vector.shape_cast %swap3A_564 : vector<1x16xf32> to vector<16xf32>
    %swap3A_566 = vector.shape_cast %broadcast_in_dim3A_3 : vector<16xf32> to vector<1x16xf32>
    tpu.vector_store %arg5[%swap3A_562, %swap3A_563], %swap3A_566 {strides = array<i32>} : memref<128x16xf32, #tpu.memory_space<vmem>>, vector<1x16xf32>,
    %swap3A_567 = arith.constant 78 : i32
    %swap3A_568 = arith.index_cast %swap3A_567 : i32 to index
    %swap3A_569 = arith.constant 0 : index
    %swap3A_570 = tpu.vector_load %arg5[%swap3A_568, %swap3A_569] {strides = array<i32>} : memref<128x16xf32, #tpu.memory_space<vmem>>, vector<1x16xf32>,
    %swap3A_571 = vector.shape_cast %swap3A_570 : vector<1x16xf32> to vector<16xf32>
    %swap3A_572 = vector.shape_cast %broadcast_in_dim3A_3 : vector<16xf32> to vector<1x16xf32>
    tpu.vector_store %arg5[%swap3A_568, %swap3A_569], %swap3A_572 {strides = array<i32>} : memref<128x16xf32, #tpu.memory_space<vmem>>, vector<1x16xf32>,
    %swap3A_573 = arith.constant 79 : i32
    %swap3A_574 = arith.index_cast %swap3A_573 : i32 to index
    %swap3A_575 = arith.constant 0 : index
    %swap3A_576 = tpu.vector_load %arg5[%swap3A_574, %swap3A_575] {strides = array<i32>} : memref<128x16xf32, #tpu.memory_space<vmem>>, vector<1x16xf32>,
    %swap3A_577 = vector.shape_cast %swap3A_576 : vector<1x16xf32> to vector<16xf32>
    %swap3A_578 = vector.shape_cast %broadcast_in_dim3A_3 : vector<16xf32> to vector<1x16xf32>
    tpu.vector_store %arg5[%swap3A_574, %swap3A_575], %swap3A_578 {strides = array<i32>} : memref<128x16xf32, #tpu.memory_space<vmem>>, vector<1x16xf32>,
    %swap3A_579 = arith.constant 80 : i32
    %swap3A_580 = arith.index_cast %swap3A_579 : i32 to index
    %swap3A_581 = arith.constant 0 : index
    %swap3A_582 = tpu.vector_load %arg5[%swap3A_580, %swap3A_581] {strides = array<i32>} : memref<128x16xf32, #tpu.memory_space<vmem>>, vector<1x16xf32>,
    %swap3A_583 = vector.shape_cast %swap3A_582 : vector<1x16xf32> to vector<16xf32>
    %swap3A_584 = vector.shape_cast %broadcast_in_dim3A_3 : vector<16xf32> to vector<1x16xf32>
    tpu.vector_store %arg5[%swap3A_580, %swap3A_581], %swap3A_584 {strides = array<i32>} : memref<128x16xf32, #tpu.memory_space<vmem>>, vector<1x16xf32>,
    %swap3A_585 = arith.constant 81 : i32
    %swap3A_586 = arith.index_cast %swap3A_585 : i32 to index
    %swap3A_587 = arith.constant 0 : index
    %swap3A_588 = tpu.vector_load %arg5[%swap3A_586, %swap3A_587] {strides = array<i32>} : memref<128x16xf32, #tpu.memory_space<vmem>>, vector<1x16xf32>,
    %swap3A_589 = vector.shape_cast %swap3A_588 : vector<1x16xf32> to vector<16xf32>
    %swap3A_590 = vector.shape_cast %broadcast_in_dim3A_3 : vector<16xf32> to vector<1x16xf32>
    tpu.vector_store %arg5[%swap3A_586, %swap3A_587], %swap3A_590 {strides = array<i32>} : memref<128x16xf32, #tpu.memory_space<vmem>>, vector<1x16xf32>,
    %swap3A_591 = arith.constant 82 : i32
    %swap3A_592 = arith.index_cast %swap3A_591 : i32 to index
    %swap3A_593 = arith.constant 0 : index
    %swap3A_594 = tpu.vector_load %arg5[%swap3A_592, %swap3A_593] {strides = array<i32>} : memref<128x16xf32, #tpu.memory_space<vmem>>, vector<1x16xf32>,
    %swap3A_595 = vector.shape_cast %swap3A_594 : vector<1x16xf32> to vector<16xf32>
    %swap3A_596 = vector.shape_cast %broadcast_in_dim3A_3 : vector<16xf32> to vector<1x16xf32>
    tpu.vector_store %arg5[%swap3A_592, %swap3A_593], %swap3A_596 {strides = array<i32>} : memref<128x16xf32, #tpu.memory_space<vmem>>, vector<1x16xf32>,
    %swap3A_597 = arith.constant 83 : i32
    %swap3A_598 = arith.index_cast %swap3A_597 : i32 to index
    %swap3A_599 = arith.constant 0 : index
    %swap3A_600 = tpu.vector_load %arg5[%swap3A_598, %swap3A_599] {strides = array<i32>} : memref<128x16xf32, #tpu.memory_space<vmem>>, vector<1x16xf32>,
    %swap3A_601 = vector.shape_cast %swap3A_600 : vector<1x16xf32> to vector<16xf32>
    %swap3A_602 = vector.shape_cast %broadcast_in_dim3A_3 : vector<16xf32> to vector<1x16xf32>
    tpu.vector_store %arg5[%swap3A_598, %swap3A_599], %swap3A_602 {strides = array<i32>} : memref<128x16xf32, #tpu.memory_space<vmem>>, vector<1x16xf32>,
    %swap3A_603 = arith.constant 84 : i32
    %swap3A_604 = arith.index_cast %swap3A_603 : i32 to index
    %swap3A_605 = arith.constant 0 : index
    %swap3A_606 = tpu.vector_load %arg5[%swap3A_604, %swap3A_605] {strides = array<i32>} : memref<128x16xf32, #tpu.memory_space<vmem>>, vector<1x16xf32>,
    %swap3A_607 = vector.shape_cast %swap3A_606 : vector<1x16xf32> to vector<16xf32>
    %swap3A_608 = vector.shape_cast %broadcast_in_dim3A_3 : vector<16xf32> to vector<1x16xf32>
    tpu.vector_store %arg5[%swap3A_604, %swap3A_605], %swap3A_608 {strides = array<i32>} : memref<128x16xf32, #tpu.memory_space<vmem>>, vector<1x16xf32>,
    %swap3A_609 = arith.constant 85 : i32
    %swap3A_610 = arith.index_cast %swap3A_609 : i32 to index
    %swap3A_611 = arith.constant 0 : index
    %swap3A_612 = tpu.vector_load %arg5[%swap3A_610, %swap3A_611] {strides = array<i32>} : memref<128x16xf32, #tpu.memory_space<vmem>>, vector<1x16xf32>,
    %swap3A_613 = vector.shape_cast %swap3A_612 : vector<1x16xf32> to vector<16xf32>
    %swap3A_614 = vector.shape_cast %broadcast_in_dim3A_3 : vector<16xf32> to vector<1x16xf32>
    tpu.vector_store %arg5[%swap3A_610, %swap3A_611], %swap3A_614 {strides = array<i32>} : memref<128x16xf32, #tpu.memory_space<vmem>>, vector<1x16xf32>,
    %swap3A_615 = arith.constant 86 : i32
    %swap3A_616 = arith.index_cast %swap3A_615 : i32 to index
    %swap3A_617 = arith.constant 0 : index
    %swap3A_618 = tpu.vector_load %arg5[%swap3A_616, %swap3A_617] {strides = array<i32>} : memref<128x16xf32, #tpu.memory_space<vmem>>, vector<1x16xf32>,
    %swap3A_619 = vector.shape_cast %swap3A_618 : vector<1x16xf32> to vector<16xf32>
    %swap3A_620 = vector.shape_cast %broadcast_in_dim3A_3 : vector<16xf32> to vector<1x16xf32>
    tpu.vector_store %arg5[%swap3A_616, %swap3A_617], %swap3A_620 {strides = array<i32>} : memref<128x16xf32, #tpu.memory_space<vmem>>, vector<1x16xf32>,
    %swap3A_621 = arith.constant 87 : i32
    %swap3A_622 = arith.index_cast %swap3A_621 : i32 to index
    %swap3A_623 = arith.constant 0 : index
    %swap3A_624 = tpu.vector_load %arg5[%swap3A_622, %swap3A_623] {strides = array<i32>} : memref<128x16xf32, #tpu.memory_space<vmem>>, vector<1x16xf32>,
    %swap3A_625 = vector.shape_cast %swap3A_624 : vector<1x16xf32> to vector<16xf32>
    %swap3A_626 = vector.shape_cast %broadcast_in_dim3A_3 : vector<16xf32> to vector<1x16xf32>
    tpu.vector_store %arg5[%swap3A_622, %swap3A_623], %swap3A_626 {strides = array<i32>} : memref<128x16xf32, #tpu.memory_space<vmem>>, vector<1x16xf32>,
    %swap3A_627 = arith.constant 88 : i32
    %swap3A_628 = arith.index_cast %swap3A_627 : i32 to index
    %swap3A_629 = arith.constant 0 : index
    %swap3A_630 = tpu.vector_load %arg5[%swap3A_628, %swap3A_629] {strides = array<i32>} : memref<128x16xf32, #tpu.memory_space<vmem>>, vector<1x16xf32>,
    %swap3A_631 = vector.shape_cast %swap3A_630 : vector<1x16xf32> to vector<16xf32>
    %swap3A_632 = vector.shape_cast %broadcast_in_dim3A_3 : vector<16xf32> to vector<1x16xf32>
    tpu.vector_store %arg5[%swap3A_628, %swap3A_629], %swap3A_632 {strides = array<i32>} : memref<128x16xf32, #tpu.memory_space<vmem>>, vector<1x16xf32>,
    %swap3A_633 = arith.constant 89 : i32
    %swap3A_634 = arith.index_cast %swap3A_633 : i32 to index
    %swap3A_635 = arith.constant 0 : index
    %swap3A_636 = tpu.vector_load %arg5[%swap3A_634, %swap3A_635] {strides = array<i32>} : memref<128x16xf32, #tpu.memory_space<vmem>>, vector<1x16xf32>,
    %swap3A_637 = vector.shape_cast %swap3A_636 : vector<1x16xf32> to vector<16xf32>
    %swap3A_638 = vector.shape_cast %broadcast_in_dim3A_3 : vector<16xf32> to vector<1x16xf32>
    tpu.vector_store %arg5[%swap3A_634, %swap3A_635], %swap3A_638 {strides = array<i32>} : memref<128x16xf32, #tpu.memory_space<vmem>>, vector<1x16xf32>,
    %swap3A_639 = arith.constant 90 : i32
    %swap3A_640 = arith.index_cast %swap3A_639 : i32 to index
    %swap3A_641 = arith.constant 0 : index
    %swap3A_642 = tpu.vector_load %arg5[%swap3A_640, %swap3A_641] {strides = array<i32>} : memref<128x16xf32, #tpu.memory_space<vmem>>, vector<1x16xf32>,
    %swap3A_643 = vector.shape_cast %swap3A_642 : vector<1x16xf32> to vector<16xf32>
    %swap3A_644 = vector.shape_cast %broadcast_in_dim3A_3 : vector<16xf32> to vector<1x16xf32>
    tpu.vector_store %arg5[%swap3A_640, %swap3A_641], %swap3A_644 {strides = array<i32>} : memref<128x16xf32, #tpu.memory_space<vmem>>, vector<1x16xf32>,
    %swap3A_645 = arith.constant 91 : i32
    %swap3A_646 = arith.index_cast %swap3A_645 : i32 to index
    %swap3A_647 = arith.constant 0 : index
    %swap3A_648 = tpu.vector_load %arg5[%swap3A_646, %swap3A_647] {strides = array<i32>} : memref<128x16xf32, #tpu.memory_space<vmem>>, vector<1x16xf32>,
    %swap3A_649 = vector.shape_cast %swap3A_648 : vector<1x16xf32> to vector<16xf32>
    %swap3A_650 = vector.shape_cast %broadcast_in_dim3A_3 : vector<16xf32> to vector<1x16xf32>
    tpu.vector_store %arg5[%swap3A_646, %swap3A_647], %swap3A_650 {strides = array<i32>} : memref<128x16xf32, #tpu.memory_space<vmem>>, vector<1x16xf32>,
    %swap3A_651 = arith.constant 92 : i32
    %swap3A_652 = arith.index_cast %swap3A_651 : i32 to index
    %swap3A_653 = arith.constant 0 : index
    %swap3A_654 = tpu.vector_load %arg5[%swap3A_652, %swap3A_653] {strides = array<i32>} : memref<128x16xf32, #tpu.memory_space<vmem>>, vector<1x16xf32>,
    %swap3A_655 = vector.shape_cast %swap3A_654 : vector<1x16xf32> to vector<16xf32>
    %swap3A_656 = vector.shape_cast %broadcast_in_dim3A_3 : vector<16xf32> to vector<1x16xf32>
    tpu.vector_store %arg5[%swap3A_652, %swap3A_653], %swap3A_656 {strides = array<i32>} : memref<128x16xf32, #tpu.memory_space<vmem>>, vector<1x16xf32>,
    %swap3A_657 = arith.constant 93 : i32
    %swap3A_658 = arith.index_cast %swap3A_657 : i32 to index
    %swap3A_659 = arith.constant 0 : index
    %swap3A_660 = tpu.vector_load %arg5[%swap3A_658, %swap3A_659] {strides = array<i32>} : memref<128x16xf32, #tpu.memory_space<vmem>>, vector<1x16xf32>,
    %swap3A_661 = vector.shape_cast %swap3A_660 : vector<1x16xf32> to vector<16xf32>
    %swap3A_662 = vector.shape_cast %broadcast_in_dim3A_3 : vector<16xf32> to vector<1x16xf32>
    tpu.vector_store %arg5[%swap3A_658, %swap3A_659], %swap3A_662 {strides = array<i32>} : memref<128x16xf32, #tpu.memory_space<vmem>>, vector<1x16xf32>,
    %swap3A_663 = arith.constant 94 : i32
    %swap3A_664 = arith.index_cast %swap3A_663 : i32 to index
    %swap3A_665 = arith.constant 0 : index
    %swap3A_666 = tpu.vector_load %arg5[%swap3A_664, %swap3A_665] {strides = array<i32>} : memref<128x16xf32, #tpu.memory_space<vmem>>, vector<1x16xf32>,
    %swap3A_667 = vector.shape_cast %swap3A_666 : vector<1x16xf32> to vector<16xf32>
    %swap3A_668 = vector.shape_cast %broadcast_in_dim3A_3 : vector<16xf32> to vector<1x16xf32>
    tpu.vector_store %arg5[%swap3A_664, %swap3A_665], %swap3A_668 {strides = array<i32>} : memref<128x16xf32, #tpu.memory_space<vmem>>, vector<1x16xf32>,
    %swap3A_669 = arith.constant 95 : i32
    %swap3A_670 = arith.index_cast %swap3A_669 : i32 to index
    %swap3A_671 = arith.constant 0 : index
    %swap3A_672 = tpu.vector_load %arg5[%swap3A_670, %swap3A_671] {strides = array<i32>} : memref<128x16xf32, #tpu.memory_space<vmem>>, vector<1x16xf32>,
    %swap3A_673 = vector.shape_cast %swap3A_672 : vector<1x16xf32> to vector<16xf32>
    %swap3A_674 = vector.shape_cast %broadcast_in_dim3A_3 : vector<16xf32> to vector<1x16xf32>
    tpu.vector_store %arg5[%swap3A_670, %swap3A_671], %swap3A_674 {strides = array<i32>} : memref<128x16xf32, #tpu.memory_space<vmem>>, vector<1x16xf32>,
    %swap3A_675 = arith.constant 96 : i32
    %swap3A_676 = arith.index_cast %swap3A_675 : i32 to index
    %swap3A_677 = arith.constant 0 : index
    %swap3A_678 = tpu.vector_load %arg5[%swap3A_676, %swap3A_677] {strides = array<i32>} : memref<128x16xf32, #tpu.memory_space<vmem>>, vector<1x16xf32>,
    %swap3A_679 = vector.shape_cast %swap3A_678 : vector<1x16xf32> to vector<16xf32>
    %swap3A_680 = vector.shape_cast %broadcast_in_dim3A_3 : vector<16xf32> to vector<1x16xf32>
    tpu.vector_store %arg5[%swap3A_676, %swap3A_677], %swap3A_680 {strides = array<i32>} : memref<128x16xf32, #tpu.memory_space<vmem>>, vector<1x16xf32>,
    %swap3A_681 = arith.constant 97 : i32
    %swap3A_682 = arith.index_cast %swap3A_681 : i32 to index
    %swap3A_683 = arith.constant 0 : index
    %swap3A_684 = tpu.vector_load %arg5[%swap3A_682, %swap3A_683] {strides = array<i32>} : memref<128x16xf32, #tpu.memory_space<vmem>>, vector<1x16xf32>,
    %swap3A_685 = vector.shape_cast %swap3A_684 : vector<1x16xf32> to vector<16xf32>
    %swap3A_686 = vector.shape_cast %broadcast_in_dim3A_3 : vector<16xf32> to vector<1x16xf32>
    tpu.vector_store %arg5[%swap3A_682, %swap3A_683], %swap3A_686 {strides = array<i32>} : memref<128x16xf32, #tpu.memory_space<vmem>>, vector<1x16xf32>,
    %swap3A_687 = arith.constant 98 : i32
    %swap3A_688 = arith.index_cast %swap3A_687 : i32 to index
    %swap3A_689 = arith.constant 0 : index
    %swap3A_690 = tpu.vector_load %arg5[%swap3A_688, %swap3A_689] {strides = array<i32>} : memref<128x16xf32, #tpu.memory_space<vmem>>, vector<1x16xf32>,
    %swap3A_691 = vector.shape_cast %swap3A_690 : vector<1x16xf32> to vector<16xf32>
    %swap3A_692 = vector.shape_cast %broadcast_in_dim3A_3 : vector<16xf32> to vector<1x16xf32>
    tpu.vector_store %arg5[%swap3A_688, %swap3A_689], %swap3A_692 {strides = array<i32>} : memref<128x16xf32, #tpu.memory_space<vmem>>, vector<1x16xf32>,
    %swap3A_693 = arith.constant 99 : i32
    %swap3A_694 = arith.index_cast %swap3A_693 : i32 to index
    %swap3A_695 = arith.constant 0 : index
    %swap3A_696 = tpu.vector_load %arg5[%swap3A_694, %swap3A_695] {strides = array<i32>} : memref<128x16xf32, #tpu.memory_space<vmem>>, vector<1x16xf32>,
    %swap3A_697 = vector.shape_cast %swap3A_696 : vector<1x16xf32> to vector<16xf32>
    %swap3A_698 = vector.shape_cast %broadcast_in_dim3A_3 : vector<16xf32> to vector<1x16xf32>
    tpu.vector_store %arg5[%swap3A_694, %swap3A_695], %swap3A_698 {strides = array<i32>} : memref<128x16xf32, #tpu.memory_space<vmem>>, vector<1x16xf32>,
    %swap3A_699 = arith.constant 100 : i32
    %swap3A_700 = arith.index_cast %swap3A_699 : i32 to index
    %swap3A_701 = arith.constant 0 : index
    %swap3A_702 = tpu.vector_load %arg5[%swap3A_700, %swap3A_701] {strides = array<i32>} : memref<128x16xf32, #tpu.memory_space<vmem>>, vector<1x16xf32>,
    %swap3A_703 = vector.shape_cast %swap3A_702 : vector<1x16xf32> to vector<16xf32>
    %swap3A_704 = vector.shape_cast %broadcast_in_dim3A_3 : vector<16xf32> to vector<1x16xf32>
    tpu.vector_store %arg5[%swap3A_700, %swap3A_701], %swap3A_704 {strides = array<i32>} : memref<128x16xf32, #tpu.memory_space<vmem>>, vector<1x16xf32>,
    %swap3A_705 = arith.constant 101 : i32
    %swap3A_706 = arith.index_cast %swap3A_705 : i32 to index
    %swap3A_707 = arith.constant 0 : index
    %swap3A_708 = tpu.vector_load %arg5[%swap3A_706, %swap3A_707] {strides = array<i32>} : memref<128x16xf32, #tpu.memory_space<vmem>>, vector<1x16xf32>,
    %swap3A_709 = vector.shape_cast %swap3A_708 : vector<1x16xf32> to vector<16xf32>
    %swap3A_710 = vector.shape_cast %broadcast_in_dim3A_3 : vector<16xf32> to vector<1x16xf32>
    tpu.vector_store %arg5[%swap3A_706, %swap3A_707], %swap3A_710 {strides = array<i32>} : memref<128x16xf32, #tpu.memory_space<vmem>>, vector<1x16xf32>,
    %swap3A_711 = arith.constant 102 : i32
    %swap3A_712 = arith.index_cast %swap3A_711 : i32 to index
    %swap3A_713 = arith.constant 0 : index
    %swap3A_714 = tpu.vector_load %arg5[%swap3A_712, %swap3A_713] {strides = array<i32>} : memref<128x16xf32, #tpu.memory_space<vmem>>, vector<1x16xf32>,
    %swap3A_715 = vector.shape_cast %swap3A_714 : vector<1x16xf32> to vector<16xf32>
    %swap3A_716 = vector.shape_cast %broadcast_in_dim3A_3 : vector<16xf32> to vector<1x16xf32>
    tpu.vector_store %arg5[%swap3A_712, %swap3A_713], %swap3A_716 {strides = array<i32>} : memref<128x16xf32, #tpu.memory_space<vmem>>, vector<1x16xf32>,
    %swap3A_717 = arith.constant 103 : i32
    %swap3A_718 = arith.index_cast %swap3A_717 : i32 to index
    %swap3A_719 = arith.constant 0 : index
    %swap3A_720 = tpu.vector_load %arg5[%swap3A_718, %swap3A_719] {strides = array<i32>} : memref<128x16xf32, #tpu.memory_space<vmem>>, vector<1x16xf32>,
    %swap3A_721 = vector.shape_cast %swap3A_720 : vector<1x16xf32> to vector<16xf32>
    %swap3A_722 = vector.shape_cast %broadcast_in_dim3A_3 : vector<16xf32> to vector<1x16xf32>
    tpu.vector_store %arg5[%swap3A_718, %swap3A_719], %swap3A_722 {strides = array<i32>} : memref<128x16xf32, #tpu.memory_space<vmem>>, vector<1x16xf32>,
    %swap3A_723 = arith.constant 104 : i32
    %swap3A_724 = arith.index_cast %swap3A_723 : i32 to index
    %swap3A_725 = arith.constant 0 : index
    %swap3A_726 = tpu.vector_load %arg5[%swap3A_724, %swap3A_725] {strides = array<i32>} : memref<128x16xf32, #tpu.memory_space<vmem>>, vector<1x16xf32>,
    %swap3A_727 = vector.shape_cast %swap3A_726 : vector<1x16xf32> to vector<16xf32>
    %swap3A_728 = vector.shape_cast %broadcast_in_dim3A_3 : vector<16xf32> to vector<1x16xf32>
    tpu.vector_store %arg5[%swap3A_724, %swap3A_725], %swap3A_728 {strides = array<i32>} : memref<128x16xf32, #tpu.memory_space<vmem>>, vector<1x16xf32>,
    %swap3A_729 = arith.constant 105 : i32
    %swap3A_730 = arith.index_cast %swap3A_729 : i32 to index
    %swap3A_731 = arith.constant 0 : index
    %swap3A_732 = tpu.vector_load %arg5[%swap3A_730, %swap3A_731] {strides = array<i32>} : memref<128x16xf32, #tpu.memory_space<vmem>>, vector<1x16xf32>,
    %swap3A_733 = vector.shape_cast %swap3A_732 : vector<1x16xf32> to vector<16xf32>
    %swap3A_734 = vector.shape_cast %broadcast_in_dim3A_3 : vector<16xf32> to vector<1x16xf32>
    tpu.vector_store %arg5[%swap3A_730, %swap3A_731], %swap3A_734 {strides = array<i32>} : memref<128x16xf32, #tpu.memory_space<vmem>>, vector<1x16xf32>,
    %swap3A_735 = arith.constant 106 : i32
    %swap3A_736 = arith.index_cast %swap3A_735 : i32 to index
    %swap3A_737 = arith.constant 0 : index
    %swap3A_738 = tpu.vector_load %arg5[%swap3A_736, %swap3A_737] {strides = array<i32>} : memref<128x16xf32, #tpu.memory_space<vmem>>, vector<1x16xf32>,
    %swap3A_739 = vector.shape_cast %swap3A_738 : vector<1x16xf32> to vector<16xf32>
    %swap3A_740 = vector.shape_cast %broadcast_in_dim3A_3 : vector<16xf32> to vector<1x16xf32>
    tpu.vector_store %arg5[%swap3A_736, %swap3A_737], %swap3A_740 {strides = array<i32>} : memref<128x16xf32, #tpu.memory_space<vmem>>, vector<1x16xf32>,
    %swap3A_741 = arith.constant 107 : i32
    %swap3A_742 = arith.index_cast %swap3A_741 : i32 to index
    %swap3A_743 = arith.constant 0 : index
    %swap3A_744 = tpu.vector_load %arg5[%swap3A_742, %swap3A_743] {strides = array<i32>} : memref<128x16xf32, #tpu.memory_space<vmem>>, vector<1x16xf32>,
    %swap3A_745 = vector.shape_cast %swap3A_744 : vector<1x16xf32> to vector<16xf32>
    %swap3A_746 = vector.shape_cast %broadcast_in_dim3A_3 : vector<16xf32> to vector<1x16xf32>
    tpu.vector_store %arg5[%swap3A_742, %swap3A_743], %swap3A_746 {strides = array<i32>} : memref<128x16xf32, #tpu.memory_space<vmem>>, vector<1x16xf32>,
    %swap3A_747 = arith.constant 108 : i32
    %swap3A_748 = arith.index_cast %swap3A_747 : i32 to index
    %swap3A_749 = arith.constant 0 : index
    %swap3A_750 = tpu.vector_load %arg5[%swap3A_748, %swap3A_749] {strides = array<i32>} : memref<128x16xf32, #tpu.memory_space<vmem>>, vector<1x16xf32>,
    %swap3A_751 = vector.shape_cast %swap3A_750 : vector<1x16xf32> to vector<16xf32>
    %swap3A_752 = vector.shape_cast %broadcast_in_dim3A_3 : vector<16xf32> to vector<1x16xf32>
    tpu.vector_store %arg5[%swap3A_748, %swap3A_749], %swap3A_752 {strides = array<i32>} : memref<128x16xf32, #tpu.memory_space<vmem>>, vector<1x16xf32>,
    %swap3A_753 = arith.constant 109 : i32
    %swap3A_754 = arith.index_cast %swap3A_753 : i32 to index
    %swap3A_755 = arith.constant 0 : index
    %swap3A_756 = tpu.vector_load %arg5[%swap3A_754, %swap3A_755] {strides = array<i32>} : memref<128x16xf32, #tpu.memory_space<vmem>>, vector<1x16xf32>,
    %swap3A_757 = vector.shape_cast %swap3A_756 : vector<1x16xf32> to vector<16xf32>
    %swap3A_758 = vector.shape_cast %broadcast_in_dim3A_3 : vector<16xf32> to vector<1x16xf32>
    tpu.vector_store %arg5[%swap3A_754, %swap3A_755], %swap3A_758 {strides = array<i32>} : memref<128x16xf32, #tpu.memory_space<vmem>>, vector<1x16xf32>,
    %swap3A_759 = arith.constant 110 : i32
    %swap3A_760 = arith.index_cast %swap3A_759 : i32 to index
    %swap3A_761 = arith.constant 0 : index
    %swap3A_762 = tpu.vector_load %arg5[%swap3A_760, %swap3A_761] {strides = array<i32>} : memref<128x16xf32, #tpu.memory_space<vmem>>, vector<1x16xf32>,
    %swap3A_763 = vector.shape_cast %swap3A_762 : vector<1x16xf32> to vector<16xf32>
    %swap3A_764 = vector.shape_cast %broadcast_in_dim3A_3 : vector<16xf32> to vector<1x16xf32>
    tpu.vector_store %arg5[%swap3A_760, %swap3A_761], %swap3A_764 {strides = array<i32>} : memref<128x16xf32, #tpu.memory_space<vmem>>, vector<1x16xf32>,
    %swap3A_765 = arith.constant 111 : i32
    %swap3A_766 = arith.index_cast %swap3A_765 : i32 to index
    %swap3A_767 = arith.constant 0 : index
    %swap3A_768 = tpu.vector_load %arg5[%swap3A_766, %swap3A_767] {strides = array<i32>} : memref<128x16xf32, #tpu.memory_space<vmem>>, vector<1x16xf32>,
    %swap3A_769 = vector.shape_cast %swap3A_768 : vector<1x16xf32> to vector<16xf32>
    %swap3A_770 = vector.shape_cast %broadcast_in_dim3A_3 : vector<16xf32> to vector<1x16xf32>
    tpu.vector_store %arg5[%swap3A_766, %swap3A_767], %swap3A_770 {strides = array<i32>} : memref<128x16xf32, #tpu.memory_space<vmem>>, vector<1x16xf32>,
    %swap3A_771 = arith.constant 112 : i32
    %swap3A_772 = arith.index_cast %swap3A_771 : i32 to index
    %swap3A_773 = arith.constant 0 : index
    %swap3A_774 = tpu.vector_load %arg5[%swap3A_772, %swap3A_773] {strides = array<i32>} : memref<128x16xf32, #tpu.memory_space<vmem>>, vector<1x16xf32>,
    %swap3A_775 = vector.shape_cast %swap3A_774 : vector<1x16xf32> to vector<16xf32>
    %swap3A_776 = vector.shape_cast %broadcast_in_dim3A_3 : vector<16xf32> to vector<1x16xf32>
    tpu.vector_store %arg5[%swap3A_772, %swap3A_773], %swap3A_776 {strides = array<i32>} : memref<128x16xf32, #tpu.memory_space<vmem>>, vector<1x16xf32>,
    %swap3A_777 = arith.constant 113 : i32
    %swap3A_778 = arith.index_cast %swap3A_777 : i32 to index
    %swap3A_779 = arith.constant 0 : index
    %swap3A_780 = tpu.vector_load %arg5[%swap3A_778, %swap3A_779] {strides = array<i32>} : memref<128x16xf32, #tpu.memory_space<vmem>>, vector<1x16xf32>,
    %swap3A_781 = vector.shape_cast %swap3A_780 : vector<1x16xf32> to vector<16xf32>
    %swap3A_782 = vector.shape_cast %broadcast_in_dim3A_3 : vector<16xf32> to vector<1x16xf32>
    tpu.vector_store %arg5[%swap3A_778, %swap3A_779], %swap3A_782 {strides = array<i32>} : memref<128x16xf32, #tpu.memory_space<vmem>>, vector<1x16xf32>,
    %swap3A_783 = arith.constant 114 : i32
    %swap3A_784 = arith.index_cast %swap3A_783 : i32 to index
    %swap3A_785 = arith.constant 0 : index
    %swap3A_786 = tpu.vector_load %arg5[%swap3A_784, %swap3A_785] {strides = array<i32>} : memref<128x16xf32, #tpu.memory_space<vmem>>, vector<1x16xf32>,
    %swap3A_787 = vector.shape_cast %swap3A_786 : vector<1x16xf32> to vector<16xf32>
    %swap3A_788 = vector.shape_cast %broadcast_in_dim3A_3 : vector<16xf32> to vector<1x16xf32>
    tpu.vector_store %arg5[%swap3A_784, %swap3A_785], %swap3A_788 {strides = array<i32>} : memref<128x16xf32, #tpu.memory_space<vmem>>, vector<1x16xf32>,
    %swap3A_789 = arith.constant 115 : i32
    %swap3A_790 = arith.index_cast %swap3A_789 : i32 to index
    %swap3A_791 = arith.constant 0 : index
    %swap3A_792 = tpu.vector_load %arg5[%swap3A_790, %swap3A_791] {strides = array<i32>} : memref<128x16xf32, #tpu.memory_space<vmem>>, vector<1x16xf32>,
    %swap3A_793 = vector.shape_cast %swap3A_792 : vector<1x16xf32> to vector<16xf32>
    %swap3A_794 = vector.shape_cast %broadcast_in_dim3A_3 : vector<16xf32> to vector<1x16xf32>
    tpu.vector_store %arg5[%swap3A_790, %swap3A_791], %swap3A_794 {strides = array<i32>} : memref<128x16xf32, #tpu.memory_space<vmem>>, vector<1x16xf32>,
    %swap3A_795 = arith.constant 116 : i32
    %swap3A_796 = arith.index_cast %swap3A_795 : i32 to index
    %swap3A_797 = arith.constant 0 : index
    %swap3A_798 = tpu.vector_load %arg5[%swap3A_796, %swap3A_797] {strides = array<i32>} : memref<128x16xf32, #tpu.memory_space<vmem>>, vector<1x16xf32>,
    %swap3A_799 = vector.shape_cast %swap3A_798 : vector<1x16xf32> to vector<16xf32>
    %swap3A_800 = vector.shape_cast %broadcast_in_dim3A_3 : vector<16xf32> to vector<1x16xf32>
    tpu.vector_store %arg5[%swap3A_796, %swap3A_797], %swap3A_800 {strides = array<i32>} : memref<128x16xf32, #tpu.memory_space<vmem>>, vector<1x16xf32>,
    %swap3A_801 = arith.constant 117 : i32
    %swap3A_802 = arith.index_cast %swap3A_801 : i32 to index
    %swap3A_803 = arith.constant 0 : index
    %swap3A_804 = tpu.vector_load %arg5[%swap3A_802, %swap3A_803] {strides = array<i32>} : memref<128x16xf32, #tpu.memory_space<vmem>>, vector<1x16xf32>,
    %swap3A_805 = vector.shape_cast %swap3A_804 : vector<1x16xf32> to vector<16xf32>
    %swap3A_806 = vector.shape_cast %broadcast_in_dim3A_3 : vector<16xf32> to vector<1x16xf32>
    tpu.vector_store %arg5[%swap3A_802, %swap3A_803], %swap3A_806 {strides = array<i32>} : memref<128x16xf32, #tpu.memory_space<vmem>>, vector<1x16xf32>,
    %swap3A_807 = arith.constant 118 : i32
    %swap3A_808 = arith.index_cast %swap3A_807 : i32 to index
    %swap3A_809 = arith.constant 0 : index
    %swap3A_810 = tpu.vector_load %arg5[%swap3A_808, %swap3A_809] {strides = array<i32>} : memref<128x16xf32, #tpu.memory_space<vmem>>, vector<1x16xf32>,
    %swap3A_811 = vector.shape_cast %swap3A_810 : vector<1x16xf32> to vector<16xf32>
    %swap3A_812 = vector.shape_cast %broadcast_in_dim3A_3 : vector<16xf32> to vector<1x16xf32>
    tpu.vector_store %arg5[%swap3A_808, %swap3A_809], %swap3A_812 {strides = array<i32>} : memref<128x16xf32, #tpu.memory_space<vmem>>, vector<1x16xf32>,
    %swap3A_813 = arith.constant 119 : i32
    %swap3A_814 = arith.index_cast %swap3A_813 : i32 to index
    %swap3A_815 = arith.constant 0 : index
    %swap3A_816 = tpu.vector_load %arg5[%swap3A_814, %swap3A_815] {strides = array<i32>} : memref<128x16xf32, #tpu.memory_space<vmem>>, vector<1x16xf32>,
    %swap3A_817 = vector.shape_cast %swap3A_816 : vector<1x16xf32> to vector<16xf32>
    %swap3A_818 = vector.shape_cast %broadcast_in_dim3A_3 : vector<16xf32> to vector<1x16xf32>
    tpu.vector_store %arg5[%swap3A_814, %swap3A_815], %swap3A_818 {strides = array<i32>} : memref<128x16xf32, #tpu.memory_space<vmem>>, vector<1x16xf32>,
    %swap3A_819 = arith.constant 120 : i32
    %swap3A_820 = arith.index_cast %swap3A_819 : i32 to index
    %swap3A_821 = arith.constant 0 : index
    %swap3A_822 = tpu.vector_load %arg5[%swap3A_820, %swap3A_821] {strides = array<i32>} : memref<128x16xf32, #tpu.memory_space<vmem>>, vector<1x16xf32>,
    %swap3A_823 = vector.shape_cast %swap3A_822 : vector<1x16xf32> to vector<16xf32>
    %swap3A_824 = vector.shape_cast %broadcast_in_dim3A_3 : vector<16xf32> to vector<1x16xf32>
    tpu.vector_store %arg5[%swap3A_820, %swap3A_821], %swap3A_824 {strides = array<i32>} : memref<128x16xf32, #tpu.memory_space<vmem>>, vector<1x16xf32>,
    %swap3A_825 = arith.constant 121 : i32
    %swap3A_826 = arith.index_cast %swap3A_825 : i32 to index
    %swap3A_827 = arith.constant 0 : index
    %swap3A_828 = tpu.vector_load %arg5[%swap3A_826, %swap3A_827] {strides = array<i32>} : memref<128x16xf32, #tpu.memory_space<vmem>>, vector<1x16xf32>,
    %swap3A_829 = vector.shape_cast %swap3A_828 : vector<1x16xf32> to vector<16xf32>
    %swap3A_830 = vector.shape_cast %broadcast_in_dim3A_3 : vector<16xf32> to vector<1x16xf32>
    tpu.vector_store %arg5[%swap3A_826, %swap3A_827], %swap3A_830 {strides = array<i32>} : memref<128x16xf32, #tpu.memory_space<vmem>>, vector<1x16xf32>,
    %swap3A_831 = arith.constant 122 : i32
    %swap3A_832 = arith.index_cast %swap3A_831 : i32 to index
    %swap3A_833 = arith.constant 0 : index
    %swap3A_834 = tpu.vector_load %arg5[%swap3A_832, %swap3A_833] {strides = array<i32>} : memref<128x16xf32, #tpu.memory_space<vmem>>, vector<1x16xf32>,
    %swap3A_835 = vector.shape_cast %swap3A_834 : vector<1x16xf32> to vector<16xf32>
    %swap3A_836 = vector.shape_cast %broadcast_in_dim3A_3 : vector<16xf32> to vector<1x16xf32>
    tpu.vector_store %arg5[%swap3A_832, %swap3A_833], %swap3A_836 {strides = array<i32>} : memref<128x16xf32, #tpu.memory_space<vmem>>, vector<1x16xf32>,
    %swap3A_837 = arith.constant 123 : i32
    %swap3A_838 = arith.index_cast %swap3A_837 : i32 to index
    %swap3A_839 = arith.constant 0 : index
    %swap3A_840 = tpu.vector_load %arg5[%swap3A_838, %swap3A_839] {strides = array<i32>} : memref<128x16xf32, #tpu.memory_space<vmem>>, vector<1x16xf32>,
    %swap3A_841 = vector.shape_cast %swap3A_840 : vector<1x16xf32> to vector<16xf32>
    %swap3A_842 = vector.shape_cast %broadcast_in_dim3A_3 : vector<16xf32> to vector<1x16xf32>
    tpu.vector_store %arg5[%swap3A_838, %swap3A_839], %swap3A_842 {strides = array<i32>} : memref<128x16xf32, #tpu.memory_space<vmem>>, vector<1x16xf32>,
    %swap3A_843 = arith.constant 124 : i32
    %swap3A_844 = arith.index_cast %swap3A_843 : i32 to index
    %swap3A_845 = arith.constant 0 : index
    %swap3A_846 = tpu.vector_load %arg5[%swap3A_844, %swap3A_845] {strides = array<i32>} : memref<128x16xf32, #tpu.memory_space<vmem>>, vector<1x16xf32>,
    %swap3A_847 = vector.shape_cast %swap3A_846 : vector<1x16xf32> to vector<16xf32>
    %swap3A_848 = vector.shape_cast %broadcast_in_dim3A_3 : vector<16xf32> to vector<1x16xf32>
    tpu.vector_store %arg5[%swap3A_844, %swap3A_845], %swap3A_848 {strides = array<i32>} : memref<128x16xf32, #tpu.memory_space<vmem>>, vector<1x16xf32>,
    %swap3A_849 = arith.constant 125 : i32
    %swap3A_850 = arith.index_cast %swap3A_849 : i32 to index
    %swap3A_851 = arith.constant 0 : index
    %swap3A_852 = tpu.vector_load %arg5[%swap3A_850, %swap3A_851] {strides = array<i32>} : memref<128x16xf32, #tpu.memory_space<vmem>>, vector<1x16xf32>,
    %swap3A_853 = vector.shape_cast %swap3A_852 : vector<1x16xf32> to vector<16xf32>
    %swap3A_854 = vector.shape_cast %broadcast_in_dim3A_3 : vector<16xf32> to vector<1x16xf32>
    tpu.vector_store %arg5[%swap3A_850, %swap3A_851], %swap3A_854 {strides = array<i32>} : memref<128x16xf32, #tpu.memory_space<vmem>>, vector<1x16xf32>,
    %swap3A_855 = arith.constant 126 : i32
    %swap3A_856 = arith.index_cast %swap3A_855 : i32 to index
    %swap3A_857 = arith.constant 0 : index
    %swap3A_858 = tpu.vector_load %arg5[%swap3A_856, %swap3A_857] {strides = array<i32>} : memref<128x16xf32, #tpu.memory_space<vmem>>, vector<1x16xf32>,
    %swap3A_859 = vector.shape_cast %swap3A_858 : vector<1x16xf32> to vector<16xf32>
    %swap3A_860 = vector.shape_cast %broadcast_in_dim3A_3 : vector<16xf32> to vector<1x16xf32>
    tpu.vector_store %arg5[%swap3A_856, %swap3A_857], %swap3A_860 {strides = array<i32>} : memref<128x16xf32, #tpu.memory_space<vmem>>, vector<1x16xf32>,
    %swap3A_861 = arith.constant 127 : i32
    %swap3A_862 = arith.index_cast %swap3A_861 : i32 to index
    %swap3A_863 = arith.constant 0 : index
    %swap3A_864 = tpu.vector_load %arg5[%swap3A_862, %swap3A_863] {strides = array<i32>} : memref<128x16xf32, #tpu.memory_space<vmem>>, vector<1x16xf32>,
    %swap3A_865 = vector.shape_cast %swap3A_864 : vector<1x16xf32> to vector<16xf32>
    %swap3A_866 = vector.shape_cast %broadcast_in_dim3A_3 : vector<16xf32> to vector<1x16xf32>
    tpu.vector_store %arg5[%swap3A_862, %swap3A_863], %swap3A_866 {strides = array<i32>} : memref<128x16xf32, #tpu.memory_space<vmem>>, vector<1x16xf32>,
    %mul3A_867 = arith.constant 640 : i32
    %mul3A_868 = arith.muli %arg1, %mul3A_867 : i32
    %scan3A = arith.constant 0 : i32
    %scan3A_869 = arith.constant 0 : i32
    %scan3A_870 = arith.constant 40 : i32
    %scan3A_871 = arith.addi %scan3A_869, %scan3A_870 : i32
    %scan3A_872 = arith.constant 1 : i32
    scf.for %scan3A_888 = %scan3A_869 to %scan3A_871 step %scan3A_872  : i32 {
      %mul3A_889 = arith.constant 16 : i32
      %mul3A_890 = arith.muli %scan3A_888, %mul3A_889 : i32
      %add3A_891 = arith.addi %mul3A_868, %mul3A_890 : i32
      "tpu.region"() ({
        %run_scoped3A = tpu.sem_alloc : memref<!tpu.dma_semaphore, #tpu.memory_space<semaphore_mem>>
        %dma_start3A = arith.constant 0 : i32
        %dma_start3A_892 = tpu.memref_slice %arg7[%add3A_891, %dma_start3A] : memref<10240x16xf32, #tpu.memory_space<vmem_shared>> -> memref<16x16xf32, #tpu.memory_space<vmem_shared>>
        %dma_start3A_893 = arith.constant 0 : i32
        %dma_start3A_894 = tpu.memref_slice %arg7[%add3A_891, %dma_start3A_893] : memref<10240x16xf32, #tpu.memory_space<vmem_shared>> -> memref<16x16xf32, #tpu.memory_space<vmem_shared>>
        tpu.enqueue_dma source(%arg6 : memref<16x16xf32, #tpu.memory_space<vmem>>) target(%dma_start3A_894 : memref<16x16xf32, #tpu.memory_space<vmem_shared>>) target_semaphore(%run_scoped3A : memref<!tpu.dma_semaphore, #tpu.memory_space<semaphore_mem>>)
        %dma_wait3A = arith.constant 0 : i32
        %dma_wait3A_895 = tpu.memref_slice %arg7[%add3A_891, %dma_wait3A] : memref<10240x16xf32, #tpu.memory_space<vmem_shared>> -> memref<16x16xf32, #tpu.memory_space<vmem_shared>>
        %dma_wait3A_896 = arith.constant 0 : i32
        %dma_wait3A_897 = tpu.memref_slice %arg7[%add3A_891, %dma_wait3A_896] : memref<10240x16xf32, #tpu.memory_space<vmem_shared>> -> memref<16x16xf32, #tpu.memory_space<vmem_shared>>
        tpu.wait_dma2 semaphore(%run_scoped3A : memref<!tpu.dma_semaphore, #tpu.memory_space<semaphore_mem>>) src(%arg6 : memref<16x16xf32, #tpu.memory_space<vmem>>) dst(%dma_wait3A_897 : memref<16x16xf32, #tpu.memory_space<vmem_shared>>)
        tpu.yield
      }) : () -> ()
    }
    %scan3A_873 = arith.constant 40 : i32
    %add3A_874 = arith.constant 640 : i32
    %add3A_875 = arith.addi %mul3A_868, %add3A_874 : i32
    %sub3A = arith.constant 16 : i32
    %sub3A_876 = arith.subi %add3A_875, %sub3A : i32
    "tpu.region"() ({
      %run_scoped3A = tpu.sem_alloc : memref<!tpu.dma_semaphore, #tpu.memory_space<semaphore_mem>>
      %dma_start3A = arith.constant 0 : i32
      %dma_start3A_888 = tpu.memref_slice %arg7[%sub3A_876, %dma_start3A] : memref<10240x16xf32, #tpu.memory_space<vmem_shared>> -> memref<16x16xf32, #tpu.memory_space<vmem_shared>>
      %dma_start3A_889 = arith.constant 0 : i32
      %dma_start3A_890 = tpu.memref_slice %arg7[%sub3A_876, %dma_start3A_889] : memref<10240x16xf32, #tpu.memory_space<vmem_shared>> -> memref<16x16xf32, #tpu.memory_space<vmem_shared>>
      tpu.enqueue_dma source(%dma_start3A_890 : memref<16x16xf32, #tpu.memory_space<vmem_shared>>) target(%arg6 : memref<16x16xf32, #tpu.memory_space<vmem>>) target_semaphore(%run_scoped3A : memref<!tpu.dma_semaphore, #tpu.memory_space<semaphore_mem>>)
      %dma_wait3A = arith.constant 0 : i32
      %dma_wait3A_891 = tpu.memref_slice %arg7[%sub3A_876, %dma_wait3A] : memref<10240x16xf32, #tpu.memory_space<vmem_shared>> -> memref<16x16xf32, #tpu.memory_space<vmem_shared>>
      %dma_wait3A_892 = arith.constant 0 : i32
      %dma_wait3A_893 = tpu.memref_slice %arg7[%sub3A_876, %dma_wait3A_892] : memref<10240x16xf32, #tpu.memory_space<vmem_shared>> -> memref<16x16xf32, #tpu.memory_space<vmem_shared>>
      tpu.wait_dma2 semaphore(%run_scoped3A : memref<!tpu.dma_semaphore, #tpu.memory_space<semaphore_mem>>) src(%dma_wait3A_893 : memref<16x16xf32, #tpu.memory_space<vmem_shared>>) dst(%arg6 : memref<16x16xf32, #tpu.memory_space<vmem>>)
      tpu.yield
    }) : () -> ()
    "tpu.region"() ({
      %run_scoped3A = tpu.sem_alloc : memref<!tpu.dma_semaphore, #tpu.memory_space<semaphore_mem>>
      %dma_start3A = arith.constant 0 : i32
      %dma_start3A_888 = arith.constant 0 : i32
      %dma_start3A_889 = tpu.memref_slice %arg2[%add3A, %dma_start3A, %dma_start3A_888] : memref<32x79x128xi32, #tpu.memory_space<hbm>> -> memref<1x79x128xi32, #tpu.memory_space<hbm>>
      %dma_start3A_890 = tpu.memref_squeeze %dma_start3A_889 : memref<1x79x128xi32, #tpu.memory_space<hbm>> -> memref<79x128xi32, #tpu.memory_space<hbm>>
      %dma_start3A_891 = arith.constant 0 : i32
      %dma_start3A_892 = arith.constant 0 : i32
      %dma_start3A_893 = tpu.memref_slice %arg2[%add3A, %dma_start3A_891, %dma_start3A_892] : memref<32x79x128xi32, #tpu.memory_space<hbm>> -> memref<1x79x128xi32, #tpu.memory_space<hbm>>
      %dma_start3A_894 = tpu.memref_squeeze %dma_start3A_893 : memref<1x79x128xi32, #tpu.memory_space<hbm>> -> memref<79x128xi32, #tpu.memory_space<hbm>>
      tpu.enqueue_dma source(%dma_start3A_894 : memref<79x128xi32, #tpu.memory_space<hbm>>) target(%arg4 : memref<79x128xi32, #tpu.memory_space<vmem>>) target_semaphore(%run_scoped3A : memref<!tpu.dma_semaphore, #tpu.memory_space<semaphore_mem>>)
      %dma_wait3A = arith.constant 0 : i32
      %dma_wait3A_895 = arith.constant 0 : i32
      %dma_wait3A_896 = tpu.memref_slice %arg2[%add3A, %dma_wait3A, %dma_wait3A_895] : memref<32x79x128xi32, #tpu.memory_space<hbm>> -> memref<1x79x128xi32, #tpu.memory_space<hbm>>
      %dma_wait3A_897 = tpu.memref_squeeze %dma_wait3A_896 : memref<1x79x128xi32, #tpu.memory_space<hbm>> -> memref<79x128xi32, #tpu.memory_space<hbm>>
      %dma_wait3A_898 = arith.constant 0 : i32
      %dma_wait3A_899 = arith.constant 0 : i32
      %dma_wait3A_900 = tpu.memref_slice %arg2[%add3A, %dma_wait3A_898, %dma_wait3A_899] : memref<32x79x128xi32, #tpu.memory_space<hbm>> -> memref<1x79x128xi32, #tpu.memory_space<hbm>>
      %dma_wait3A_901 = tpu.memref_squeeze %dma_wait3A_900 : memref<1x79x128xi32, #tpu.memory_space<hbm>> -> memref<79x128xi32, #tpu.memory_space<hbm>>
      tpu.wait_dma2 semaphore(%run_scoped3A : memref<!tpu.dma_semaphore, #tpu.memory_space<semaphore_mem>>) src(%dma_wait3A_901 : memref<79x128xi32, #tpu.memory_space<hbm>>) dst(%arg4 : memref<79x128xi32, #tpu.memory_space<vmem>>)
      tpu.yield
    }) : () -> ()
    %barrier3A = arith.constant 0 : index
    tpu.barrier barrier_id(%barrier3A)
    %while3A = arith.constant 0 : i32
    %while3A_877 = arith.constant 0 : i32
    %while3A_878 = arith.constant 79 : i32
    %while3A_879 = arith.subi %while3A_878, %while3A_877 : i32
    %while3A_880 = arith.addi %while3A_877, %while3A_879 : i32
    %while3A_881 = arith.constant 1 : i32
    %while3A_882 = arith.divsi %while3A_879, %while3A_881 : i32
    %while3A_883 = arith.muli %while3A_882, %while3A_881 : i32
    %while3A_884 = arith.addi %while3A_877, %while3A_883 : i32
    %while3A_885 = arith.constant 1 : i32
    scf.for %while3A_888 = %while3A_877 to %while3A_884 step %while3A_885  : i32 {
      "tpu.region"() ({
        %run_scoped3A = tpu.sem_alloc : memref<!tpu.dma_semaphore, #tpu.memory_space<semaphore_mem>>
        %dma_start3A = arith.constant 0 : i32
        %dma_start3A_889 = tpu.memref_slice %arg4[%while3A_888, %dma_start3A] : memref<79x128xi32, #tpu.memory_space<vmem>> -> memref<1x128xi32, #tpu.memory_space<vmem>>
        %dma_start3A_890 = tpu.memref_squeeze %dma_start3A_889 : memref<1x128xi32, #tpu.memory_space<vmem>> -> memref<128xi32, #tpu.memory_space<vmem>>
        %dma_start3A_891 = arith.constant 0 : i32
        %dma_start3A_892 = arith.constant 0 : i32
        %dma_start3A_893 = tpu.memref_slice %arg7[%dma_start3A_891, %dma_start3A_892] : memref<10240x16xf32, #tpu.memory_space<vmem_shared>> -> memref<10240x16xf32, #tpu.memory_space<vmem_shared>>
        tpu.enqueue_indirect_dma source(%arg5 : memref<128x16xf32, #tpu.memory_space<vmem>>) target(%dma_start3A_893 : memref<10240x16xf32, #tpu.memory_space<vmem_shared>>) offsets(%dma_start3A_890 : memref<128xi32, #tpu.memory_space<vmem>>) semaphore(%run_scoped3A : memref<!tpu.dma_semaphore, #tpu.memory_space<semaphore_mem>>) {add = true}
        %dma_wait3A = arith.constant 0 : i32
        %dma_wait3A_894 = tpu.memref_slice %arg4[%while3A_888, %dma_wait3A] : memref<79x128xi32, #tpu.memory_space<vmem>> -> memref<1x128xi32, #tpu.memory_space<vmem>>
        %dma_wait3A_895 = tpu.memref_squeeze %dma_wait3A_894 : memref<1x128xi32, #tpu.memory_space<vmem>> -> memref<128xi32, #tpu.memory_space<vmem>>
        %dma_wait3A_896 = arith.constant 0 : i32
        %dma_wait3A_897 = arith.constant 0 : i32
        %dma_wait3A_898 = tpu.memref_slice %arg7[%dma_wait3A_896, %dma_wait3A_897] : memref<10240x16xf32, #tpu.memory_space<vmem_shared>> -> memref<10240x16xf32, #tpu.memory_space<vmem_shared>>
        tpu.wait_indirect_dma semaphore(%run_scoped3A : memref<!tpu.dma_semaphore, #tpu.memory_space<semaphore_mem>>) src(%arg5 : memref<128x16xf32, #tpu.memory_space<vmem>>) dst(%dma_wait3A_898 : memref<10240x16xf32, #tpu.memory_space<vmem_shared>>)
        tpu.yield
      }) : () -> ()
    }
    %while3A_886 = arith.constant 1 : i32
    scf.for %while3A_888 = %while3A_884 to %while3A_880 step %while3A_886  : i32 {
      "tpu.region"() ({
        %run_scoped3A = tpu.sem_alloc : memref<!tpu.dma_semaphore, #tpu.memory_space<semaphore_mem>>
        %dma_start3A = arith.constant 0 : i32
        %dma_start3A_889 = tpu.memref_slice %arg4[%while3A_888, %dma_start3A] : memref<79x128xi32, #tpu.memory_space<vmem>> -> memref<1x128xi32, #tpu.memory_space<vmem>>
        %dma_start3A_890 = tpu.memref_squeeze %dma_start3A_889 : memref<1x128xi32, #tpu.memory_space<vmem>> -> memref<128xi32, #tpu.memory_space<vmem>>
        %dma_start3A_891 = arith.constant 0 : i32
        %dma_start3A_892 = arith.constant 0 : i32
        %dma_start3A_893 = tpu.memref_slice %arg7[%dma_start3A_891, %dma_start3A_892] : memref<10240x16xf32, #tpu.memory_space<vmem_shared>> -> memref<10240x16xf32, #tpu.memory_space<vmem_shared>>
        tpu.enqueue_indirect_dma source(%arg5 : memref<128x16xf32, #tpu.memory_space<vmem>>) target(%dma_start3A_893 : memref<10240x16xf32, #tpu.memory_space<vmem_shared>>) offsets(%dma_start3A_890 : memref<128xi32, #tpu.memory_space<vmem>>) semaphore(%run_scoped3A : memref<!tpu.dma_semaphore, #tpu.memory_space<semaphore_mem>>) {add = true}
        %dma_wait3A = arith.constant 0 : i32
        %dma_wait3A_894 = tpu.memref_slice %arg4[%while3A_888, %dma_wait3A] : memref<79x128xi32, #tpu.memory_space<vmem>> -> memref<1x128xi32, #tpu.memory_space<vmem>>
        %dma_wait3A_895 = tpu.memref_squeeze %dma_wait3A_894 : memref<1x128xi32, #tpu.memory_space<vmem>> -> memref<128xi32, #tpu.memory_space<vmem>>
        %dma_wait3A_896 = arith.constant 0 : i32
        %dma_wait3A_897 = arith.constant 0 : i32
        %dma_wait3A_898 = tpu.memref_slice %arg7[%dma_wait3A_896, %dma_wait3A_897] : memref<10240x16xf32, #tpu.memory_space<vmem_shared>> -> memref<10240x16xf32, #tpu.memory_space<vmem_shared>>
        tpu.wait_indirect_dma semaphore(%run_scoped3A : memref<!tpu.dma_semaphore, #tpu.memory_space<semaphore_mem>>) src(%arg5 : memref<128x16xf32, #tpu.memory_space<vmem>>) dst(%dma_wait3A_898 : memref<10240x16xf32, #tpu.memory_space<vmem_shared>>)
        tpu.yield
      }) : () -> ()
    }
    "tpu.region"() ({
      %run_scoped3A = tpu.sem_alloc : memref<!tpu.dma_semaphore, #tpu.memory_space<semaphore_mem>>
      %dma_start3A = arith.constant 0 : i32
      %dma_start3A_888 = tpu.memref_slice %arg7[%mul3A_868, %dma_start3A] : memref<10240x16xf32, #tpu.memory_space<vmem_shared>> -> memref<16x16xf32, #tpu.memory_space<vmem_shared>>
      %dma_start3A_889 = arith.constant 0 : i32
      %dma_start3A_890 = tpu.memref_slice %arg7[%mul3A_868, %dma_start3A_889] : memref<10240x16xf32, #tpu.memory_space<vmem_shared>> -> memref<16x16xf32, #tpu.memory_space<vmem_shared>>
      tpu.enqueue_dma source(%dma_start3A_890 : memref<16x16xf32, #tpu.memory_space<vmem_shared>>) target(%arg6 : memref<16x16xf32, #tpu.memory_space<vmem>>) target_semaphore(%run_scoped3A : memref<!tpu.dma_semaphore, #tpu.memory_space<semaphore_mem>>)
      %dma_wait3A = arith.constant 0 : i32
      %dma_wait3A_891 = tpu.memref_slice %arg7[%mul3A_868, %dma_wait3A] : memref<10240x16xf32, #tpu.memory_space<vmem_shared>> -> memref<16x16xf32, #tpu.memory_space<vmem_shared>>
      %dma_wait3A_892 = arith.constant 0 : i32
      %dma_wait3A_893 = tpu.memref_slice %arg7[%mul3A_868, %dma_wait3A_892] : memref<10240x16xf32, #tpu.memory_space<vmem_shared>> -> memref<16x16xf32, #tpu.memory_space<vmem_shared>>
      tpu.wait_dma2 semaphore(%run_scoped3A : memref<!tpu.dma_semaphore, #tpu.memory_space<semaphore_mem>>) src(%dma_wait3A_893 : memref<16x16xf32, #tpu.memory_space<vmem_shared>>) dst(%arg6 : memref<16x16xf32, #tpu.memory_space<vmem>>)
      tpu.yield
    }) : () -> ()
    %barrier3A_887 = arith.constant 0 : index
    tpu.barrier barrier_id(%barrier3A_887)
    "tpu.region"() ({
      %run_scoped3A = tpu.sem_alloc : memref<!tpu.dma_semaphore, #tpu.memory_space<semaphore_mem>>
      %dma_start3A = arith.constant 0 : i32
      %dma_start3A_888 = tpu.memref_slice %arg3[%arg0, %mul3A_868, %dma_start3A] : memref<2x10240x16xf32, #tpu.memory_space<hbm>> -> memref<1x640x16xf32, #tpu.memory_space<hbm>>
      %dma_start3A_889 = tpu.memref_squeeze %dma_start3A_888 : memref<1x640x16xf32, #tpu.memory_space<hbm>> -> memref<640x16xf32, #tpu.memory_space<hbm>>
      %dma_start3A_890 = arith.constant 0 : i32
      %dma_start3A_891 = tpu.memref_slice %arg7[%mul3A_868, %dma_start3A_890] : memref<10240x16xf32, #tpu.memory_space<vmem_shared>> -> memref<640x16xf32, #tpu.memory_space<vmem_shared>>
      tpu.enqueue_dma source(%dma_start3A_891 : memref<640x16xf32, #tpu.memory_space<vmem_shared>>) target(%dma_start3A_889 : memref<640x16xf32, #tpu.memory_space<hbm>>) target_semaphore(%run_scoped3A : memref<!tpu.dma_semaphore, #tpu.memory_space<semaphore_mem>>)
      %dma_wait3A = arith.constant 0 : i32
      %dma_wait3A_892 = tpu.memref_slice %arg3[%arg0, %mul3A_868, %dma_wait3A] : memref<2x10240x16xf32, #tpu.memory_space<hbm>> -> memref<1x640x16xf32, #tpu.memory_space<hbm>>
      %dma_wait3A_893 = tpu.memref_squeeze %dma_wait3A_892 : memref<1x640x16xf32, #tpu.memory_space<hbm>> -> memref<640x16xf32, #tpu.memory_space<hbm>>
      %dma_wait3A_894 = arith.constant 0 : i32
      %dma_wait3A_895 = tpu.memref_slice %arg7[%mul3A_868, %dma_wait3A_894] : memref<10240x16xf32, #tpu.memory_space<vmem_shared>> -> memref<640x16xf32, #tpu.memory_space<vmem_shared>>
      tpu.wait_dma2 semaphore(%run_scoped3A : memref<!tpu.dma_semaphore, #tpu.memory_space<semaphore_mem>>) src(%dma_wait3A_895 : memref<640x16xf32, #tpu.memory_space<vmem_shared>>) dst(%dma_wait3A_893 : memref<640x16xf32, #tpu.memory_space<hbm>>)
      tpu.yield
    }) : () -> ()
    return
  }
}

#map = affine_map<(d0, d1) -> (0, 0)>
#map1 = affine_map<(d0, d1) -> (0, 0, 0)>
module attributes {stable_mosaic.version = 14 : i64} {
  func.func @body(%arg0: i32, %arg1: i32, %arg2: memref<10000x32xf32, #tpu.memory_space<hbm>>, %arg3: memref<32x79x128xi32, #tpu.memory_space<hbm>>, %arg4: memref<32x79x128xi32, #tpu.memory_space<hbm>>, %arg5: memref<2x10240x32xf32, #tpu.memory_space<hbm>>, %arg6: memref<79x128xi32, #tpu.memory_space<vmem>>, %arg7: memref<79x128xi32, #tpu.memory_space<vmem>>, %arg8: memref<1x128x32xf32, #tpu.memory_space<vmem>>, %arg9: memref<16x32xf32, #tpu.memory_space<vmem>>, %arg10: memref<10240x32xf32, #tpu.memory_space<vmem_shared>>, %arg11: memref<!tpu.dma_semaphore, #tpu.memory_space<semaphore_mem>>) attributes {dimension_semantics = [#tpu.dimension_semantics<core_parallel>, #tpu.dimension_semantics<subcore_parallel>], iteration_bounds = array<i64: 2, 16>, scalar_prefetch = 0 : i64, scratch_operands = 6 : i64, tpu.core_type = #tpu.core_type<sc_vector_subcore>, window_params = [{transform_indices = #map}, {transform_indices = #map1}, {transform_indices = #map1}, {transform_indices = #map1}]} {
    %mul3A = arith.constant 2 : i32
    %mul3A_0 = arith.muli %arg1, %mul3A : i32
    %add3A = arith.addi %mul3A_0, %arg0 : i32
    %eq3A = arith.constant 0 : i32
    %eq3A_1 = arith.cmpi eq, %arg0, %eq3A : i32
    %select_n3A = arith.constant 79 : i32
    %select_n3A_2 = arith.constant 79 : i32
    %select_n3A_3 = arith.select %eq3A_1, %select_n3A_2, %select_n3A : i32
    %broadcast_in_dim3A = arith.constant 0.000000e+00 : f32
    %broadcast_in_dim3A_4 = vector.broadcast %broadcast_in_dim3A : f32 to vector<16xf32>
    %swap3A = arith.constant 0 : i32
    %swap3A_5 = arith.index_cast %swap3A : i32 to index
    %swap3A_6 = arith.constant 0 : index
    %swap3A_7 = tpu.vector_load %arg9[%swap3A_5, %swap3A_6] {strides = array<i32>} : memref<16x32xf32, #tpu.memory_space<vmem>>, vector<1x16xf32>,
    %swap3A_8 = vector.shape_cast %swap3A_7 : vector<1x16xf32> to vector<16xf32>
    %swap3A_9 = vector.shape_cast %broadcast_in_dim3A_4 : vector<16xf32> to vector<1x16xf32>
    tpu.vector_store %arg9[%swap3A_5, %swap3A_6], %swap3A_9 {strides = array<i32>} : memref<16x32xf32, #tpu.memory_space<vmem>>, vector<1x16xf32>,
    %swap3A_10 = arith.constant 0 : i32
    %swap3A_11 = arith.index_cast %swap3A_10 : i32 to index
    %swap3A_12 = arith.constant 16 : index
    %swap3A_13 = tpu.vector_load %arg9[%swap3A_11, %swap3A_12] {strides = array<i32>} : memref<16x32xf32, #tpu.memory_space<vmem>>, vector<1x16xf32>,
    %swap3A_14 = vector.shape_cast %swap3A_13 : vector<1x16xf32> to vector<16xf32>
    %swap3A_15 = vector.shape_cast %broadcast_in_dim3A_4 : vector<16xf32> to vector<1x16xf32>
    tpu.vector_store %arg9[%swap3A_11, %swap3A_12], %swap3A_15 {strides = array<i32>} : memref<16x32xf32, #tpu.memory_space<vmem>>, vector<1x16xf32>,
    %swap3A_16 = arith.constant 1 : i32
    %swap3A_17 = arith.index_cast %swap3A_16 : i32 to index
    %swap3A_18 = arith.constant 0 : index
    %swap3A_19 = tpu.vector_load %arg9[%swap3A_17, %swap3A_18] {strides = array<i32>} : memref<16x32xf32, #tpu.memory_space<vmem>>, vector<1x16xf32>,
    %swap3A_20 = vector.shape_cast %swap3A_19 : vector<1x16xf32> to vector<16xf32>
    %swap3A_21 = vector.shape_cast %broadcast_in_dim3A_4 : vector<16xf32> to vector<1x16xf32>
    tpu.vector_store %arg9[%swap3A_17, %swap3A_18], %swap3A_21 {strides = array<i32>} : memref<16x32xf32, #tpu.memory_space<vmem>>, vector<1x16xf32>,
    %swap3A_22 = arith.constant 1 : i32
    %swap3A_23 = arith.index_cast %swap3A_22 : i32 to index
    %swap3A_24 = arith.constant 16 : index
    %swap3A_25 = tpu.vector_load %arg9[%swap3A_23, %swap3A_24] {strides = array<i32>} : memref<16x32xf32, #tpu.memory_space<vmem>>, vector<1x16xf32>,
    %swap3A_26 = vector.shape_cast %swap3A_25 : vector<1x16xf32> to vector<16xf32>
    %swap3A_27 = vector.shape_cast %broadcast_in_dim3A_4 : vector<16xf32> to vector<1x16xf32>
    tpu.vector_store %arg9[%swap3A_23, %swap3A_24], %swap3A_27 {strides = array<i32>} : memref<16x32xf32, #tpu.memory_space<vmem>>, vector<1x16xf32>,
    %swap3A_28 = arith.constant 2 : i32
    %swap3A_29 = arith.index_cast %swap3A_28 : i32 to index
    %swap3A_30 = arith.constant 0 : index
    %swap3A_31 = tpu.vector_load %arg9[%swap3A_29, %swap3A_30] {strides = array<i32>} : memref<16x32xf32, #tpu.memory_space<vmem>>, vector<1x16xf32>,
    %swap3A_32 = vector.shape_cast %swap3A_31 : vector<1x16xf32> to vector<16xf32>
    %swap3A_33 = vector.shape_cast %broadcast_in_dim3A_4 : vector<16xf32> to vector<1x16xf32>
    tpu.vector_store %arg9[%swap3A_29, %swap3A_30], %swap3A_33 {strides = array<i32>} : memref<16x32xf32, #tpu.memory_space<vmem>>, vector<1x16xf32>,
    %swap3A_34 = arith.constant 2 : i32
    %swap3A_35 = arith.index_cast %swap3A_34 : i32 to index
    %swap3A_36 = arith.constant 16 : index
    %swap3A_37 = tpu.vector_load %arg9[%swap3A_35, %swap3A_36] {strides = array<i32>} : memref<16x32xf32, #tpu.memory_space<vmem>>, vector<1x16xf32>,
    %swap3A_38 = vector.shape_cast %swap3A_37 : vector<1x16xf32> to vector<16xf32>
    %swap3A_39 = vector.shape_cast %broadcast_in_dim3A_4 : vector<16xf32> to vector<1x16xf32>
    tpu.vector_store %arg9[%swap3A_35, %swap3A_36], %swap3A_39 {strides = array<i32>} : memref<16x32xf32, #tpu.memory_space<vmem>>, vector<1x16xf32>,
    %swap3A_40 = arith.constant 3 : i32
    %swap3A_41 = arith.index_cast %swap3A_40 : i32 to index
    %swap3A_42 = arith.constant 0 : index
    %swap3A_43 = tpu.vector_load %arg9[%swap3A_41, %swap3A_42] {strides = array<i32>} : memref<16x32xf32, #tpu.memory_space<vmem>>, vector<1x16xf32>,
    %swap3A_44 = vector.shape_cast %swap3A_43 : vector<1x16xf32> to vector<16xf32>
    %swap3A_45 = vector.shape_cast %broadcast_in_dim3A_4 : vector<16xf32> to vector<1x16xf32>
    tpu.vector_store %arg9[%swap3A_41, %swap3A_42], %swap3A_45 {strides = array<i32>} : memref<16x32xf32, #tpu.memory_space<vmem>>, vector<1x16xf32>,
    %swap3A_46 = arith.constant 3 : i32
    %swap3A_47 = arith.index_cast %swap3A_46 : i32 to index
    %swap3A_48 = arith.constant 16 : index
    %swap3A_49 = tpu.vector_load %arg9[%swap3A_47, %swap3A_48] {strides = array<i32>} : memref<16x32xf32, #tpu.memory_space<vmem>>, vector<1x16xf32>,
    %swap3A_50 = vector.shape_cast %swap3A_49 : vector<1x16xf32> to vector<16xf32>
    %swap3A_51 = vector.shape_cast %broadcast_in_dim3A_4 : vector<16xf32> to vector<1x16xf32>
    tpu.vector_store %arg9[%swap3A_47, %swap3A_48], %swap3A_51 {strides = array<i32>} : memref<16x32xf32, #tpu.memory_space<vmem>>, vector<1x16xf32>,
    %swap3A_52 = arith.constant 4 : i32
    %swap3A_53 = arith.index_cast %swap3A_52 : i32 to index
    %swap3A_54 = arith.constant 0 : index
    %swap3A_55 = tpu.vector_load %arg9[%swap3A_53, %swap3A_54] {strides = array<i32>} : memref<16x32xf32, #tpu.memory_space<vmem>>, vector<1x16xf32>,
    %swap3A_56 = vector.shape_cast %swap3A_55 : vector<1x16xf32> to vector<16xf32>
    %swap3A_57 = vector.shape_cast %broadcast_in_dim3A_4 : vector<16xf32> to vector<1x16xf32>
    tpu.vector_store %arg9[%swap3A_53, %swap3A_54], %swap3A_57 {strides = array<i32>} : memref<16x32xf32, #tpu.memory_space<vmem>>, vector<1x16xf32>,
    %swap3A_58 = arith.constant 4 : i32
    %swap3A_59 = arith.index_cast %swap3A_58 : i32 to index
    %swap3A_60 = arith.constant 16 : index
    %swap3A_61 = tpu.vector_load %arg9[%swap3A_59, %swap3A_60] {strides = array<i32>} : memref<16x32xf32, #tpu.memory_space<vmem>>, vector<1x16xf32>,
    %swap3A_62 = vector.shape_cast %swap3A_61 : vector<1x16xf32> to vector<16xf32>
    %swap3A_63 = vector.shape_cast %broadcast_in_dim3A_4 : vector<16xf32> to vector<1x16xf32>
    tpu.vector_store %arg9[%swap3A_59, %swap3A_60], %swap3A_63 {strides = array<i32>} : memref<16x32xf32, #tpu.memory_space<vmem>>, vector<1x16xf32>,
    %swap3A_64 = arith.constant 5 : i32
    %swap3A_65 = arith.index_cast %swap3A_64 : i32 to index
    %swap3A_66 = arith.constant 0 : index
    %swap3A_67 = tpu.vector_load %arg9[%swap3A_65, %swap3A_66] {strides = array<i32>} : memref<16x32xf32, #tpu.memory_space<vmem>>, vector<1x16xf32>,
    %swap3A_68 = vector.shape_cast %swap3A_67 : vector<1x16xf32> to vector<16xf32>
    %swap3A_69 = vector.shape_cast %broadcast_in_dim3A_4 : vector<16xf32> to vector<1x16xf32>
    tpu.vector_store %arg9[%swap3A_65, %swap3A_66], %swap3A_69 {strides = array<i32>} : memref<16x32xf32, #tpu.memory_space<vmem>>, vector<1x16xf32>,
    %swap3A_70 = arith.constant 5 : i32
    %swap3A_71 = arith.index_cast %swap3A_70 : i32 to index
    %swap3A_72 = arith.constant 16 : index
    %swap3A_73 = tpu.vector_load %arg9[%swap3A_71, %swap3A_72] {strides = array<i32>} : memref<16x32xf32, #tpu.memory_space<vmem>>, vector<1x16xf32>,
    %swap3A_74 = vector.shape_cast %swap3A_73 : vector<1x16xf32> to vector<16xf32>
    %swap3A_75 = vector.shape_cast %broadcast_in_dim3A_4 : vector<16xf32> to vector<1x16xf32>
    tpu.vector_store %arg9[%swap3A_71, %swap3A_72], %swap3A_75 {strides = array<i32>} : memref<16x32xf32, #tpu.memory_space<vmem>>, vector<1x16xf32>,
    %swap3A_76 = arith.constant 6 : i32
    %swap3A_77 = arith.index_cast %swap3A_76 : i32 to index
    %swap3A_78 = arith.constant 0 : index
    %swap3A_79 = tpu.vector_load %arg9[%swap3A_77, %swap3A_78] {strides = array<i32>} : memref<16x32xf32, #tpu.memory_space<vmem>>, vector<1x16xf32>,
    %swap3A_80 = vector.shape_cast %swap3A_79 : vector<1x16xf32> to vector<16xf32>
    %swap3A_81 = vector.shape_cast %broadcast_in_dim3A_4 : vector<16xf32> to vector<1x16xf32>
    tpu.vector_store %arg9[%swap3A_77, %swap3A_78], %swap3A_81 {strides = array<i32>} : memref<16x32xf32, #tpu.memory_space<vmem>>, vector<1x16xf32>,
    %swap3A_82 = arith.constant 6 : i32
    %swap3A_83 = arith.index_cast %swap3A_82 : i32 to index
    %swap3A_84 = arith.constant 16 : index
    %swap3A_85 = tpu.vector_load %arg9[%swap3A_83, %swap3A_84] {strides = array<i32>} : memref<16x32xf32, #tpu.memory_space<vmem>>, vector<1x16xf32>,
    %swap3A_86 = vector.shape_cast %swap3A_85 : vector<1x16xf32> to vector<16xf32>
    %swap3A_87 = vector.shape_cast %broadcast_in_dim3A_4 : vector<16xf32> to vector<1x16xf32>
    tpu.vector_store %arg9[%swap3A_83, %swap3A_84], %swap3A_87 {strides = array<i32>} : memref<16x32xf32, #tpu.memory_space<vmem>>, vector<1x16xf32>,
    %swap3A_88 = arith.constant 7 : i32
    %swap3A_89 = arith.index_cast %swap3A_88 : i32 to index
    %swap3A_90 = arith.constant 0 : index
    %swap3A_91 = tpu.vector_load %arg9[%swap3A_89, %swap3A_90] {strides = array<i32>} : memref<16x32xf32, #tpu.memory_space<vmem>>, vector<1x16xf32>,
    %swap3A_92 = vector.shape_cast %swap3A_91 : vector<1x16xf32> to vector<16xf32>
    %swap3A_93 = vector.shape_cast %broadcast_in_dim3A_4 : vector<16xf32> to vector<1x16xf32>
    tpu.vector_store %arg9[%swap3A_89, %swap3A_90], %swap3A_93 {strides = array<i32>} : memref<16x32xf32, #tpu.memory_space<vmem>>, vector<1x16xf32>,
    %swap3A_94 = arith.constant 7 : i32
    %swap3A_95 = arith.index_cast %swap3A_94 : i32 to index
    %swap3A_96 = arith.constant 16 : index
    %swap3A_97 = tpu.vector_load %arg9[%swap3A_95, %swap3A_96] {strides = array<i32>} : memref<16x32xf32, #tpu.memory_space<vmem>>, vector<1x16xf32>,
    %swap3A_98 = vector.shape_cast %swap3A_97 : vector<1x16xf32> to vector<16xf32>
    %swap3A_99 = vector.shape_cast %broadcast_in_dim3A_4 : vector<16xf32> to vector<1x16xf32>
    tpu.vector_store %arg9[%swap3A_95, %swap3A_96], %swap3A_99 {strides = array<i32>} : memref<16x32xf32, #tpu.memory_space<vmem>>, vector<1x16xf32>,
    %swap3A_100 = arith.constant 8 : i32
    %swap3A_101 = arith.index_cast %swap3A_100 : i32 to index
    %swap3A_102 = arith.constant 0 : index
    %swap3A_103 = tpu.vector_load %arg9[%swap3A_101, %swap3A_102] {strides = array<i32>} : memref<16x32xf32, #tpu.memory_space<vmem>>, vector<1x16xf32>,
    %swap3A_104 = vector.shape_cast %swap3A_103 : vector<1x16xf32> to vector<16xf32>
    %swap3A_105 = vector.shape_cast %broadcast_in_dim3A_4 : vector<16xf32> to vector<1x16xf32>
    tpu.vector_store %arg9[%swap3A_101, %swap3A_102], %swap3A_105 {strides = array<i32>} : memref<16x32xf32, #tpu.memory_space<vmem>>, vector<1x16xf32>,
    %swap3A_106 = arith.constant 8 : i32
    %swap3A_107 = arith.index_cast %swap3A_106 : i32 to index
    %swap3A_108 = arith.constant 16 : index
    %swap3A_109 = tpu.vector_load %arg9[%swap3A_107, %swap3A_108] {strides = array<i32>} : memref<16x32xf32, #tpu.memory_space<vmem>>, vector<1x16xf32>,
    %swap3A_110 = vector.shape_cast %swap3A_109 : vector<1x16xf32> to vector<16xf32>
    %swap3A_111 = vector.shape_cast %broadcast_in_dim3A_4 : vector<16xf32> to vector<1x16xf32>
    tpu.vector_store %arg9[%swap3A_107, %swap3A_108], %swap3A_111 {strides = array<i32>} : memref<16x32xf32, #tpu.memory_space<vmem>>, vector<1x16xf32>,
    %swap3A_112 = arith.constant 9 : i32
    %swap3A_113 = arith.index_cast %swap3A_112 : i32 to index
    %swap3A_114 = arith.constant 0 : index
    %swap3A_115 = tpu.vector_load %arg9[%swap3A_113, %swap3A_114] {strides = array<i32>} : memref<16x32xf32, #tpu.memory_space<vmem>>, vector<1x16xf32>,
    %swap3A_116 = vector.shape_cast %swap3A_115 : vector<1x16xf32> to vector<16xf32>
    %swap3A_117 = vector.shape_cast %broadcast_in_dim3A_4 : vector<16xf32> to vector<1x16xf32>
    tpu.vector_store %arg9[%swap3A_113, %swap3A_114], %swap3A_117 {strides = array<i32>} : memref<16x32xf32, #tpu.memory_space<vmem>>, vector<1x16xf32>,
    %swap3A_118 = arith.constant 9 : i32
    %swap3A_119 = arith.index_cast %swap3A_118 : i32 to index
    %swap3A_120 = arith.constant 16 : index
    %swap3A_121 = tpu.vector_load %arg9[%swap3A_119, %swap3A_120] {strides = array<i32>} : memref<16x32xf32, #tpu.memory_space<vmem>>, vector<1x16xf32>,
    %swap3A_122 = vector.shape_cast %swap3A_121 : vector<1x16xf32> to vector<16xf32>
    %swap3A_123 = vector.shape_cast %broadcast_in_dim3A_4 : vector<16xf32> to vector<1x16xf32>
    tpu.vector_store %arg9[%swap3A_119, %swap3A_120], %swap3A_123 {strides = array<i32>} : memref<16x32xf32, #tpu.memory_space<vmem>>, vector<1x16xf32>,
    %swap3A_124 = arith.constant 10 : i32
    %swap3A_125 = arith.index_cast %swap3A_124 : i32 to index
    %swap3A_126 = arith.constant 0 : index
    %swap3A_127 = tpu.vector_load %arg9[%swap3A_125, %swap3A_126] {strides = array<i32>} : memref<16x32xf32, #tpu.memory_space<vmem>>, vector<1x16xf32>,
    %swap3A_128 = vector.shape_cast %swap3A_127 : vector<1x16xf32> to vector<16xf32>
    %swap3A_129 = vector.shape_cast %broadcast_in_dim3A_4 : vector<16xf32> to vector<1x16xf32>
    tpu.vector_store %arg9[%swap3A_125, %swap3A_126], %swap3A_129 {strides = array<i32>} : memref<16x32xf32, #tpu.memory_space<vmem>>, vector<1x16xf32>,
    %swap3A_130 = arith.constant 10 : i32
    %swap3A_131 = arith.index_cast %swap3A_130 : i32 to index
    %swap3A_132 = arith.constant 16 : index
    %swap3A_133 = tpu.vector_load %arg9[%swap3A_131, %swap3A_132] {strides = array<i32>} : memref<16x32xf32, #tpu.memory_space<vmem>>, vector<1x16xf32>,
    %swap3A_134 = vector.shape_cast %swap3A_133 : vector<1x16xf32> to vector<16xf32>
    %swap3A_135 = vector.shape_cast %broadcast_in_dim3A_4 : vector<16xf32> to vector<1x16xf32>
    tpu.vector_store %arg9[%swap3A_131, %swap3A_132], %swap3A_135 {strides = array<i32>} : memref<16x32xf32, #tpu.memory_space<vmem>>, vector<1x16xf32>,
    %swap3A_136 = arith.constant 11 : i32
    %swap3A_137 = arith.index_cast %swap3A_136 : i32 to index
    %swap3A_138 = arith.constant 0 : index
    %swap3A_139 = tpu.vector_load %arg9[%swap3A_137, %swap3A_138] {strides = array<i32>} : memref<16x32xf32, #tpu.memory_space<vmem>>, vector<1x16xf32>,
    %swap3A_140 = vector.shape_cast %swap3A_139 : vector<1x16xf32> to vector<16xf32>
    %swap3A_141 = vector.shape_cast %broadcast_in_dim3A_4 : vector<16xf32> to vector<1x16xf32>
    tpu.vector_store %arg9[%swap3A_137, %swap3A_138], %swap3A_141 {strides = array<i32>} : memref<16x32xf32, #tpu.memory_space<vmem>>, vector<1x16xf32>,
    %swap3A_142 = arith.constant 11 : i32
    %swap3A_143 = arith.index_cast %swap3A_142 : i32 to index
    %swap3A_144 = arith.constant 16 : index
    %swap3A_145 = tpu.vector_load %arg9[%swap3A_143, %swap3A_144] {strides = array<i32>} : memref<16x32xf32, #tpu.memory_space<vmem>>, vector<1x16xf32>,
    %swap3A_146 = vector.shape_cast %swap3A_145 : vector<1x16xf32> to vector<16xf32>
    %swap3A_147 = vector.shape_cast %broadcast_in_dim3A_4 : vector<16xf32> to vector<1x16xf32>
    tpu.vector_store %arg9[%swap3A_143, %swap3A_144], %swap3A_147 {strides = array<i32>} : memref<16x32xf32, #tpu.memory_space<vmem>>, vector<1x16xf32>,
    %swap3A_148 = arith.constant 12 : i32
    %swap3A_149 = arith.index_cast %swap3A_148 : i32 to index
    %swap3A_150 = arith.constant 0 : index
    %swap3A_151 = tpu.vector_load %arg9[%swap3A_149, %swap3A_150] {strides = array<i32>} : memref<16x32xf32, #tpu.memory_space<vmem>>, vector<1x16xf32>,
    %swap3A_152 = vector.shape_cast %swap3A_151 : vector<1x16xf32> to vector<16xf32>
    %swap3A_153 = vector.shape_cast %broadcast_in_dim3A_4 : vector<16xf32> to vector<1x16xf32>
    tpu.vector_store %arg9[%swap3A_149, %swap3A_150], %swap3A_153 {strides = array<i32>} : memref<16x32xf32, #tpu.memory_space<vmem>>, vector<1x16xf32>,
    %swap3A_154 = arith.constant 12 : i32
    %swap3A_155 = arith.index_cast %swap3A_154 : i32 to index
    %swap3A_156 = arith.constant 16 : index
    %swap3A_157 = tpu.vector_load %arg9[%swap3A_155, %swap3A_156] {strides = array<i32>} : memref<16x32xf32, #tpu.memory_space<vmem>>, vector<1x16xf32>,
    %swap3A_158 = vector.shape_cast %swap3A_157 : vector<1x16xf32> to vector<16xf32>
    %swap3A_159 = vector.shape_cast %broadcast_in_dim3A_4 : vector<16xf32> to vector<1x16xf32>
    tpu.vector_store %arg9[%swap3A_155, %swap3A_156], %swap3A_159 {strides = array<i32>} : memref<16x32xf32, #tpu.memory_space<vmem>>, vector<1x16xf32>,
    %swap3A_160 = arith.constant 13 : i32
    %swap3A_161 = arith.index_cast %swap3A_160 : i32 to index
    %swap3A_162 = arith.constant 0 : index
    %swap3A_163 = tpu.vector_load %arg9[%swap3A_161, %swap3A_162] {strides = array<i32>} : memref<16x32xf32, #tpu.memory_space<vmem>>, vector<1x16xf32>,
    %swap3A_164 = vector.shape_cast %swap3A_163 : vector<1x16xf32> to vector<16xf32>
    %swap3A_165 = vector.shape_cast %broadcast_in_dim3A_4 : vector<16xf32> to vector<1x16xf32>
    tpu.vector_store %arg9[%swap3A_161, %swap3A_162], %swap3A_165 {strides = array<i32>} : memref<16x32xf32, #tpu.memory_space<vmem>>, vector<1x16xf32>,
    %swap3A_166 = arith.constant 13 : i32
    %swap3A_167 = arith.index_cast %swap3A_166 : i32 to index
    %swap3A_168 = arith.constant 16 : index
    %swap3A_169 = tpu.vector_load %arg9[%swap3A_167, %swap3A_168] {strides = array<i32>} : memref<16x32xf32, #tpu.memory_space<vmem>>, vector<1x16xf32>,
    %swap3A_170 = vector.shape_cast %swap3A_169 : vector<1x16xf32> to vector<16xf32>
    %swap3A_171 = vector.shape_cast %broadcast_in_dim3A_4 : vector<16xf32> to vector<1x16xf32>
    tpu.vector_store %arg9[%swap3A_167, %swap3A_168], %swap3A_171 {strides = array<i32>} : memref<16x32xf32, #tpu.memory_space<vmem>>, vector<1x16xf32>,
    %swap3A_172 = arith.constant 14 : i32
    %swap3A_173 = arith.index_cast %swap3A_172 : i32 to index
    %swap3A_174 = arith.constant 0 : index
    %swap3A_175 = tpu.vector_load %arg9[%swap3A_173, %swap3A_174] {strides = array<i32>} : memref<16x32xf32, #tpu.memory_space<vmem>>, vector<1x16xf32>,
    %swap3A_176 = vector.shape_cast %swap3A_175 : vector<1x16xf32> to vector<16xf32>
    %swap3A_177 = vector.shape_cast %broadcast_in_dim3A_4 : vector<16xf32> to vector<1x16xf32>
    tpu.vector_store %arg9[%swap3A_173, %swap3A_174], %swap3A_177 {strides = array<i32>} : memref<16x32xf32, #tpu.memory_space<vmem>>, vector<1x16xf32>,
    %swap3A_178 = arith.constant 14 : i32
    %swap3A_179 = arith.index_cast %swap3A_178 : i32 to index
    %swap3A_180 = arith.constant 16 : index
    %swap3A_181 = tpu.vector_load %arg9[%swap3A_179, %swap3A_180] {strides = array<i32>} : memref<16x32xf32, #tpu.memory_space<vmem>>, vector<1x16xf32>,
    %swap3A_182 = vector.shape_cast %swap3A_181 : vector<1x16xf32> to vector<16xf32>
    %swap3A_183 = vector.shape_cast %broadcast_in_dim3A_4 : vector<16xf32> to vector<1x16xf32>
    tpu.vector_store %arg9[%swap3A_179, %swap3A_180], %swap3A_183 {strides = array<i32>} : memref<16x32xf32, #tpu.memory_space<vmem>>, vector<1x16xf32>,
    %swap3A_184 = arith.constant 15 : i32
    %swap3A_185 = arith.index_cast %swap3A_184 : i32 to index
    %swap3A_186 = arith.constant 0 : index
    %swap3A_187 = tpu.vector_load %arg9[%swap3A_185, %swap3A_186] {strides = array<i32>} : memref<16x32xf32, #tpu.memory_space<vmem>>, vector<1x16xf32>,
    %swap3A_188 = vector.shape_cast %swap3A_187 : vector<1x16xf32> to vector<16xf32>
    %swap3A_189 = vector.shape_cast %broadcast_in_dim3A_4 : vector<16xf32> to vector<1x16xf32>
    tpu.vector_store %arg9[%swap3A_185, %swap3A_186], %swap3A_189 {strides = array<i32>} : memref<16x32xf32, #tpu.memory_space<vmem>>, vector<1x16xf32>,
    %swap3A_190 = arith.constant 15 : i32
    %swap3A_191 = arith.index_cast %swap3A_190 : i32 to index
    %swap3A_192 = arith.constant 16 : index
    %swap3A_193 = tpu.vector_load %arg9[%swap3A_191, %swap3A_192] {strides = array<i32>} : memref<16x32xf32, #tpu.memory_space<vmem>>, vector<1x16xf32>,
    %swap3A_194 = vector.shape_cast %swap3A_193 : vector<1x16xf32> to vector<16xf32>
    %swap3A_195 = vector.shape_cast %broadcast_in_dim3A_4 : vector<16xf32> to vector<1x16xf32>
    tpu.vector_store %arg9[%swap3A_191, %swap3A_192], %swap3A_195 {strides = array<i32>} : memref<16x32xf32, #tpu.memory_space<vmem>>, vector<1x16xf32>,
    %mul3A_196 = arith.constant 640 : i32
    %mul3A_197 = arith.muli %arg1, %mul3A_196 : i32
    %scan3A = arith.constant 0 : i32
    %scan3A_198 = arith.constant 0 : i32
    %scan3A_199 = arith.constant 40 : i32
    %scan3A_200 = arith.addi %scan3A_198, %scan3A_199 : i32
    %scan3A_201 = arith.constant 1 : i32
    scf.for %scan3A_216 = %scan3A_198 to %scan3A_200 step %scan3A_201  : i32 {
      %mul3A_217 = arith.constant 16 : i32
      %mul3A_218 = arith.muli %scan3A_216, %mul3A_217 : i32
      %add3A_219 = arith.addi %mul3A_197, %mul3A_218 : i32
      "tpu.region"() ({
        %run_scoped3A = tpu.sem_alloc : memref<!tpu.dma_semaphore, #tpu.memory_space<semaphore_mem>>
        %dma_start3A = arith.constant 0 : i32
        %dma_start3A_220 = tpu.memref_slice %arg10[%add3A_219, %dma_start3A] : memref<10240x32xf32, #tpu.memory_space<vmem_shared>> -> memref<16x32xf32, #tpu.memory_space<vmem_shared>>
        %dma_start3A_221 = arith.constant 0 : i32
        %dma_start3A_222 = tpu.memref_slice %arg10[%add3A_219, %dma_start3A_221] : memref<10240x32xf32, #tpu.memory_space<vmem_shared>> -> memref<16x32xf32, #tpu.memory_space<vmem_shared>>
        tpu.enqueue_dma source(%arg9 : memref<16x32xf32, #tpu.memory_space<vmem>>) target(%dma_start3A_222 : memref<16x32xf32, #tpu.memory_space<vmem_shared>>) target_semaphore(%run_scoped3A : memref<!tpu.dma_semaphore, #tpu.memory_space<semaphore_mem>>)
        %dma_wait3A = arith.constant 0 : i32
        %dma_wait3A_223 = tpu.memref_slice %arg10[%add3A_219, %dma_wait3A] : memref<10240x32xf32, #tpu.memory_space<vmem_shared>> -> memref<16x32xf32, #tpu.memory_space<vmem_shared>>
        %dma_wait3A_224 = arith.constant 0 : i32
        %dma_wait3A_225 = tpu.memref_slice %arg10[%add3A_219, %dma_wait3A_224] : memref<10240x32xf32, #tpu.memory_space<vmem_shared>> -> memref<16x32xf32, #tpu.memory_space<vmem_shared>>
        tpu.wait_dma2 semaphore(%run_scoped3A : memref<!tpu.dma_semaphore, #tpu.memory_space<semaphore_mem>>) src(%arg9 : memref<16x32xf32, #tpu.memory_space<vmem>>) dst(%dma_wait3A_225 : memref<16x32xf32, #tpu.memory_space<vmem_shared>>)
        tpu.yield
      }) : () -> ()
    }
    %scan3A_202 = arith.constant 40 : i32
    %add3A_203 = arith.constant 640 : i32
    %add3A_204 = arith.addi %mul3A_197, %add3A_203 : i32
    %sub3A = arith.constant 16 : i32
    %sub3A_205 = arith.subi %add3A_204, %sub3A : i32
    "tpu.region"() ({
      %run_scoped3A = tpu.sem_alloc : memref<!tpu.dma_semaphore, #tpu.memory_space<semaphore_mem>>
      %dma_start3A = arith.constant 0 : i32
      %dma_start3A_216 = tpu.memref_slice %arg10[%sub3A_205, %dma_start3A] : memref<10240x32xf32, #tpu.memory_space<vmem_shared>> -> memref<16x32xf32, #tpu.memory_space<vmem_shared>>
      %dma_start3A_217 = arith.constant 0 : i32
      %dma_start3A_218 = tpu.memref_slice %arg10[%sub3A_205, %dma_start3A_217] : memref<10240x32xf32, #tpu.memory_space<vmem_shared>> -> memref<16x32xf32, #tpu.memory_space<vmem_shared>>
      tpu.enqueue_dma source(%dma_start3A_218 : memref<16x32xf32, #tpu.memory_space<vmem_shared>>) target(%arg9 : memref<16x32xf32, #tpu.memory_space<vmem>>) target_semaphore(%run_scoped3A : memref<!tpu.dma_semaphore, #tpu.memory_space<semaphore_mem>>)
      %dma_wait3A = arith.constant 0 : i32
      %dma_wait3A_219 = tpu.memref_slice %arg10[%sub3A_205, %dma_wait3A] : memref<10240x32xf32, #tpu.memory_space<vmem_shared>> -> memref<16x32xf32, #tpu.memory_space<vmem_shared>>
      %dma_wait3A_220 = arith.constant 0 : i32
      %dma_wait3A_221 = tpu.memref_slice %arg10[%sub3A_205, %dma_wait3A_220] : memref<10240x32xf32, #tpu.memory_space<vmem_shared>> -> memref<16x32xf32, #tpu.memory_space<vmem_shared>>
      tpu.wait_dma2 semaphore(%run_scoped3A : memref<!tpu.dma_semaphore, #tpu.memory_space<semaphore_mem>>) src(%dma_wait3A_221 : memref<16x32xf32, #tpu.memory_space<vmem_shared>>) dst(%arg9 : memref<16x32xf32, #tpu.memory_space<vmem>>)
      tpu.yield
    }) : () -> ()
    "tpu.region"() ({
      %run_scoped3A = tpu.sem_alloc : memref<!tpu.dma_semaphore, #tpu.memory_space<semaphore_mem>>
      %dma_start3A = arith.constant 0 : i32
      %dma_start3A_216 = arith.constant 0 : i32
      %dma_start3A_217 = tpu.memref_slice %arg6[%dma_start3A, %dma_start3A_216] : memref<79x128xi32, #tpu.memory_space<vmem>> -> memref<79x128xi32, #tpu.memory_space<vmem>>
      %dma_start3A_218 = arith.constant 0 : i32
      %dma_start3A_219 = arith.constant 0 : i32
      %dma_start3A_220 = tpu.memref_slice %arg3[%add3A, %dma_start3A_218, %dma_start3A_219] : memref<32x79x128xi32, #tpu.memory_space<hbm>> -> memref<1x79x128xi32, #tpu.memory_space<hbm>>
      %dma_start3A_221 = tpu.memref_squeeze %dma_start3A_220 : memref<1x79x128xi32, #tpu.memory_space<hbm>> -> memref<79x128xi32, #tpu.memory_space<hbm>>
      %dma_start3A_222 = arith.constant 0 : i32
      %dma_start3A_223 = arith.constant 0 : i32
      %dma_start3A_224 = tpu.memref_slice %arg6[%dma_start3A_222, %dma_start3A_223] : memref<79x128xi32, #tpu.memory_space<vmem>> -> memref<79x128xi32, #tpu.memory_space<vmem>>
      %dma_start3A_225 = arith.constant 0 : i32
      %dma_start3A_226 = arith.constant 0 : i32
      %dma_start3A_227 = tpu.memref_slice %arg3[%add3A, %dma_start3A_225, %dma_start3A_226] : memref<32x79x128xi32, #tpu.memory_space<hbm>> -> memref<1x79x128xi32, #tpu.memory_space<hbm>>
      %dma_start3A_228 = tpu.memref_squeeze %dma_start3A_227 : memref<1x79x128xi32, #tpu.memory_space<hbm>> -> memref<79x128xi32, #tpu.memory_space<hbm>>
      tpu.enqueue_dma source(%dma_start3A_228 : memref<79x128xi32, #tpu.memory_space<hbm>>) target(%dma_start3A_224 : memref<79x128xi32, #tpu.memory_space<vmem>>) target_semaphore(%run_scoped3A : memref<!tpu.dma_semaphore, #tpu.memory_space<semaphore_mem>>)
      %dma_wait3A = arith.constant 0 : i32
      %dma_wait3A_229 = arith.constant 0 : i32
      %dma_wait3A_230 = tpu.memref_slice %arg6[%dma_wait3A, %dma_wait3A_229] : memref<79x128xi32, #tpu.memory_space<vmem>> -> memref<79x128xi32, #tpu.memory_space<vmem>>
      %dma_wait3A_231 = arith.constant 0 : i32
      %dma_wait3A_232 = arith.constant 0 : i32
      %dma_wait3A_233 = tpu.memref_slice %arg3[%add3A, %dma_wait3A_231, %dma_wait3A_232] : memref<32x79x128xi32, #tpu.memory_space<hbm>> -> memref<1x79x128xi32, #tpu.memory_space<hbm>>
      %dma_wait3A_234 = tpu.memref_squeeze %dma_wait3A_233 : memref<1x79x128xi32, #tpu.memory_space<hbm>> -> memref<79x128xi32, #tpu.memory_space<hbm>>
      %dma_wait3A_235 = arith.constant 0 : i32
      %dma_wait3A_236 = arith.constant 0 : i32
      %dma_wait3A_237 = tpu.memref_slice %arg6[%dma_wait3A_235, %dma_wait3A_236] : memref<79x128xi32, #tpu.memory_space<vmem>> -> memref<79x128xi32, #tpu.memory_space<vmem>>
      %dma_wait3A_238 = arith.constant 0 : i32
      %dma_wait3A_239 = arith.constant 0 : i32
      %dma_wait3A_240 = tpu.memref_slice %arg3[%add3A, %dma_wait3A_238, %dma_wait3A_239] : memref<32x79x128xi32, #tpu.memory_space<hbm>> -> memref<1x79x128xi32, #tpu.memory_space<hbm>>
      %dma_wait3A_241 = tpu.memref_squeeze %dma_wait3A_240 : memref<1x79x128xi32, #tpu.memory_space<hbm>> -> memref<79x128xi32, #tpu.memory_space<hbm>>
      tpu.wait_dma2 semaphore(%run_scoped3A : memref<!tpu.dma_semaphore, #tpu.memory_space<semaphore_mem>>) src(%dma_wait3A_241 : memref<79x128xi32, #tpu.memory_space<hbm>>) dst(%dma_wait3A_237 : memref<79x128xi32, #tpu.memory_space<vmem>>)
      tpu.yield
    }) : () -> ()
    "tpu.region"() ({
      %run_scoped3A = tpu.sem_alloc : memref<!tpu.dma_semaphore, #tpu.memory_space<semaphore_mem>>
      %dma_start3A = arith.constant 0 : i32
      %dma_start3A_216 = arith.constant 0 : i32
      %dma_start3A_217 = tpu.memref_slice %arg7[%dma_start3A, %dma_start3A_216] : memref<79x128xi32, #tpu.memory_space<vmem>> -> memref<79x128xi32, #tpu.memory_space<vmem>>
      %dma_start3A_218 = arith.constant 0 : i32
      %dma_start3A_219 = arith.constant 0 : i32
      %dma_start3A_220 = tpu.memref_slice %arg4[%add3A, %dma_start3A_218, %dma_start3A_219] : memref<32x79x128xi32, #tpu.memory_space<hbm>> -> memref<1x79x128xi32, #tpu.memory_space<hbm>>
      %dma_start3A_221 = tpu.memref_squeeze %dma_start3A_220 : memref<1x79x128xi32, #tpu.memory_space<hbm>> -> memref<79x128xi32, #tpu.memory_space<hbm>>
      %dma_start3A_222 = arith.constant 0 : i32
      %dma_start3A_223 = arith.constant 0 : i32
      %dma_start3A_224 = tpu.memref_slice %arg7[%dma_start3A_222, %dma_start3A_223] : memref<79x128xi32, #tpu.memory_space<vmem>> -> memref<79x128xi32, #tpu.memory_space<vmem>>
      %dma_start3A_225 = arith.constant 0 : i32
      %dma_start3A_226 = arith.constant 0 : i32
      %dma_start3A_227 = tpu.memref_slice %arg4[%add3A, %dma_start3A_225, %dma_start3A_226] : memref<32x79x128xi32, #tpu.memory_space<hbm>> -> memref<1x79x128xi32, #tpu.memory_space<hbm>>
      %dma_start3A_228 = tpu.memref_squeeze %dma_start3A_227 : memref<1x79x128xi32, #tpu.memory_space<hbm>> -> memref<79x128xi32, #tpu.memory_space<hbm>>
      tpu.enqueue_dma source(%dma_start3A_228 : memref<79x128xi32, #tpu.memory_space<hbm>>) target(%dma_start3A_224 : memref<79x128xi32, #tpu.memory_space<vmem>>) target_semaphore(%run_scoped3A : memref<!tpu.dma_semaphore, #tpu.memory_space<semaphore_mem>>)
      %dma_wait3A = arith.constant 0 : i32
      %dma_wait3A_229 = arith.constant 0 : i32
      %dma_wait3A_230 = tpu.memref_slice %arg7[%dma_wait3A, %dma_wait3A_229] : memref<79x128xi32, #tpu.memory_space<vmem>> -> memref<79x128xi32, #tpu.memory_space<vmem>>
      %dma_wait3A_231 = arith.constant 0 : i32
      %dma_wait3A_232 = arith.constant 0 : i32
      %dma_wait3A_233 = tpu.memref_slice %arg4[%add3A, %dma_wait3A_231, %dma_wait3A_232] : memref<32x79x128xi32, #tpu.memory_space<hbm>> -> memref<1x79x128xi32, #tpu.memory_space<hbm>>
      %dma_wait3A_234 = tpu.memref_squeeze %dma_wait3A_233 : memref<1x79x128xi32, #tpu.memory_space<hbm>> -> memref<79x128xi32, #tpu.memory_space<hbm>>
      %dma_wait3A_235 = arith.constant 0 : i32
      %dma_wait3A_236 = arith.constant 0 : i32
      %dma_wait3A_237 = tpu.memref_slice %arg7[%dma_wait3A_235, %dma_wait3A_236] : memref<79x128xi32, #tpu.memory_space<vmem>> -> memref<79x128xi32, #tpu.memory_space<vmem>>
      %dma_wait3A_238 = arith.constant 0 : i32
      %dma_wait3A_239 = arith.constant 0 : i32
      %dma_wait3A_240 = tpu.memref_slice %arg4[%add3A, %dma_wait3A_238, %dma_wait3A_239] : memref<32x79x128xi32, #tpu.memory_space<hbm>> -> memref<1x79x128xi32, #tpu.memory_space<hbm>>
      %dma_wait3A_241 = tpu.memref_squeeze %dma_wait3A_240 : memref<1x79x128xi32, #tpu.memory_space<hbm>> -> memref<79x128xi32, #tpu.memory_space<hbm>>
      tpu.wait_dma2 semaphore(%run_scoped3A : memref<!tpu.dma_semaphore, #tpu.memory_space<semaphore_mem>>) src(%dma_wait3A_241 : memref<79x128xi32, #tpu.memory_space<hbm>>) dst(%dma_wait3A_237 : memref<79x128xi32, #tpu.memory_space<vmem>>)
      tpu.yield
    }) : () -> ()
    %barrier3A = arith.constant 0 : index
    tpu.barrier barrier_id(%barrier3A)
    %while3A = arith.constant 0 : i32
    %while3A_206 = arith.constant 0 : i32
    %while3A_207 = arith.subi %select_n3A_3, %while3A_206 : i32
    %while3A_208 = arith.addi %while3A_206, %while3A_207 : i32
    %while3A_209 = arith.constant 1 : i32
    %while3A_210 = arith.divsi %while3A_207, %while3A_209 : i32
    %while3A_211 = arith.muli %while3A_210, %while3A_209 : i32
    %while3A_212 = arith.addi %while3A_206, %while3A_211 : i32
    %while3A_213 = arith.constant 1 : i32
    scf.for %while3A_216 = %while3A_206 to %while3A_212 step %while3A_213  : i32 {
      %dma_start3A = arith.constant 0 : i32
      %dma_start3A_217 = arith.constant 0 : i32
      %dma_start3A_218 = arith.constant 0 : i32
      %dma_start3A_219 = tpu.memref_slice %arg8[%dma_start3A, %dma_start3A_217, %dma_start3A_218] : memref<1x128x32xf32, #tpu.memory_space<vmem>> -> memref<1x128x32xf32, #tpu.memory_space<vmem>>
      %dma_start3A_220 = tpu.memref_squeeze %dma_start3A_219 : memref<1x128x32xf32, #tpu.memory_space<vmem>> -> memref<128x32xf32, #tpu.memory_space<vmem>>
      %dma_start3A_221 = arith.constant 0 : i32
      %dma_start3A_222 = tpu.memref_slice %arg6[%while3A_216, %dma_start3A_221] : memref<79x128xi32, #tpu.memory_space<vmem>> -> memref<1x128xi32, #tpu.memory_space<vmem>>
      %dma_start3A_223 = tpu.memref_squeeze %dma_start3A_222 : memref<1x128xi32, #tpu.memory_space<vmem>> -> memref<128xi32, #tpu.memory_space<vmem>>
      %dma_start3A_224 = arith.constant 0 : i32
      %dma_start3A_225 = arith.constant 0 : i32
      %dma_start3A_226 = tpu.memref_slice %arg2[%dma_start3A_224, %dma_start3A_225] : memref<10000x32xf32, #tpu.memory_space<hbm>> -> memref<10000x32xf32, #tpu.memory_space<hbm>>
      tpu.enqueue_indirect_dma source(%dma_start3A_226 : memref<10000x32xf32, #tpu.memory_space<hbm>>) target(%dma_start3A_220 : memref<128x32xf32, #tpu.memory_space<vmem>>) offsets(%dma_start3A_223 : memref<128xi32, #tpu.memory_space<vmem>>) semaphore(%arg11 : memref<!tpu.dma_semaphore, #tpu.memory_space<semaphore_mem>>)
      %dma_wait3A = arith.constant 0 : i32
      %dma_wait3A_227 = arith.constant 0 : i32
      %dma_wait3A_228 = arith.constant 0 : i32
      %dma_wait3A_229 = tpu.memref_slice %arg8[%dma_wait3A, %dma_wait3A_227, %dma_wait3A_228] : memref<1x128x32xf32, #tpu.memory_space<vmem>> -> memref<1x128x32xf32, #tpu.memory_space<vmem>>
      %dma_wait3A_230 = tpu.memref_squeeze %dma_wait3A_229 : memref<1x128x32xf32, #tpu.memory_space<vmem>> -> memref<128x32xf32, #tpu.memory_space<vmem>>
      %dma_wait3A_231 = arith.constant 0 : i32
      %dma_wait3A_232 = tpu.memref_slice %arg6[%while3A_216, %dma_wait3A_231] : memref<79x128xi32, #tpu.memory_space<vmem>> -> memref<1x128xi32, #tpu.memory_space<vmem>>
      %dma_wait3A_233 = tpu.memref_squeeze %dma_wait3A_232 : memref<1x128xi32, #tpu.memory_space<vmem>> -> memref<128xi32, #tpu.memory_space<vmem>>
      %dma_wait3A_234 = arith.constant 0 : i32
      %dma_wait3A_235 = arith.constant 0 : i32
      %dma_wait3A_236 = tpu.memref_slice %arg2[%dma_wait3A_234, %dma_wait3A_235] : memref<10000x32xf32, #tpu.memory_space<hbm>> -> memref<10000x32xf32, #tpu.memory_space<hbm>>
      tpu.wait_indirect_dma semaphore(%arg11 : memref<!tpu.dma_semaphore, #tpu.memory_space<semaphore_mem>>) src(%dma_wait3A_236 : memref<10000x32xf32, #tpu.memory_space<hbm>>) dst(%dma_wait3A_230 : memref<128x32xf32, #tpu.memory_space<vmem>>)
      %run_scoped3A = arith.constant 0 : i32
      "tpu.region"() ({
        %run_scoped3A_237 = tpu.sem_alloc : memref<!tpu.dma_semaphore, #tpu.memory_space<semaphore_mem>>
        %dma_start3A_238 = arith.constant 0 : i32
        %dma_start3A_239 = arith.constant 0 : i32
        %dma_start3A_240 = tpu.memref_slice %arg8[%run_scoped3A, %dma_start3A_238, %dma_start3A_239] : memref<1x128x32xf32, #tpu.memory_space<vmem>> -> memref<1x128x32xf32, #tpu.memory_space<vmem>>
        %dma_start3A_241 = tpu.memref_squeeze %dma_start3A_240 : memref<1x128x32xf32, #tpu.memory_space<vmem>> -> memref<128x32xf32, #tpu.memory_space<vmem>>
        %dma_start3A_242 = arith.constant 0 : i32
        %dma_start3A_243 = tpu.memref_slice %arg7[%while3A_216, %dma_start3A_242] : memref<79x128xi32, #tpu.memory_space<vmem>> -> memref<1x128xi32, #tpu.memory_space<vmem>>
        %dma_start3A_244 = tpu.memref_squeeze %dma_start3A_243 : memref<1x128xi32, #tpu.memory_space<vmem>> -> memref<128xi32, #tpu.memory_space<vmem>>
        %dma_start3A_245 = arith.constant 0 : i32
        %dma_start3A_246 = arith.constant 0 : i32
        %dma_start3A_247 = tpu.memref_slice %arg10[%dma_start3A_245, %dma_start3A_246] : memref<10240x32xf32, #tpu.memory_space<vmem_shared>> -> memref<10240x32xf32, #tpu.memory_space<vmem_shared>>
        tpu.enqueue_indirect_dma source(%dma_start3A_241 : memref<128x32xf32, #tpu.memory_space<vmem>>) target(%dma_start3A_247 : memref<10240x32xf32, #tpu.memory_space<vmem_shared>>) offsets(%dma_start3A_244 : memref<128xi32, #tpu.memory_space<vmem>>) semaphore(%run_scoped3A_237 : memref<!tpu.dma_semaphore, #tpu.memory_space<semaphore_mem>>) {add = true}
        %dma_wait3A_248 = arith.constant 0 : i32
        %dma_wait3A_249 = arith.constant 0 : i32
        %dma_wait3A_250 = tpu.memref_slice %arg8[%run_scoped3A, %dma_wait3A_248, %dma_wait3A_249] : memref<1x128x32xf32, #tpu.memory_space<vmem>> -> memref<1x128x32xf32, #tpu.memory_space<vmem>>
        %dma_wait3A_251 = tpu.memref_squeeze %dma_wait3A_250 : memref<1x128x32xf32, #tpu.memory_space<vmem>> -> memref<128x32xf32, #tpu.memory_space<vmem>>
        %dma_wait3A_252 = arith.constant 0 : i32
        %dma_wait3A_253 = tpu.memref_slice %arg7[%while3A_216, %dma_wait3A_252] : memref<79x128xi32, #tpu.memory_space<vmem>> -> memref<1x128xi32, #tpu.memory_space<vmem>>
        %dma_wait3A_254 = tpu.memref_squeeze %dma_wait3A_253 : memref<1x128xi32, #tpu.memory_space<vmem>> -> memref<128xi32, #tpu.memory_space<vmem>>
        %dma_wait3A_255 = arith.constant 0 : i32
        %dma_wait3A_256 = arith.constant 0 : i32
        %dma_wait3A_257 = tpu.memref_slice %arg10[%dma_wait3A_255, %dma_wait3A_256] : memref<10240x32xf32, #tpu.memory_space<vmem_shared>> -> memref<10240x32xf32, #tpu.memory_space<vmem_shared>>
        tpu.wait_indirect_dma semaphore(%run_scoped3A_237 : memref<!tpu.dma_semaphore, #tpu.memory_space<semaphore_mem>>) src(%dma_wait3A_251 : memref<128x32xf32, #tpu.memory_space<vmem>>) dst(%dma_wait3A_257 : memref<10240x32xf32, #tpu.memory_space<vmem_shared>>)
        tpu.yield
      }) : () -> ()
    }
    %while3A_214 = arith.constant 1 : i32
    scf.for %while3A_216 = %while3A_212 to %while3A_208 step %while3A_214  : i32 {
      %dma_start3A = arith.constant 0 : i32
      %dma_start3A_217 = arith.constant 0 : i32
      %dma_start3A_218 = arith.constant 0 : i32
      %dma_start3A_219 = tpu.memref_slice %arg8[%dma_start3A, %dma_start3A_217, %dma_start3A_218] : memref<1x128x32xf32, #tpu.memory_space<vmem>> -> memref<1x128x32xf32, #tpu.memory_space<vmem>>
      %dma_start3A_220 = tpu.memref_squeeze %dma_start3A_219 : memref<1x128x32xf32, #tpu.memory_space<vmem>> -> memref<128x32xf32, #tpu.memory_space<vmem>>
      %dma_start3A_221 = arith.constant 0 : i32
      %dma_start3A_222 = tpu.memref_slice %arg6[%while3A_216, %dma_start3A_221] : memref<79x128xi32, #tpu.memory_space<vmem>> -> memref<1x128xi32, #tpu.memory_space<vmem>>
      %dma_start3A_223 = tpu.memref_squeeze %dma_start3A_222 : memref<1x128xi32, #tpu.memory_space<vmem>> -> memref<128xi32, #tpu.memory_space<vmem>>
      %dma_start3A_224 = arith.constant 0 : i32
      %dma_start3A_225 = arith.constant 0 : i32
      %dma_start3A_226 = tpu.memref_slice %arg2[%dma_start3A_224, %dma_start3A_225] : memref<10000x32xf32, #tpu.memory_space<hbm>> -> memref<10000x32xf32, #tpu.memory_space<hbm>>
      tpu.enqueue_indirect_dma source(%dma_start3A_226 : memref<10000x32xf32, #tpu.memory_space<hbm>>) target(%dma_start3A_220 : memref<128x32xf32, #tpu.memory_space<vmem>>) offsets(%dma_start3A_223 : memref<128xi32, #tpu.memory_space<vmem>>) semaphore(%arg11 : memref<!tpu.dma_semaphore, #tpu.memory_space<semaphore_mem>>)
      %dma_wait3A = arith.constant 0 : i32
      %dma_wait3A_227 = arith.constant 0 : i32
      %dma_wait3A_228 = arith.constant 0 : i32
      %dma_wait3A_229 = tpu.memref_slice %arg8[%dma_wait3A, %dma_wait3A_227, %dma_wait3A_228] : memref<1x128x32xf32, #tpu.memory_space<vmem>> -> memref<1x128x32xf32, #tpu.memory_space<vmem>>
      %dma_wait3A_230 = tpu.memref_squeeze %dma_wait3A_229 : memref<1x128x32xf32, #tpu.memory_space<vmem>> -> memref<128x32xf32, #tpu.memory_space<vmem>>
      %dma_wait3A_231 = arith.constant 0 : i32
      %dma_wait3A_232 = tpu.memref_slice %arg6[%while3A_216, %dma_wait3A_231] : memref<79x128xi32, #tpu.memory_space<vmem>> -> memref<1x128xi32, #tpu.memory_space<vmem>>
      %dma_wait3A_233 = tpu.memref_squeeze %dma_wait3A_232 : memref<1x128xi32, #tpu.memory_space<vmem>> -> memref<128xi32, #tpu.memory_space<vmem>>
      %dma_wait3A_234 = arith.constant 0 : i32
      %dma_wait3A_235 = arith.constant 0 : i32
      %dma_wait3A_236 = tpu.memref_slice %arg2[%dma_wait3A_234, %dma_wait3A_235] : memref<10000x32xf32, #tpu.memory_space<hbm>> -> memref<10000x32xf32, #tpu.memory_space<hbm>>
      tpu.wait_indirect_dma semaphore(%arg11 : memref<!tpu.dma_semaphore, #tpu.memory_space<semaphore_mem>>) src(%dma_wait3A_236 : memref<10000x32xf32, #tpu.memory_space<hbm>>) dst(%dma_wait3A_230 : memref<128x32xf32, #tpu.memory_space<vmem>>)
      %run_scoped3A = arith.constant 0 : i32
      "tpu.region"() ({
        %run_scoped3A_237 = tpu.sem_alloc : memref<!tpu.dma_semaphore, #tpu.memory_space<semaphore_mem>>
        %dma_start3A_238 = arith.constant 0 : i32
        %dma_start3A_239 = arith.constant 0 : i32
        %dma_start3A_240 = tpu.memref_slice %arg8[%run_scoped3A, %dma_start3A_238, %dma_start3A_239] : memref<1x128x32xf32, #tpu.memory_space<vmem>> -> memref<1x128x32xf32, #tpu.memory_space<vmem>>
        %dma_start3A_241 = tpu.memref_squeeze %dma_start3A_240 : memref<1x128x32xf32, #tpu.memory_space<vmem>> -> memref<128x32xf32, #tpu.memory_space<vmem>>
        %dma_start3A_242 = arith.constant 0 : i32
        %dma_start3A_243 = tpu.memref_slice %arg7[%while3A_216, %dma_start3A_242] : memref<79x128xi32, #tpu.memory_space<vmem>> -> memref<1x128xi32, #tpu.memory_space<vmem>>
        %dma_start3A_244 = tpu.memref_squeeze %dma_start3A_243 : memref<1x128xi32, #tpu.memory_space<vmem>> -> memref<128xi32, #tpu.memory_space<vmem>>
        %dma_start3A_245 = arith.constant 0 : i32
        %dma_start3A_246 = arith.constant 0 : i32
        %dma_start3A_247 = tpu.memref_slice %arg10[%dma_start3A_245, %dma_start3A_246] : memref<10240x32xf32, #tpu.memory_space<vmem_shared>> -> memref<10240x32xf32, #tpu.memory_space<vmem_shared>>
        tpu.enqueue_indirect_dma source(%dma_start3A_241 : memref<128x32xf32, #tpu.memory_space<vmem>>) target(%dma_start3A_247 : memref<10240x32xf32, #tpu.memory_space<vmem_shared>>) offsets(%dma_start3A_244 : memref<128xi32, #tpu.memory_space<vmem>>) semaphore(%run_scoped3A_237 : memref<!tpu.dma_semaphore, #tpu.memory_space<semaphore_mem>>) {add = true}
        %dma_wait3A_248 = arith.constant 0 : i32
        %dma_wait3A_249 = arith.constant 0 : i32
        %dma_wait3A_250 = tpu.memref_slice %arg8[%run_scoped3A, %dma_wait3A_248, %dma_wait3A_249] : memref<1x128x32xf32, #tpu.memory_space<vmem>> -> memref<1x128x32xf32, #tpu.memory_space<vmem>>
        %dma_wait3A_251 = tpu.memref_squeeze %dma_wait3A_250 : memref<1x128x32xf32, #tpu.memory_space<vmem>> -> memref<128x32xf32, #tpu.memory_space<vmem>>
        %dma_wait3A_252 = arith.constant 0 : i32
        %dma_wait3A_253 = tpu.memref_slice %arg7[%while3A_216, %dma_wait3A_252] : memref<79x128xi32, #tpu.memory_space<vmem>> -> memref<1x128xi32, #tpu.memory_space<vmem>>
        %dma_wait3A_254 = tpu.memref_squeeze %dma_wait3A_253 : memref<1x128xi32, #tpu.memory_space<vmem>> -> memref<128xi32, #tpu.memory_space<vmem>>
        %dma_wait3A_255 = arith.constant 0 : i32
        %dma_wait3A_256 = arith.constant 0 : i32
        %dma_wait3A_257 = tpu.memref_slice %arg10[%dma_wait3A_255, %dma_wait3A_256] : memref<10240x32xf32, #tpu.memory_space<vmem_shared>> -> memref<10240x32xf32, #tpu.memory_space<vmem_shared>>
        tpu.wait_indirect_dma semaphore(%run_scoped3A_237 : memref<!tpu.dma_semaphore, #tpu.memory_space<semaphore_mem>>) src(%dma_wait3A_251 : memref<128x32xf32, #tpu.memory_space<vmem>>) dst(%dma_wait3A_257 : memref<10240x32xf32, #tpu.memory_space<vmem_shared>>)
        tpu.yield
      }) : () -> ()
    }
    "tpu.region"() ({
      %run_scoped3A = tpu.sem_alloc : memref<!tpu.dma_semaphore, #tpu.memory_space<semaphore_mem>>
      %dma_start3A = arith.constant 0 : i32
      %dma_start3A_216 = tpu.memref_slice %arg10[%mul3A_197, %dma_start3A] : memref<10240x32xf32, #tpu.memory_space<vmem_shared>> -> memref<16x32xf32, #tpu.memory_space<vmem_shared>>
      %dma_start3A_217 = arith.constant 0 : i32
      %dma_start3A_218 = tpu.memref_slice %arg10[%mul3A_197, %dma_start3A_217] : memref<10240x32xf32, #tpu.memory_space<vmem_shared>> -> memref<16x32xf32, #tpu.memory_space<vmem_shared>>
      tpu.enqueue_dma source(%dma_start3A_218 : memref<16x32xf32, #tpu.memory_space<vmem_shared>>) target(%arg9 : memref<16x32xf32, #tpu.memory_space<vmem>>) target_semaphore(%run_scoped3A : memref<!tpu.dma_semaphore, #tpu.memory_space<semaphore_mem>>)
      %dma_wait3A = arith.constant 0 : i32
      %dma_wait3A_219 = tpu.memref_slice %arg10[%mul3A_197, %dma_wait3A] : memref<10240x32xf32, #tpu.memory_space<vmem_shared>> -> memref<16x32xf32, #tpu.memory_space<vmem_shared>>
      %dma_wait3A_220 = arith.constant 0 : i32
      %dma_wait3A_221 = tpu.memref_slice %arg10[%mul3A_197, %dma_wait3A_220] : memref<10240x32xf32, #tpu.memory_space<vmem_shared>> -> memref<16x32xf32, #tpu.memory_space<vmem_shared>>
      tpu.wait_dma2 semaphore(%run_scoped3A : memref<!tpu.dma_semaphore, #tpu.memory_space<semaphore_mem>>) src(%dma_wait3A_221 : memref<16x32xf32, #tpu.memory_space<vmem_shared>>) dst(%arg9 : memref<16x32xf32, #tpu.memory_space<vmem>>)
      tpu.yield
    }) : () -> ()
    %barrier3A_215 = arith.constant 0 : index
    tpu.barrier barrier_id(%barrier3A_215)
    "tpu.region"() ({
      %run_scoped3A = tpu.sem_alloc : memref<!tpu.dma_semaphore, #tpu.memory_space<semaphore_mem>>
      %dma_start3A = arith.constant 0 : i32
      %dma_start3A_216 = tpu.memref_slice %arg5[%arg0, %mul3A_197, %dma_start3A] : memref<2x10240x32xf32, #tpu.memory_space<hbm>> -> memref<1x640x32xf32, #tpu.memory_space<hbm>>
      %dma_start3A_217 = tpu.memref_squeeze %dma_start3A_216 : memref<1x640x32xf32, #tpu.memory_space<hbm>> -> memref<640x32xf32, #tpu.memory_space<hbm>>
      %dma_start3A_218 = arith.constant 0 : i32
      %dma_start3A_219 = tpu.memref_slice %arg10[%mul3A_197, %dma_start3A_218] : memref<10240x32xf32, #tpu.memory_space<vmem_shared>> -> memref<640x32xf32, #tpu.memory_space<vmem_shared>>
      tpu.enqueue_dma source(%dma_start3A_219 : memref<640x32xf32, #tpu.memory_space<vmem_shared>>) target(%dma_start3A_217 : memref<640x32xf32, #tpu.memory_space<hbm>>) target_semaphore(%run_scoped3A : memref<!tpu.dma_semaphore, #tpu.memory_space<semaphore_mem>>)
      %dma_wait3A = arith.constant 0 : i32
      %dma_wait3A_220 = tpu.memref_slice %arg5[%arg0, %mul3A_197, %dma_wait3A] : memref<2x10240x32xf32, #tpu.memory_space<hbm>> -> memref<1x640x32xf32, #tpu.memory_space<hbm>>
      %dma_wait3A_221 = tpu.memref_squeeze %dma_wait3A_220 : memref<1x640x32xf32, #tpu.memory_space<hbm>> -> memref<640x32xf32, #tpu.memory_space<hbm>>
      %dma_wait3A_222 = arith.constant 0 : i32
      %dma_wait3A_223 = tpu.memref_slice %arg10[%mul3A_197, %dma_wait3A_222] : memref<10240x32xf32, #tpu.memory_space<vmem_shared>> -> memref<640x32xf32, #tpu.memory_space<vmem_shared>>
      tpu.wait_dma2 semaphore(%run_scoped3A : memref<!tpu.dma_semaphore, #tpu.memory_space<semaphore_mem>>) src(%dma_wait3A_223 : memref<640x32xf32, #tpu.memory_space<vmem_shared>>) dst(%dma_wait3A_221 : memref<640x32xf32, #tpu.memory_space<hbm>>)
      tpu.yield
    }) : () -> ()
    return
  }
}

#map = affine_map<(d0, d1) -> (0, 0)>
#map1 = affine_map<(d0, d1) -> (0, 0, 0)>
module attributes {stable_mosaic.version = 14 : i64} {
  func.func @body(%arg0: i32, %arg1: i32, %arg2: memref<10000x64xf32, #tpu.memory_space<hbm>>, %arg3: memref<32x79x128xi32, #tpu.memory_space<hbm>>, %arg4: memref<32x79x128xi32, #tpu.memory_space<hbm>>, %arg5: memref<2x10240x64xf32, #tpu.memory_space<hbm>>, %arg6: memref<79x128xi32, #tpu.memory_space<vmem>>, %arg7: memref<79x128xi32, #tpu.memory_space<vmem>>, %arg8: memref<1x128x64xf32, #tpu.memory_space<vmem>>, %arg9: memref<16x64xf32, #tpu.memory_space<vmem>>, %arg10: memref<10240x64xf32, #tpu.memory_space<vmem_shared>>, %arg11: memref<!tpu.dma_semaphore, #tpu.memory_space<semaphore_mem>>) attributes {dimension_semantics = [#tpu.dimension_semantics<core_parallel>, #tpu.dimension_semantics<subcore_parallel>], iteration_bounds = array<i64: 2, 16>, scalar_prefetch = 0 : i64, scratch_operands = 6 : i64, tpu.core_type = #tpu.core_type<sc_vector_subcore>, window_params = [{transform_indices = #map}, {transform_indices = #map1}, {transform_indices = #map1}, {transform_indices = #map1}]} {
    %mul3A = arith.constant 2 : i32
    %mul3A_0 = arith.muli %arg1, %mul3A : i32
    %add3A = arith.addi %mul3A_0, %arg0 : i32
    %eq3A = arith.constant 0 : i32
    %eq3A_1 = arith.cmpi eq, %arg0, %eq3A : i32
    %select_n3A = arith.constant 79 : i32
    %select_n3A_2 = arith.constant 79 : i32
    %select_n3A_3 = arith.select %eq3A_1, %select_n3A_2, %select_n3A : i32
    %broadcast_in_dim3A = arith.constant 0.000000e+00 : f32
    %broadcast_in_dim3A_4 = vector.broadcast %broadcast_in_dim3A : f32 to vector<16xf32>
    %swap3A = arith.constant 0 : i32
    %swap3A_5 = arith.index_cast %swap3A : i32 to index
    %swap3A_6 = arith.constant 0 : index
    %swap3A_7 = tpu.vector_load %arg9[%swap3A_5, %swap3A_6] {strides = array<i32>} : memref<16x64xf32, #tpu.memory_space<vmem>>, vector<1x16xf32>,
    %swap3A_8 = vector.shape_cast %swap3A_7 : vector<1x16xf32> to vector<16xf32>
    %swap3A_9 = vector.shape_cast %broadcast_in_dim3A_4 : vector<16xf32> to vector<1x16xf32>
    tpu.vector_store %arg9[%swap3A_5, %swap3A_6], %swap3A_9 {strides = array<i32>} : memref<16x64xf32, #tpu.memory_space<vmem>>, vector<1x16xf32>,
    %swap3A_10 = arith.constant 0 : i32
    %swap3A_11 = arith.index_cast %swap3A_10 : i32 to index
    %swap3A_12 = arith.constant 16 : index
    %swap3A_13 = tpu.vector_load %arg9[%swap3A_11, %swap3A_12] {strides = array<i32>} : memref<16x64xf32, #tpu.memory_space<vmem>>, vector<1x16xf32>,
    %swap3A_14 = vector.shape_cast %swap3A_13 : vector<1x16xf32> to vector<16xf32>
    %swap3A_15 = vector.shape_cast %broadcast_in_dim3A_4 : vector<16xf32> to vector<1x16xf32>
    tpu.vector_store %arg9[%swap3A_11, %swap3A_12], %swap3A_15 {strides = array<i32>} : memref<16x64xf32, #tpu.memory_space<vmem>>, vector<1x16xf32>,
    %swap3A_16 = arith.constant 0 : i32
    %swap3A_17 = arith.index_cast %swap3A_16 : i32 to index
    %swap3A_18 = arith.constant 32 : index
    %swap3A_19 = tpu.vector_load %arg9[%swap3A_17, %swap3A_18] {strides = array<i32>} : memref<16x64xf32, #tpu.memory_space<vmem>>, vector<1x16xf32>,
    %swap3A_20 = vector.shape_cast %swap3A_19 : vector<1x16xf32> to vector<16xf32>
    %swap3A_21 = vector.shape_cast %broadcast_in_dim3A_4 : vector<16xf32> to vector<1x16xf32>
    tpu.vector_store %arg9[%swap3A_17, %swap3A_18], %swap3A_21 {strides = array<i32>} : memref<16x64xf32, #tpu.memory_space<vmem>>, vector<1x16xf32>,
    %swap3A_22 = arith.constant 0 : i32
    %swap3A_23 = arith.index_cast %swap3A_22 : i32 to index
    %swap3A_24 = arith.constant 48 : index
    %swap3A_25 = tpu.vector_load %arg9[%swap3A_23, %swap3A_24] {strides = array<i32>} : memref<16x64xf32, #tpu.memory_space<vmem>>, vector<1x16xf32>,
    %swap3A_26 = vector.shape_cast %swap3A_25 : vector<1x16xf32> to vector<16xf32>
    %swap3A_27 = vector.shape_cast %broadcast_in_dim3A_4 : vector<16xf32> to vector<1x16xf32>
    tpu.vector_store %arg9[%swap3A_23, %swap3A_24], %swap3A_27 {strides = array<i32>} : memref<16x64xf32, #tpu.memory_space<vmem>>, vector<1x16xf32>,
    %swap3A_28 = arith.constant 1 : i32
    %swap3A_29 = arith.index_cast %swap3A_28 : i32 to index
    %swap3A_30 = arith.constant 0 : index
    %swap3A_31 = tpu.vector_load %arg9[%swap3A_29, %swap3A_30] {strides = array<i32>} : memref<16x64xf32, #tpu.memory_space<vmem>>, vector<1x16xf32>,
    %swap3A_32 = vector.shape_cast %swap3A_31 : vector<1x16xf32> to vector<16xf32>
    %swap3A_33 = vector.shape_cast %broadcast_in_dim3A_4 : vector<16xf32> to vector<1x16xf32>
    tpu.vector_store %arg9[%swap3A_29, %swap3A_30], %swap3A_33 {strides = array<i32>} : memref<16x64xf32, #tpu.memory_space<vmem>>, vector<1x16xf32>,
    %swap3A_34 = arith.constant 1 : i32
    %swap3A_35 = arith.index_cast %swap3A_34 : i32 to index
    %swap3A_36 = arith.constant 16 : index
    %swap3A_37 = tpu.vector_load %arg9[%swap3A_35, %swap3A_36] {strides = array<i32>} : memref<16x64xf32, #tpu.memory_space<vmem>>, vector<1x16xf32>,
    %swap3A_38 = vector.shape_cast %swap3A_37 : vector<1x16xf32> to vector<16xf32>
    %swap3A_39 = vector.shape_cast %broadcast_in_dim3A_4 : vector<16xf32> to vector<1x16xf32>
    tpu.vector_store %arg9[%swap3A_35, %swap3A_36], %swap3A_39 {strides = array<i32>} : memref<16x64xf32, #tpu.memory_space<vmem>>, vector<1x16xf32>,
    %swap3A_40 = arith.constant 1 : i32
    %swap3A_41 = arith.index_cast %swap3A_40 : i32 to index
    %swap3A_42 = arith.constant 32 : index
    %swap3A_43 = tpu.vector_load %arg9[%swap3A_41, %swap3A_42] {strides = array<i32>} : memref<16x64xf32, #tpu.memory_space<vmem>>, vector<1x16xf32>,
    %swap3A_44 = vector.shape_cast %swap3A_43 : vector<1x16xf32> to vector<16xf32>
    %swap3A_45 = vector.shape_cast %broadcast_in_dim3A_4 : vector<16xf32> to vector<1x16xf32>
    tpu.vector_store %arg9[%swap3A_41, %swap3A_42], %swap3A_45 {strides = array<i32>} : memref<16x64xf32, #tpu.memory_space<vmem>>, vector<1x16xf32>,
    %swap3A_46 = arith.constant 1 : i32
    %swap3A_47 = arith.index_cast %swap3A_46 : i32 to index
    %swap3A_48 = arith.constant 48 : index
    %swap3A_49 = tpu.vector_load %arg9[%swap3A_47, %swap3A_48] {strides = array<i32>} : memref<16x64xf32, #tpu.memory_space<vmem>>, vector<1x16xf32>,
    %swap3A_50 = vector.shape_cast %swap3A_49 : vector<1x16xf32> to vector<16xf32>
    %swap3A_51 = vector.shape_cast %broadcast_in_dim3A_4 : vector<16xf32> to vector<1x16xf32>
    tpu.vector_store %arg9[%swap3A_47, %swap3A_48], %swap3A_51 {strides = array<i32>} : memref<16x64xf32, #tpu.memory_space<vmem>>, vector<1x16xf32>,
    %swap3A_52 = arith.constant 2 : i32
    %swap3A_53 = arith.index_cast %swap3A_52 : i32 to index
    %swap3A_54 = arith.constant 0 : index
    %swap3A_55 = tpu.vector_load %arg9[%swap3A_53, %swap3A_54] {strides = array<i32>} : memref<16x64xf32, #tpu.memory_space<vmem>>, vector<1x16xf32>,
    %swap3A_56 = vector.shape_cast %swap3A_55 : vector<1x16xf32> to vector<16xf32>
    %swap3A_57 = vector.shape_cast %broadcast_in_dim3A_4 : vector<16xf32> to vector<1x16xf32>
    tpu.vector_store %arg9[%swap3A_53, %swap3A_54], %swap3A_57 {strides = array<i32>} : memref<16x64xf32, #tpu.memory_space<vmem>>, vector<1x16xf32>,
    %swap3A_58 = arith.constant 2 : i32
    %swap3A_59 = arith.index_cast %swap3A_58 : i32 to index
    %swap3A_60 = arith.constant 16 : index
    %swap3A_61 = tpu.vector_load %arg9[%swap3A_59, %swap3A_60] {strides = array<i32>} : memref<16x64xf32, #tpu.memory_space<vmem>>, vector<1x16xf32>,
    %swap3A_62 = vector.shape_cast %swap3A_61 : vector<1x16xf32> to vector<16xf32>
    %swap3A_63 = vector.shape_cast %broadcast_in_dim3A_4 : vector<16xf32> to vector<1x16xf32>
    tpu.vector_store %arg9[%swap3A_59, %swap3A_60], %swap3A_63 {strides = array<i32>} : memref<16x64xf32, #tpu.memory_space<vmem>>, vector<1x16xf32>,
    %swap3A_64 = arith.constant 2 : i32
    %swap3A_65 = arith.index_cast %swap3A_64 : i32 to index
    %swap3A_66 = arith.constant 32 : index
    %swap3A_67 = tpu.vector_load %arg9[%swap3A_65, %swap3A_66] {strides = array<i32>} : memref<16x64xf32, #tpu.memory_space<vmem>>, vector<1x16xf32>,
    %swap3A_68 = vector.shape_cast %swap3A_67 : vector<1x16xf32> to vector<16xf32>
    %swap3A_69 = vector.shape_cast %broadcast_in_dim3A_4 : vector<16xf32> to vector<1x16xf32>
    tpu.vector_store %arg9[%swap3A_65, %swap3A_66], %swap3A_69 {strides = array<i32>} : memref<16x64xf32, #tpu.memory_space<vmem>>, vector<1x16xf32>,
    %swap3A_70 = arith.constant 2 : i32
    %swap3A_71 = arith.index_cast %swap3A_70 : i32 to index
    %swap3A_72 = arith.constant 48 : index
    %swap3A_73 = tpu.vector_load %arg9[%swap3A_71, %swap3A_72] {strides = array<i32>} : memref<16x64xf32, #tpu.memory_space<vmem>>, vector<1x16xf32>,
    %swap3A_74 = vector.shape_cast %swap3A_73 : vector<1x16xf32> to vector<16xf32>
    %swap3A_75 = vector.shape_cast %broadcast_in_dim3A_4 : vector<16xf32> to vector<1x16xf32>
    tpu.vector_store %arg9[%swap3A_71, %swap3A_72], %swap3A_75 {strides = array<i32>} : memref<16x64xf32, #tpu.memory_space<vmem>>, vector<1x16xf32>,
    %swap3A_76 = arith.constant 3 : i32
    %swap3A_77 = arith.index_cast %swap3A_76 : i32 to index
    %swap3A_78 = arith.constant 0 : index
    %swap3A_79 = tpu.vector_load %arg9[%swap3A_77, %swap3A_78] {strides = array<i32>} : memref<16x64xf32, #tpu.memory_space<vmem>>, vector<1x16xf32>,
    %swap3A_80 = vector.shape_cast %swap3A_79 : vector<1x16xf32> to vector<16xf32>
    %swap3A_81 = vector.shape_cast %broadcast_in_dim3A_4 : vector<16xf32> to vector<1x16xf32>
    tpu.vector_store %arg9[%swap3A_77, %swap3A_78], %swap3A_81 {strides = array<i32>} : memref<16x64xf32, #tpu.memory_space<vmem>>, vector<1x16xf32>,
    %swap3A_82 = arith.constant 3 : i32
    %swap3A_83 = arith.index_cast %swap3A_82 : i32 to index
    %swap3A_84 = arith.constant 16 : index
    %swap3A_85 = tpu.vector_load %arg9[%swap3A_83, %swap3A_84] {strides = array<i32>} : memref<16x64xf32, #tpu.memory_space<vmem>>, vector<1x16xf32>,
    %swap3A_86 = vector.shape_cast %swap3A_85 : vector<1x16xf32> to vector<16xf32>
    %swap3A_87 = vector.shape_cast %broadcast_in_dim3A_4 : vector<16xf32> to vector<1x16xf32>
    tpu.vector_store %arg9[%swap3A_83, %swap3A_84], %swap3A_87 {strides = array<i32>} : memref<16x64xf32, #tpu.memory_space<vmem>>, vector<1x16xf32>,
    %swap3A_88 = arith.constant 3 : i32
    %swap3A_89 = arith.index_cast %swap3A_88 : i32 to index
    %swap3A_90 = arith.constant 32 : index
    %swap3A_91 = tpu.vector_load %arg9[%swap3A_89, %swap3A_90] {strides = array<i32>} : memref<16x64xf32, #tpu.memory_space<vmem>>, vector<1x16xf32>,
    %swap3A_92 = vector.shape_cast %swap3A_91 : vector<1x16xf32> to vector<16xf32>
    %swap3A_93 = vector.shape_cast %broadcast_in_dim3A_4 : vector<16xf32> to vector<1x16xf32>
    tpu.vector_store %arg9[%swap3A_89, %swap3A_90], %swap3A_93 {strides = array<i32>} : memref<16x64xf32, #tpu.memory_space<vmem>>, vector<1x16xf32>,
    %swap3A_94 = arith.constant 3 : i32
    %swap3A_95 = arith.index_cast %swap3A_94 : i32 to index
    %swap3A_96 = arith.constant 48 : index
    %swap3A_97 = tpu.vector_load %arg9[%swap3A_95, %swap3A_96] {strides = array<i32>} : memref<16x64xf32, #tpu.memory_space<vmem>>, vector<1x16xf32>,
    %swap3A_98 = vector.shape_cast %swap3A_97 : vector<1x16xf32> to vector<16xf32>
    %swap3A_99 = vector.shape_cast %broadcast_in_dim3A_4 : vector<16xf32> to vector<1x16xf32>
    tpu.vector_store %arg9[%swap3A_95, %swap3A_96], %swap3A_99 {strides = array<i32>} : memref<16x64xf32, #tpu.memory_space<vmem>>, vector<1x16xf32>,
    %swap3A_100 = arith.constant 4 : i32
    %swap3A_101 = arith.index_cast %swap3A_100 : i32 to index
    %swap3A_102 = arith.constant 0 : index
    %swap3A_103 = tpu.vector_load %arg9[%swap3A_101, %swap3A_102] {strides = array<i32>} : memref<16x64xf32, #tpu.memory_space<vmem>>, vector<1x16xf32>,
    %swap3A_104 = vector.shape_cast %swap3A_103 : vector<1x16xf32> to vector<16xf32>
    %swap3A_105 = vector.shape_cast %broadcast_in_dim3A_4 : vector<16xf32> to vector<1x16xf32>
    tpu.vector_store %arg9[%swap3A_101, %swap3A_102], %swap3A_105 {strides = array<i32>} : memref<16x64xf32, #tpu.memory_space<vmem>>, vector<1x16xf32>,
    %swap3A_106 = arith.constant 4 : i32
    %swap3A_107 = arith.index_cast %swap3A_106 : i32 to index
    %swap3A_108 = arith.constant 16 : index
    %swap3A_109 = tpu.vector_load %arg9[%swap3A_107, %swap3A_108] {strides = array<i32>} : memref<16x64xf32, #tpu.memory_space<vmem>>, vector<1x16xf32>,
    %swap3A_110 = vector.shape_cast %swap3A_109 : vector<1x16xf32> to vector<16xf32>
    %swap3A_111 = vector.shape_cast %broadcast_in_dim3A_4 : vector<16xf32> to vector<1x16xf32>
    tpu.vector_store %arg9[%swap3A_107, %swap3A_108], %swap3A_111 {strides = array<i32>} : memref<16x64xf32, #tpu.memory_space<vmem>>, vector<1x16xf32>,
    %swap3A_112 = arith.constant 4 : i32
    %swap3A_113 = arith.index_cast %swap3A_112 : i32 to index
    %swap3A_114 = arith.constant 32 : index
    %swap3A_115 = tpu.vector_load %arg9[%swap3A_113, %swap3A_114] {strides = array<i32>} : memref<16x64xf32, #tpu.memory_space<vmem>>, vector<1x16xf32>,
    %swap3A_116 = vector.shape_cast %swap3A_115 : vector<1x16xf32> to vector<16xf32>
    %swap3A_117 = vector.shape_cast %broadcast_in_dim3A_4 : vector<16xf32> to vector<1x16xf32>
    tpu.vector_store %arg9[%swap3A_113, %swap3A_114], %swap3A_117 {strides = array<i32>} : memref<16x64xf32, #tpu.memory_space<vmem>>, vector<1x16xf32>,
    %swap3A_118 = arith.constant 4 : i32
    %swap3A_119 = arith.index_cast %swap3A_118 : i32 to index
    %swap3A_120 = arith.constant 48 : index
    %swap3A_121 = tpu.vector_load %arg9[%swap3A_119, %swap3A_120] {strides = array<i32>} : memref<16x64xf32, #tpu.memory_space<vmem>>, vector<1x16xf32>,
    %swap3A_122 = vector.shape_cast %swap3A_121 : vector<1x16xf32> to vector<16xf32>
    %swap3A_123 = vector.shape_cast %broadcast_in_dim3A_4 : vector<16xf32> to vector<1x16xf32>
    tpu.vector_store %arg9[%swap3A_119, %swap3A_120], %swap3A_123 {strides = array<i32>} : memref<16x64xf32, #tpu.memory_space<vmem>>, vector<1x16xf32>,
    %swap3A_124 = arith.constant 5 : i32
    %swap3A_125 = arith.index_cast %swap3A_124 : i32 to index
    %swap3A_126 = arith.constant 0 : index
    %swap3A_127 = tpu.vector_load %arg9[%swap3A_125, %swap3A_126] {strides = array<i32>} : memref<16x64xf32, #tpu.memory_space<vmem>>, vector<1x16xf32>,
    %swap3A_128 = vector.shape_cast %swap3A_127 : vector<1x16xf32> to vector<16xf32>
    %swap3A_129 = vector.shape_cast %broadcast_in_dim3A_4 : vector<16xf32> to vector<1x16xf32>
    tpu.vector_store %arg9[%swap3A_125, %swap3A_126], %swap3A_129 {strides = array<i32>} : memref<16x64xf32, #tpu.memory_space<vmem>>, vector<1x16xf32>,
    %swap3A_130 = arith.constant 5 : i32
    %swap3A_131 = arith.index_cast %swap3A_130 : i32 to index
    %swap3A_132 = arith.constant 16 : index
    %swap3A_133 = tpu.vector_load %arg9[%swap3A_131, %swap3A_132] {strides = array<i32>} : memref<16x64xf32, #tpu.memory_space<vmem>>, vector<1x16xf32>,
    %swap3A_134 = vector.shape_cast %swap3A_133 : vector<1x16xf32> to vector<16xf32>
    %swap3A_135 = vector.shape_cast %broadcast_in_dim3A_4 : vector<16xf32> to vector<1x16xf32>
    tpu.vector_store %arg9[%swap3A_131, %swap3A_132], %swap3A_135 {strides = array<i32>} : memref<16x64xf32, #tpu.memory_space<vmem>>, vector<1x16xf32>,
    %swap3A_136 = arith.constant 5 : i32
    %swap3A_137 = arith.index_cast %swap3A_136 : i32 to index
    %swap3A_138 = arith.constant 32 : index
    %swap3A_139 = tpu.vector_load %arg9[%swap3A_137, %swap3A_138] {strides = array<i32>} : memref<16x64xf32, #tpu.memory_space<vmem>>, vector<1x16xf32>,
    %swap3A_140 = vector.shape_cast %swap3A_139 : vector<1x16xf32> to vector<16xf32>
    %swap3A_141 = vector.shape_cast %broadcast_in_dim3A_4 : vector<16xf32> to vector<1x16xf32>
    tpu.vector_store %arg9[%swap3A_137, %swap3A_138], %swap3A_141 {strides = array<i32>} : memref<16x64xf32, #tpu.memory_space<vmem>>, vector<1x16xf32>,
    %swap3A_142 = arith.constant 5 : i32
    %swap3A_143 = arith.index_cast %swap3A_142 : i32 to index
    %swap3A_144 = arith.constant 48 : index
    %swap3A_145 = tpu.vector_load %arg9[%swap3A_143, %swap3A_144] {strides = array<i32>} : memref<16x64xf32, #tpu.memory_space<vmem>>, vector<1x16xf32>,
    %swap3A_146 = vector.shape_cast %swap3A_145 : vector<1x16xf32> to vector<16xf32>
    %swap3A_147 = vector.shape_cast %broadcast_in_dim3A_4 : vector<16xf32> to vector<1x16xf32>
    tpu.vector_store %arg9[%swap3A_143, %swap3A_144], %swap3A_147 {strides = array<i32>} : memref<16x64xf32, #tpu.memory_space<vmem>>, vector<1x16xf32>,
    %swap3A_148 = arith.constant 6 : i32
    %swap3A_149 = arith.index_cast %swap3A_148 : i32 to index
    %swap3A_150 = arith.constant 0 : index
    %swap3A_151 = tpu.vector_load %arg9[%swap3A_149, %swap3A_150] {strides = array<i32>} : memref<16x64xf32, #tpu.memory_space<vmem>>, vector<1x16xf32>,
    %swap3A_152 = vector.shape_cast %swap3A_151 : vector<1x16xf32> to vector<16xf32>
    %swap3A_153 = vector.shape_cast %broadcast_in_dim3A_4 : vector<16xf32> to vector<1x16xf32>
    tpu.vector_store %arg9[%swap3A_149, %swap3A_150], %swap3A_153 {strides = array<i32>} : memref<16x64xf32, #tpu.memory_space<vmem>>, vector<1x16xf32>,
    %swap3A_154 = arith.constant 6 : i32
    %swap3A_155 = arith.index_cast %swap3A_154 : i32 to index
    %swap3A_156 = arith.constant 16 : index
    %swap3A_157 = tpu.vector_load %arg9[%swap3A_155, %swap3A_156] {strides = array<i32>} : memref<16x64xf32, #tpu.memory_space<vmem>>, vector<1x16xf32>,
    %swap3A_158 = vector.shape_cast %swap3A_157 : vector<1x16xf32> to vector<16xf32>
    %swap3A_159 = vector.shape_cast %broadcast_in_dim3A_4 : vector<16xf32> to vector<1x16xf32>
    tpu.vector_store %arg9[%swap3A_155, %swap3A_156], %swap3A_159 {strides = array<i32>} : memref<16x64xf32, #tpu.memory_space<vmem>>, vector<1x16xf32>,
    %swap3A_160 = arith.constant 6 : i32
    %swap3A_161 = arith.index_cast %swap3A_160 : i32 to index
    %swap3A_162 = arith.constant 32 : index
    %swap3A_163 = tpu.vector_load %arg9[%swap3A_161, %swap3A_162] {strides = array<i32>} : memref<16x64xf32, #tpu.memory_space<vmem>>, vector<1x16xf32>,
    %swap3A_164 = vector.shape_cast %swap3A_163 : vector<1x16xf32> to vector<16xf32>
    %swap3A_165 = vector.shape_cast %broadcast_in_dim3A_4 : vector<16xf32> to vector<1x16xf32>
    tpu.vector_store %arg9[%swap3A_161, %swap3A_162], %swap3A_165 {strides = array<i32>} : memref<16x64xf32, #tpu.memory_space<vmem>>, vector<1x16xf32>,
    %swap3A_166 = arith.constant 6 : i32
    %swap3A_167 = arith.index_cast %swap3A_166 : i32 to index
    %swap3A_168 = arith.constant 48 : index
    %swap3A_169 = tpu.vector_load %arg9[%swap3A_167, %swap3A_168] {strides = array<i32>} : memref<16x64xf32, #tpu.memory_space<vmem>>, vector<1x16xf32>,
    %swap3A_170 = vector.shape_cast %swap3A_169 : vector<1x16xf32> to vector<16xf32>
    %swap3A_171 = vector.shape_cast %broadcast_in_dim3A_4 : vector<16xf32> to vector<1x16xf32>
    tpu.vector_store %arg9[%swap3A_167, %swap3A_168], %swap3A_171 {strides = array<i32>} : memref<16x64xf32, #tpu.memory_space<vmem>>, vector<1x16xf32>,
    %swap3A_172 = arith.constant 7 : i32
    %swap3A_173 = arith.index_cast %swap3A_172 : i32 to index
    %swap3A_174 = arith.constant 0 : index
    %swap3A_175 = tpu.vector_load %arg9[%swap3A_173, %swap3A_174] {strides = array<i32>} : memref<16x64xf32, #tpu.memory_space<vmem>>, vector<1x16xf32>,
    %swap3A_176 = vector.shape_cast %swap3A_175 : vector<1x16xf32> to vector<16xf32>
    %swap3A_177 = vector.shape_cast %broadcast_in_dim3A_4 : vector<16xf32> to vector<1x16xf32>
    tpu.vector_store %arg9[%swap3A_173, %swap3A_174], %swap3A_177 {strides = array<i32>} : memref<16x64xf32, #tpu.memory_space<vmem>>, vector<1x16xf32>,
    %swap3A_178 = arith.constant 7 : i32
    %swap3A_179 = arith.index_cast %swap3A_178 : i32 to index
    %swap3A_180 = arith.constant 16 : index
    %swap3A_181 = tpu.vector_load %arg9[%swap3A_179, %swap3A_180] {strides = array<i32>} : memref<16x64xf32, #tpu.memory_space<vmem>>, vector<1x16xf32>,
    %swap3A_182 = vector.shape_cast %swap3A_181 : vector<1x16xf32> to vector<16xf32>
    %swap3A_183 = vector.shape_cast %broadcast_in_dim3A_4 : vector<16xf32> to vector<1x16xf32>
    tpu.vector_store %arg9[%swap3A_179, %swap3A_180], %swap3A_183 {strides = array<i32>} : memref<16x64xf32, #tpu.memory_space<vmem>>, vector<1x16xf32>,
    %swap3A_184 = arith.constant 7 : i32
    %swap3A_185 = arith.index_cast %swap3A_184 : i32 to index
    %swap3A_186 = arith.constant 32 : index
    %swap3A_187 = tpu.vector_load %arg9[%swap3A_185, %swap3A_186] {strides = array<i32>} : memref<16x64xf32, #tpu.memory_space<vmem>>, vector<1x16xf32>,
    %swap3A_188 = vector.shape_cast %swap3A_187 : vector<1x16xf32> to vector<16xf32>
    %swap3A_189 = vector.shape_cast %broadcast_in_dim3A_4 : vector<16xf32> to vector<1x16xf32>
    tpu.vector_store %arg9[%swap3A_185, %swap3A_186], %swap3A_189 {strides = array<i32>} : memref<16x64xf32, #tpu.memory_space<vmem>>, vector<1x16xf32>,
    %swap3A_190 = arith.constant 7 : i32
    %swap3A_191 = arith.index_cast %swap3A_190 : i32 to index
    %swap3A_192 = arith.constant 48 : index
    %swap3A_193 = tpu.vector_load %arg9[%swap3A_191, %swap3A_192] {strides = array<i32>} : memref<16x64xf32, #tpu.memory_space<vmem>>, vector<1x16xf32>,
    %swap3A_194 = vector.shape_cast %swap3A_193 : vector<1x16xf32> to vector<16xf32>
    %swap3A_195 = vector.shape_cast %broadcast_in_dim3A_4 : vector<16xf32> to vector<1x16xf32>
    tpu.vector_store %arg9[%swap3A_191, %swap3A_192], %swap3A_195 {strides = array<i32>} : memref<16x64xf32, #tpu.memory_space<vmem>>, vector<1x16xf32>,
    %swap3A_196 = arith.constant 8 : i32
    %swap3A_197 = arith.index_cast %swap3A_196 : i32 to index
    %swap3A_198 = arith.constant 0 : index
    %swap3A_199 = tpu.vector_load %arg9[%swap3A_197, %swap3A_198] {strides = array<i32>} : memref<16x64xf32, #tpu.memory_space<vmem>>, vector<1x16xf32>,
    %swap3A_200 = vector.shape_cast %swap3A_199 : vector<1x16xf32> to vector<16xf32>
    %swap3A_201 = vector.shape_cast %broadcast_in_dim3A_4 : vector<16xf32> to vector<1x16xf32>
    tpu.vector_store %arg9[%swap3A_197, %swap3A_198], %swap3A_201 {strides = array<i32>} : memref<16x64xf32, #tpu.memory_space<vmem>>, vector<1x16xf32>,
    %swap3A_202 = arith.constant 8 : i32
    %swap3A_203 = arith.index_cast %swap3A_202 : i32 to index
    %swap3A_204 = arith.constant 16 : index
    %swap3A_205 = tpu.vector_load %arg9[%swap3A_203, %swap3A_204] {strides = array<i32>} : memref<16x64xf32, #tpu.memory_space<vmem>>, vector<1x16xf32>,
    %swap3A_206 = vector.shape_cast %swap3A_205 : vector<1x16xf32> to vector<16xf32>
    %swap3A_207 = vector.shape_cast %broadcast_in_dim3A_4 : vector<16xf32> to vector<1x16xf32>
    tpu.vector_store %arg9[%swap3A_203, %swap3A_204], %swap3A_207 {strides = array<i32>} : memref<16x64xf32, #tpu.memory_space<vmem>>, vector<1x16xf32>,
    %swap3A_208 = arith.constant 8 : i32
    %swap3A_209 = arith.index_cast %swap3A_208 : i32 to index
    %swap3A_210 = arith.constant 32 : index
    %swap3A_211 = tpu.vector_load %arg9[%swap3A_209, %swap3A_210] {strides = array<i32>} : memref<16x64xf32, #tpu.memory_space<vmem>>, vector<1x16xf32>,
    %swap3A_212 = vector.shape_cast %swap3A_211 : vector<1x16xf32> to vector<16xf32>
    %swap3A_213 = vector.shape_cast %broadcast_in_dim3A_4 : vector<16xf32> to vector<1x16xf32>
    tpu.vector_store %arg9[%swap3A_209, %swap3A_210], %swap3A_213 {strides = array<i32>} : memref<16x64xf32, #tpu.memory_space<vmem>>, vector<1x16xf32>,
    %swap3A_214 = arith.constant 8 : i32
    %swap3A_215 = arith.index_cast %swap3A_214 : i32 to index
    %swap3A_216 = arith.constant 48 : index
    %swap3A_217 = tpu.vector_load %arg9[%swap3A_215, %swap3A_216] {strides = array<i32>} : memref<16x64xf32, #tpu.memory_space<vmem>>, vector<1x16xf32>,
    %swap3A_218 = vector.shape_cast %swap3A_217 : vector<1x16xf32> to vector<16xf32>
    %swap3A_219 = vector.shape_cast %broadcast_in_dim3A_4 : vector<16xf32> to vector<1x16xf32>
    tpu.vector_store %arg9[%swap3A_215, %swap3A_216], %swap3A_219 {strides = array<i32>} : memref<16x64xf32, #tpu.memory_space<vmem>>, vector<1x16xf32>,
    %swap3A_220 = arith.constant 9 : i32
    %swap3A_221 = arith.index_cast %swap3A_220 : i32 to index
    %swap3A_222 = arith.constant 0 : index
    %swap3A_223 = tpu.vector_load %arg9[%swap3A_221, %swap3A_222] {strides = array<i32>} : memref<16x64xf32, #tpu.memory_space<vmem>>, vector<1x16xf32>,
    %swap3A_224 = vector.shape_cast %swap3A_223 : vector<1x16xf32> to vector<16xf32>
    %swap3A_225 = vector.shape_cast %broadcast_in_dim3A_4 : vector<16xf32> to vector<1x16xf32>
    tpu.vector_store %arg9[%swap3A_221, %swap3A_222], %swap3A_225 {strides = array<i32>} : memref<16x64xf32, #tpu.memory_space<vmem>>, vector<1x16xf32>,
    %swap3A_226 = arith.constant 9 : i32
    %swap3A_227 = arith.index_cast %swap3A_226 : i32 to index
    %swap3A_228 = arith.constant 16 : index
    %swap3A_229 = tpu.vector_load %arg9[%swap3A_227, %swap3A_228] {strides = array<i32>} : memref<16x64xf32, #tpu.memory_space<vmem>>, vector<1x16xf32>,
    %swap3A_230 = vector.shape_cast %swap3A_229 : vector<1x16xf32> to vector<16xf32>
    %swap3A_231 = vector.shape_cast %broadcast_in_dim3A_4 : vector<16xf32> to vector<1x16xf32>
    tpu.vector_store %arg9[%swap3A_227, %swap3A_228], %swap3A_231 {strides = array<i32>} : memref<16x64xf32, #tpu.memory_space<vmem>>, vector<1x16xf32>,
    %swap3A_232 = arith.constant 9 : i32
    %swap3A_233 = arith.index_cast %swap3A_232 : i32 to index
    %swap3A_234 = arith.constant 32 : index
    %swap3A_235 = tpu.vector_load %arg9[%swap3A_233, %swap3A_234] {strides = array<i32>} : memref<16x64xf32, #tpu.memory_space<vmem>>, vector<1x16xf32>,
    %swap3A_236 = vector.shape_cast %swap3A_235 : vector<1x16xf32> to vector<16xf32>
    %swap3A_237 = vector.shape_cast %broadcast_in_dim3A_4 : vector<16xf32> to vector<1x16xf32>
    tpu.vector_store %arg9[%swap3A_233, %swap3A_234], %swap3A_237 {strides = array<i32>} : memref<16x64xf32, #tpu.memory_space<vmem>>, vector<1x16xf32>,
    %swap3A_238 = arith.constant 9 : i32
    %swap3A_239 = arith.index_cast %swap3A_238 : i32 to index
    %swap3A_240 = arith.constant 48 : index
    %swap3A_241 = tpu.vector_load %arg9[%swap3A_239, %swap3A_240] {strides = array<i32>} : memref<16x64xf32, #tpu.memory_space<vmem>>, vector<1x16xf32>,
    %swap3A_242 = vector.shape_cast %swap3A_241 : vector<1x16xf32> to vector<16xf32>
    %swap3A_243 = vector.shape_cast %broadcast_in_dim3A_4 : vector<16xf32> to vector<1x16xf32>
    tpu.vector_store %arg9[%swap3A_239, %swap3A_240], %swap3A_243 {strides = array<i32>} : memref<16x64xf32, #tpu.memory_space<vmem>>, vector<1x16xf32>,
    %swap3A_244 = arith.constant 10 : i32
    %swap3A_245 = arith.index_cast %swap3A_244 : i32 to index
    %swap3A_246 = arith.constant 0 : index
    %swap3A_247 = tpu.vector_load %arg9[%swap3A_245, %swap3A_246] {strides = array<i32>} : memref<16x64xf32, #tpu.memory_space<vmem>>, vector<1x16xf32>,
    %swap3A_248 = vector.shape_cast %swap3A_247 : vector<1x16xf32> to vector<16xf32>
    %swap3A_249 = vector.shape_cast %broadcast_in_dim3A_4 : vector<16xf32> to vector<1x16xf32>
    tpu.vector_store %arg9[%swap3A_245, %swap3A_246], %swap3A_249 {strides = array<i32>} : memref<16x64xf32, #tpu.memory_space<vmem>>, vector<1x16xf32>,
    %swap3A_250 = arith.constant 10 : i32
    %swap3A_251 = arith.index_cast %swap3A_250 : i32 to index
    %swap3A_252 = arith.constant 16 : index
    %swap3A_253 = tpu.vector_load %arg9[%swap3A_251, %swap3A_252] {strides = array<i32>} : memref<16x64xf32, #tpu.memory_space<vmem>>, vector<1x16xf32>,
    %swap3A_254 = vector.shape_cast %swap3A_253 : vector<1x16xf32> to vector<16xf32>
    %swap3A_255 = vector.shape_cast %broadcast_in_dim3A_4 : vector<16xf32> to vector<1x16xf32>
    tpu.vector_store %arg9[%swap3A_251, %swap3A_252], %swap3A_255 {strides = array<i32>} : memref<16x64xf32, #tpu.memory_space<vmem>>, vector<1x16xf32>,
    %swap3A_256 = arith.constant 10 : i32
    %swap3A_257 = arith.index_cast %swap3A_256 : i32 to index
    %swap3A_258 = arith.constant 32 : index
    %swap3A_259 = tpu.vector_load %arg9[%swap3A_257, %swap3A_258] {strides = array<i32>} : memref<16x64xf32, #tpu.memory_space<vmem>>, vector<1x16xf32>,
    %swap3A_260 = vector.shape_cast %swap3A_259 : vector<1x16xf32> to vector<16xf32>
    %swap3A_261 = vector.shape_cast %broadcast_in_dim3A_4 : vector<16xf32> to vector<1x16xf32>
    tpu.vector_store %arg9[%swap3A_257, %swap3A_258], %swap3A_261 {strides = array<i32>} : memref<16x64xf32, #tpu.memory_space<vmem>>, vector<1x16xf32>,
    %swap3A_262 = arith.constant 10 : i32
    %swap3A_263 = arith.index_cast %swap3A_262 : i32 to index
    %swap3A_264 = arith.constant 48 : index
    %swap3A_265 = tpu.vector_load %arg9[%swap3A_263, %swap3A_264] {strides = array<i32>} : memref<16x64xf32, #tpu.memory_space<vmem>>, vector<1x16xf32>,
    %swap3A_266 = vector.shape_cast %swap3A_265 : vector<1x16xf32> to vector<16xf32>
    %swap3A_267 = vector.shape_cast %broadcast_in_dim3A_4 : vector<16xf32> to vector<1x16xf32>
    tpu.vector_store %arg9[%swap3A_263, %swap3A_264], %swap3A_267 {strides = array<i32>} : memref<16x64xf32, #tpu.memory_space<vmem>>, vector<1x16xf32>,
    %swap3A_268 = arith.constant 11 : i32
    %swap3A_269 = arith.index_cast %swap3A_268 : i32 to index
    %swap3A_270 = arith.constant 0 : index
    %swap3A_271 = tpu.vector_load %arg9[%swap3A_269, %swap3A_270] {strides = array<i32>} : memref<16x64xf32, #tpu.memory_space<vmem>>, vector<1x16xf32>,
    %swap3A_272 = vector.shape_cast %swap3A_271 : vector<1x16xf32> to vector<16xf32>
    %swap3A_273 = vector.shape_cast %broadcast_in_dim3A_4 : vector<16xf32> to vector<1x16xf32>
    tpu.vector_store %arg9[%swap3A_269, %swap3A_270], %swap3A_273 {strides = array<i32>} : memref<16x64xf32, #tpu.memory_space<vmem>>, vector<1x16xf32>,
    %swap3A_274 = arith.constant 11 : i32
    %swap3A_275 = arith.index_cast %swap3A_274 : i32 to index
    %swap3A_276 = arith.constant 16 : index
    %swap3A_277 = tpu.vector_load %arg9[%swap3A_275, %swap3A_276] {strides = array<i32>} : memref<16x64xf32, #tpu.memory_space<vmem>>, vector<1x16xf32>,
    %swap3A_278 = vector.shape_cast %swap3A_277 : vector<1x16xf32> to vector<16xf32>
    %swap3A_279 = vector.shape_cast %broadcast_in_dim3A_4 : vector<16xf32> to vector<1x16xf32>
    tpu.vector_store %arg9[%swap3A_275, %swap3A_276], %swap3A_279 {strides = array<i32>} : memref<16x64xf32, #tpu.memory_space<vmem>>, vector<1x16xf32>,
    %swap3A_280 = arith.constant 11 : i32
    %swap3A_281 = arith.index_cast %swap3A_280 : i32 to index
    %swap3A_282 = arith.constant 32 : index
    %swap3A_283 = tpu.vector_load %arg9[%swap3A_281, %swap3A_282] {strides = array<i32>} : memref<16x64xf32, #tpu.memory_space<vmem>>, vector<1x16xf32>,
    %swap3A_284 = vector.shape_cast %swap3A_283 : vector<1x16xf32> to vector<16xf32>
    %swap3A_285 = vector.shape_cast %broadcast_in_dim3A_4 : vector<16xf32> to vector<1x16xf32>
    tpu.vector_store %arg9[%swap3A_281, %swap3A_282], %swap3A_285 {strides = array<i32>} : memref<16x64xf32, #tpu.memory_space<vmem>>, vector<1x16xf32>,
    %swap3A_286 = arith.constant 11 : i32
    %swap3A_287 = arith.index_cast %swap3A_286 : i32 to index
    %swap3A_288 = arith.constant 48 : index
    %swap3A_289 = tpu.vector_load %arg9[%swap3A_287, %swap3A_288] {strides = array<i32>} : memref<16x64xf32, #tpu.memory_space<vmem>>, vector<1x16xf32>,
    %swap3A_290 = vector.shape_cast %swap3A_289 : vector<1x16xf32> to vector<16xf32>
    %swap3A_291 = vector.shape_cast %broadcast_in_dim3A_4 : vector<16xf32> to vector<1x16xf32>
    tpu.vector_store %arg9[%swap3A_287, %swap3A_288], %swap3A_291 {strides = array<i32>} : memref<16x64xf32, #tpu.memory_space<vmem>>, vector<1x16xf32>,
    %swap3A_292 = arith.constant 12 : i32
    %swap3A_293 = arith.index_cast %swap3A_292 : i32 to index
    %swap3A_294 = arith.constant 0 : index
    %swap3A_295 = tpu.vector_load %arg9[%swap3A_293, %swap3A_294] {strides = array<i32>} : memref<16x64xf32, #tpu.memory_space<vmem>>, vector<1x16xf32>,
    %swap3A_296 = vector.shape_cast %swap3A_295 : vector<1x16xf32> to vector<16xf32>
    %swap3A_297 = vector.shape_cast %broadcast_in_dim3A_4 : vector<16xf32> to vector<1x16xf32>
    tpu.vector_store %arg9[%swap3A_293, %swap3A_294], %swap3A_297 {strides = array<i32>} : memref<16x64xf32, #tpu.memory_space<vmem>>, vector<1x16xf32>,
    %swap3A_298 = arith.constant 12 : i32
    %swap3A_299 = arith.index_cast %swap3A_298 : i32 to index
    %swap3A_300 = arith.constant 16 : index
    %swap3A_301 = tpu.vector_load %arg9[%swap3A_299, %swap3A_300] {strides = array<i32>} : memref<16x64xf32, #tpu.memory_space<vmem>>, vector<1x16xf32>,
    %swap3A_302 = vector.shape_cast %swap3A_301 : vector<1x16xf32> to vector<16xf32>
    %swap3A_303 = vector.shape_cast %broadcast_in_dim3A_4 : vector<16xf32> to vector<1x16xf32>
    tpu.vector_store %arg9[%swap3A_299, %swap3A_300], %swap3A_303 {strides = array<i32>} : memref<16x64xf32, #tpu.memory_space<vmem>>, vector<1x16xf32>,
    %swap3A_304 = arith.constant 12 : i32
    %swap3A_305 = arith.index_cast %swap3A_304 : i32 to index
    %swap3A_306 = arith.constant 32 : index
    %swap3A_307 = tpu.vector_load %arg9[%swap3A_305, %swap3A_306] {strides = array<i32>} : memref<16x64xf32, #tpu.memory_space<vmem>>, vector<1x16xf32>,
    %swap3A_308 = vector.shape_cast %swap3A_307 : vector<1x16xf32> to vector<16xf32>
    %swap3A_309 = vector.shape_cast %broadcast_in_dim3A_4 : vector<16xf32> to vector<1x16xf32>
    tpu.vector_store %arg9[%swap3A_305, %swap3A_306], %swap3A_309 {strides = array<i32>} : memref<16x64xf32, #tpu.memory_space<vmem>>, vector<1x16xf32>,
    %swap3A_310 = arith.constant 12 : i32
    %swap3A_311 = arith.index_cast %swap3A_310 : i32 to index
    %swap3A_312 = arith.constant 48 : index
    %swap3A_313 = tpu.vector_load %arg9[%swap3A_311, %swap3A_312] {strides = array<i32>} : memref<16x64xf32, #tpu.memory_space<vmem>>, vector<1x16xf32>,
    %swap3A_314 = vector.shape_cast %swap3A_313 : vector<1x16xf32> to vector<16xf32>
    %swap3A_315 = vector.shape_cast %broadcast_in_dim3A_4 : vector<16xf32> to vector<1x16xf32>
    tpu.vector_store %arg9[%swap3A_311, %swap3A_312], %swap3A_315 {strides = array<i32>} : memref<16x64xf32, #tpu.memory_space<vmem>>, vector<1x16xf32>,
    %swap3A_316 = arith.constant 13 : i32
    %swap3A_317 = arith.index_cast %swap3A_316 : i32 to index
    %swap3A_318 = arith.constant 0 : index
    %swap3A_319 = tpu.vector_load %arg9[%swap3A_317, %swap3A_318] {strides = array<i32>} : memref<16x64xf32, #tpu.memory_space<vmem>>, vector<1x16xf32>,
    %swap3A_320 = vector.shape_cast %swap3A_319 : vector<1x16xf32> to vector<16xf32>
    %swap3A_321 = vector.shape_cast %broadcast_in_dim3A_4 : vector<16xf32> to vector<1x16xf32>
    tpu.vector_store %arg9[%swap3A_317, %swap3A_318], %swap3A_321 {strides = array<i32>} : memref<16x64xf32, #tpu.memory_space<vmem>>, vector<1x16xf32>,
    %swap3A_322 = arith.constant 13 : i32
    %swap3A_323 = arith.index_cast %swap3A_322 : i32 to index
    %swap3A_324 = arith.constant 16 : index
    %swap3A_325 = tpu.vector_load %arg9[%swap3A_323, %swap3A_324] {strides = array<i32>} : memref<16x64xf32, #tpu.memory_space<vmem>>, vector<1x16xf32>,
    %swap3A_326 = vector.shape_cast %swap3A_325 : vector<1x16xf32> to vector<16xf32>
    %swap3A_327 = vector.shape_cast %broadcast_in_dim3A_4 : vector<16xf32> to vector<1x16xf32>
    tpu.vector_store %arg9[%swap3A_323, %swap3A_324], %swap3A_327 {strides = array<i32>} : memref<16x64xf32, #tpu.memory_space<vmem>>, vector<1x16xf32>,
    %swap3A_328 = arith.constant 13 : i32
    %swap3A_329 = arith.index_cast %swap3A_328 : i32 to index
    %swap3A_330 = arith.constant 32 : index
    %swap3A_331 = tpu.vector_load %arg9[%swap3A_329, %swap3A_330] {strides = array<i32>} : memref<16x64xf32, #tpu.memory_space<vmem>>, vector<1x16xf32>,
    %swap3A_332 = vector.shape_cast %swap3A_331 : vector<1x16xf32> to vector<16xf32>
    %swap3A_333 = vector.shape_cast %broadcast_in_dim3A_4 : vector<16xf32> to vector<1x16xf32>
    tpu.vector_store %arg9[%swap3A_329, %swap3A_330], %swap3A_333 {strides = array<i32>} : memref<16x64xf32, #tpu.memory_space<vmem>>, vector<1x16xf32>,
    %swap3A_334 = arith.constant 13 : i32
    %swap3A_335 = arith.index_cast %swap3A_334 : i32 to index
    %swap3A_336 = arith.constant 48 : index
    %swap3A_337 = tpu.vector_load %arg9[%swap3A_335, %swap3A_336] {strides = array<i32>} : memref<16x64xf32, #tpu.memory_space<vmem>>, vector<1x16xf32>,
    %swap3A_338 = vector.shape_cast %swap3A_337 : vector<1x16xf32> to vector<16xf32>
    %swap3A_339 = vector.shape_cast %broadcast_in_dim3A_4 : vector<16xf32> to vector<1x16xf32>
    tpu.vector_store %arg9[%swap3A_335, %swap3A_336], %swap3A_339 {strides = array<i32>} : memref<16x64xf32, #tpu.memory_space<vmem>>, vector<1x16xf32>,
    %swap3A_340 = arith.constant 14 : i32
    %swap3A_341 = arith.index_cast %swap3A_340 : i32 to index
    %swap3A_342 = arith.constant 0 : index
    %swap3A_343 = tpu.vector_load %arg9[%swap3A_341, %swap3A_342] {strides = array<i32>} : memref<16x64xf32, #tpu.memory_space<vmem>>, vector<1x16xf32>,
    %swap3A_344 = vector.shape_cast %swap3A_343 : vector<1x16xf32> to vector<16xf32>
    %swap3A_345 = vector.shape_cast %broadcast_in_dim3A_4 : vector<16xf32> to vector<1x16xf32>
    tpu.vector_store %arg9[%swap3A_341, %swap3A_342], %swap3A_345 {strides = array<i32>} : memref<16x64xf32, #tpu.memory_space<vmem>>, vector<1x16xf32>,
    %swap3A_346 = arith.constant 14 : i32
    %swap3A_347 = arith.index_cast %swap3A_346 : i32 to index
    %swap3A_348 = arith.constant 16 : index
    %swap3A_349 = tpu.vector_load %arg9[%swap3A_347, %swap3A_348] {strides = array<i32>} : memref<16x64xf32, #tpu.memory_space<vmem>>, vector<1x16xf32>,
    %swap3A_350 = vector.shape_cast %swap3A_349 : vector<1x16xf32> to vector<16xf32>
    %swap3A_351 = vector.shape_cast %broadcast_in_dim3A_4 : vector<16xf32> to vector<1x16xf32>
    tpu.vector_store %arg9[%swap3A_347, %swap3A_348], %swap3A_351 {strides = array<i32>} : memref<16x64xf32, #tpu.memory_space<vmem>>, vector<1x16xf32>,
    %swap3A_352 = arith.constant 14 : i32
    %swap3A_353 = arith.index_cast %swap3A_352 : i32 to index
    %swap3A_354 = arith.constant 32 : index
    %swap3A_355 = tpu.vector_load %arg9[%swap3A_353, %swap3A_354] {strides = array<i32>} : memref<16x64xf32, #tpu.memory_space<vmem>>, vector<1x16xf32>,
    %swap3A_356 = vector.shape_cast %swap3A_355 : vector<1x16xf32> to vector<16xf32>
    %swap3A_357 = vector.shape_cast %broadcast_in_dim3A_4 : vector<16xf32> to vector<1x16xf32>
    tpu.vector_store %arg9[%swap3A_353, %swap3A_354], %swap3A_357 {strides = array<i32>} : memref<16x64xf32, #tpu.memory_space<vmem>>, vector<1x16xf32>,
    %swap3A_358 = arith.constant 14 : i32
    %swap3A_359 = arith.index_cast %swap3A_358 : i32 to index
    %swap3A_360 = arith.constant 48 : index
    %swap3A_361 = tpu.vector_load %arg9[%swap3A_359, %swap3A_360] {strides = array<i32>} : memref<16x64xf32, #tpu.memory_space<vmem>>, vector<1x16xf32>,
    %swap3A_362 = vector.shape_cast %swap3A_361 : vector<1x16xf32> to vector<16xf32>
    %swap3A_363 = vector.shape_cast %broadcast_in_dim3A_4 : vector<16xf32> to vector<1x16xf32>
    tpu.vector_store %arg9[%swap3A_359, %swap3A_360], %swap3A_363 {strides = array<i32>} : memref<16x64xf32, #tpu.memory_space<vmem>>, vector<1x16xf32>,
    %swap3A_364 = arith.constant 15 : i32
    %swap3A_365 = arith.index_cast %swap3A_364 : i32 to index
    %swap3A_366 = arith.constant 0 : index
    %swap3A_367 = tpu.vector_load %arg9[%swap3A_365, %swap3A_366] {strides = array<i32>} : memref<16x64xf32, #tpu.memory_space<vmem>>, vector<1x16xf32>,
    %swap3A_368 = vector.shape_cast %swap3A_367 : vector<1x16xf32> to vector<16xf32>
    %swap3A_369 = vector.shape_cast %broadcast_in_dim3A_4 : vector<16xf32> to vector<1x16xf32>
    tpu.vector_store %arg9[%swap3A_365, %swap3A_366], %swap3A_369 {strides = array<i32>} : memref<16x64xf32, #tpu.memory_space<vmem>>, vector<1x16xf32>,
    %swap3A_370 = arith.constant 15 : i32
    %swap3A_371 = arith.index_cast %swap3A_370 : i32 to index
    %swap3A_372 = arith.constant 16 : index
    %swap3A_373 = tpu.vector_load %arg9[%swap3A_371, %swap3A_372] {strides = array<i32>} : memref<16x64xf32, #tpu.memory_space<vmem>>, vector<1x16xf32>,
    %swap3A_374 = vector.shape_cast %swap3A_373 : vector<1x16xf32> to vector<16xf32>
    %swap3A_375 = vector.shape_cast %broadcast_in_dim3A_4 : vector<16xf32> to vector<1x16xf32>
    tpu.vector_store %arg9[%swap3A_371, %swap3A_372], %swap3A_375 {strides = array<i32>} : memref<16x64xf32, #tpu.memory_space<vmem>>, vector<1x16xf32>,
    %swap3A_376 = arith.constant 15 : i32
    %swap3A_377 = arith.index_cast %swap3A_376 : i32 to index
    %swap3A_378 = arith.constant 32 : index
    %swap3A_379 = tpu.vector_load %arg9[%swap3A_377, %swap3A_378] {strides = array<i32>} : memref<16x64xf32, #tpu.memory_space<vmem>>, vector<1x16xf32>,
    %swap3A_380 = vector.shape_cast %swap3A_379 : vector<1x16xf32> to vector<16xf32>
    %swap3A_381 = vector.shape_cast %broadcast_in_dim3A_4 : vector<16xf32> to vector<1x16xf32>
    tpu.vector_store %arg9[%swap3A_377, %swap3A_378], %swap3A_381 {strides = array<i32>} : memref<16x64xf32, #tpu.memory_space<vmem>>, vector<1x16xf32>,
    %swap3A_382 = arith.constant 15 : i32
    %swap3A_383 = arith.index_cast %swap3A_382 : i32 to index
    %swap3A_384 = arith.constant 48 : index
    %swap3A_385 = tpu.vector_load %arg9[%swap3A_383, %swap3A_384] {strides = array<i32>} : memref<16x64xf32, #tpu.memory_space<vmem>>, vector<1x16xf32>,
    %swap3A_386 = vector.shape_cast %swap3A_385 : vector<1x16xf32> to vector<16xf32>
    %swap3A_387 = vector.shape_cast %broadcast_in_dim3A_4 : vector<16xf32> to vector<1x16xf32>
    tpu.vector_store %arg9[%swap3A_383, %swap3A_384], %swap3A_387 {strides = array<i32>} : memref<16x64xf32, #tpu.memory_space<vmem>>, vector<1x16xf32>,
    %mul3A_388 = arith.constant 640 : i32
    %mul3A_389 = arith.muli %arg1, %mul3A_388 : i32
    %scan3A = arith.constant 0 : i32
    %scan3A_390 = arith.constant 0 : i32
    %scan3A_391 = arith.constant 40 : i32
    %scan3A_392 = arith.addi %scan3A_390, %scan3A_391 : i32
    %scan3A_393 = arith.constant 1 : i32
    scf.for %scan3A_408 = %scan3A_390 to %scan3A_392 step %scan3A_393  : i32 {
      %mul3A_409 = arith.constant 16 : i32
      %mul3A_410 = arith.muli %scan3A_408, %mul3A_409 : i32
      %add3A_411 = arith.addi %mul3A_389, %mul3A_410 : i32
      "tpu.region"() ({
        %run_scoped3A = tpu.sem_alloc : memref<!tpu.dma_semaphore, #tpu.memory_space<semaphore_mem>>
        %dma_start3A = arith.constant 0 : i32
        %dma_start3A_412 = tpu.memref_slice %arg10[%add3A_411, %dma_start3A] : memref<10240x64xf32, #tpu.memory_space<vmem_shared>> -> memref<16x64xf32, #tpu.memory_space<vmem_shared>>
        %dma_start3A_413 = arith.constant 0 : i32
        %dma_start3A_414 = tpu.memref_slice %arg10[%add3A_411, %dma_start3A_413] : memref<10240x64xf32, #tpu.memory_space<vmem_shared>> -> memref<16x64xf32, #tpu.memory_space<vmem_shared>>
        tpu.enqueue_dma source(%arg9 : memref<16x64xf32, #tpu.memory_space<vmem>>) target(%dma_start3A_414 : memref<16x64xf32, #tpu.memory_space<vmem_shared>>) target_semaphore(%run_scoped3A : memref<!tpu.dma_semaphore, #tpu.memory_space<semaphore_mem>>)
        %dma_wait3A = arith.constant 0 : i32
        %dma_wait3A_415 = tpu.memref_slice %arg10[%add3A_411, %dma_wait3A] : memref<10240x64xf32, #tpu.memory_space<vmem_shared>> -> memref<16x64xf32, #tpu.memory_space<vmem_shared>>
        %dma_wait3A_416 = arith.constant 0 : i32
        %dma_wait3A_417 = tpu.memref_slice %arg10[%add3A_411, %dma_wait3A_416] : memref<10240x64xf32, #tpu.memory_space<vmem_shared>> -> memref<16x64xf32, #tpu.memory_space<vmem_shared>>
        tpu.wait_dma2 semaphore(%run_scoped3A : memref<!tpu.dma_semaphore, #tpu.memory_space<semaphore_mem>>) src(%arg9 : memref<16x64xf32, #tpu.memory_space<vmem>>) dst(%dma_wait3A_417 : memref<16x64xf32, #tpu.memory_space<vmem_shared>>)
        tpu.yield
      }) : () -> ()
    }
    %scan3A_394 = arith.constant 40 : i32
    %add3A_395 = arith.constant 640 : i32
    %add3A_396 = arith.addi %mul3A_389, %add3A_395 : i32
    %sub3A = arith.constant 16 : i32
    %sub3A_397 = arith.subi %add3A_396, %sub3A : i32
    "tpu.region"() ({
      %run_scoped3A = tpu.sem_alloc : memref<!tpu.dma_semaphore, #tpu.memory_space<semaphore_mem>>
      %dma_start3A = arith.constant 0 : i32
      %dma_start3A_408 = tpu.memref_slice %arg10[%sub3A_397, %dma_start3A] : memref<10240x64xf32, #tpu.memory_space<vmem_shared>> -> memref<16x64xf32, #tpu.memory_space<vmem_shared>>
      %dma_start3A_409 = arith.constant 0 : i32
      %dma_start3A_410 = tpu.memref_slice %arg10[%sub3A_397, %dma_start3A_409] : memref<10240x64xf32, #tpu.memory_space<vmem_shared>> -> memref<16x64xf32, #tpu.memory_space<vmem_shared>>
      tpu.enqueue_dma source(%dma_start3A_410 : memref<16x64xf32, #tpu.memory_space<vmem_shared>>) target(%arg9 : memref<16x64xf32, #tpu.memory_space<vmem>>) target_semaphore(%run_scoped3A : memref<!tpu.dma_semaphore, #tpu.memory_space<semaphore_mem>>)
      %dma_wait3A = arith.constant 0 : i32
      %dma_wait3A_411 = tpu.memref_slice %arg10[%sub3A_397, %dma_wait3A] : memref<10240x64xf32, #tpu.memory_space<vmem_shared>> -> memref<16x64xf32, #tpu.memory_space<vmem_shared>>
      %dma_wait3A_412 = arith.constant 0 : i32
      %dma_wait3A_413 = tpu.memref_slice %arg10[%sub3A_397, %dma_wait3A_412] : memref<10240x64xf32, #tpu.memory_space<vmem_shared>> -> memref<16x64xf32, #tpu.memory_space<vmem_shared>>
      tpu.wait_dma2 semaphore(%run_scoped3A : memref<!tpu.dma_semaphore, #tpu.memory_space<semaphore_mem>>) src(%dma_wait3A_413 : memref<16x64xf32, #tpu.memory_space<vmem_shared>>) dst(%arg9 : memref<16x64xf32, #tpu.memory_space<vmem>>)
      tpu.yield
    }) : () -> ()
    "tpu.region"() ({
      %run_scoped3A = tpu.sem_alloc : memref<!tpu.dma_semaphore, #tpu.memory_space<semaphore_mem>>
      %dma_start3A = arith.constant 0 : i32
      %dma_start3A_408 = arith.constant 0 : i32
      %dma_start3A_409 = tpu.memref_slice %arg6[%dma_start3A, %dma_start3A_408] : memref<79x128xi32, #tpu.memory_space<vmem>> -> memref<79x128xi32, #tpu.memory_space<vmem>>
      %dma_start3A_410 = arith.constant 0 : i32
      %dma_start3A_411 = arith.constant 0 : i32
      %dma_start3A_412 = tpu.memref_slice %arg3[%add3A, %dma_start3A_410, %dma_start3A_411] : memref<32x79x128xi32, #tpu.memory_space<hbm>> -> memref<1x79x128xi32, #tpu.memory_space<hbm>>
      %dma_start3A_413 = tpu.memref_squeeze %dma_start3A_412 : memref<1x79x128xi32, #tpu.memory_space<hbm>> -> memref<79x128xi32, #tpu.memory_space<hbm>>
      %dma_start3A_414 = arith.constant 0 : i32
      %dma_start3A_415 = arith.constant 0 : i32
      %dma_start3A_416 = tpu.memref_slice %arg6[%dma_start3A_414, %dma_start3A_415] : memref<79x128xi32, #tpu.memory_space<vmem>> -> memref<79x128xi32, #tpu.memory_space<vmem>>
      %dma_start3A_417 = arith.constant 0 : i32
      %dma_start3A_418 = arith.constant 0 : i32
      %dma_start3A_419 = tpu.memref_slice %arg3[%add3A, %dma_start3A_417, %dma_start3A_418] : memref<32x79x128xi32, #tpu.memory_space<hbm>> -> memref<1x79x128xi32, #tpu.memory_space<hbm>>
      %dma_start3A_420 = tpu.memref_squeeze %dma_start3A_419 : memref<1x79x128xi32, #tpu.memory_space<hbm>> -> memref<79x128xi32, #tpu.memory_space<hbm>>
      tpu.enqueue_dma source(%dma_start3A_420 : memref<79x128xi32, #tpu.memory_space<hbm>>) target(%dma_start3A_416 : memref<79x128xi32, #tpu.memory_space<vmem>>) target_semaphore(%run_scoped3A : memref<!tpu.dma_semaphore, #tpu.memory_space<semaphore_mem>>)
      %dma_wait3A = arith.constant 0 : i32
      %dma_wait3A_421 = arith.constant 0 : i32
      %dma_wait3A_422 = tpu.memref_slice %arg6[%dma_wait3A, %dma_wait3A_421] : memref<79x128xi32, #tpu.memory_space<vmem>> -> memref<79x128xi32, #tpu.memory_space<vmem>>
      %dma_wait3A_423 = arith.constant 0 : i32
      %dma_wait3A_424 = arith.constant 0 : i32
      %dma_wait3A_425 = tpu.memref_slice %arg3[%add3A, %dma_wait3A_423, %dma_wait3A_424] : memref<32x79x128xi32, #tpu.memory_space<hbm>> -> memref<1x79x128xi32, #tpu.memory_space<hbm>>
      %dma_wait3A_426 = tpu.memref_squeeze %dma_wait3A_425 : memref<1x79x128xi32, #tpu.memory_space<hbm>> -> memref<79x128xi32, #tpu.memory_space<hbm>>
      %dma_wait3A_427 = arith.constant 0 : i32
      %dma_wait3A_428 = arith.constant 0 : i32
      %dma_wait3A_429 = tpu.memref_slice %arg6[%dma_wait3A_427, %dma_wait3A_428] : memref<79x128xi32, #tpu.memory_space<vmem>> -> memref<79x128xi32, #tpu.memory_space<vmem>>
      %dma_wait3A_430 = arith.constant 0 : i32
      %dma_wait3A_431 = arith.constant 0 : i32
      %dma_wait3A_432 = tpu.memref_slice %arg3[%add3A, %dma_wait3A_430, %dma_wait3A_431] : memref<32x79x128xi32, #tpu.memory_space<hbm>> -> memref<1x79x128xi32, #tpu.memory_space<hbm>>
      %dma_wait3A_433 = tpu.memref_squeeze %dma_wait3A_432 : memref<1x79x128xi32, #tpu.memory_space<hbm>> -> memref<79x128xi32, #tpu.memory_space<hbm>>
      tpu.wait_dma2 semaphore(%run_scoped3A : memref<!tpu.dma_semaphore, #tpu.memory_space<semaphore_mem>>) src(%dma_wait3A_433 : memref<79x128xi32, #tpu.memory_space<hbm>>) dst(%dma_wait3A_429 : memref<79x128xi32, #tpu.memory_space<vmem>>)
      tpu.yield
    }) : () -> ()
    "tpu.region"() ({
      %run_scoped3A = tpu.sem_alloc : memref<!tpu.dma_semaphore, #tpu.memory_space<semaphore_mem>>
      %dma_start3A = arith.constant 0 : i32
      %dma_start3A_408 = arith.constant 0 : i32
      %dma_start3A_409 = tpu.memref_slice %arg7[%dma_start3A, %dma_start3A_408] : memref<79x128xi32, #tpu.memory_space<vmem>> -> memref<79x128xi32, #tpu.memory_space<vmem>>
      %dma_start3A_410 = arith.constant 0 : i32
      %dma_start3A_411 = arith.constant 0 : i32
      %dma_start3A_412 = tpu.memref_slice %arg4[%add3A, %dma_start3A_410, %dma_start3A_411] : memref<32x79x128xi32, #tpu.memory_space<hbm>> -> memref<1x79x128xi32, #tpu.memory_space<hbm>>
      %dma_start3A_413 = tpu.memref_squeeze %dma_start3A_412 : memref<1x79x128xi32, #tpu.memory_space<hbm>> -> memref<79x128xi32, #tpu.memory_space<hbm>>
      %dma_start3A_414 = arith.constant 0 : i32
      %dma_start3A_415 = arith.constant 0 : i32
      %dma_start3A_416 = tpu.memref_slice %arg7[%dma_start3A_414, %dma_start3A_415] : memref<79x128xi32, #tpu.memory_space<vmem>> -> memref<79x128xi32, #tpu.memory_space<vmem>>
      %dma_start3A_417 = arith.constant 0 : i32
      %dma_start3A_418 = arith.constant 0 : i32
      %dma_start3A_419 = tpu.memref_slice %arg4[%add3A, %dma_start3A_417, %dma_start3A_418] : memref<32x79x128xi32, #tpu.memory_space<hbm>> -> memref<1x79x128xi32, #tpu.memory_space<hbm>>
      %dma_start3A_420 = tpu.memref_squeeze %dma_start3A_419 : memref<1x79x128xi32, #tpu.memory_space<hbm>> -> memref<79x128xi32, #tpu.memory_space<hbm>>
      tpu.enqueue_dma source(%dma_start3A_420 : memref<79x128xi32, #tpu.memory_space<hbm>>) target(%dma_start3A_416 : memref<79x128xi32, #tpu.memory_space<vmem>>) target_semaphore(%run_scoped3A : memref<!tpu.dma_semaphore, #tpu.memory_space<semaphore_mem>>)
      %dma_wait3A = arith.constant 0 : i32
      %dma_wait3A_421 = arith.constant 0 : i32
      %dma_wait3A_422 = tpu.memref_slice %arg7[%dma_wait3A, %dma_wait3A_421] : memref<79x128xi32, #tpu.memory_space<vmem>> -> memref<79x128xi32, #tpu.memory_space<vmem>>
      %dma_wait3A_423 = arith.constant 0 : i32
      %dma_wait3A_424 = arith.constant 0 : i32
      %dma_wait3A_425 = tpu.memref_slice %arg4[%add3A, %dma_wait3A_423, %dma_wait3A_424] : memref<32x79x128xi32, #tpu.memory_space<hbm>> -> memref<1x79x128xi32, #tpu.memory_space<hbm>>
      %dma_wait3A_426 = tpu.memref_squeeze %dma_wait3A_425 : memref<1x79x128xi32, #tpu.memory_space<hbm>> -> memref<79x128xi32, #tpu.memory_space<hbm>>
      %dma_wait3A_427 = arith.constant 0 : i32
      %dma_wait3A_428 = arith.constant 0 : i32
      %dma_wait3A_429 = tpu.memref_slice %arg7[%dma_wait3A_427, %dma_wait3A_428] : memref<79x128xi32, #tpu.memory_space<vmem>> -> memref<79x128xi32, #tpu.memory_space<vmem>>
      %dma_wait3A_430 = arith.constant 0 : i32
      %dma_wait3A_431 = arith.constant 0 : i32
      %dma_wait3A_432 = tpu.memref_slice %arg4[%add3A, %dma_wait3A_430, %dma_wait3A_431] : memref<32x79x128xi32, #tpu.memory_space<hbm>> -> memref<1x79x128xi32, #tpu.memory_space<hbm>>
      %dma_wait3A_433 = tpu.memref_squeeze %dma_wait3A_432 : memref<1x79x128xi32, #tpu.memory_space<hbm>> -> memref<79x128xi32, #tpu.memory_space<hbm>>
      tpu.wait_dma2 semaphore(%run_scoped3A : memref<!tpu.dma_semaphore, #tpu.memory_space<semaphore_mem>>) src(%dma_wait3A_433 : memref<79x128xi32, #tpu.memory_space<hbm>>) dst(%dma_wait3A_429 : memref<79x128xi32, #tpu.memory_space<vmem>>)
      tpu.yield
    }) : () -> ()
    %barrier3A = arith.constant 0 : index
    tpu.barrier barrier_id(%barrier3A)
    %while3A = arith.constant 0 : i32
    %while3A_398 = arith.constant 0 : i32
    %while3A_399 = arith.subi %select_n3A_3, %while3A_398 : i32
    %while3A_400 = arith.addi %while3A_398, %while3A_399 : i32
    %while3A_401 = arith.constant 1 : i32
    %while3A_402 = arith.divsi %while3A_399, %while3A_401 : i32
    %while3A_403 = arith.muli %while3A_402, %while3A_401 : i32
    %while3A_404 = arith.addi %while3A_398, %while3A_403 : i32
    %while3A_405 = arith.constant 1 : i32
    scf.for %while3A_408 = %while3A_398 to %while3A_404 step %while3A_405  : i32 {
      %dma_start3A = arith.constant 0 : i32
      %dma_start3A_409 = arith.constant 0 : i32
      %dma_start3A_410 = arith.constant 0 : i32
      %dma_start3A_411 = tpu.memref_slice %arg8[%dma_start3A, %dma_start3A_409, %dma_start3A_410] : memref<1x128x64xf32, #tpu.memory_space<vmem>> -> memref<1x128x64xf32, #tpu.memory_space<vmem>>
      %dma_start3A_412 = tpu.memref_squeeze %dma_start3A_411 : memref<1x128x64xf32, #tpu.memory_space<vmem>> -> memref<128x64xf32, #tpu.memory_space<vmem>>
      %dma_start3A_413 = arith.constant 0 : i32
      %dma_start3A_414 = tpu.memref_slice %arg6[%while3A_408, %dma_start3A_413] : memref<79x128xi32, #tpu.memory_space<vmem>> -> memref<1x128xi32, #tpu.memory_space<vmem>>
      %dma_start3A_415 = tpu.memref_squeeze %dma_start3A_414 : memref<1x128xi32, #tpu.memory_space<vmem>> -> memref<128xi32, #tpu.memory_space<vmem>>
      %dma_start3A_416 = arith.constant 0 : i32
      %dma_start3A_417 = arith.constant 0 : i32
      %dma_start3A_418 = tpu.memref_slice %arg2[%dma_start3A_416, %dma_start3A_417] : memref<10000x64xf32, #tpu.memory_space<hbm>> -> memref<10000x64xf32, #tpu.memory_space<hbm>>
      tpu.enqueue_indirect_dma source(%dma_start3A_418 : memref<10000x64xf32, #tpu.memory_space<hbm>>) target(%dma_start3A_412 : memref<128x64xf32, #tpu.memory_space<vmem>>) offsets(%dma_start3A_415 : memref<128xi32, #tpu.memory_space<vmem>>) semaphore(%arg11 : memref<!tpu.dma_semaphore, #tpu.memory_space<semaphore_mem>>)
      %dma_wait3A = arith.constant 0 : i32
      %dma_wait3A_419 = arith.constant 0 : i32
      %dma_wait3A_420 = arith.constant 0 : i32
      %dma_wait3A_421 = tpu.memref_slice %arg8[%dma_wait3A, %dma_wait3A_419, %dma_wait3A_420] : memref<1x128x64xf32, #tpu.memory_space<vmem>> -> memref<1x128x64xf32, #tpu.memory_space<vmem>>
      %dma_wait3A_422 = tpu.memref_squeeze %dma_wait3A_421 : memref<1x128x64xf32, #tpu.memory_space<vmem>> -> memref<128x64xf32, #tpu.memory_space<vmem>>
      %dma_wait3A_423 = arith.constant 0 : i32
      %dma_wait3A_424 = tpu.memref_slice %arg6[%while3A_408, %dma_wait3A_423] : memref<79x128xi32, #tpu.memory_space<vmem>> -> memref<1x128xi32, #tpu.memory_space<vmem>>
      %dma_wait3A_425 = tpu.memref_squeeze %dma_wait3A_424 : memref<1x128xi32, #tpu.memory_space<vmem>> -> memref<128xi32, #tpu.memory_space<vmem>>
      %dma_wait3A_426 = arith.constant 0 : i32
      %dma_wait3A_427 = arith.constant 0 : i32
      %dma_wait3A_428 = tpu.memref_slice %arg2[%dma_wait3A_426, %dma_wait3A_427] : memref<10000x64xf32, #tpu.memory_space<hbm>> -> memref<10000x64xf32, #tpu.memory_space<hbm>>
      tpu.wait_indirect_dma semaphore(%arg11 : memref<!tpu.dma_semaphore, #tpu.memory_space<semaphore_mem>>) src(%dma_wait3A_428 : memref<10000x64xf32, #tpu.memory_space<hbm>>) dst(%dma_wait3A_422 : memref<128x64xf32, #tpu.memory_space<vmem>>)
      %run_scoped3A = arith.constant 0 : i32
      "tpu.region"() ({
        %run_scoped3A_429 = tpu.sem_alloc : memref<!tpu.dma_semaphore, #tpu.memory_space<semaphore_mem>>
        %dma_start3A_430 = arith.constant 0 : i32
        %dma_start3A_431 = arith.constant 0 : i32
        %dma_start3A_432 = tpu.memref_slice %arg8[%run_scoped3A, %dma_start3A_430, %dma_start3A_431] : memref<1x128x64xf32, #tpu.memory_space<vmem>> -> memref<1x128x64xf32, #tpu.memory_space<vmem>>
        %dma_start3A_433 = tpu.memref_squeeze %dma_start3A_432 : memref<1x128x64xf32, #tpu.memory_space<vmem>> -> memref<128x64xf32, #tpu.memory_space<vmem>>
        %dma_start3A_434 = arith.constant 0 : i32
        %dma_start3A_435 = tpu.memref_slice %arg7[%while3A_408, %dma_start3A_434] : memref<79x128xi32, #tpu.memory_space<vmem>> -> memref<1x128xi32, #tpu.memory_space<vmem>>
        %dma_start3A_436 = tpu.memref_squeeze %dma_start3A_435 : memref<1x128xi32, #tpu.memory_space<vmem>> -> memref<128xi32, #tpu.memory_space<vmem>>
        %dma_start3A_437 = arith.constant 0 : i32
        %dma_start3A_438 = arith.constant 0 : i32
        %dma_start3A_439 = tpu.memref_slice %arg10[%dma_start3A_437, %dma_start3A_438] : memref<10240x64xf32, #tpu.memory_space<vmem_shared>> -> memref<10240x64xf32, #tpu.memory_space<vmem_shared>>
        tpu.enqueue_indirect_dma source(%dma_start3A_433 : memref<128x64xf32, #tpu.memory_space<vmem>>) target(%dma_start3A_439 : memref<10240x64xf32, #tpu.memory_space<vmem_shared>>) offsets(%dma_start3A_436 : memref<128xi32, #tpu.memory_space<vmem>>) semaphore(%run_scoped3A_429 : memref<!tpu.dma_semaphore, #tpu.memory_space<semaphore_mem>>) {add = true}
        %dma_wait3A_440 = arith.constant 0 : i32
        %dma_wait3A_441 = arith.constant 0 : i32
        %dma_wait3A_442 = tpu.memref_slice %arg8[%run_scoped3A, %dma_wait3A_440, %dma_wait3A_441] : memref<1x128x64xf32, #tpu.memory_space<vmem>> -> memref<1x128x64xf32, #tpu.memory_space<vmem>>
        %dma_wait3A_443 = tpu.memref_squeeze %dma_wait3A_442 : memref<1x128x64xf32, #tpu.memory_space<vmem>> -> memref<128x64xf32, #tpu.memory_space<vmem>>
        %dma_wait3A_444 = arith.constant 0 : i32
        %dma_wait3A_445 = tpu.memref_slice %arg7[%while3A_408, %dma_wait3A_444] : memref<79x128xi32, #tpu.memory_space<vmem>> -> memref<1x128xi32, #tpu.memory_space<vmem>>
        %dma_wait3A_446 = tpu.memref_squeeze %dma_wait3A_445 : memref<1x128xi32, #tpu.memory_space<vmem>> -> memref<128xi32, #tpu.memory_space<vmem>>
        %dma_wait3A_447 = arith.constant 0 : i32
        %dma_wait3A_448 = arith.constant 0 : i32
        %dma_wait3A_449 = tpu.memref_slice %arg10[%dma_wait3A_447, %dma_wait3A_448] : memref<10240x64xf32, #tpu.memory_space<vmem_shared>> -> memref<10240x64xf32, #tpu.memory_space<vmem_shared>>
        tpu.wait_indirect_dma semaphore(%run_scoped3A_429 : memref<!tpu.dma_semaphore, #tpu.memory_space<semaphore_mem>>) src(%dma_wait3A_443 : memref<128x64xf32, #tpu.memory_space<vmem>>) dst(%dma_wait3A_449 : memref<10240x64xf32, #tpu.memory_space<vmem_shared>>)
        tpu.yield
      }) : () -> ()
    }
    %while3A_406 = arith.constant 1 : i32
    scf.for %while3A_408 = %while3A_404 to %while3A_400 step %while3A_406  : i32 {
      %dma_start3A = arith.constant 0 : i32
      %dma_start3A_409 = arith.constant 0 : i32
      %dma_start3A_410 = arith.constant 0 : i32
      %dma_start3A_411 = tpu.memref_slice %arg8[%dma_start3A, %dma_start3A_409, %dma_start3A_410] : memref<1x128x64xf32, #tpu.memory_space<vmem>> -> memref<1x128x64xf32, #tpu.memory_space<vmem>>
      %dma_start3A_412 = tpu.memref_squeeze %dma_start3A_411 : memref<1x128x64xf32, #tpu.memory_space<vmem>> -> memref<128x64xf32, #tpu.memory_space<vmem>>
      %dma_start3A_413 = arith.constant 0 : i32
      %dma_start3A_414 = tpu.memref_slice %arg6[%while3A_408, %dma_start3A_413] : memref<79x128xi32, #tpu.memory_space<vmem>> -> memref<1x128xi32, #tpu.memory_space<vmem>>
      %dma_start3A_415 = tpu.memref_squeeze %dma_start3A_414 : memref<1x128xi32, #tpu.memory_space<vmem>> -> memref<128xi32, #tpu.memory_space<vmem>>
      %dma_start3A_416 = arith.constant 0 : i32
      %dma_start3A_417 = arith.constant 0 : i32
      %dma_start3A_418 = tpu.memref_slice %arg2[%dma_start3A_416, %dma_start3A_417] : memref<10000x64xf32, #tpu.memory_space<hbm>> -> memref<10000x64xf32, #tpu.memory_space<hbm>>
      tpu.enqueue_indirect_dma source(%dma_start3A_418 : memref<10000x64xf32, #tpu.memory_space<hbm>>) target(%dma_start3A_412 : memref<128x64xf32, #tpu.memory_space<vmem>>) offsets(%dma_start3A_415 : memref<128xi32, #tpu.memory_space<vmem>>) semaphore(%arg11 : memref<!tpu.dma_semaphore, #tpu.memory_space<semaphore_mem>>)
      %dma_wait3A = arith.constant 0 : i32
      %dma_wait3A_419 = arith.constant 0 : i32
      %dma_wait3A_420 = arith.constant 0 : i32
      %dma_wait3A_421 = tpu.memref_slice %arg8[%dma_wait3A, %dma_wait3A_419, %dma_wait3A_420] : memref<1x128x64xf32, #tpu.memory_space<vmem>> -> memref<1x128x64xf32, #tpu.memory_space<vmem>>
      %dma_wait3A_422 = tpu.memref_squeeze %dma_wait3A_421 : memref<1x128x64xf32, #tpu.memory_space<vmem>> -> memref<128x64xf32, #tpu.memory_space<vmem>>
      %dma_wait3A_423 = arith.constant 0 : i32
      %dma_wait3A_424 = tpu.memref_slice %arg6[%while3A_408, %dma_wait3A_423] : memref<79x128xi32, #tpu.memory_space<vmem>> -> memref<1x128xi32, #tpu.memory_space<vmem>>
      %dma_wait3A_425 = tpu.memref_squeeze %dma_wait3A_424 : memref<1x128xi32, #tpu.memory_space<vmem>> -> memref<128xi32, #tpu.memory_space<vmem>>
      %dma_wait3A_426 = arith.constant 0 : i32
      %dma_wait3A_427 = arith.constant 0 : i32
      %dma_wait3A_428 = tpu.memref_slice %arg2[%dma_wait3A_426, %dma_wait3A_427] : memref<10000x64xf32, #tpu.memory_space<hbm>> -> memref<10000x64xf32, #tpu.memory_space<hbm>>
      tpu.wait_indirect_dma semaphore(%arg11 : memref<!tpu.dma_semaphore, #tpu.memory_space<semaphore_mem>>) src(%dma_wait3A_428 : memref<10000x64xf32, #tpu.memory_space<hbm>>) dst(%dma_wait3A_422 : memref<128x64xf32, #tpu.memory_space<vmem>>)
      %run_scoped3A = arith.constant 0 : i32
      "tpu.region"() ({
        %run_scoped3A_429 = tpu.sem_alloc : memref<!tpu.dma_semaphore, #tpu.memory_space<semaphore_mem>>
        %dma_start3A_430 = arith.constant 0 : i32
        %dma_start3A_431 = arith.constant 0 : i32
        %dma_start3A_432 = tpu.memref_slice %arg8[%run_scoped3A, %dma_start3A_430, %dma_start3A_431] : memref<1x128x64xf32, #tpu.memory_space<vmem>> -> memref<1x128x64xf32, #tpu.memory_space<vmem>>
        %dma_start3A_433 = tpu.memref_squeeze %dma_start3A_432 : memref<1x128x64xf32, #tpu.memory_space<vmem>> -> memref<128x64xf32, #tpu.memory_space<vmem>>
        %dma_start3A_434 = arith.constant 0 : i32
        %dma_start3A_435 = tpu.memref_slice %arg7[%while3A_408, %dma_start3A_434] : memref<79x128xi32, #tpu.memory_space<vmem>> -> memref<1x128xi32, #tpu.memory_space<vmem>>
        %dma_start3A_436 = tpu.memref_squeeze %dma_start3A_435 : memref<1x128xi32, #tpu.memory_space<vmem>> -> memref<128xi32, #tpu.memory_space<vmem>>
        %dma_start3A_437 = arith.constant 0 : i32
        %dma_start3A_438 = arith.constant 0 : i32
        %dma_start3A_439 = tpu.memref_slice %arg10[%dma_start3A_437, %dma_start3A_438] : memref<10240x64xf32, #tpu.memory_space<vmem_shared>> -> memref<10240x64xf32, #tpu.memory_space<vmem_shared>>
        tpu.enqueue_indirect_dma source(%dma_start3A_433 : memref<128x64xf32, #tpu.memory_space<vmem>>) target(%dma_start3A_439 : memref<10240x64xf32, #tpu.memory_space<vmem_shared>>) offsets(%dma_start3A_436 : memref<128xi32, #tpu.memory_space<vmem>>) semaphore(%run_scoped3A_429 : memref<!tpu.dma_semaphore, #tpu.memory_space<semaphore_mem>>) {add = true}
        %dma_wait3A_440 = arith.constant 0 : i32
        %dma_wait3A_441 = arith.constant 0 : i32
        %dma_wait3A_442 = tpu.memref_slice %arg8[%run_scoped3A, %dma_wait3A_440, %dma_wait3A_441] : memref<1x128x64xf32, #tpu.memory_space<vmem>> -> memref<1x128x64xf32, #tpu.memory_space<vmem>>
        %dma_wait3A_443 = tpu.memref_squeeze %dma_wait3A_442 : memref<1x128x64xf32, #tpu.memory_space<vmem>> -> memref<128x64xf32, #tpu.memory_space<vmem>>
        %dma_wait3A_444 = arith.constant 0 : i32
        %dma_wait3A_445 = tpu.memref_slice %arg7[%while3A_408, %dma_wait3A_444] : memref<79x128xi32, #tpu.memory_space<vmem>> -> memref<1x128xi32, #tpu.memory_space<vmem>>
        %dma_wait3A_446 = tpu.memref_squeeze %dma_wait3A_445 : memref<1x128xi32, #tpu.memory_space<vmem>> -> memref<128xi32, #tpu.memory_space<vmem>>
        %dma_wait3A_447 = arith.constant 0 : i32
        %dma_wait3A_448 = arith.constant 0 : i32
        %dma_wait3A_449 = tpu.memref_slice %arg10[%dma_wait3A_447, %dma_wait3A_448] : memref<10240x64xf32, #tpu.memory_space<vmem_shared>> -> memref<10240x64xf32, #tpu.memory_space<vmem_shared>>
        tpu.wait_indirect_dma semaphore(%run_scoped3A_429 : memref<!tpu.dma_semaphore, #tpu.memory_space<semaphore_mem>>) src(%dma_wait3A_443 : memref<128x64xf32, #tpu.memory_space<vmem>>) dst(%dma_wait3A_449 : memref<10240x64xf32, #tpu.memory_space<vmem_shared>>)
        tpu.yield
      }) : () -> ()
    }
    "tpu.region"() ({
      %run_scoped3A = tpu.sem_alloc : memref<!tpu.dma_semaphore, #tpu.memory_space<semaphore_mem>>
      %dma_start3A = arith.constant 0 : i32
      %dma_start3A_408 = tpu.memref_slice %arg10[%mul3A_389, %dma_start3A] : memref<10240x64xf32, #tpu.memory_space<vmem_shared>> -> memref<16x64xf32, #tpu.memory_space<vmem_shared>>
      %dma_start3A_409 = arith.constant 0 : i32
      %dma_start3A_410 = tpu.memref_slice %arg10[%mul3A_389, %dma_start3A_409] : memref<10240x64xf32, #tpu.memory_space<vmem_shared>> -> memref<16x64xf32, #tpu.memory_space<vmem_shared>>
      tpu.enqueue_dma source(%dma_start3A_410 : memref<16x64xf32, #tpu.memory_space<vmem_shared>>) target(%arg9 : memref<16x64xf32, #tpu.memory_space<vmem>>) target_semaphore(%run_scoped3A : memref<!tpu.dma_semaphore, #tpu.memory_space<semaphore_mem>>)
      %dma_wait3A = arith.constant 0 : i32
      %dma_wait3A_411 = tpu.memref_slice %arg10[%mul3A_389, %dma_wait3A] : memref<10240x64xf32, #tpu.memory_space<vmem_shared>> -> memref<16x64xf32, #tpu.memory_space<vmem_shared>>
      %dma_wait3A_412 = arith.constant 0 : i32
      %dma_wait3A_413 = tpu.memref_slice %arg10[%mul3A_389, %dma_wait3A_412] : memref<10240x64xf32, #tpu.memory_space<vmem_shared>> -> memref<16x64xf32, #tpu.memory_space<vmem_shared>>
      tpu.wait_dma2 semaphore(%run_scoped3A : memref<!tpu.dma_semaphore, #tpu.memory_space<semaphore_mem>>) src(%dma_wait3A_413 : memref<16x64xf32, #tpu.memory_space<vmem_shared>>) dst(%arg9 : memref<16x64xf32, #tpu.memory_space<vmem>>)
      tpu.yield
    }) : () -> ()
    %barrier3A_407 = arith.constant 0 : index
    tpu.barrier barrier_id(%barrier3A_407)
    "tpu.region"() ({
      %run_scoped3A = tpu.sem_alloc : memref<!tpu.dma_semaphore, #tpu.memory_space<semaphore_mem>>
      %dma_start3A = arith.constant 0 : i32
      %dma_start3A_408 = tpu.memref_slice %arg5[%arg0, %mul3A_389, %dma_start3A] : memref<2x10240x64xf32, #tpu.memory_space<hbm>> -> memref<1x640x64xf32, #tpu.memory_space<hbm>>
      %dma_start3A_409 = tpu.memref_squeeze %dma_start3A_408 : memref<1x640x64xf32, #tpu.memory_space<hbm>> -> memref<640x64xf32, #tpu.memory_space<hbm>>
      %dma_start3A_410 = arith.constant 0 : i32
      %dma_start3A_411 = tpu.memref_slice %arg10[%mul3A_389, %dma_start3A_410] : memref<10240x64xf32, #tpu.memory_space<vmem_shared>> -> memref<640x64xf32, #tpu.memory_space<vmem_shared>>
      tpu.enqueue_dma source(%dma_start3A_411 : memref<640x64xf32, #tpu.memory_space<vmem_shared>>) target(%dma_start3A_409 : memref<640x64xf32, #tpu.memory_space<hbm>>) target_semaphore(%run_scoped3A : memref<!tpu.dma_semaphore, #tpu.memory_space<semaphore_mem>>)
      %dma_wait3A = arith.constant 0 : i32
      %dma_wait3A_412 = tpu.memref_slice %arg5[%arg0, %mul3A_389, %dma_wait3A] : memref<2x10240x64xf32, #tpu.memory_space<hbm>> -> memref<1x640x64xf32, #tpu.memory_space<hbm>>
      %dma_wait3A_413 = tpu.memref_squeeze %dma_wait3A_412 : memref<1x640x64xf32, #tpu.memory_space<hbm>> -> memref<640x64xf32, #tpu.memory_space<hbm>>
      %dma_wait3A_414 = arith.constant 0 : i32
      %dma_wait3A_415 = tpu.memref_slice %arg10[%mul3A_389, %dma_wait3A_414] : memref<10240x64xf32, #tpu.memory_space<vmem_shared>> -> memref<640x64xf32, #tpu.memory_space<vmem_shared>>
      tpu.wait_dma2 semaphore(%run_scoped3A : memref<!tpu.dma_semaphore, #tpu.memory_space<semaphore_mem>>) src(%dma_wait3A_415 : memref<640x64xf32, #tpu.memory_space<vmem_shared>>) dst(%dma_wait3A_413 : memref<640x64xf32, #tpu.memory_space<hbm>>)
      tpu.yield
    }) : () -> ()
    return
  }
}

#map = affine_map<(d0, d1) -> (0, 0)>
#map1 = affine_map<(d0, d1) -> (0, 0, 0)>
module attributes {stable_mosaic.version = 14 : i64} {
  func.func @body(%arg0: i32, %arg1: i32, %arg2: memref<10000x32xf32, #tpu.memory_space<hbm>>, %arg3: memref<32x79x128xi32, #tpu.memory_space<hbm>>, %arg4: memref<32x79x128xi32, #tpu.memory_space<hbm>>, %arg5: memref<2x10240x32xf32, #tpu.memory_space<hbm>>, %arg6: memref<79x128xi32, #tpu.memory_space<vmem>>, %arg7: memref<79x128xi32, #tpu.memory_space<vmem>>, %arg8: memref<1x128x32xf32, #tpu.memory_space<vmem>>, %arg9: memref<16x32xf32, #tpu.memory_space<vmem>>, %arg10: memref<10240x32xf32, #tpu.memory_space<vmem_shared>>, %arg11: memref<!tpu.dma_semaphore, #tpu.memory_space<semaphore_mem>>) attributes {dimension_semantics = [#tpu.dimension_semantics<core_parallel>, #tpu.dimension_semantics<subcore_parallel>], iteration_bounds = array<i64: 2, 16>, scalar_prefetch = 0 : i64, scratch_operands = 6 : i64, tpu.core_type = #tpu.core_type<sc_vector_subcore>, window_params = [{transform_indices = #map}, {transform_indices = #map1}, {transform_indices = #map1}, {transform_indices = #map1}]} {
    %mul3A = arith.constant 2 : i32
    %mul3A_0 = arith.muli %arg1, %mul3A : i32
    %add3A = arith.addi %mul3A_0, %arg0 : i32
    %eq3A = arith.constant 0 : i32
    %eq3A_1 = arith.cmpi eq, %arg0, %eq3A : i32
    %select_n3A = arith.constant 79 : i32
    %select_n3A_2 = arith.constant 79 : i32
    %select_n3A_3 = arith.select %eq3A_1, %select_n3A_2, %select_n3A : i32
    %broadcast_in_dim3A = arith.constant 0.000000e+00 : f32
    %broadcast_in_dim3A_4 = vector.broadcast %broadcast_in_dim3A : f32 to vector<16xf32>
    %swap3A = arith.constant 0 : i32
    %swap3A_5 = arith.index_cast %swap3A : i32 to index
    %swap3A_6 = arith.constant 0 : index
    %swap3A_7 = tpu.vector_load %arg9[%swap3A_5, %swap3A_6] {strides = array<i32>} : memref<16x32xf32, #tpu.memory_space<vmem>>, vector<1x16xf32>,
    %swap3A_8 = vector.shape_cast %swap3A_7 : vector<1x16xf32> to vector<16xf32>
    %swap3A_9 = vector.shape_cast %broadcast_in_dim3A_4 : vector<16xf32> to vector<1x16xf32>
    tpu.vector_store %arg9[%swap3A_5, %swap3A_6], %swap3A_9 {strides = array<i32>} : memref<16x32xf32, #tpu.memory_space<vmem>>, vector<1x16xf32>,
    %swap3A_10 = arith.constant 0 : i32
    %swap3A_11 = arith.index_cast %swap3A_10 : i32 to index
    %swap3A_12 = arith.constant 16 : index
    %swap3A_13 = tpu.vector_load %arg9[%swap3A_11, %swap3A_12] {strides = array<i32>} : memref<16x32xf32, #tpu.memory_space<vmem>>, vector<1x16xf32>,
    %swap3A_14 = vector.shape_cast %swap3A_13 : vector<1x16xf32> to vector<16xf32>
    %swap3A_15 = vector.shape_cast %broadcast_in_dim3A_4 : vector<16xf32> to vector<1x16xf32>
    tpu.vector_store %arg9[%swap3A_11, %swap3A_12], %swap3A_15 {strides = array<i32>} : memref<16x32xf32, #tpu.memory_space<vmem>>, vector<1x16xf32>,
    %swap3A_16 = arith.constant 1 : i32
    %swap3A_17 = arith.index_cast %swap3A_16 : i32 to index
    %swap3A_18 = arith.constant 0 : index
    %swap3A_19 = tpu.vector_load %arg9[%swap3A_17, %swap3A_18] {strides = array<i32>} : memref<16x32xf32, #tpu.memory_space<vmem>>, vector<1x16xf32>,
    %swap3A_20 = vector.shape_cast %swap3A_19 : vector<1x16xf32> to vector<16xf32>
    %swap3A_21 = vector.shape_cast %broadcast_in_dim3A_4 : vector<16xf32> to vector<1x16xf32>
    tpu.vector_store %arg9[%swap3A_17, %swap3A_18], %swap3A_21 {strides = array<i32>} : memref<16x32xf32, #tpu.memory_space<vmem>>, vector<1x16xf32>,
    %swap3A_22 = arith.constant 1 : i32
    %swap3A_23 = arith.index_cast %swap3A_22 : i32 to index
    %swap3A_24 = arith.constant 16 : index
    %swap3A_25 = tpu.vector_load %arg9[%swap3A_23, %swap3A_24] {strides = array<i32>} : memref<16x32xf32, #tpu.memory_space<vmem>>, vector<1x16xf32>,
    %swap3A_26 = vector.shape_cast %swap3A_25 : vector<1x16xf32> to vector<16xf32>
    %swap3A_27 = vector.shape_cast %broadcast_in_dim3A_4 : vector<16xf32> to vector<1x16xf32>
    tpu.vector_store %arg9[%swap3A_23, %swap3A_24], %swap3A_27 {strides = array<i32>} : memref<16x32xf32, #tpu.memory_space<vmem>>, vector<1x16xf32>,
    %swap3A_28 = arith.constant 2 : i32
    %swap3A_29 = arith.index_cast %swap3A_28 : i32 to index
    %swap3A_30 = arith.constant 0 : index
    %swap3A_31 = tpu.vector_load %arg9[%swap3A_29, %swap3A_30] {strides = array<i32>} : memref<16x32xf32, #tpu.memory_space<vmem>>, vector<1x16xf32>,
    %swap3A_32 = vector.shape_cast %swap3A_31 : vector<1x16xf32> to vector<16xf32>
    %swap3A_33 = vector.shape_cast %broadcast_in_dim3A_4 : vector<16xf32> to vector<1x16xf32>
    tpu.vector_store %arg9[%swap3A_29, %swap3A_30], %swap3A_33 {strides = array<i32>} : memref<16x32xf32, #tpu.memory_space<vmem>>, vector<1x16xf32>,
    %swap3A_34 = arith.constant 2 : i32
    %swap3A_35 = arith.index_cast %swap3A_34 : i32 to index
    %swap3A_36 = arith.constant 16 : index
    %swap3A_37 = tpu.vector_load %arg9[%swap3A_35, %swap3A_36] {strides = array<i32>} : memref<16x32xf32, #tpu.memory_space<vmem>>, vector<1x16xf32>,
    %swap3A_38 = vector.shape_cast %swap3A_37 : vector<1x16xf32> to vector<16xf32>
    %swap3A_39 = vector.shape_cast %broadcast_in_dim3A_4 : vector<16xf32> to vector<1x16xf32>
    tpu.vector_store %arg9[%swap3A_35, %swap3A_36], %swap3A_39 {strides = array<i32>} : memref<16x32xf32, #tpu.memory_space<vmem>>, vector<1x16xf32>,
    %swap3A_40 = arith.constant 3 : i32
    %swap3A_41 = arith.index_cast %swap3A_40 : i32 to index
    %swap3A_42 = arith.constant 0 : index
    %swap3A_43 = tpu.vector_load %arg9[%swap3A_41, %swap3A_42] {strides = array<i32>} : memref<16x32xf32, #tpu.memory_space<vmem>>, vector<1x16xf32>,
    %swap3A_44 = vector.shape_cast %swap3A_43 : vector<1x16xf32> to vector<16xf32>
    %swap3A_45 = vector.shape_cast %broadcast_in_dim3A_4 : vector<16xf32> to vector<1x16xf32>
    tpu.vector_store %arg9[%swap3A_41, %swap3A_42], %swap3A_45 {strides = array<i32>} : memref<16x32xf32, #tpu.memory_space<vmem>>, vector<1x16xf32>,
    %swap3A_46 = arith.constant 3 : i32
    %swap3A_47 = arith.index_cast %swap3A_46 : i32 to index
    %swap3A_48 = arith.constant 16 : index
    %swap3A_49 = tpu.vector_load %arg9[%swap3A_47, %swap3A_48] {strides = array<i32>} : memref<16x32xf32, #tpu.memory_space<vmem>>, vector<1x16xf32>,
    %swap3A_50 = vector.shape_cast %swap3A_49 : vector<1x16xf32> to vector<16xf32>
    %swap3A_51 = vector.shape_cast %broadcast_in_dim3A_4 : vector<16xf32> to vector<1x16xf32>
    tpu.vector_store %arg9[%swap3A_47, %swap3A_48], %swap3A_51 {strides = array<i32>} : memref<16x32xf32, #tpu.memory_space<vmem>>, vector<1x16xf32>,
    %swap3A_52 = arith.constant 4 : i32
    %swap3A_53 = arith.index_cast %swap3A_52 : i32 to index
    %swap3A_54 = arith.constant 0 : index
    %swap3A_55 = tpu.vector_load %arg9[%swap3A_53, %swap3A_54] {strides = array<i32>} : memref<16x32xf32, #tpu.memory_space<vmem>>, vector<1x16xf32>,
    %swap3A_56 = vector.shape_cast %swap3A_55 : vector<1x16xf32> to vector<16xf32>
    %swap3A_57 = vector.shape_cast %broadcast_in_dim3A_4 : vector<16xf32> to vector<1x16xf32>
    tpu.vector_store %arg9[%swap3A_53, %swap3A_54], %swap3A_57 {strides = array<i32>} : memref<16x32xf32, #tpu.memory_space<vmem>>, vector<1x16xf32>,
    %swap3A_58 = arith.constant 4 : i32
    %swap3A_59 = arith.index_cast %swap3A_58 : i32 to index
    %swap3A_60 = arith.constant 16 : index
    %swap3A_61 = tpu.vector_load %arg9[%swap3A_59, %swap3A_60] {strides = array<i32>} : memref<16x32xf32, #tpu.memory_space<vmem>>, vector<1x16xf32>,
    %swap3A_62 = vector.shape_cast %swap3A_61 : vector<1x16xf32> to vector<16xf32>
    %swap3A_63 = vector.shape_cast %broadcast_in_dim3A_4 : vector<16xf32> to vector<1x16xf32>
    tpu.vector_store %arg9[%swap3A_59, %swap3A_60], %swap3A_63 {strides = array<i32>} : memref<16x32xf32, #tpu.memory_space<vmem>>, vector<1x16xf32>,
    %swap3A_64 = arith.constant 5 : i32
    %swap3A_65 = arith.index_cast %swap3A_64 : i32 to index
    %swap3A_66 = arith.constant 0 : index
    %swap3A_67 = tpu.vector_load %arg9[%swap3A_65, %swap3A_66] {strides = array<i32>} : memref<16x32xf32, #tpu.memory_space<vmem>>, vector<1x16xf32>,
    %swap3A_68 = vector.shape_cast %swap3A_67 : vector<1x16xf32> to vector<16xf32>
    %swap3A_69 = vector.shape_cast %broadcast_in_dim3A_4 : vector<16xf32> to vector<1x16xf32>
    tpu.vector_store %arg9[%swap3A_65, %swap3A_66], %swap3A_69 {strides = array<i32>} : memref<16x32xf32, #tpu.memory_space<vmem>>, vector<1x16xf32>,
    %swap3A_70 = arith.constant 5 : i32
    %swap3A_71 = arith.index_cast %swap3A_70 : i32 to index
    %swap3A_72 = arith.constant 16 : index
    %swap3A_73 = tpu.vector_load %arg9[%swap3A_71, %swap3A_72] {strides = array<i32>} : memref<16x32xf32, #tpu.memory_space<vmem>>, vector<1x16xf32>,
    %swap3A_74 = vector.shape_cast %swap3A_73 : vector<1x16xf32> to vector<16xf32>
    %swap3A_75 = vector.shape_cast %broadcast_in_dim3A_4 : vector<16xf32> to vector<1x16xf32>
    tpu.vector_store %arg9[%swap3A_71, %swap3A_72], %swap3A_75 {strides = array<i32>} : memref<16x32xf32, #tpu.memory_space<vmem>>, vector<1x16xf32>,
    %swap3A_76 = arith.constant 6 : i32
    %swap3A_77 = arith.index_cast %swap3A_76 : i32 to index
    %swap3A_78 = arith.constant 0 : index
    %swap3A_79 = tpu.vector_load %arg9[%swap3A_77, %swap3A_78] {strides = array<i32>} : memref<16x32xf32, #tpu.memory_space<vmem>>, vector<1x16xf32>,
    %swap3A_80 = vector.shape_cast %swap3A_79 : vector<1x16xf32> to vector<16xf32>
    %swap3A_81 = vector.shape_cast %broadcast_in_dim3A_4 : vector<16xf32> to vector<1x16xf32>
    tpu.vector_store %arg9[%swap3A_77, %swap3A_78], %swap3A_81 {strides = array<i32>} : memref<16x32xf32, #tpu.memory_space<vmem>>, vector<1x16xf32>,
    %swap3A_82 = arith.constant 6 : i32
    %swap3A_83 = arith.index_cast %swap3A_82 : i32 to index
    %swap3A_84 = arith.constant 16 : index
    %swap3A_85 = tpu.vector_load %arg9[%swap3A_83, %swap3A_84] {strides = array<i32>} : memref<16x32xf32, #tpu.memory_space<vmem>>, vector<1x16xf32>,
    %swap3A_86 = vector.shape_cast %swap3A_85 : vector<1x16xf32> to vector<16xf32>
    %swap3A_87 = vector.shape_cast %broadcast_in_dim3A_4 : vector<16xf32> to vector<1x16xf32>
    tpu.vector_store %arg9[%swap3A_83, %swap3A_84], %swap3A_87 {strides = array<i32>} : memref<16x32xf32, #tpu.memory_space<vmem>>, vector<1x16xf32>,
    %swap3A_88 = arith.constant 7 : i32
    %swap3A_89 = arith.index_cast %swap3A_88 : i32 to index
    %swap3A_90 = arith.constant 0 : index
    %swap3A_91 = tpu.vector_load %arg9[%swap3A_89, %swap3A_90] {strides = array<i32>} : memref<16x32xf32, #tpu.memory_space<vmem>>, vector<1x16xf32>,
    %swap3A_92 = vector.shape_cast %swap3A_91 : vector<1x16xf32> to vector<16xf32>
    %swap3A_93 = vector.shape_cast %broadcast_in_dim3A_4 : vector<16xf32> to vector<1x16xf32>
    tpu.vector_store %arg9[%swap3A_89, %swap3A_90], %swap3A_93 {strides = array<i32>} : memref<16x32xf32, #tpu.memory_space<vmem>>, vector<1x16xf32>,
    %swap3A_94 = arith.constant 7 : i32
    %swap3A_95 = arith.index_cast %swap3A_94 : i32 to index
    %swap3A_96 = arith.constant 16 : index
    %swap3A_97 = tpu.vector_load %arg9[%swap3A_95, %swap3A_96] {strides = array<i32>} : memref<16x32xf32, #tpu.memory_space<vmem>>, vector<1x16xf32>,
    %swap3A_98 = vector.shape_cast %swap3A_97 : vector<1x16xf32> to vector<16xf32>
    %swap3A_99 = vector.shape_cast %broadcast_in_dim3A_4 : vector<16xf32> to vector<1x16xf32>
    tpu.vector_store %arg9[%swap3A_95, %swap3A_96], %swap3A_99 {strides = array<i32>} : memref<16x32xf32, #tpu.memory_space<vmem>>, vector<1x16xf32>,
    %swap3A_100 = arith.constant 8 : i32
    %swap3A_101 = arith.index_cast %swap3A_100 : i32 to index
    %swap3A_102 = arith.constant 0 : index
    %swap3A_103 = tpu.vector_load %arg9[%swap3A_101, %swap3A_102] {strides = array<i32>} : memref<16x32xf32, #tpu.memory_space<vmem>>, vector<1x16xf32>,
    %swap3A_104 = vector.shape_cast %swap3A_103 : vector<1x16xf32> to vector<16xf32>
    %swap3A_105 = vector.shape_cast %broadcast_in_dim3A_4 : vector<16xf32> to vector<1x16xf32>
    tpu.vector_store %arg9[%swap3A_101, %swap3A_102], %swap3A_105 {strides = array<i32>} : memref<16x32xf32, #tpu.memory_space<vmem>>, vector<1x16xf32>,
    %swap3A_106 = arith.constant 8 : i32
    %swap3A_107 = arith.index_cast %swap3A_106 : i32 to index
    %swap3A_108 = arith.constant 16 : index
    %swap3A_109 = tpu.vector_load %arg9[%swap3A_107, %swap3A_108] {strides = array<i32>} : memref<16x32xf32, #tpu.memory_space<vmem>>, vector<1x16xf32>,
    %swap3A_110 = vector.shape_cast %swap3A_109 : vector<1x16xf32> to vector<16xf32>
    %swap3A_111 = vector.shape_cast %broadcast_in_dim3A_4 : vector<16xf32> to vector<1x16xf32>
    tpu.vector_store %arg9[%swap3A_107, %swap3A_108], %swap3A_111 {strides = array<i32>} : memref<16x32xf32, #tpu.memory_space<vmem>>, vector<1x16xf32>,
    %swap3A_112 = arith.constant 9 : i32
    %swap3A_113 = arith.index_cast %swap3A_112 : i32 to index
    %swap3A_114 = arith.constant 0 : index
    %swap3A_115 = tpu.vector_load %arg9[%swap3A_113, %swap3A_114] {strides = array<i32>} : memref<16x32xf32, #tpu.memory_space<vmem>>, vector<1x16xf32>,
    %swap3A_116 = vector.shape_cast %swap3A_115 : vector<1x16xf32> to vector<16xf32>
    %swap3A_117 = vector.shape_cast %broadcast_in_dim3A_4 : vector<16xf32> to vector<1x16xf32>
    tpu.vector_store %arg9[%swap3A_113, %swap3A_114], %swap3A_117 {strides = array<i32>} : memref<16x32xf32, #tpu.memory_space<vmem>>, vector<1x16xf32>,
    %swap3A_118 = arith.constant 9 : i32
    %swap3A_119 = arith.index_cast %swap3A_118 : i32 to index
    %swap3A_120 = arith.constant 16 : index
    %swap3A_121 = tpu.vector_load %arg9[%swap3A_119, %swap3A_120] {strides = array<i32>} : memref<16x32xf32, #tpu.memory_space<vmem>>, vector<1x16xf32>,
    %swap3A_122 = vector.shape_cast %swap3A_121 : vector<1x16xf32> to vector<16xf32>
    %swap3A_123 = vector.shape_cast %broadcast_in_dim3A_4 : vector<16xf32> to vector<1x16xf32>
    tpu.vector_store %arg9[%swap3A_119, %swap3A_120], %swap3A_123 {strides = array<i32>} : memref<16x32xf32, #tpu.memory_space<vmem>>, vector<1x16xf32>,
    %swap3A_124 = arith.constant 10 : i32
    %swap3A_125 = arith.index_cast %swap3A_124 : i32 to index
    %swap3A_126 = arith.constant 0 : index
    %swap3A_127 = tpu.vector_load %arg9[%swap3A_125, %swap3A_126] {strides = array<i32>} : memref<16x32xf32, #tpu.memory_space<vmem>>, vector<1x16xf32>,
    %swap3A_128 = vector.shape_cast %swap3A_127 : vector<1x16xf32> to vector<16xf32>
    %swap3A_129 = vector.shape_cast %broadcast_in_dim3A_4 : vector<16xf32> to vector<1x16xf32>
    tpu.vector_store %arg9[%swap3A_125, %swap3A_126], %swap3A_129 {strides = array<i32>} : memref<16x32xf32, #tpu.memory_space<vmem>>, vector<1x16xf32>,
    %swap3A_130 = arith.constant 10 : i32
    %swap3A_131 = arith.index_cast %swap3A_130 : i32 to index
    %swap3A_132 = arith.constant 16 : index
    %swap3A_133 = tpu.vector_load %arg9[%swap3A_131, %swap3A_132] {strides = array<i32>} : memref<16x32xf32, #tpu.memory_space<vmem>>, vector<1x16xf32>,
    %swap3A_134 = vector.shape_cast %swap3A_133 : vector<1x16xf32> to vector<16xf32>
    %swap3A_135 = vector.shape_cast %broadcast_in_dim3A_4 : vector<16xf32> to vector<1x16xf32>
    tpu.vector_store %arg9[%swap3A_131, %swap3A_132], %swap3A_135 {strides = array<i32>} : memref<16x32xf32, #tpu.memory_space<vmem>>, vector<1x16xf32>,
    %swap3A_136 = arith.constant 11 : i32
    %swap3A_137 = arith.index_cast %swap3A_136 : i32 to index
    %swap3A_138 = arith.constant 0 : index
    %swap3A_139 = tpu.vector_load %arg9[%swap3A_137, %swap3A_138] {strides = array<i32>} : memref<16x32xf32, #tpu.memory_space<vmem>>, vector<1x16xf32>,
    %swap3A_140 = vector.shape_cast %swap3A_139 : vector<1x16xf32> to vector<16xf32>
    %swap3A_141 = vector.shape_cast %broadcast_in_dim3A_4 : vector<16xf32> to vector<1x16xf32>
    tpu.vector_store %arg9[%swap3A_137, %swap3A_138], %swap3A_141 {strides = array<i32>} : memref<16x32xf32, #tpu.memory_space<vmem>>, vector<1x16xf32>,
    %swap3A_142 = arith.constant 11 : i32
    %swap3A_143 = arith.index_cast %swap3A_142 : i32 to index
    %swap3A_144 = arith.constant 16 : index
    %swap3A_145 = tpu.vector_load %arg9[%swap3A_143, %swap3A_144] {strides = array<i32>} : memref<16x32xf32, #tpu.memory_space<vmem>>, vector<1x16xf32>,
    %swap3A_146 = vector.shape_cast %swap3A_145 : vector<1x16xf32> to vector<16xf32>
    %swap3A_147 = vector.shape_cast %broadcast_in_dim3A_4 : vector<16xf32> to vector<1x16xf32>
    tpu.vector_store %arg9[%swap3A_143, %swap3A_144], %swap3A_147 {strides = array<i32>} : memref<16x32xf32, #tpu.memory_space<vmem>>, vector<1x16xf32>,
    %swap3A_148 = arith.constant 12 : i32
    %swap3A_149 = arith.index_cast %swap3A_148 : i32 to index
    %swap3A_150 = arith.constant 0 : index
    %swap3A_151 = tpu.vector_load %arg9[%swap3A_149, %swap3A_150] {strides = array<i32>} : memref<16x32xf32, #tpu.memory_space<vmem>>, vector<1x16xf32>,
    %swap3A_152 = vector.shape_cast %swap3A_151 : vector<1x16xf32> to vector<16xf32>
    %swap3A_153 = vector.shape_cast %broadcast_in_dim3A_4 : vector<16xf32> to vector<1x16xf32>
    tpu.vector_store %arg9[%swap3A_149, %swap3A_150], %swap3A_153 {strides = array<i32>} : memref<16x32xf32, #tpu.memory_space<vmem>>, vector<1x16xf32>,
    %swap3A_154 = arith.constant 12 : i32
    %swap3A_155 = arith.index_cast %swap3A_154 : i32 to index
    %swap3A_156 = arith.constant 16 : index
    %swap3A_157 = tpu.vector_load %arg9[%swap3A_155, %swap3A_156] {strides = array<i32>} : memref<16x32xf32, #tpu.memory_space<vmem>>, vector<1x16xf32>,
    %swap3A_158 = vector.shape_cast %swap3A_157 : vector<1x16xf32> to vector<16xf32>
    %swap3A_159 = vector.shape_cast %broadcast_in_dim3A_4 : vector<16xf32> to vector<1x16xf32>
    tpu.vector_store %arg9[%swap3A_155, %swap3A_156], %swap3A_159 {strides = array<i32>} : memref<16x32xf32, #tpu.memory_space<vmem>>, vector<1x16xf32>,
    %swap3A_160 = arith.constant 13 : i32
    %swap3A_161 = arith.index_cast %swap3A_160 : i32 to index
    %swap3A_162 = arith.constant 0 : index
    %swap3A_163 = tpu.vector_load %arg9[%swap3A_161, %swap3A_162] {strides = array<i32>} : memref<16x32xf32, #tpu.memory_space<vmem>>, vector<1x16xf32>,
    %swap3A_164 = vector.shape_cast %swap3A_163 : vector<1x16xf32> to vector<16xf32>
    %swap3A_165 = vector.shape_cast %broadcast_in_dim3A_4 : vector<16xf32> to vector<1x16xf32>
    tpu.vector_store %arg9[%swap3A_161, %swap3A_162], %swap3A_165 {strides = array<i32>} : memref<16x32xf32, #tpu.memory_space<vmem>>, vector<1x16xf32>,
    %swap3A_166 = arith.constant 13 : i32
    %swap3A_167 = arith.index_cast %swap3A_166 : i32 to index
    %swap3A_168 = arith.constant 16 : index
    %swap3A_169 = tpu.vector_load %arg9[%swap3A_167, %swap3A_168] {strides = array<i32>} : memref<16x32xf32, #tpu.memory_space<vmem>>, vector<1x16xf32>,
    %swap3A_170 = vector.shape_cast %swap3A_169 : vector<1x16xf32> to vector<16xf32>
    %swap3A_171 = vector.shape_cast %broadcast_in_dim3A_4 : vector<16xf32> to vector<1x16xf32>
    tpu.vector_store %arg9[%swap3A_167, %swap3A_168], %swap3A_171 {strides = array<i32>} : memref<16x32xf32, #tpu.memory_space<vmem>>, vector<1x16xf32>,
    %swap3A_172 = arith.constant 14 : i32
    %swap3A_173 = arith.index_cast %swap3A_172 : i32 to index
    %swap3A_174 = arith.constant 0 : index
    %swap3A_175 = tpu.vector_load %arg9[%swap3A_173, %swap3A_174] {strides = array<i32>} : memref<16x32xf32, #tpu.memory_space<vmem>>, vector<1x16xf32>,
    %swap3A_176 = vector.shape_cast %swap3A_175 : vector<1x16xf32> to vector<16xf32>
    %swap3A_177 = vector.shape_cast %broadcast_in_dim3A_4 : vector<16xf32> to vector<1x16xf32>
    tpu.vector_store %arg9[%swap3A_173, %swap3A_174], %swap3A_177 {strides = array<i32>} : memref<16x32xf32, #tpu.memory_space<vmem>>, vector<1x16xf32>,
    %swap3A_178 = arith.constant 14 : i32
    %swap3A_179 = arith.index_cast %swap3A_178 : i32 to index
    %swap3A_180 = arith.constant 16 : index
    %swap3A_181 = tpu.vector_load %arg9[%swap3A_179, %swap3A_180] {strides = array<i32>} : memref<16x32xf32, #tpu.memory_space<vmem>>, vector<1x16xf32>,
    %swap3A_182 = vector.shape_cast %swap3A_181 : vector<1x16xf32> to vector<16xf32>
    %swap3A_183 = vector.shape_cast %broadcast_in_dim3A_4 : vector<16xf32> to vector<1x16xf32>
    tpu.vector_store %arg9[%swap3A_179, %swap3A_180], %swap3A_183 {strides = array<i32>} : memref<16x32xf32, #tpu.memory_space<vmem>>, vector<1x16xf32>,
    %swap3A_184 = arith.constant 15 : i32
    %swap3A_185 = arith.index_cast %swap3A_184 : i32 to index
    %swap3A_186 = arith.constant 0 : index
    %swap3A_187 = tpu.vector_load %arg9[%swap3A_185, %swap3A_186] {strides = array<i32>} : memref<16x32xf32, #tpu.memory_space<vmem>>, vector<1x16xf32>,
    %swap3A_188 = vector.shape_cast %swap3A_187 : vector<1x16xf32> to vector<16xf32>
    %swap3A_189 = vector.shape_cast %broadcast_in_dim3A_4 : vector<16xf32> to vector<1x16xf32>
    tpu.vector_store %arg9[%swap3A_185, %swap3A_186], %swap3A_189 {strides = array<i32>} : memref<16x32xf32, #tpu.memory_space<vmem>>, vector<1x16xf32>,
    %swap3A_190 = arith.constant 15 : i32
    %swap3A_191 = arith.index_cast %swap3A_190 : i32 to index
    %swap3A_192 = arith.constant 16 : index
    %swap3A_193 = tpu.vector_load %arg9[%swap3A_191, %swap3A_192] {strides = array<i32>} : memref<16x32xf32, #tpu.memory_space<vmem>>, vector<1x16xf32>,
    %swap3A_194 = vector.shape_cast %swap3A_193 : vector<1x16xf32> to vector<16xf32>
    %swap3A_195 = vector.shape_cast %broadcast_in_dim3A_4 : vector<16xf32> to vector<1x16xf32>
    tpu.vector_store %arg9[%swap3A_191, %swap3A_192], %swap3A_195 {strides = array<i32>} : memref<16x32xf32, #tpu.memory_space<vmem>>, vector<1x16xf32>,
    %mul3A_196 = arith.constant 640 : i32
    %mul3A_197 = arith.muli %arg1, %mul3A_196 : i32
    %scan3A = arith.constant 0 : i32
    %scan3A_198 = arith.constant 0 : i32
    %scan3A_199 = arith.constant 40 : i32
    %scan3A_200 = arith.addi %scan3A_198, %scan3A_199 : i32
    %scan3A_201 = arith.constant 1 : i32
    scf.for %scan3A_216 = %scan3A_198 to %scan3A_200 step %scan3A_201  : i32 {
      %mul3A_217 = arith.constant 16 : i32
      %mul3A_218 = arith.muli %scan3A_216, %mul3A_217 : i32
      %add3A_219 = arith.addi %mul3A_197, %mul3A_218 : i32
      "tpu.region"() ({
        %run_scoped3A = tpu.sem_alloc : memref<!tpu.dma_semaphore, #tpu.memory_space<semaphore_mem>>
        %dma_start3A = arith.constant 0 : i32
        %dma_start3A_220 = tpu.memref_slice %arg10[%add3A_219, %dma_start3A] : memref<10240x32xf32, #tpu.memory_space<vmem_shared>> -> memref<16x32xf32, #tpu.memory_space<vmem_shared>>
        %dma_start3A_221 = arith.constant 0 : i32
        %dma_start3A_222 = tpu.memref_slice %arg10[%add3A_219, %dma_start3A_221] : memref<10240x32xf32, #tpu.memory_space<vmem_shared>> -> memref<16x32xf32, #tpu.memory_space<vmem_shared>>
        tpu.enqueue_dma source(%arg9 : memref<16x32xf32, #tpu.memory_space<vmem>>) target(%dma_start3A_222 : memref<16x32xf32, #tpu.memory_space<vmem_shared>>) target_semaphore(%run_scoped3A : memref<!tpu.dma_semaphore, #tpu.memory_space<semaphore_mem>>)
        %dma_wait3A = arith.constant 0 : i32
        %dma_wait3A_223 = tpu.memref_slice %arg10[%add3A_219, %dma_wait3A] : memref<10240x32xf32, #tpu.memory_space<vmem_shared>> -> memref<16x32xf32, #tpu.memory_space<vmem_shared>>
        %dma_wait3A_224 = arith.constant 0 : i32
        %dma_wait3A_225 = tpu.memref_slice %arg10[%add3A_219, %dma_wait3A_224] : memref<10240x32xf32, #tpu.memory_space<vmem_shared>> -> memref<16x32xf32, #tpu.memory_space<vmem_shared>>
        tpu.wait_dma2 semaphore(%run_scoped3A : memref<!tpu.dma_semaphore, #tpu.memory_space<semaphore_mem>>) src(%arg9 : memref<16x32xf32, #tpu.memory_space<vmem>>) dst(%dma_wait3A_225 : memref<16x32xf32, #tpu.memory_space<vmem_shared>>)
        tpu.yield
      }) : () -> ()
    }
    %scan3A_202 = arith.constant 40 : i32
    %add3A_203 = arith.constant 640 : i32
    %add3A_204 = arith.addi %mul3A_197, %add3A_203 : i32
    %sub3A = arith.constant 16 : i32
    %sub3A_205 = arith.subi %add3A_204, %sub3A : i32
    "tpu.region"() ({
      %run_scoped3A = tpu.sem_alloc : memref<!tpu.dma_semaphore, #tpu.memory_space<semaphore_mem>>
      %dma_start3A = arith.constant 0 : i32
      %dma_start3A_216 = tpu.memref_slice %arg10[%sub3A_205, %dma_start3A] : memref<10240x32xf32, #tpu.memory_space<vmem_shared>> -> memref<16x32xf32, #tpu.memory_space<vmem_shared>>
      %dma_start3A_217 = arith.constant 0 : i32
      %dma_start3A_218 = tpu.memref_slice %arg10[%sub3A_205, %dma_start3A_217] : memref<10240x32xf32, #tpu.memory_space<vmem_shared>> -> memref<16x32xf32, #tpu.memory_space<vmem_shared>>
      tpu.enqueue_dma source(%dma_start3A_218 : memref<16x32xf32, #tpu.memory_space<vmem_shared>>) target(%arg9 : memref<16x32xf32, #tpu.memory_space<vmem>>) target_semaphore(%run_scoped3A : memref<!tpu.dma_semaphore, #tpu.memory_space<semaphore_mem>>)
      %dma_wait3A = arith.constant 0 : i32
      %dma_wait3A_219 = tpu.memref_slice %arg10[%sub3A_205, %dma_wait3A] : memref<10240x32xf32, #tpu.memory_space<vmem_shared>> -> memref<16x32xf32, #tpu.memory_space<vmem_shared>>
      %dma_wait3A_220 = arith.constant 0 : i32
      %dma_wait3A_221 = tpu.memref_slice %arg10[%sub3A_205, %dma_wait3A_220] : memref<10240x32xf32, #tpu.memory_space<vmem_shared>> -> memref<16x32xf32, #tpu.memory_space<vmem_shared>>
      tpu.wait_dma2 semaphore(%run_scoped3A : memref<!tpu.dma_semaphore, #tpu.memory_space<semaphore_mem>>) src(%dma_wait3A_221 : memref<16x32xf32, #tpu.memory_space<vmem_shared>>) dst(%arg9 : memref<16x32xf32, #tpu.memory_space<vmem>>)
      tpu.yield
    }) : () -> ()
    "tpu.region"() ({
      %run_scoped3A = tpu.sem_alloc : memref<!tpu.dma_semaphore, #tpu.memory_space<semaphore_mem>>
      %dma_start3A = arith.constant 0 : i32
      %dma_start3A_216 = arith.constant 0 : i32
      %dma_start3A_217 = tpu.memref_slice %arg6[%dma_start3A, %dma_start3A_216] : memref<79x128xi32, #tpu.memory_space<vmem>> -> memref<79x128xi32, #tpu.memory_space<vmem>>
      %dma_start3A_218 = arith.constant 0 : i32
      %dma_start3A_219 = arith.constant 0 : i32
      %dma_start3A_220 = tpu.memref_slice %arg3[%add3A, %dma_start3A_218, %dma_start3A_219] : memref<32x79x128xi32, #tpu.memory_space<hbm>> -> memref<1x79x128xi32, #tpu.memory_space<hbm>>
      %dma_start3A_221 = tpu.memref_squeeze %dma_start3A_220 : memref<1x79x128xi32, #tpu.memory_space<hbm>> -> memref<79x128xi32, #tpu.memory_space<hbm>>
      %dma_start3A_222 = arith.constant 0 : i32
      %dma_start3A_223 = arith.constant 0 : i32
      %dma_start3A_224 = tpu.memref_slice %arg6[%dma_start3A_222, %dma_start3A_223] : memref<79x128xi32, #tpu.memory_space<vmem>> -> memref<79x128xi32, #tpu.memory_space<vmem>>
      %dma_start3A_225 = arith.constant 0 : i32
      %dma_start3A_226 = arith.constant 0 : i32
      %dma_start3A_227 = tpu.memref_slice %arg3[%add3A, %dma_start3A_225, %dma_start3A_226] : memref<32x79x128xi32, #tpu.memory_space<hbm>> -> memref<1x79x128xi32, #tpu.memory_space<hbm>>
      %dma_start3A_228 = tpu.memref_squeeze %dma_start3A_227 : memref<1x79x128xi32, #tpu.memory_space<hbm>> -> memref<79x128xi32, #tpu.memory_space<hbm>>
      tpu.enqueue_dma source(%dma_start3A_228 : memref<79x128xi32, #tpu.memory_space<hbm>>) target(%dma_start3A_224 : memref<79x128xi32, #tpu.memory_space<vmem>>) target_semaphore(%run_scoped3A : memref<!tpu.dma_semaphore, #tpu.memory_space<semaphore_mem>>)
      %dma_wait3A = arith.constant 0 : i32
      %dma_wait3A_229 = arith.constant 0 : i32
      %dma_wait3A_230 = tpu.memref_slice %arg6[%dma_wait3A, %dma_wait3A_229] : memref<79x128xi32, #tpu.memory_space<vmem>> -> memref<79x128xi32, #tpu.memory_space<vmem>>
      %dma_wait3A_231 = arith.constant 0 : i32
      %dma_wait3A_232 = arith.constant 0 : i32
      %dma_wait3A_233 = tpu.memref_slice %arg3[%add3A, %dma_wait3A_231, %dma_wait3A_232] : memref<32x79x128xi32, #tpu.memory_space<hbm>> -> memref<1x79x128xi32, #tpu.memory_space<hbm>>
      %dma_wait3A_234 = tpu.memref_squeeze %dma_wait3A_233 : memref<1x79x128xi32, #tpu.memory_space<hbm>> -> memref<79x128xi32, #tpu.memory_space<hbm>>
      %dma_wait3A_235 = arith.constant 0 : i32
      %dma_wait3A_236 = arith.constant 0 : i32
      %dma_wait3A_237 = tpu.memref_slice %arg6[%dma_wait3A_235, %dma_wait3A_236] : memref<79x128xi32, #tpu.memory_space<vmem>> -> memref<79x128xi32, #tpu.memory_space<vmem>>
      %dma_wait3A_238 = arith.constant 0 : i32
      %dma_wait3A_239 = arith.constant 0 : i32
      %dma_wait3A_240 = tpu.memref_slice %arg3[%add3A, %dma_wait3A_238, %dma_wait3A_239] : memref<32x79x128xi32, #tpu.memory_space<hbm>> -> memref<1x79x128xi32, #tpu.memory_space<hbm>>
      %dma_wait3A_241 = tpu.memref_squeeze %dma_wait3A_240 : memref<1x79x128xi32, #tpu.memory_space<hbm>> -> memref<79x128xi32, #tpu.memory_space<hbm>>
      tpu.wait_dma2 semaphore(%run_scoped3A : memref<!tpu.dma_semaphore, #tpu.memory_space<semaphore_mem>>) src(%dma_wait3A_241 : memref<79x128xi32, #tpu.memory_space<hbm>>) dst(%dma_wait3A_237 : memref<79x128xi32, #tpu.memory_space<vmem>>)
      tpu.yield
    }) : () -> ()
    "tpu.region"() ({
      %run_scoped3A = tpu.sem_alloc : memref<!tpu.dma_semaphore, #tpu.memory_space<semaphore_mem>>
      %dma_start3A = arith.constant 0 : i32
      %dma_start3A_216 = arith.constant 0 : i32
      %dma_start3A_217 = tpu.memref_slice %arg7[%dma_start3A, %dma_start3A_216] : memref<79x128xi32, #tpu.memory_space<vmem>> -> memref<79x128xi32, #tpu.memory_space<vmem>>
      %dma_start3A_218 = arith.constant 0 : i32
      %dma_start3A_219 = arith.constant 0 : i32
      %dma_start3A_220 = tpu.memref_slice %arg4[%add3A, %dma_start3A_218, %dma_start3A_219] : memref<32x79x128xi32, #tpu.memory_space<hbm>> -> memref<1x79x128xi32, #tpu.memory_space<hbm>>
      %dma_start3A_221 = tpu.memref_squeeze %dma_start3A_220 : memref<1x79x128xi32, #tpu.memory_space<hbm>> -> memref<79x128xi32, #tpu.memory_space<hbm>>
      %dma_start3A_222 = arith.constant 0 : i32
      %dma_start3A_223 = arith.constant 0 : i32
      %dma_start3A_224 = tpu.memref_slice %arg7[%dma_start3A_222, %dma_start3A_223] : memref<79x128xi32, #tpu.memory_space<vmem>> -> memref<79x128xi32, #tpu.memory_space<vmem>>
      %dma_start3A_225 = arith.constant 0 : i32
      %dma_start3A_226 = arith.constant 0 : i32
      %dma_start3A_227 = tpu.memref_slice %arg4[%add3A, %dma_start3A_225, %dma_start3A_226] : memref<32x79x128xi32, #tpu.memory_space<hbm>> -> memref<1x79x128xi32, #tpu.memory_space<hbm>>
      %dma_start3A_228 = tpu.memref_squeeze %dma_start3A_227 : memref<1x79x128xi32, #tpu.memory_space<hbm>> -> memref<79x128xi32, #tpu.memory_space<hbm>>
      tpu.enqueue_dma source(%dma_start3A_228 : memref<79x128xi32, #tpu.memory_space<hbm>>) target(%dma_start3A_224 : memref<79x128xi32, #tpu.memory_space<vmem>>) target_semaphore(%run_scoped3A : memref<!tpu.dma_semaphore, #tpu.memory_space<semaphore_mem>>)
      %dma_wait3A = arith.constant 0 : i32
      %dma_wait3A_229 = arith.constant 0 : i32
      %dma_wait3A_230 = tpu.memref_slice %arg7[%dma_wait3A, %dma_wait3A_229] : memref<79x128xi32, #tpu.memory_space<vmem>> -> memref<79x128xi32, #tpu.memory_space<vmem>>
      %dma_wait3A_231 = arith.constant 0 : i32
      %dma_wait3A_232 = arith.constant 0 : i32
      %dma_wait3A_233 = tpu.memref_slice %arg4[%add3A, %dma_wait3A_231, %dma_wait3A_232] : memref<32x79x128xi32, #tpu.memory_space<hbm>> -> memref<1x79x128xi32, #tpu.memory_space<hbm>>
      %dma_wait3A_234 = tpu.memref_squeeze %dma_wait3A_233 : memref<1x79x128xi32, #tpu.memory_space<hbm>> -> memref<79x128xi32, #tpu.memory_space<hbm>>
      %dma_wait3A_235 = arith.constant 0 : i32
      %dma_wait3A_236 = arith.constant 0 : i32
      %dma_wait3A_237 = tpu.memref_slice %arg7[%dma_wait3A_235, %dma_wait3A_236] : memref<79x128xi32, #tpu.memory_space<vmem>> -> memref<79x128xi32, #tpu.memory_space<vmem>>
      %dma_wait3A_238 = arith.constant 0 : i32
      %dma_wait3A_239 = arith.constant 0 : i32
      %dma_wait3A_240 = tpu.memref_slice %arg4[%add3A, %dma_wait3A_238, %dma_wait3A_239] : memref<32x79x128xi32, #tpu.memory_space<hbm>> -> memref<1x79x128xi32, #tpu.memory_space<hbm>>
      %dma_wait3A_241 = tpu.memref_squeeze %dma_wait3A_240 : memref<1x79x128xi32, #tpu.memory_space<hbm>> -> memref<79x128xi32, #tpu.memory_space<hbm>>
      tpu.wait_dma2 semaphore(%run_scoped3A : memref<!tpu.dma_semaphore, #tpu.memory_space<semaphore_mem>>) src(%dma_wait3A_241 : memref<79x128xi32, #tpu.memory_space<hbm>>) dst(%dma_wait3A_237 : memref<79x128xi32, #tpu.memory_space<vmem>>)
      tpu.yield
    }) : () -> ()
    %barrier3A = arith.constant 0 : index
    tpu.barrier barrier_id(%barrier3A)
    %while3A = arith.constant 0 : i32
    %while3A_206 = arith.constant 0 : i32
    %while3A_207 = arith.subi %select_n3A_3, %while3A_206 : i32
    %while3A_208 = arith.addi %while3A_206, %while3A_207 : i32
    %while3A_209 = arith.constant 1 : i32
    %while3A_210 = arith.divsi %while3A_207, %while3A_209 : i32
    %while3A_211 = arith.muli %while3A_210, %while3A_209 : i32
    %while3A_212 = arith.addi %while3A_206, %while3A_211 : i32
    %while3A_213 = arith.constant 1 : i32
    scf.for %while3A_216 = %while3A_206 to %while3A_212 step %while3A_213  : i32 {
      %dma_start3A = arith.constant 0 : i32
      %dma_start3A_217 = arith.constant 0 : i32
      %dma_start3A_218 = arith.constant 0 : i32
      %dma_start3A_219 = tpu.memref_slice %arg8[%dma_start3A, %dma_start3A_217, %dma_start3A_218] : memref<1x128x32xf32, #tpu.memory_space<vmem>> -> memref<1x128x32xf32, #tpu.memory_space<vmem>>
      %dma_start3A_220 = tpu.memref_squeeze %dma_start3A_219 : memref<1x128x32xf32, #tpu.memory_space<vmem>> -> memref<128x32xf32, #tpu.memory_space<vmem>>
      %dma_start3A_221 = arith.constant 0 : i32
      %dma_start3A_222 = tpu.memref_slice %arg6[%while3A_216, %dma_start3A_221] : memref<79x128xi32, #tpu.memory_space<vmem>> -> memref<1x128xi32, #tpu.memory_space<vmem>>
      %dma_start3A_223 = tpu.memref_squeeze %dma_start3A_222 : memref<1x128xi32, #tpu.memory_space<vmem>> -> memref<128xi32, #tpu.memory_space<vmem>>
      %dma_start3A_224 = arith.constant 0 : i32
      %dma_start3A_225 = arith.constant 0 : i32
      %dma_start3A_226 = tpu.memref_slice %arg2[%dma_start3A_224, %dma_start3A_225] : memref<10000x32xf32, #tpu.memory_space<hbm>> -> memref<10000x32xf32, #tpu.memory_space<hbm>>
      tpu.enqueue_indirect_dma source(%dma_start3A_226 : memref<10000x32xf32, #tpu.memory_space<hbm>>) target(%dma_start3A_220 : memref<128x32xf32, #tpu.memory_space<vmem>>) offsets(%dma_start3A_223 : memref<128xi32, #tpu.memory_space<vmem>>) semaphore(%arg11 : memref<!tpu.dma_semaphore, #tpu.memory_space<semaphore_mem>>)
      %dma_wait3A = arith.constant 0 : i32
      %dma_wait3A_227 = arith.constant 0 : i32
      %dma_wait3A_228 = arith.constant 0 : i32
      %dma_wait3A_229 = tpu.memref_slice %arg8[%dma_wait3A, %dma_wait3A_227, %dma_wait3A_228] : memref<1x128x32xf32, #tpu.memory_space<vmem>> -> memref<1x128x32xf32, #tpu.memory_space<vmem>>
      %dma_wait3A_230 = tpu.memref_squeeze %dma_wait3A_229 : memref<1x128x32xf32, #tpu.memory_space<vmem>> -> memref<128x32xf32, #tpu.memory_space<vmem>>
      %dma_wait3A_231 = arith.constant 0 : i32
      %dma_wait3A_232 = tpu.memref_slice %arg6[%while3A_216, %dma_wait3A_231] : memref<79x128xi32, #tpu.memory_space<vmem>> -> memref<1x128xi32, #tpu.memory_space<vmem>>
      %dma_wait3A_233 = tpu.memref_squeeze %dma_wait3A_232 : memref<1x128xi32, #tpu.memory_space<vmem>> -> memref<128xi32, #tpu.memory_space<vmem>>
      %dma_wait3A_234 = arith.constant 0 : i32
      %dma_wait3A_235 = arith.constant 0 : i32
      %dma_wait3A_236 = tpu.memref_slice %arg2[%dma_wait3A_234, %dma_wait3A_235] : memref<10000x32xf32, #tpu.memory_space<hbm>> -> memref<10000x32xf32, #tpu.memory_space<hbm>>
      tpu.wait_indirect_dma semaphore(%arg11 : memref<!tpu.dma_semaphore, #tpu.memory_space<semaphore_mem>>) src(%dma_wait3A_236 : memref<10000x32xf32, #tpu.memory_space<hbm>>) dst(%dma_wait3A_230 : memref<128x32xf32, #tpu.memory_space<vmem>>)
      %run_scoped3A = arith.constant 0 : i32
      "tpu.region"() ({
        %run_scoped3A_237 = tpu.sem_alloc : memref<!tpu.dma_semaphore, #tpu.memory_space<semaphore_mem>>
        %dma_start3A_238 = arith.constant 0 : i32
        %dma_start3A_239 = arith.constant 0 : i32
        %dma_start3A_240 = tpu.memref_slice %arg8[%run_scoped3A, %dma_start3A_238, %dma_start3A_239] : memref<1x128x32xf32, #tpu.memory_space<vmem>> -> memref<1x128x32xf32, #tpu.memory_space<vmem>>
        %dma_start3A_241 = tpu.memref_squeeze %dma_start3A_240 : memref<1x128x32xf32, #tpu.memory_space<vmem>> -> memref<128x32xf32, #tpu.memory_space<vmem>>
        %dma_start3A_242 = arith.constant 0 : i32
        %dma_start3A_243 = tpu.memref_slice %arg7[%while3A_216, %dma_start3A_242] : memref<79x128xi32, #tpu.memory_space<vmem>> -> memref<1x128xi32, #tpu.memory_space<vmem>>
        %dma_start3A_244 = tpu.memref_squeeze %dma_start3A_243 : memref<1x128xi32, #tpu.memory_space<vmem>> -> memref<128xi32, #tpu.memory_space<vmem>>
        %dma_start3A_245 = arith.constant 0 : i32
        %dma_start3A_246 = arith.constant 0 : i32
        %dma_start3A_247 = tpu.memref_slice %arg10[%dma_start3A_245, %dma_start3A_246] : memref<10240x32xf32, #tpu.memory_space<vmem_shared>> -> memref<10240x32xf32, #tpu.memory_space<vmem_shared>>
        tpu.enqueue_indirect_dma source(%dma_start3A_241 : memref<128x32xf32, #tpu.memory_space<vmem>>) target(%dma_start3A_247 : memref<10240x32xf32, #tpu.memory_space<vmem_shared>>) offsets(%dma_start3A_244 : memref<128xi32, #tpu.memory_space<vmem>>) semaphore(%run_scoped3A_237 : memref<!tpu.dma_semaphore, #tpu.memory_space<semaphore_mem>>) {add = true}
        %dma_wait3A_248 = arith.constant 0 : i32
        %dma_wait3A_249 = arith.constant 0 : i32
        %dma_wait3A_250 = tpu.memref_slice %arg8[%run_scoped3A, %dma_wait3A_248, %dma_wait3A_249] : memref<1x128x32xf32, #tpu.memory_space<vmem>> -> memref<1x128x32xf32, #tpu.memory_space<vmem>>
        %dma_wait3A_251 = tpu.memref_squeeze %dma_wait3A_250 : memref<1x128x32xf32, #tpu.memory_space<vmem>> -> memref<128x32xf32, #tpu.memory_space<vmem>>
        %dma_wait3A_252 = arith.constant 0 : i32
        %dma_wait3A_253 = tpu.memref_slice %arg7[%while3A_216, %dma_wait3A_252] : memref<79x128xi32, #tpu.memory_space<vmem>> -> memref<1x128xi32, #tpu.memory_space<vmem>>
        %dma_wait3A_254 = tpu.memref_squeeze %dma_wait3A_253 : memref<1x128xi32, #tpu.memory_space<vmem>> -> memref<128xi32, #tpu.memory_space<vmem>>
        %dma_wait3A_255 = arith.constant 0 : i32
        %dma_wait3A_256 = arith.constant 0 : i32
        %dma_wait3A_257 = tpu.memref_slice %arg10[%dma_wait3A_255, %dma_wait3A_256] : memref<10240x32xf32, #tpu.memory_space<vmem_shared>> -> memref<10240x32xf32, #tpu.memory_space<vmem_shared>>
        tpu.wait_indirect_dma semaphore(%run_scoped3A_237 : memref<!tpu.dma_semaphore, #tpu.memory_space<semaphore_mem>>) src(%dma_wait3A_251 : memref<128x32xf32, #tpu.memory_space<vmem>>) dst(%dma_wait3A_257 : memref<10240x32xf32, #tpu.memory_space<vmem_shared>>)
        tpu.yield
      }) : () -> ()
    }
    %while3A_214 = arith.constant 1 : i32
    scf.for %while3A_216 = %while3A_212 to %while3A_208 step %while3A_214  : i32 {
      %dma_start3A = arith.constant 0 : i32
      %dma_start3A_217 = arith.constant 0 : i32
      %dma_start3A_218 = arith.constant 0 : i32
      %dma_start3A_219 = tpu.memref_slice %arg8[%dma_start3A, %dma_start3A_217, %dma_start3A_218] : memref<1x128x32xf32, #tpu.memory_space<vmem>> -> memref<1x128x32xf32, #tpu.memory_space<vmem>>
      %dma_start3A_220 = tpu.memref_squeeze %dma_start3A_219 : memref<1x128x32xf32, #tpu.memory_space<vmem>> -> memref<128x32xf32, #tpu.memory_space<vmem>>
      %dma_start3A_221 = arith.constant 0 : i32
      %dma_start3A_222 = tpu.memref_slice %arg6[%while3A_216, %dma_start3A_221] : memref<79x128xi32, #tpu.memory_space<vmem>> -> memref<1x128xi32, #tpu.memory_space<vmem>>
      %dma_start3A_223 = tpu.memref_squeeze %dma_start3A_222 : memref<1x128xi32, #tpu.memory_space<vmem>> -> memref<128xi32, #tpu.memory_space<vmem>>
      %dma_start3A_224 = arith.constant 0 : i32
      %dma_start3A_225 = arith.constant 0 : i32
      %dma_start3A_226 = tpu.memref_slice %arg2[%dma_start3A_224, %dma_start3A_225] : memref<10000x32xf32, #tpu.memory_space<hbm>> -> memref<10000x32xf32, #tpu.memory_space<hbm>>
      tpu.enqueue_indirect_dma source(%dma_start3A_226 : memref<10000x32xf32, #tpu.memory_space<hbm>>) target(%dma_start3A_220 : memref<128x32xf32, #tpu.memory_space<vmem>>) offsets(%dma_start3A_223 : memref<128xi32, #tpu.memory_space<vmem>>) semaphore(%arg11 : memref<!tpu.dma_semaphore, #tpu.memory_space<semaphore_mem>>)
      %dma_wait3A = arith.constant 0 : i32
      %dma_wait3A_227 = arith.constant 0 : i32
      %dma_wait3A_228 = arith.constant 0 : i32
      %dma_wait3A_229 = tpu.memref_slice %arg8[%dma_wait3A, %dma_wait3A_227, %dma_wait3A_228] : memref<1x128x32xf32, #tpu.memory_space<vmem>> -> memref<1x128x32xf32, #tpu.memory_space<vmem>>
      %dma_wait3A_230 = tpu.memref_squeeze %dma_wait3A_229 : memref<1x128x32xf32, #tpu.memory_space<vmem>> -> memref<128x32xf32, #tpu.memory_space<vmem>>
      %dma_wait3A_231 = arith.constant 0 : i32
      %dma_wait3A_232 = tpu.memref_slice %arg6[%while3A_216, %dma_wait3A_231] : memref<79x128xi32, #tpu.memory_space<vmem>> -> memref<1x128xi32, #tpu.memory_space<vmem>>
      %dma_wait3A_233 = tpu.memref_squeeze %dma_wait3A_232 : memref<1x128xi32, #tpu.memory_space<vmem>> -> memref<128xi32, #tpu.memory_space<vmem>>
      %dma_wait3A_234 = arith.constant 0 : i32
      %dma_wait3A_235 = arith.constant 0 : i32
      %dma_wait3A_236 = tpu.memref_slice %arg2[%dma_wait3A_234, %dma_wait3A_235] : memref<10000x32xf32, #tpu.memory_space<hbm>> -> memref<10000x32xf32, #tpu.memory_space<hbm>>
      tpu.wait_indirect_dma semaphore(%arg11 : memref<!tpu.dma_semaphore, #tpu.memory_space<semaphore_mem>>) src(%dma_wait3A_236 : memref<10000x32xf32, #tpu.memory_space<hbm>>) dst(%dma_wait3A_230 : memref<128x32xf32, #tpu.memory_space<vmem>>)
      %run_scoped3A = arith.constant 0 : i32
      "tpu.region"() ({
        %run_scoped3A_237 = tpu.sem_alloc : memref<!tpu.dma_semaphore, #tpu.memory_space<semaphore_mem>>
        %dma_start3A_238 = arith.constant 0 : i32
        %dma_start3A_239 = arith.constant 0 : i32
        %dma_start3A_240 = tpu.memref_slice %arg8[%run_scoped3A, %dma_start3A_238, %dma_start3A_239] : memref<1x128x32xf32, #tpu.memory_space<vmem>> -> memref<1x128x32xf32, #tpu.memory_space<vmem>>
        %dma_start3A_241 = tpu.memref_squeeze %dma_start3A_240 : memref<1x128x32xf32, #tpu.memory_space<vmem>> -> memref<128x32xf32, #tpu.memory_space<vmem>>
        %dma_start3A_242 = arith.constant 0 : i32
        %dma_start3A_243 = tpu.memref_slice %arg7[%while3A_216, %dma_start3A_242] : memref<79x128xi32, #tpu.memory_space<vmem>> -> memref<1x128xi32, #tpu.memory_space<vmem>>
        %dma_start3A_244 = tpu.memref_squeeze %dma_start3A_243 : memref<1x128xi32, #tpu.memory_space<vmem>> -> memref<128xi32, #tpu.memory_space<vmem>>
        %dma_start3A_245 = arith.constant 0 : i32
        %dma_start3A_246 = arith.constant 0 : i32
        %dma_start3A_247 = tpu.memref_slice %arg10[%dma_start3A_245, %dma_start3A_246] : memref<10240x32xf32, #tpu.memory_space<vmem_shared>> -> memref<10240x32xf32, #tpu.memory_space<vmem_shared>>
        tpu.enqueue_indirect_dma source(%dma_start3A_241 : memref<128x32xf32, #tpu.memory_space<vmem>>) target(%dma_start3A_247 : memref<10240x32xf32, #tpu.memory_space<vmem_shared>>) offsets(%dma_start3A_244 : memref<128xi32, #tpu.memory_space<vmem>>) semaphore(%run_scoped3A_237 : memref<!tpu.dma_semaphore, #tpu.memory_space<semaphore_mem>>) {add = true}
        %dma_wait3A_248 = arith.constant 0 : i32
        %dma_wait3A_249 = arith.constant 0 : i32
        %dma_wait3A_250 = tpu.memref_slice %arg8[%run_scoped3A, %dma_wait3A_248, %dma_wait3A_249] : memref<1x128x32xf32, #tpu.memory_space<vmem>> -> memref<1x128x32xf32, #tpu.memory_space<vmem>>
        %dma_wait3A_251 = tpu.memref_squeeze %dma_wait3A_250 : memref<1x128x32xf32, #tpu.memory_space<vmem>> -> memref<128x32xf32, #tpu.memory_space<vmem>>
        %dma_wait3A_252 = arith.constant 0 : i32
        %dma_wait3A_253 = tpu.memref_slice %arg7[%while3A_216, %dma_wait3A_252] : memref<79x128xi32, #tpu.memory_space<vmem>> -> memref<1x128xi32, #tpu.memory_space<vmem>>
        %dma_wait3A_254 = tpu.memref_squeeze %dma_wait3A_253 : memref<1x128xi32, #tpu.memory_space<vmem>> -> memref<128xi32, #tpu.memory_space<vmem>>
        %dma_wait3A_255 = arith.constant 0 : i32
        %dma_wait3A_256 = arith.constant 0 : i32
        %dma_wait3A_257 = tpu.memref_slice %arg10[%dma_wait3A_255, %dma_wait3A_256] : memref<10240x32xf32, #tpu.memory_space<vmem_shared>> -> memref<10240x32xf32, #tpu.memory_space<vmem_shared>>
        tpu.wait_indirect_dma semaphore(%run_scoped3A_237 : memref<!tpu.dma_semaphore, #tpu.memory_space<semaphore_mem>>) src(%dma_wait3A_251 : memref<128x32xf32, #tpu.memory_space<vmem>>) dst(%dma_wait3A_257 : memref<10240x32xf32, #tpu.memory_space<vmem_shared>>)
        tpu.yield
      }) : () -> ()
    }
    "tpu.region"() ({
      %run_scoped3A = tpu.sem_alloc : memref<!tpu.dma_semaphore, #tpu.memory_space<semaphore_mem>>
      %dma_start3A = arith.constant 0 : i32
      %dma_start3A_216 = tpu.memref_slice %arg10[%mul3A_197, %dma_start3A] : memref<10240x32xf32, #tpu.memory_space<vmem_shared>> -> memref<16x32xf32, #tpu.memory_space<vmem_shared>>
      %dma_start3A_217 = arith.constant 0 : i32
      %dma_start3A_218 = tpu.memref_slice %arg10[%mul3A_197, %dma_start3A_217] : memref<10240x32xf32, #tpu.memory_space<vmem_shared>> -> memref<16x32xf32, #tpu.memory_space<vmem_shared>>
      tpu.enqueue_dma source(%dma_start3A_218 : memref<16x32xf32, #tpu.memory_space<vmem_shared>>) target(%arg9 : memref<16x32xf32, #tpu.memory_space<vmem>>) target_semaphore(%run_scoped3A : memref<!tpu.dma_semaphore, #tpu.memory_space<semaphore_mem>>)
      %dma_wait3A = arith.constant 0 : i32
      %dma_wait3A_219 = tpu.memref_slice %arg10[%mul3A_197, %dma_wait3A] : memref<10240x32xf32, #tpu.memory_space<vmem_shared>> -> memref<16x32xf32, #tpu.memory_space<vmem_shared>>
      %dma_wait3A_220 = arith.constant 0 : i32
      %dma_wait3A_221 = tpu.memref_slice %arg10[%mul3A_197, %dma_wait3A_220] : memref<10240x32xf32, #tpu.memory_space<vmem_shared>> -> memref<16x32xf32, #tpu.memory_space<vmem_shared>>
      tpu.wait_dma2 semaphore(%run_scoped3A : memref<!tpu.dma_semaphore, #tpu.memory_space<semaphore_mem>>) src(%dma_wait3A_221 : memref<16x32xf32, #tpu.memory_space<vmem_shared>>) dst(%arg9 : memref<16x32xf32, #tpu.memory_space<vmem>>)
      tpu.yield
    }) : () -> ()
    %barrier3A_215 = arith.constant 0 : index
    tpu.barrier barrier_id(%barrier3A_215)
    "tpu.region"() ({
      %run_scoped3A = tpu.sem_alloc : memref<!tpu.dma_semaphore, #tpu.memory_space<semaphore_mem>>
      %dma_start3A = arith.constant 0 : i32
      %dma_start3A_216 = tpu.memref_slice %arg5[%arg0, %mul3A_197, %dma_start3A] : memref<2x10240x32xf32, #tpu.memory_space<hbm>> -> memref<1x640x32xf32, #tpu.memory_space<hbm>>
      %dma_start3A_217 = tpu.memref_squeeze %dma_start3A_216 : memref<1x640x32xf32, #tpu.memory_space<hbm>> -> memref<640x32xf32, #tpu.memory_space<hbm>>
      %dma_start3A_218 = arith.constant 0 : i32
      %dma_start3A_219 = tpu.memref_slice %arg10[%mul3A_197, %dma_start3A_218] : memref<10240x32xf32, #tpu.memory_space<vmem_shared>> -> memref<640x32xf32, #tpu.memory_space<vmem_shared>>
      tpu.enqueue_dma source(%dma_start3A_219 : memref<640x32xf32, #tpu.memory_space<vmem_shared>>) target(%dma_start3A_217 : memref<640x32xf32, #tpu.memory_space<hbm>>) target_semaphore(%run_scoped3A : memref<!tpu.dma_semaphore, #tpu.memory_space<semaphore_mem>>)
      %dma_wait3A = arith.constant 0 : i32
      %dma_wait3A_220 = tpu.memref_slice %arg5[%arg0, %mul3A_197, %dma_wait3A] : memref<2x10240x32xf32, #tpu.memory_space<hbm>> -> memref<1x640x32xf32, #tpu.memory_space<hbm>>
      %dma_wait3A_221 = tpu.memref_squeeze %dma_wait3A_220 : memref<1x640x32xf32, #tpu.memory_space<hbm>> -> memref<640x32xf32, #tpu.memory_space<hbm>>
      %dma_wait3A_222 = arith.constant 0 : i32
      %dma_wait3A_223 = tpu.memref_slice %arg10[%mul3A_197, %dma_wait3A_222] : memref<10240x32xf32, #tpu.memory_space<vmem_shared>> -> memref<640x32xf32, #tpu.memory_space<vmem_shared>>
      tpu.wait_dma2 semaphore(%run_scoped3A : memref<!tpu.dma_semaphore, #tpu.memory_space<semaphore_mem>>) src(%dma_wait3A_223 : memref<640x32xf32, #tpu.memory_space<vmem_shared>>) dst(%dma_wait3A_221 : memref<640x32xf32, #tpu.memory_space<hbm>>)
      tpu.yield
    }) : () -> ()
    return
  }
}

#map = affine_map<(d0, d1) -> (0, 0)>
#map1 = affine_map<(d0, d1) -> (0, 0, 0)>
module attributes {stable_mosaic.version = 14 : i64} {
  func.func @body(%arg0: i32, %arg1: i32, %arg2: memref<10000x64xf32, #tpu.memory_space<hbm>>, %arg3: memref<32x79x128xi32, #tpu.memory_space<hbm>>, %arg4: memref<32x79x128xi32, #tpu.memory_space<hbm>>, %arg5: memref<2x10240x64xf32, #tpu.memory_space<hbm>>, %arg6: memref<79x128xi32, #tpu.memory_space<vmem>>, %arg7: memref<79x128xi32, #tpu.memory_space<vmem>>, %arg8: memref<1x128x64xf32, #tpu.memory_space<vmem>>, %arg9: memref<16x64xf32, #tpu.memory_space<vmem>>, %arg10: memref<10240x64xf32, #tpu.memory_space<vmem_shared>>, %arg11: memref<!tpu.dma_semaphore, #tpu.memory_space<semaphore_mem>>) attributes {dimension_semantics = [#tpu.dimension_semantics<core_parallel>, #tpu.dimension_semantics<subcore_parallel>], iteration_bounds = array<i64: 2, 16>, scalar_prefetch = 0 : i64, scratch_operands = 6 : i64, tpu.core_type = #tpu.core_type<sc_vector_subcore>, window_params = [{transform_indices = #map}, {transform_indices = #map1}, {transform_indices = #map1}, {transform_indices = #map1}]} {
    %mul3A = arith.constant 2 : i32
    %mul3A_0 = arith.muli %arg1, %mul3A : i32
    %add3A = arith.addi %mul3A_0, %arg0 : i32
    %eq3A = arith.constant 0 : i32
    %eq3A_1 = arith.cmpi eq, %arg0, %eq3A : i32
    %select_n3A = arith.constant 79 : i32
    %select_n3A_2 = arith.constant 79 : i32
    %select_n3A_3 = arith.select %eq3A_1, %select_n3A_2, %select_n3A : i32
    %broadcast_in_dim3A = arith.constant 0.000000e+00 : f32
    %broadcast_in_dim3A_4 = vector.broadcast %broadcast_in_dim3A : f32 to vector<16xf32>
    %swap3A = arith.constant 0 : i32
    %swap3A_5 = arith.index_cast %swap3A : i32 to index
    %swap3A_6 = arith.constant 0 : index
    %swap3A_7 = tpu.vector_load %arg9[%swap3A_5, %swap3A_6] {strides = array<i32>} : memref<16x64xf32, #tpu.memory_space<vmem>>, vector<1x16xf32>,
    %swap3A_8 = vector.shape_cast %swap3A_7 : vector<1x16xf32> to vector<16xf32>
    %swap3A_9 = vector.shape_cast %broadcast_in_dim3A_4 : vector<16xf32> to vector<1x16xf32>
    tpu.vector_store %arg9[%swap3A_5, %swap3A_6], %swap3A_9 {strides = array<i32>} : memref<16x64xf32, #tpu.memory_space<vmem>>, vector<1x16xf32>,
    %swap3A_10 = arith.constant 0 : i32
    %swap3A_11 = arith.index_cast %swap3A_10 : i32 to index
    %swap3A_12 = arith.constant 16 : index
    %swap3A_13 = tpu.vector_load %arg9[%swap3A_11, %swap3A_12] {strides = array<i32>} : memref<16x64xf32, #tpu.memory_space<vmem>>, vector<1x16xf32>,
    %swap3A_14 = vector.shape_cast %swap3A_13 : vector<1x16xf32> to vector<16xf32>
    %swap3A_15 = vector.shape_cast %broadcast_in_dim3A_4 : vector<16xf32> to vector<1x16xf32>
    tpu.vector_store %arg9[%swap3A_11, %swap3A_12], %swap3A_15 {strides = array<i32>} : memref<16x64xf32, #tpu.memory_space<vmem>>, vector<1x16xf32>,
    %swap3A_16 = arith.constant 0 : i32
    %swap3A_17 = arith.index_cast %swap3A_16 : i32 to index
    %swap3A_18 = arith.constant 32 : index
    %swap3A_19 = tpu.vector_load %arg9[%swap3A_17, %swap3A_18] {strides = array<i32>} : memref<16x64xf32, #tpu.memory_space<vmem>>, vector<1x16xf32>,
    %swap3A_20 = vector.shape_cast %swap3A_19 : vector<1x16xf32> to vector<16xf32>
    %swap3A_21 = vector.shape_cast %broadcast_in_dim3A_4 : vector<16xf32> to vector<1x16xf32>
    tpu.vector_store %arg9[%swap3A_17, %swap3A_18], %swap3A_21 {strides = array<i32>} : memref<16x64xf32, #tpu.memory_space<vmem>>, vector<1x16xf32>,
    %swap3A_22 = arith.constant 0 : i32
    %swap3A_23 = arith.index_cast %swap3A_22 : i32 to index
    %swap3A_24 = arith.constant 48 : index
    %swap3A_25 = tpu.vector_load %arg9[%swap3A_23, %swap3A_24] {strides = array<i32>} : memref<16x64xf32, #tpu.memory_space<vmem>>, vector<1x16xf32>,
    %swap3A_26 = vector.shape_cast %swap3A_25 : vector<1x16xf32> to vector<16xf32>
    %swap3A_27 = vector.shape_cast %broadcast_in_dim3A_4 : vector<16xf32> to vector<1x16xf32>
    tpu.vector_store %arg9[%swap3A_23, %swap3A_24], %swap3A_27 {strides = array<i32>} : memref<16x64xf32, #tpu.memory_space<vmem>>, vector<1x16xf32>,
    %swap3A_28 = arith.constant 1 : i32
    %swap3A_29 = arith.index_cast %swap3A_28 : i32 to index
    %swap3A_30 = arith.constant 0 : index
    %swap3A_31 = tpu.vector_load %arg9[%swap3A_29, %swap3A_30] {strides = array<i32>} : memref<16x64xf32, #tpu.memory_space<vmem>>, vector<1x16xf32>,
    %swap3A_32 = vector.shape_cast %swap3A_31 : vector<1x16xf32> to vector<16xf32>
    %swap3A_33 = vector.shape_cast %broadcast_in_dim3A_4 : vector<16xf32> to vector<1x16xf32>
    tpu.vector_store %arg9[%swap3A_29, %swap3A_30], %swap3A_33 {strides = array<i32>} : memref<16x64xf32, #tpu.memory_space<vmem>>, vector<1x16xf32>,
    %swap3A_34 = arith.constant 1 : i32
    %swap3A_35 = arith.index_cast %swap3A_34 : i32 to index
    %swap3A_36 = arith.constant 16 : index
    %swap3A_37 = tpu.vector_load %arg9[%swap3A_35, %swap3A_36] {strides = array<i32>} : memref<16x64xf32, #tpu.memory_space<vmem>>, vector<1x16xf32>,
    %swap3A_38 = vector.shape_cast %swap3A_37 : vector<1x16xf32> to vector<16xf32>
    %swap3A_39 = vector.shape_cast %broadcast_in_dim3A_4 : vector<16xf32> to vector<1x16xf32>
    tpu.vector_store %arg9[%swap3A_35, %swap3A_36], %swap3A_39 {strides = array<i32>} : memref<16x64xf32, #tpu.memory_space<vmem>>, vector<1x16xf32>,
    %swap3A_40 = arith.constant 1 : i32
    %swap3A_41 = arith.index_cast %swap3A_40 : i32 to index
    %swap3A_42 = arith.constant 32 : index
    %swap3A_43 = tpu.vector_load %arg9[%swap3A_41, %swap3A_42] {strides = array<i32>} : memref<16x64xf32, #tpu.memory_space<vmem>>, vector<1x16xf32>,
    %swap3A_44 = vector.shape_cast %swap3A_43 : vector<1x16xf32> to vector<16xf32>
    %swap3A_45 = vector.shape_cast %broadcast_in_dim3A_4 : vector<16xf32> to vector<1x16xf32>
    tpu.vector_store %arg9[%swap3A_41, %swap3A_42], %swap3A_45 {strides = array<i32>} : memref<16x64xf32, #tpu.memory_space<vmem>>, vector<1x16xf32>,
    %swap3A_46 = arith.constant 1 : i32
    %swap3A_47 = arith.index_cast %swap3A_46 : i32 to index
    %swap3A_48 = arith.constant 48 : index
    %swap3A_49 = tpu.vector_load %arg9[%swap3A_47, %swap3A_48] {strides = array<i32>} : memref<16x64xf32, #tpu.memory_space<vmem>>, vector<1x16xf32>,
    %swap3A_50 = vector.shape_cast %swap3A_49 : vector<1x16xf32> to vector<16xf32>
    %swap3A_51 = vector.shape_cast %broadcast_in_dim3A_4 : vector<16xf32> to vector<1x16xf32>
    tpu.vector_store %arg9[%swap3A_47, %swap3A_48], %swap3A_51 {strides = array<i32>} : memref<16x64xf32, #tpu.memory_space<vmem>>, vector<1x16xf32>,
    %swap3A_52 = arith.constant 2 : i32
    %swap3A_53 = arith.index_cast %swap3A_52 : i32 to index
    %swap3A_54 = arith.constant 0 : index
    %swap3A_55 = tpu.vector_load %arg9[%swap3A_53, %swap3A_54] {strides = array<i32>} : memref<16x64xf32, #tpu.memory_space<vmem>>, vector<1x16xf32>,
    %swap3A_56 = vector.shape_cast %swap3A_55 : vector<1x16xf32> to vector<16xf32>
    %swap3A_57 = vector.shape_cast %broadcast_in_dim3A_4 : vector<16xf32> to vector<1x16xf32>
    tpu.vector_store %arg9[%swap3A_53, %swap3A_54], %swap3A_57 {strides = array<i32>} : memref<16x64xf32, #tpu.memory_space<vmem>>, vector<1x16xf32>,
    %swap3A_58 = arith.constant 2 : i32
    %swap3A_59 = arith.index_cast %swap3A_58 : i32 to index
    %swap3A_60 = arith.constant 16 : index
    %swap3A_61 = tpu.vector_load %arg9[%swap3A_59, %swap3A_60] {strides = array<i32>} : memref<16x64xf32, #tpu.memory_space<vmem>>, vector<1x16xf32>,
    %swap3A_62 = vector.shape_cast %swap3A_61 : vector<1x16xf32> to vector<16xf32>
    %swap3A_63 = vector.shape_cast %broadcast_in_dim3A_4 : vector<16xf32> to vector<1x16xf32>
    tpu.vector_store %arg9[%swap3A_59, %swap3A_60], %swap3A_63 {strides = array<i32>} : memref<16x64xf32, #tpu.memory_space<vmem>>, vector<1x16xf32>,
    %swap3A_64 = arith.constant 2 : i32
    %swap3A_65 = arith.index_cast %swap3A_64 : i32 to index
    %swap3A_66 = arith.constant 32 : index
    %swap3A_67 = tpu.vector_load %arg9[%swap3A_65, %swap3A_66] {strides = array<i32>} : memref<16x64xf32, #tpu.memory_space<vmem>>, vector<1x16xf32>,
    %swap3A_68 = vector.shape_cast %swap3A_67 : vector<1x16xf32> to vector<16xf32>
    %swap3A_69 = vector.shape_cast %broadcast_in_dim3A_4 : vector<16xf32> to vector<1x16xf32>
    tpu.vector_store %arg9[%swap3A_65, %swap3A_66], %swap3A_69 {strides = array<i32>} : memref<16x64xf32, #tpu.memory_space<vmem>>, vector<1x16xf32>,
    %swap3A_70 = arith.constant 2 : i32
    %swap3A_71 = arith.index_cast %swap3A_70 : i32 to index
    %swap3A_72 = arith.constant 48 : index
    %swap3A_73 = tpu.vector_load %arg9[%swap3A_71, %swap3A_72] {strides = array<i32>} : memref<16x64xf32, #tpu.memory_space<vmem>>, vector<1x16xf32>,
    %swap3A_74 = vector.shape_cast %swap3A_73 : vector<1x16xf32> to vector<16xf32>
    %swap3A_75 = vector.shape_cast %broadcast_in_dim3A_4 : vector<16xf32> to vector<1x16xf32>
    tpu.vector_store %arg9[%swap3A_71, %swap3A_72], %swap3A_75 {strides = array<i32>} : memref<16x64xf32, #tpu.memory_space<vmem>>, vector<1x16xf32>,
    %swap3A_76 = arith.constant 3 : i32
    %swap3A_77 = arith.index_cast %swap3A_76 : i32 to index
    %swap3A_78 = arith.constant 0 : index
    %swap3A_79 = tpu.vector_load %arg9[%swap3A_77, %swap3A_78] {strides = array<i32>} : memref<16x64xf32, #tpu.memory_space<vmem>>, vector<1x16xf32>,
    %swap3A_80 = vector.shape_cast %swap3A_79 : vector<1x16xf32> to vector<16xf32>
    %swap3A_81 = vector.shape_cast %broadcast_in_dim3A_4 : vector<16xf32> to vector<1x16xf32>
    tpu.vector_store %arg9[%swap3A_77, %swap3A_78], %swap3A_81 {strides = array<i32>} : memref<16x64xf32, #tpu.memory_space<vmem>>, vector<1x16xf32>,
    %swap3A_82 = arith.constant 3 : i32
    %swap3A_83 = arith.index_cast %swap3A_82 : i32 to index
    %swap3A_84 = arith.constant 16 : index
    %swap3A_85 = tpu.vector_load %arg9[%swap3A_83, %swap3A_84] {strides = array<i32>} : memref<16x64xf32, #tpu.memory_space<vmem>>, vector<1x16xf32>,
    %swap3A_86 = vector.shape_cast %swap3A_85 : vector<1x16xf32> to vector<16xf32>
    %swap3A_87 = vector.shape_cast %broadcast_in_dim3A_4 : vector<16xf32> to vector<1x16xf32>
    tpu.vector_store %arg9[%swap3A_83, %swap3A_84], %swap3A_87 {strides = array<i32>} : memref<16x64xf32, #tpu.memory_space<vmem>>, vector<1x16xf32>,
    %swap3A_88 = arith.constant 3 : i32
    %swap3A_89 = arith.index_cast %swap3A_88 : i32 to index
    %swap3A_90 = arith.constant 32 : index
    %swap3A_91 = tpu.vector_load %arg9[%swap3A_89, %swap3A_90] {strides = array<i32>} : memref<16x64xf32, #tpu.memory_space<vmem>>, vector<1x16xf32>,
    %swap3A_92 = vector.shape_cast %swap3A_91 : vector<1x16xf32> to vector<16xf32>
    %swap3A_93 = vector.shape_cast %broadcast_in_dim3A_4 : vector<16xf32> to vector<1x16xf32>
    tpu.vector_store %arg9[%swap3A_89, %swap3A_90], %swap3A_93 {strides = array<i32>} : memref<16x64xf32, #tpu.memory_space<vmem>>, vector<1x16xf32>,
    %swap3A_94 = arith.constant 3 : i32
    %swap3A_95 = arith.index_cast %swap3A_94 : i32 to index
    %swap3A_96 = arith.constant 48 : index
    %swap3A_97 = tpu.vector_load %arg9[%swap3A_95, %swap3A_96] {strides = array<i32>} : memref<16x64xf32, #tpu.memory_space<vmem>>, vector<1x16xf32>,
    %swap3A_98 = vector.shape_cast %swap3A_97 : vector<1x16xf32> to vector<16xf32>
    %swap3A_99 = vector.shape_cast %broadcast_in_dim3A_4 : vector<16xf32> to vector<1x16xf32>
    tpu.vector_store %arg9[%swap3A_95, %swap3A_96], %swap3A_99 {strides = array<i32>} : memref<16x64xf32, #tpu.memory_space<vmem>>, vector<1x16xf32>,
    %swap3A_100 = arith.constant 4 : i32
    %swap3A_101 = arith.index_cast %swap3A_100 : i32 to index
    %swap3A_102 = arith.constant 0 : index
    %swap3A_103 = tpu.vector_load %arg9[%swap3A_101, %swap3A_102] {strides = array<i32>} : memref<16x64xf32, #tpu.memory_space<vmem>>, vector<1x16xf32>,
    %swap3A_104 = vector.shape_cast %swap3A_103 : vector<1x16xf32> to vector<16xf32>
    %swap3A_105 = vector.shape_cast %broadcast_in_dim3A_4 : vector<16xf32> to vector<1x16xf32>
    tpu.vector_store %arg9[%swap3A_101, %swap3A_102], %swap3A_105 {strides = array<i32>} : memref<16x64xf32, #tpu.memory_space<vmem>>, vector<1x16xf32>,
    %swap3A_106 = arith.constant 4 : i32
    %swap3A_107 = arith.index_cast %swap3A_106 : i32 to index
    %swap3A_108 = arith.constant 16 : index
    %swap3A_109 = tpu.vector_load %arg9[%swap3A_107, %swap3A_108] {strides = array<i32>} : memref<16x64xf32, #tpu.memory_space<vmem>>, vector<1x16xf32>,
    %swap3A_110 = vector.shape_cast %swap3A_109 : vector<1x16xf32> to vector<16xf32>
    %swap3A_111 = vector.shape_cast %broadcast_in_dim3A_4 : vector<16xf32> to vector<1x16xf32>
    tpu.vector_store %arg9[%swap3A_107, %swap3A_108], %swap3A_111 {strides = array<i32>} : memref<16x64xf32, #tpu.memory_space<vmem>>, vector<1x16xf32>,
    %swap3A_112 = arith.constant 4 : i32
    %swap3A_113 = arith.index_cast %swap3A_112 : i32 to index
    %swap3A_114 = arith.constant 32 : index
    %swap3A_115 = tpu.vector_load %arg9[%swap3A_113, %swap3A_114] {strides = array<i32>} : memref<16x64xf32, #tpu.memory_space<vmem>>, vector<1x16xf32>,
    %swap3A_116 = vector.shape_cast %swap3A_115 : vector<1x16xf32> to vector<16xf32>
    %swap3A_117 = vector.shape_cast %broadcast_in_dim3A_4 : vector<16xf32> to vector<1x16xf32>
    tpu.vector_store %arg9[%swap3A_113, %swap3A_114], %swap3A_117 {strides = array<i32>} : memref<16x64xf32, #tpu.memory_space<vmem>>, vector<1x16xf32>,
    %swap3A_118 = arith.constant 4 : i32
    %swap3A_119 = arith.index_cast %swap3A_118 : i32 to index
    %swap3A_120 = arith.constant 48 : index
    %swap3A_121 = tpu.vector_load %arg9[%swap3A_119, %swap3A_120] {strides = array<i32>} : memref<16x64xf32, #tpu.memory_space<vmem>>, vector<1x16xf32>,
    %swap3A_122 = vector.shape_cast %swap3A_121 : vector<1x16xf32> to vector<16xf32>
    %swap3A_123 = vector.shape_cast %broadcast_in_dim3A_4 : vector<16xf32> to vector<1x16xf32>
    tpu.vector_store %arg9[%swap3A_119, %swap3A_120], %swap3A_123 {strides = array<i32>} : memref<16x64xf32, #tpu.memory_space<vmem>>, vector<1x16xf32>,
    %swap3A_124 = arith.constant 5 : i32
    %swap3A_125 = arith.index_cast %swap3A_124 : i32 to index
    %swap3A_126 = arith.constant 0 : index
    %swap3A_127 = tpu.vector_load %arg9[%swap3A_125, %swap3A_126] {strides = array<i32>} : memref<16x64xf32, #tpu.memory_space<vmem>>, vector<1x16xf32>,
    %swap3A_128 = vector.shape_cast %swap3A_127 : vector<1x16xf32> to vector<16xf32>
    %swap3A_129 = vector.shape_cast %broadcast_in_dim3A_4 : vector<16xf32> to vector<1x16xf32>
    tpu.vector_store %arg9[%swap3A_125, %swap3A_126], %swap3A_129 {strides = array<i32>} : memref<16x64xf32, #tpu.memory_space<vmem>>, vector<1x16xf32>,
    %swap3A_130 = arith.constant 5 : i32
    %swap3A_131 = arith.index_cast %swap3A_130 : i32 to index
    %swap3A_132 = arith.constant 16 : index
    %swap3A_133 = tpu.vector_load %arg9[%swap3A_131, %swap3A_132] {strides = array<i32>} : memref<16x64xf32, #tpu.memory_space<vmem>>, vector<1x16xf32>,
    %swap3A_134 = vector.shape_cast %swap3A_133 : vector<1x16xf32> to vector<16xf32>
    %swap3A_135 = vector.shape_cast %broadcast_in_dim3A_4 : vector<16xf32> to vector<1x16xf32>
    tpu.vector_store %arg9[%swap3A_131, %swap3A_132], %swap3A_135 {strides = array<i32>} : memref<16x64xf32, #tpu.memory_space<vmem>>, vector<1x16xf32>,
    %swap3A_136 = arith.constant 5 : i32
    %swap3A_137 = arith.index_cast %swap3A_136 : i32 to index
    %swap3A_138 = arith.constant 32 : index
    %swap3A_139 = tpu.vector_load %arg9[%swap3A_137, %swap3A_138] {strides = array<i32>} : memref<16x64xf32, #tpu.memory_space<vmem>>, vector<1x16xf32>,
    %swap3A_140 = vector.shape_cast %swap3A_139 : vector<1x16xf32> to vector<16xf32>
    %swap3A_141 = vector.shape_cast %broadcast_in_dim3A_4 : vector<16xf32> to vector<1x16xf32>
    tpu.vector_store %arg9[%swap3A_137, %swap3A_138], %swap3A_141 {strides = array<i32>} : memref<16x64xf32, #tpu.memory_space<vmem>>, vector<1x16xf32>,
    %swap3A_142 = arith.constant 5 : i32
    %swap3A_143 = arith.index_cast %swap3A_142 : i32 to index
    %swap3A_144 = arith.constant 48 : index
    %swap3A_145 = tpu.vector_load %arg9[%swap3A_143, %swap3A_144] {strides = array<i32>} : memref<16x64xf32, #tpu.memory_space<vmem>>, vector<1x16xf32>,
    %swap3A_146 = vector.shape_cast %swap3A_145 : vector<1x16xf32> to vector<16xf32>
    %swap3A_147 = vector.shape_cast %broadcast_in_dim3A_4 : vector<16xf32> to vector<1x16xf32>
    tpu.vector_store %arg9[%swap3A_143, %swap3A_144], %swap3A_147 {strides = array<i32>} : memref<16x64xf32, #tpu.memory_space<vmem>>, vector<1x16xf32>,
    %swap3A_148 = arith.constant 6 : i32
    %swap3A_149 = arith.index_cast %swap3A_148 : i32 to index
    %swap3A_150 = arith.constant 0 : index
    %swap3A_151 = tpu.vector_load %arg9[%swap3A_149, %swap3A_150] {strides = array<i32>} : memref<16x64xf32, #tpu.memory_space<vmem>>, vector<1x16xf32>,
    %swap3A_152 = vector.shape_cast %swap3A_151 : vector<1x16xf32> to vector<16xf32>
    %swap3A_153 = vector.shape_cast %broadcast_in_dim3A_4 : vector<16xf32> to vector<1x16xf32>
    tpu.vector_store %arg9[%swap3A_149, %swap3A_150], %swap3A_153 {strides = array<i32>} : memref<16x64xf32, #tpu.memory_space<vmem>>, vector<1x16xf32>,
    %swap3A_154 = arith.constant 6 : i32
    %swap3A_155 = arith.index_cast %swap3A_154 : i32 to index
    %swap3A_156 = arith.constant 16 : index
    %swap3A_157 = tpu.vector_load %arg9[%swap3A_155, %swap3A_156] {strides = array<i32>} : memref<16x64xf32, #tpu.memory_space<vmem>>, vector<1x16xf32>,
    %swap3A_158 = vector.shape_cast %swap3A_157 : vector<1x16xf32> to vector<16xf32>
    %swap3A_159 = vector.shape_cast %broadcast_in_dim3A_4 : vector<16xf32> to vector<1x16xf32>
    tpu.vector_store %arg9[%swap3A_155, %swap3A_156], %swap3A_159 {strides = array<i32>} : memref<16x64xf32, #tpu.memory_space<vmem>>, vector<1x16xf32>,
    %swap3A_160 = arith.constant 6 : i32
    %swap3A_161 = arith.index_cast %swap3A_160 : i32 to index
    %swap3A_162 = arith.constant 32 : index
    %swap3A_163 = tpu.vector_load %arg9[%swap3A_161, %swap3A_162] {strides = array<i32>} : memref<16x64xf32, #tpu.memory_space<vmem>>, vector<1x16xf32>,
    %swap3A_164 = vector.shape_cast %swap3A_163 : vector<1x16xf32> to vector<16xf32>
    %swap3A_165 = vector.shape_cast %broadcast_in_dim3A_4 : vector<16xf32> to vector<1x16xf32>
    tpu.vector_store %arg9[%swap3A_161, %swap3A_162], %swap3A_165 {strides = array<i32>} : memref<16x64xf32, #tpu.memory_space<vmem>>, vector<1x16xf32>,
    %swap3A_166 = arith.constant 6 : i32
    %swap3A_167 = arith.index_cast %swap3A_166 : i32 to index
    %swap3A_168 = arith.constant 48 : index
    %swap3A_169 = tpu.vector_load %arg9[%swap3A_167, %swap3A_168] {strides = array<i32>} : memref<16x64xf32, #tpu.memory_space<vmem>>, vector<1x16xf32>,
    %swap3A_170 = vector.shape_cast %swap3A_169 : vector<1x16xf32> to vector<16xf32>
    %swap3A_171 = vector.shape_cast %broadcast_in_dim3A_4 : vector<16xf32> to vector<1x16xf32>
    tpu.vector_store %arg9[%swap3A_167, %swap3A_168], %swap3A_171 {strides = array<i32>} : memref<16x64xf32, #tpu.memory_space<vmem>>, vector<1x16xf32>,
    %swap3A_172 = arith.constant 7 : i32
    %swap3A_173 = arith.index_cast %swap3A_172 : i32 to index
    %swap3A_174 = arith.constant 0 : index
    %swap3A_175 = tpu.vector_load %arg9[%swap3A_173, %swap3A_174] {strides = array<i32>} : memref<16x64xf32, #tpu.memory_space<vmem>>, vector<1x16xf32>,
    %swap3A_176 = vector.shape_cast %swap3A_175 : vector<1x16xf32> to vector<16xf32>
    %swap3A_177 = vector.shape_cast %broadcast_in_dim3A_4 : vector<16xf32> to vector<1x16xf32>
    tpu.vector_store %arg9[%swap3A_173, %swap3A_174], %swap3A_177 {strides = array<i32>} : memref<16x64xf32, #tpu.memory_space<vmem>>, vector<1x16xf32>,
    %swap3A_178 = arith.constant 7 : i32
    %swap3A_179 = arith.index_cast %swap3A_178 : i32 to index
    %swap3A_180 = arith.constant 16 : index
    %swap3A_181 = tpu.vector_load %arg9[%swap3A_179, %swap3A_180] {strides = array<i32>} : memref<16x64xf32, #tpu.memory_space<vmem>>, vector<1x16xf32>,
    %swap3A_182 = vector.shape_cast %swap3A_181 : vector<1x16xf32> to vector<16xf32>
    %swap3A_183 = vector.shape_cast %broadcast_in_dim3A_4 : vector<16xf32> to vector<1x16xf32>
    tpu.vector_store %arg9[%swap3A_179, %swap3A_180], %swap3A_183 {strides = array<i32>} : memref<16x64xf32, #tpu.memory_space<vmem>>, vector<1x16xf32>,
    %swap3A_184 = arith.constant 7 : i32
    %swap3A_185 = arith.index_cast %swap3A_184 : i32 to index
    %swap3A_186 = arith.constant 32 : index
    %swap3A_187 = tpu.vector_load %arg9[%swap3A_185, %swap3A_186] {strides = array<i32>} : memref<16x64xf32, #tpu.memory_space<vmem>>, vector<1x16xf32>,
    %swap3A_188 = vector.shape_cast %swap3A_187 : vector<1x16xf32> to vector<16xf32>
    %swap3A_189 = vector.shape_cast %broadcast_in_dim3A_4 : vector<16xf32> to vector<1x16xf32>
    tpu.vector_store %arg9[%swap3A_185, %swap3A_186], %swap3A_189 {strides = array<i32>} : memref<16x64xf32, #tpu.memory_space<vmem>>, vector<1x16xf32>,
    %swap3A_190 = arith.constant 7 : i32
    %swap3A_191 = arith.index_cast %swap3A_190 : i32 to index
    %swap3A_192 = arith.constant 48 : index
    %swap3A_193 = tpu.vector_load %arg9[%swap3A_191, %swap3A_192] {strides = array<i32>} : memref<16x64xf32, #tpu.memory_space<vmem>>, vector<1x16xf32>,
    %swap3A_194 = vector.shape_cast %swap3A_193 : vector<1x16xf32> to vector<16xf32>
    %swap3A_195 = vector.shape_cast %broadcast_in_dim3A_4 : vector<16xf32> to vector<1x16xf32>
    tpu.vector_store %arg9[%swap3A_191, %swap3A_192], %swap3A_195 {strides = array<i32>} : memref<16x64xf32, #tpu.memory_space<vmem>>, vector<1x16xf32>,
    %swap3A_196 = arith.constant 8 : i32
    %swap3A_197 = arith.index_cast %swap3A_196 : i32 to index
    %swap3A_198 = arith.constant 0 : index
    %swap3A_199 = tpu.vector_load %arg9[%swap3A_197, %swap3A_198] {strides = array<i32>} : memref<16x64xf32, #tpu.memory_space<vmem>>, vector<1x16xf32>,
    %swap3A_200 = vector.shape_cast %swap3A_199 : vector<1x16xf32> to vector<16xf32>
    %swap3A_201 = vector.shape_cast %broadcast_in_dim3A_4 : vector<16xf32> to vector<1x16xf32>
    tpu.vector_store %arg9[%swap3A_197, %swap3A_198], %swap3A_201 {strides = array<i32>} : memref<16x64xf32, #tpu.memory_space<vmem>>, vector<1x16xf32>,
    %swap3A_202 = arith.constant 8 : i32
    %swap3A_203 = arith.index_cast %swap3A_202 : i32 to index
    %swap3A_204 = arith.constant 16 : index
    %swap3A_205 = tpu.vector_load %arg9[%swap3A_203, %swap3A_204] {strides = array<i32>} : memref<16x64xf32, #tpu.memory_space<vmem>>, vector<1x16xf32>,
    %swap3A_206 = vector.shape_cast %swap3A_205 : vector<1x16xf32> to vector<16xf32>
    %swap3A_207 = vector.shape_cast %broadcast_in_dim3A_4 : vector<16xf32> to vector<1x16xf32>
    tpu.vector_store %arg9[%swap3A_203, %swap3A_204], %swap3A_207 {strides = array<i32>} : memref<16x64xf32, #tpu.memory_space<vmem>>, vector<1x16xf32>,
    %swap3A_208 = arith.constant 8 : i32
    %swap3A_209 = arith.index_cast %swap3A_208 : i32 to index
    %swap3A_210 = arith.constant 32 : index
    %swap3A_211 = tpu.vector_load %arg9[%swap3A_209, %swap3A_210] {strides = array<i32>} : memref<16x64xf32, #tpu.memory_space<vmem>>, vector<1x16xf32>,
    %swap3A_212 = vector.shape_cast %swap3A_211 : vector<1x16xf32> to vector<16xf32>
    %swap3A_213 = vector.shape_cast %broadcast_in_dim3A_4 : vector<16xf32> to vector<1x16xf32>
    tpu.vector_store %arg9[%swap3A_209, %swap3A_210], %swap3A_213 {strides = array<i32>} : memref<16x64xf32, #tpu.memory_space<vmem>>, vector<1x16xf32>,
    %swap3A_214 = arith.constant 8 : i32
    %swap3A_215 = arith.index_cast %swap3A_214 : i32 to index
    %swap3A_216 = arith.constant 48 : index
    %swap3A_217 = tpu.vector_load %arg9[%swap3A_215, %swap3A_216] {strides = array<i32>} : memref<16x64xf32, #tpu.memory_space<vmem>>, vector<1x16xf32>,
    %swap3A_218 = vector.shape_cast %swap3A_217 : vector<1x16xf32> to vector<16xf32>
    %swap3A_219 = vector.shape_cast %broadcast_in_dim3A_4 : vector<16xf32> to vector<1x16xf32>
    tpu.vector_store %arg9[%swap3A_215, %swap3A_216], %swap3A_219 {strides = array<i32>} : memref<16x64xf32, #tpu.memory_space<vmem>>, vector<1x16xf32>,
    %swap3A_220 = arith.constant 9 : i32
    %swap3A_221 = arith.index_cast %swap3A_220 : i32 to index
    %swap3A_222 = arith.constant 0 : index
    %swap3A_223 = tpu.vector_load %arg9[%swap3A_221, %swap3A_222] {strides = array<i32>} : memref<16x64xf32, #tpu.memory_space<vmem>>, vector<1x16xf32>,
    %swap3A_224 = vector.shape_cast %swap3A_223 : vector<1x16xf32> to vector<16xf32>
    %swap3A_225 = vector.shape_cast %broadcast_in_dim3A_4 : vector<16xf32> to vector<1x16xf32>
    tpu.vector_store %arg9[%swap3A_221, %swap3A_222], %swap3A_225 {strides = array<i32>} : memref<16x64xf32, #tpu.memory_space<vmem>>, vector<1x16xf32>,
    %swap3A_226 = arith.constant 9 : i32
    %swap3A_227 = arith.index_cast %swap3A_226 : i32 to index
    %swap3A_228 = arith.constant 16 : index
    %swap3A_229 = tpu.vector_load %arg9[%swap3A_227, %swap3A_228] {strides = array<i32>} : memref<16x64xf32, #tpu.memory_space<vmem>>, vector<1x16xf32>,
    %swap3A_230 = vector.shape_cast %swap3A_229 : vector<1x16xf32> to vector<16xf32>
    %swap3A_231 = vector.shape_cast %broadcast_in_dim3A_4 : vector<16xf32> to vector<1x16xf32>
    tpu.vector_store %arg9[%swap3A_227, %swap3A_228], %swap3A_231 {strides = array<i32>} : memref<16x64xf32, #tpu.memory_space<vmem>>, vector<1x16xf32>,
    %swap3A_232 = arith.constant 9 : i32
    %swap3A_233 = arith.index_cast %swap3A_232 : i32 to index
    %swap3A_234 = arith.constant 32 : index
    %swap3A_235 = tpu.vector_load %arg9[%swap3A_233, %swap3A_234] {strides = array<i32>} : memref<16x64xf32, #tpu.memory_space<vmem>>, vector<1x16xf32>,
    %swap3A_236 = vector.shape_cast %swap3A_235 : vector<1x16xf32> to vector<16xf32>
    %swap3A_237 = vector.shape_cast %broadcast_in_dim3A_4 : vector<16xf32> to vector<1x16xf32>
    tpu.vector_store %arg9[%swap3A_233, %swap3A_234], %swap3A_237 {strides = array<i32>} : memref<16x64xf32, #tpu.memory_space<vmem>>, vector<1x16xf32>,
    %swap3A_238 = arith.constant 9 : i32
    %swap3A_239 = arith.index_cast %swap3A_238 : i32 to index
    %swap3A_240 = arith.constant 48 : index
    %swap3A_241 = tpu.vector_load %arg9[%swap3A_239, %swap3A_240] {strides = array<i32>} : memref<16x64xf32, #tpu.memory_space<vmem>>, vector<1x16xf32>,
    %swap3A_242 = vector.shape_cast %swap3A_241 : vector<1x16xf32> to vector<16xf32>
    %swap3A_243 = vector.shape_cast %broadcast_in_dim3A_4 : vector<16xf32> to vector<1x16xf32>
    tpu.vector_store %arg9[%swap3A_239, %swap3A_240], %swap3A_243 {strides = array<i32>} : memref<16x64xf32, #tpu.memory_space<vmem>>, vector<1x16xf32>,
    %swap3A_244 = arith.constant 10 : i32
    %swap3A_245 = arith.index_cast %swap3A_244 : i32 to index
    %swap3A_246 = arith.constant 0 : index
    %swap3A_247 = tpu.vector_load %arg9[%swap3A_245, %swap3A_246] {strides = array<i32>} : memref<16x64xf32, #tpu.memory_space<vmem>>, vector<1x16xf32>,
    %swap3A_248 = vector.shape_cast %swap3A_247 : vector<1x16xf32> to vector<16xf32>
    %swap3A_249 = vector.shape_cast %broadcast_in_dim3A_4 : vector<16xf32> to vector<1x16xf32>
    tpu.vector_store %arg9[%swap3A_245, %swap3A_246], %swap3A_249 {strides = array<i32>} : memref<16x64xf32, #tpu.memory_space<vmem>>, vector<1x16xf32>,
    %swap3A_250 = arith.constant 10 : i32
    %swap3A_251 = arith.index_cast %swap3A_250 : i32 to index
    %swap3A_252 = arith.constant 16 : index
    %swap3A_253 = tpu.vector_load %arg9[%swap3A_251, %swap3A_252] {strides = array<i32>} : memref<16x64xf32, #tpu.memory_space<vmem>>, vector<1x16xf32>,
    %swap3A_254 = vector.shape_cast %swap3A_253 : vector<1x16xf32> to vector<16xf32>
    %swap3A_255 = vector.shape_cast %broadcast_in_dim3A_4 : vector<16xf32> to vector<1x16xf32>
    tpu.vector_store %arg9[%swap3A_251, %swap3A_252], %swap3A_255 {strides = array<i32>} : memref<16x64xf32, #tpu.memory_space<vmem>>, vector<1x16xf32>,
    %swap3A_256 = arith.constant 10 : i32
    %swap3A_257 = arith.index_cast %swap3A_256 : i32 to index
    %swap3A_258 = arith.constant 32 : index
    %swap3A_259 = tpu.vector_load %arg9[%swap3A_257, %swap3A_258] {strides = array<i32>} : memref<16x64xf32, #tpu.memory_space<vmem>>, vector<1x16xf32>,
    %swap3A_260 = vector.shape_cast %swap3A_259 : vector<1x16xf32> to vector<16xf32>
    %swap3A_261 = vector.shape_cast %broadcast_in_dim3A_4 : vector<16xf32> to vector<1x16xf32>
    tpu.vector_store %arg9[%swap3A_257, %swap3A_258], %swap3A_261 {strides = array<i32>} : memref<16x64xf32, #tpu.memory_space<vmem>>, vector<1x16xf32>,
    %swap3A_262 = arith.constant 10 : i32
    %swap3A_263 = arith.index_cast %swap3A_262 : i32 to index
    %swap3A_264 = arith.constant 48 : index
    %swap3A_265 = tpu.vector_load %arg9[%swap3A_263, %swap3A_264] {strides = array<i32>} : memref<16x64xf32, #tpu.memory_space<vmem>>, vector<1x16xf32>,
    %swap3A_266 = vector.shape_cast %swap3A_265 : vector<1x16xf32> to vector<16xf32>
    %swap3A_267 = vector.shape_cast %broadcast_in_dim3A_4 : vector<16xf32> to vector<1x16xf32>
    tpu.vector_store %arg9[%swap3A_263, %swap3A_264], %swap3A_267 {strides = array<i32>} : memref<16x64xf32, #tpu.memory_space<vmem>>, vector<1x16xf32>,
    %swap3A_268 = arith.constant 11 : i32
    %swap3A_269 = arith.index_cast %swap3A_268 : i32 to index
    %swap3A_270 = arith.constant 0 : index
    %swap3A_271 = tpu.vector_load %arg9[%swap3A_269, %swap3A_270] {strides = array<i32>} : memref<16x64xf32, #tpu.memory_space<vmem>>, vector<1x16xf32>,
    %swap3A_272 = vector.shape_cast %swap3A_271 : vector<1x16xf32> to vector<16xf32>
    %swap3A_273 = vector.shape_cast %broadcast_in_dim3A_4 : vector<16xf32> to vector<1x16xf32>
    tpu.vector_store %arg9[%swap3A_269, %swap3A_270], %swap3A_273 {strides = array<i32>} : memref<16x64xf32, #tpu.memory_space<vmem>>, vector<1x16xf32>,
    %swap3A_274 = arith.constant 11 : i32
    %swap3A_275 = arith.index_cast %swap3A_274 : i32 to index
    %swap3A_276 = arith.constant 16 : index
    %swap3A_277 = tpu.vector_load %arg9[%swap3A_275, %swap3A_276] {strides = array<i32>} : memref<16x64xf32, #tpu.memory_space<vmem>>, vector<1x16xf32>,
    %swap3A_278 = vector.shape_cast %swap3A_277 : vector<1x16xf32> to vector<16xf32>
    %swap3A_279 = vector.shape_cast %broadcast_in_dim3A_4 : vector<16xf32> to vector<1x16xf32>
    tpu.vector_store %arg9[%swap3A_275, %swap3A_276], %swap3A_279 {strides = array<i32>} : memref<16x64xf32, #tpu.memory_space<vmem>>, vector<1x16xf32>,
    %swap3A_280 = arith.constant 11 : i32
    %swap3A_281 = arith.index_cast %swap3A_280 : i32 to index
    %swap3A_282 = arith.constant 32 : index
    %swap3A_283 = tpu.vector_load %arg9[%swap3A_281, %swap3A_282] {strides = array<i32>} : memref<16x64xf32, #tpu.memory_space<vmem>>, vector<1x16xf32>,
    %swap3A_284 = vector.shape_cast %swap3A_283 : vector<1x16xf32> to vector<16xf32>
    %swap3A_285 = vector.shape_cast %broadcast_in_dim3A_4 : vector<16xf32> to vector<1x16xf32>
    tpu.vector_store %arg9[%swap3A_281, %swap3A_282], %swap3A_285 {strides = array<i32>} : memref<16x64xf32, #tpu.memory_space<vmem>>, vector<1x16xf32>,
    %swap3A_286 = arith.constant 11 : i32
    %swap3A_287 = arith.index_cast %swap3A_286 : i32 to index
    %swap3A_288 = arith.constant 48 : index
    %swap3A_289 = tpu.vector_load %arg9[%swap3A_287, %swap3A_288] {strides = array<i32>} : memref<16x64xf32, #tpu.memory_space<vmem>>, vector<1x16xf32>,
    %swap3A_290 = vector.shape_cast %swap3A_289 : vector<1x16xf32> to vector<16xf32>
    %swap3A_291 = vector.shape_cast %broadcast_in_dim3A_4 : vector<16xf32> to vector<1x16xf32>
    tpu.vector_store %arg9[%swap3A_287, %swap3A_288], %swap3A_291 {strides = array<i32>} : memref<16x64xf32, #tpu.memory_space<vmem>>, vector<1x16xf32>,
    %swap3A_292 = arith.constant 12 : i32
    %swap3A_293 = arith.index_cast %swap3A_292 : i32 to index
    %swap3A_294 = arith.constant 0 : index
    %swap3A_295 = tpu.vector_load %arg9[%swap3A_293, %swap3A_294] {strides = array<i32>} : memref<16x64xf32, #tpu.memory_space<vmem>>, vector<1x16xf32>,
    %swap3A_296 = vector.shape_cast %swap3A_295 : vector<1x16xf32> to vector<16xf32>
    %swap3A_297 = vector.shape_cast %broadcast_in_dim3A_4 : vector<16xf32> to vector<1x16xf32>
    tpu.vector_store %arg9[%swap3A_293, %swap3A_294], %swap3A_297 {strides = array<i32>} : memref<16x64xf32, #tpu.memory_space<vmem>>, vector<1x16xf32>,
    %swap3A_298 = arith.constant 12 : i32
    %swap3A_299 = arith.index_cast %swap3A_298 : i32 to index
    %swap3A_300 = arith.constant 16 : index
    %swap3A_301 = tpu.vector_load %arg9[%swap3A_299, %swap3A_300] {strides = array<i32>} : memref<16x64xf32, #tpu.memory_space<vmem>>, vector<1x16xf32>,
    %swap3A_302 = vector.shape_cast %swap3A_301 : vector<1x16xf32> to vector<16xf32>
    %swap3A_303 = vector.shape_cast %broadcast_in_dim3A_4 : vector<16xf32> to vector<1x16xf32>
    tpu.vector_store %arg9[%swap3A_299, %swap3A_300], %swap3A_303 {strides = array<i32>} : memref<16x64xf32, #tpu.memory_space<vmem>>, vector<1x16xf32>,
    %swap3A_304 = arith.constant 12 : i32
    %swap3A_305 = arith.index_cast %swap3A_304 : i32 to index
    %swap3A_306 = arith.constant 32 : index
    %swap3A_307 = tpu.vector_load %arg9[%swap3A_305, %swap3A_306] {strides = array<i32>} : memref<16x64xf32, #tpu.memory_space<vmem>>, vector<1x16xf32>,
    %swap3A_308 = vector.shape_cast %swap3A_307 : vector<1x16xf32> to vector<16xf32>
    %swap3A_309 = vector.shape_cast %broadcast_in_dim3A_4 : vector<16xf32> to vector<1x16xf32>
    tpu.vector_store %arg9[%swap3A_305, %swap3A_306], %swap3A_309 {strides = array<i32>} : memref<16x64xf32, #tpu.memory_space<vmem>>, vector<1x16xf32>,
    %swap3A_310 = arith.constant 12 : i32
    %swap3A_311 = arith.index_cast %swap3A_310 : i32 to index
    %swap3A_312 = arith.constant 48 : index
    %swap3A_313 = tpu.vector_load %arg9[%swap3A_311, %swap3A_312] {strides = array<i32>} : memref<16x64xf32, #tpu.memory_space<vmem>>, vector<1x16xf32>,
    %swap3A_314 = vector.shape_cast %swap3A_313 : vector<1x16xf32> to vector<16xf32>
    %swap3A_315 = vector.shape_cast %broadcast_in_dim3A_4 : vector<16xf32> to vector<1x16xf32>
    tpu.vector_store %arg9[%swap3A_311, %swap3A_312], %swap3A_315 {strides = array<i32>} : memref<16x64xf32, #tpu.memory_space<vmem>>, vector<1x16xf32>,
    %swap3A_316 = arith.constant 13 : i32
    %swap3A_317 = arith.index_cast %swap3A_316 : i32 to index
    %swap3A_318 = arith.constant 0 : index
    %swap3A_319 = tpu.vector_load %arg9[%swap3A_317, %swap3A_318] {strides = array<i32>} : memref<16x64xf32, #tpu.memory_space<vmem>>, vector<1x16xf32>,
    %swap3A_320 = vector.shape_cast %swap3A_319 : vector<1x16xf32> to vector<16xf32>
    %swap3A_321 = vector.shape_cast %broadcast_in_dim3A_4 : vector<16xf32> to vector<1x16xf32>
    tpu.vector_store %arg9[%swap3A_317, %swap3A_318], %swap3A_321 {strides = array<i32>} : memref<16x64xf32, #tpu.memory_space<vmem>>, vector<1x16xf32>,
    %swap3A_322 = arith.constant 13 : i32
    %swap3A_323 = arith.index_cast %swap3A_322 : i32 to index
    %swap3A_324 = arith.constant 16 : index
    %swap3A_325 = tpu.vector_load %arg9[%swap3A_323, %swap3A_324] {strides = array<i32>} : memref<16x64xf32, #tpu.memory_space<vmem>>, vector<1x16xf32>,
    %swap3A_326 = vector.shape_cast %swap3A_325 : vector<1x16xf32> to vector<16xf32>
    %swap3A_327 = vector.shape_cast %broadcast_in_dim3A_4 : vector<16xf32> to vector<1x16xf32>
    tpu.vector_store %arg9[%swap3A_323, %swap3A_324], %swap3A_327 {strides = array<i32>} : memref<16x64xf32, #tpu.memory_space<vmem>>, vector<1x16xf32>,
    %swap3A_328 = arith.constant 13 : i32
    %swap3A_329 = arith.index_cast %swap3A_328 : i32 to index
    %swap3A_330 = arith.constant 32 : index
    %swap3A_331 = tpu.vector_load %arg9[%swap3A_329, %swap3A_330] {strides = array<i32>} : memref<16x64xf32, #tpu.memory_space<vmem>>, vector<1x16xf32>,
    %swap3A_332 = vector.shape_cast %swap3A_331 : vector<1x16xf32> to vector<16xf32>
    %swap3A_333 = vector.shape_cast %broadcast_in_dim3A_4 : vector<16xf32> to vector<1x16xf32>
    tpu.vector_store %arg9[%swap3A_329, %swap3A_330], %swap3A_333 {strides = array<i32>} : memref<16x64xf32, #tpu.memory_space<vmem>>, vector<1x16xf32>,
    %swap3A_334 = arith.constant 13 : i32
    %swap3A_335 = arith.index_cast %swap3A_334 : i32 to index
    %swap3A_336 = arith.constant 48 : index
    %swap3A_337 = tpu.vector_load %arg9[%swap3A_335, %swap3A_336] {strides = array<i32>} : memref<16x64xf32, #tpu.memory_space<vmem>>, vector<1x16xf32>,
    %swap3A_338 = vector.shape_cast %swap3A_337 : vector<1x16xf32> to vector<16xf32>
    %swap3A_339 = vector.shape_cast %broadcast_in_dim3A_4 : vector<16xf32> to vector<1x16xf32>
    tpu.vector_store %arg9[%swap3A_335, %swap3A_336], %swap3A_339 {strides = array<i32>} : memref<16x64xf32, #tpu.memory_space<vmem>>, vector<1x16xf32>,
    %swap3A_340 = arith.constant 14 : i32
    %swap3A_341 = arith.index_cast %swap3A_340 : i32 to index
    %swap3A_342 = arith.constant 0 : index
    %swap3A_343 = tpu.vector_load %arg9[%swap3A_341, %swap3A_342] {strides = array<i32>} : memref<16x64xf32, #tpu.memory_space<vmem>>, vector<1x16xf32>,
    %swap3A_344 = vector.shape_cast %swap3A_343 : vector<1x16xf32> to vector<16xf32>
    %swap3A_345 = vector.shape_cast %broadcast_in_dim3A_4 : vector<16xf32> to vector<1x16xf32>
    tpu.vector_store %arg9[%swap3A_341, %swap3A_342], %swap3A_345 {strides = array<i32>} : memref<16x64xf32, #tpu.memory_space<vmem>>, vector<1x16xf32>,
    %swap3A_346 = arith.constant 14 : i32
    %swap3A_347 = arith.index_cast %swap3A_346 : i32 to index
    %swap3A_348 = arith.constant 16 : index
    %swap3A_349 = tpu.vector_load %arg9[%swap3A_347, %swap3A_348] {strides = array<i32>} : memref<16x64xf32, #tpu.memory_space<vmem>>, vector<1x16xf32>,
    %swap3A_350 = vector.shape_cast %swap3A_349 : vector<1x16xf32> to vector<16xf32>
    %swap3A_351 = vector.shape_cast %broadcast_in_dim3A_4 : vector<16xf32> to vector<1x16xf32>
    tpu.vector_store %arg9[%swap3A_347, %swap3A_348], %swap3A_351 {strides = array<i32>} : memref<16x64xf32, #tpu.memory_space<vmem>>, vector<1x16xf32>,
    %swap3A_352 = arith.constant 14 : i32
    %swap3A_353 = arith.index_cast %swap3A_352 : i32 to index
    %swap3A_354 = arith.constant 32 : index
    %swap3A_355 = tpu.vector_load %arg9[%swap3A_353, %swap3A_354] {strides = array<i32>} : memref<16x64xf32, #tpu.memory_space<vmem>>, vector<1x16xf32>,
    %swap3A_356 = vector.shape_cast %swap3A_355 : vector<1x16xf32> to vector<16xf32>
    %swap3A_357 = vector.shape_cast %broadcast_in_dim3A_4 : vector<16xf32> to vector<1x16xf32>
    tpu.vector_store %arg9[%swap3A_353, %swap3A_354], %swap3A_357 {strides = array<i32>} : memref<16x64xf32, #tpu.memory_space<vmem>>, vector<1x16xf32>,
    %swap3A_358 = arith.constant 14 : i32
    %swap3A_359 = arith.index_cast %swap3A_358 : i32 to index
    %swap3A_360 = arith.constant 48 : index
    %swap3A_361 = tpu.vector_load %arg9[%swap3A_359, %swap3A_360] {strides = array<i32>} : memref<16x64xf32, #tpu.memory_space<vmem>>, vector<1x16xf32>,
    %swap3A_362 = vector.shape_cast %swap3A_361 : vector<1x16xf32> to vector<16xf32>
    %swap3A_363 = vector.shape_cast %broadcast_in_dim3A_4 : vector<16xf32> to vector<1x16xf32>
    tpu.vector_store %arg9[%swap3A_359, %swap3A_360], %swap3A_363 {strides = array<i32>} : memref<16x64xf32, #tpu.memory_space<vmem>>, vector<1x16xf32>,
    %swap3A_364 = arith.constant 15 : i32
    %swap3A_365 = arith.index_cast %swap3A_364 : i32 to index
    %swap3A_366 = arith.constant 0 : index
    %swap3A_367 = tpu.vector_load %arg9[%swap3A_365, %swap3A_366] {strides = array<i32>} : memref<16x64xf32, #tpu.memory_space<vmem>>, vector<1x16xf32>,
    %swap3A_368 = vector.shape_cast %swap3A_367 : vector<1x16xf32> to vector<16xf32>
    %swap3A_369 = vector.shape_cast %broadcast_in_dim3A_4 : vector<16xf32> to vector<1x16xf32>
    tpu.vector_store %arg9[%swap3A_365, %swap3A_366], %swap3A_369 {strides = array<i32>} : memref<16x64xf32, #tpu.memory_space<vmem>>, vector<1x16xf32>,
    %swap3A_370 = arith.constant 15 : i32
    %swap3A_371 = arith.index_cast %swap3A_370 : i32 to index
    %swap3A_372 = arith.constant 16 : index
    %swap3A_373 = tpu.vector_load %arg9[%swap3A_371, %swap3A_372] {strides = array<i32>} : memref<16x64xf32, #tpu.memory_space<vmem>>, vector<1x16xf32>,
    %swap3A_374 = vector.shape_cast %swap3A_373 : vector<1x16xf32> to vector<16xf32>
    %swap3A_375 = vector.shape_cast %broadcast_in_dim3A_4 : vector<16xf32> to vector<1x16xf32>
    tpu.vector_store %arg9[%swap3A_371, %swap3A_372], %swap3A_375 {strides = array<i32>} : memref<16x64xf32, #tpu.memory_space<vmem>>, vector<1x16xf32>,
    %swap3A_376 = arith.constant 15 : i32
    %swap3A_377 = arith.index_cast %swap3A_376 : i32 to index
    %swap3A_378 = arith.constant 32 : index
    %swap3A_379 = tpu.vector_load %arg9[%swap3A_377, %swap3A_378] {strides = array<i32>} : memref<16x64xf32, #tpu.memory_space<vmem>>, vector<1x16xf32>,
    %swap3A_380 = vector.shape_cast %swap3A_379 : vector<1x16xf32> to vector<16xf32>
    %swap3A_381 = vector.shape_cast %broadcast_in_dim3A_4 : vector<16xf32> to vector<1x16xf32>
    tpu.vector_store %arg9[%swap3A_377, %swap3A_378], %swap3A_381 {strides = array<i32>} : memref<16x64xf32, #tpu.memory_space<vmem>>, vector<1x16xf32>,
    %swap3A_382 = arith.constant 15 : i32
    %swap3A_383 = arith.index_cast %swap3A_382 : i32 to index
    %swap3A_384 = arith.constant 48 : index
    %swap3A_385 = tpu.vector_load %arg9[%swap3A_383, %swap3A_384] {strides = array<i32>} : memref<16x64xf32, #tpu.memory_space<vmem>>, vector<1x16xf32>,
    %swap3A_386 = vector.shape_cast %swap3A_385 : vector<1x16xf32> to vector<16xf32>
    %swap3A_387 = vector.shape_cast %broadcast_in_dim3A_4 : vector<16xf32> to vector<1x16xf32>
    tpu.vector_store %arg9[%swap3A_383, %swap3A_384], %swap3A_387 {strides = array<i32>} : memref<16x64xf32, #tpu.memory_space<vmem>>, vector<1x16xf32>,
    %mul3A_388 = arith.constant 640 : i32
    %mul3A_389 = arith.muli %arg1, %mul3A_388 : i32
    %scan3A = arith.constant 0 : i32
    %scan3A_390 = arith.constant 0 : i32
    %scan3A_391 = arith.constant 40 : i32
    %scan3A_392 = arith.addi %scan3A_390, %scan3A_391 : i32
    %scan3A_393 = arith.constant 1 : i32
    scf.for %scan3A_408 = %scan3A_390 to %scan3A_392 step %scan3A_393  : i32 {
      %mul3A_409 = arith.constant 16 : i32
      %mul3A_410 = arith.muli %scan3A_408, %mul3A_409 : i32
      %add3A_411 = arith.addi %mul3A_389, %mul3A_410 : i32
      "tpu.region"() ({
        %run_scoped3A = tpu.sem_alloc : memref<!tpu.dma_semaphore, #tpu.memory_space<semaphore_mem>>
        %dma_start3A = arith.constant 0 : i32
        %dma_start3A_412 = tpu.memref_slice %arg10[%add3A_411, %dma_start3A] : memref<10240x64xf32, #tpu.memory_space<vmem_shared>> -> memref<16x64xf32, #tpu.memory_space<vmem_shared>>
        %dma_start3A_413 = arith.constant 0 : i32
        %dma_start3A_414 = tpu.memref_slice %arg10[%add3A_411, %dma_start3A_413] : memref<10240x64xf32, #tpu.memory_space<vmem_shared>> -> memref<16x64xf32, #tpu.memory_space<vmem_shared>>
        tpu.enqueue_dma source(%arg9 : memref<16x64xf32, #tpu.memory_space<vmem>>) target(%dma_start3A_414 : memref<16x64xf32, #tpu.memory_space<vmem_shared>>) target_semaphore(%run_scoped3A : memref<!tpu.dma_semaphore, #tpu.memory_space<semaphore_mem>>)
        %dma_wait3A = arith.constant 0 : i32
        %dma_wait3A_415 = tpu.memref_slice %arg10[%add3A_411, %dma_wait3A] : memref<10240x64xf32, #tpu.memory_space<vmem_shared>> -> memref<16x64xf32, #tpu.memory_space<vmem_shared>>
        %dma_wait3A_416 = arith.constant 0 : i32
        %dma_wait3A_417 = tpu.memref_slice %arg10[%add3A_411, %dma_wait3A_416] : memref<10240x64xf32, #tpu.memory_space<vmem_shared>> -> memref<16x64xf32, #tpu.memory_space<vmem_shared>>
        tpu.wait_dma2 semaphore(%run_scoped3A : memref<!tpu.dma_semaphore, #tpu.memory_space<semaphore_mem>>) src(%arg9 : memref<16x64xf32, #tpu.memory_space<vmem>>) dst(%dma_wait3A_417 : memref<16x64xf32, #tpu.memory_space<vmem_shared>>)
        tpu.yield
      }) : () -> ()
    }
    %scan3A_394 = arith.constant 40 : i32
    %add3A_395 = arith.constant 640 : i32
    %add3A_396 = arith.addi %mul3A_389, %add3A_395 : i32
    %sub3A = arith.constant 16 : i32
    %sub3A_397 = arith.subi %add3A_396, %sub3A : i32
    "tpu.region"() ({
      %run_scoped3A = tpu.sem_alloc : memref<!tpu.dma_semaphore, #tpu.memory_space<semaphore_mem>>
      %dma_start3A = arith.constant 0 : i32
      %dma_start3A_408 = tpu.memref_slice %arg10[%sub3A_397, %dma_start3A] : memref<10240x64xf32, #tpu.memory_space<vmem_shared>> -> memref<16x64xf32, #tpu.memory_space<vmem_shared>>
      %dma_start3A_409 = arith.constant 0 : i32
      %dma_start3A_410 = tpu.memref_slice %arg10[%sub3A_397, %dma_start3A_409] : memref<10240x64xf32, #tpu.memory_space<vmem_shared>> -> memref<16x64xf32, #tpu.memory_space<vmem_shared>>
      tpu.enqueue_dma source(%dma_start3A_410 : memref<16x64xf32, #tpu.memory_space<vmem_shared>>) target(%arg9 : memref<16x64xf32, #tpu.memory_space<vmem>>) target_semaphore(%run_scoped3A : memref<!tpu.dma_semaphore, #tpu.memory_space<semaphore_mem>>)
      %dma_wait3A = arith.constant 0 : i32
      %dma_wait3A_411 = tpu.memref_slice %arg10[%sub3A_397, %dma_wait3A] : memref<10240x64xf32, #tpu.memory_space<vmem_shared>> -> memref<16x64xf32, #tpu.memory_space<vmem_shared>>
      %dma_wait3A_412 = arith.constant 0 : i32
      %dma_wait3A_413 = tpu.memref_slice %arg10[%sub3A_397, %dma_wait3A_412] : memref<10240x64xf32, #tpu.memory_space<vmem_shared>> -> memref<16x64xf32, #tpu.memory_space<vmem_shared>>
      tpu.wait_dma2 semaphore(%run_scoped3A : memref<!tpu.dma_semaphore, #tpu.memory_space<semaphore_mem>>) src(%dma_wait3A_413 : memref<16x64xf32, #tpu.memory_space<vmem_shared>>) dst(%arg9 : memref<16x64xf32, #tpu.memory_space<vmem>>)
      tpu.yield
    }) : () -> ()
    "tpu.region"() ({
      %run_scoped3A = tpu.sem_alloc : memref<!tpu.dma_semaphore, #tpu.memory_space<semaphore_mem>>
      %dma_start3A = arith.constant 0 : i32
      %dma_start3A_408 = arith.constant 0 : i32
      %dma_start3A_409 = tpu.memref_slice %arg6[%dma_start3A, %dma_start3A_408] : memref<79x128xi32, #tpu.memory_space<vmem>> -> memref<79x128xi32, #tpu.memory_space<vmem>>
      %dma_start3A_410 = arith.constant 0 : i32
      %dma_start3A_411 = arith.constant 0 : i32
      %dma_start3A_412 = tpu.memref_slice %arg3[%add3A, %dma_start3A_410, %dma_start3A_411] : memref<32x79x128xi32, #tpu.memory_space<hbm>> -> memref<1x79x128xi32, #tpu.memory_space<hbm>>
      %dma_start3A_413 = tpu.memref_squeeze %dma_start3A_412 : memref<1x79x128xi32, #tpu.memory_space<hbm>> -> memref<79x128xi32, #tpu.memory_space<hbm>>
      %dma_start3A_414 = arith.constant 0 : i32
      %dma_start3A_415 = arith.constant 0 : i32
      %dma_start3A_416 = tpu.memref_slice %arg6[%dma_start3A_414, %dma_start3A_415] : memref<79x128xi32, #tpu.memory_space<vmem>> -> memref<79x128xi32, #tpu.memory_space<vmem>>
      %dma_start3A_417 = arith.constant 0 : i32
      %dma_start3A_418 = arith.constant 0 : i32
      %dma_start3A_419 = tpu.memref_slice %arg3[%add3A, %dma_start3A_417, %dma_start3A_418] : memref<32x79x128xi32, #tpu.memory_space<hbm>> -> memref<1x79x128xi32, #tpu.memory_space<hbm>>
      %dma_start3A_420 = tpu.memref_squeeze %dma_start3A_419 : memref<1x79x128xi32, #tpu.memory_space<hbm>> -> memref<79x128xi32, #tpu.memory_space<hbm>>
      tpu.enqueue_dma source(%dma_start3A_420 : memref<79x128xi32, #tpu.memory_space<hbm>>) target(%dma_start3A_416 : memref<79x128xi32, #tpu.memory_space<vmem>>) target_semaphore(%run_scoped3A : memref<!tpu.dma_semaphore, #tpu.memory_space<semaphore_mem>>)
      %dma_wait3A = arith.constant 0 : i32
      %dma_wait3A_421 = arith.constant 0 : i32
      %dma_wait3A_422 = tpu.memref_slice %arg6[%dma_wait3A, %dma_wait3A_421] : memref<79x128xi32, #tpu.memory_space<vmem>> -> memref<79x128xi32, #tpu.memory_space<vmem>>
      %dma_wait3A_423 = arith.constant 0 : i32
      %dma_wait3A_424 = arith.constant 0 : i32
      %dma_wait3A_425 = tpu.memref_slice %arg3[%add3A, %dma_wait3A_423, %dma_wait3A_424] : memref<32x79x128xi32, #tpu.memory_space<hbm>> -> memref<1x79x128xi32, #tpu.memory_space<hbm>>
      %dma_wait3A_426 = tpu.memref_squeeze %dma_wait3A_425 : memref<1x79x128xi32, #tpu.memory_space<hbm>> -> memref<79x128xi32, #tpu.memory_space<hbm>>
      %dma_wait3A_427 = arith.constant 0 : i32
      %dma_wait3A_428 = arith.constant 0 : i32
      %dma_wait3A_429 = tpu.memref_slice %arg6[%dma_wait3A_427, %dma_wait3A_428] : memref<79x128xi32, #tpu.memory_space<vmem>> -> memref<79x128xi32, #tpu.memory_space<vmem>>
      %dma_wait3A_430 = arith.constant 0 : i32
      %dma_wait3A_431 = arith.constant 0 : i32
      %dma_wait3A_432 = tpu.memref_slice %arg3[%add3A, %dma_wait3A_430, %dma_wait3A_431] : memref<32x79x128xi32, #tpu.memory_space<hbm>> -> memref<1x79x128xi32, #tpu.memory_space<hbm>>
      %dma_wait3A_433 = tpu.memref_squeeze %dma_wait3A_432 : memref<1x79x128xi32, #tpu.memory_space<hbm>> -> memref<79x128xi32, #tpu.memory_space<hbm>>
      tpu.wait_dma2 semaphore(%run_scoped3A : memref<!tpu.dma_semaphore, #tpu.memory_space<semaphore_mem>>) src(%dma_wait3A_433 : memref<79x128xi32, #tpu.memory_space<hbm>>) dst(%dma_wait3A_429 : memref<79x128xi32, #tpu.memory_space<vmem>>)
      tpu.yield
    }) : () -> ()
    "tpu.region"() ({
      %run_scoped3A = tpu.sem_alloc : memref<!tpu.dma_semaphore, #tpu.memory_space<semaphore_mem>>
      %dma_start3A = arith.constant 0 : i32
      %dma_start3A_408 = arith.constant 0 : i32
      %dma_start3A_409 = tpu.memref_slice %arg7[%dma_start3A, %dma_start3A_408] : memref<79x128xi32, #tpu.memory_space<vmem>> -> memref<79x128xi32, #tpu.memory_space<vmem>>
      %dma_start3A_410 = arith.constant 0 : i32
      %dma_start3A_411 = arith.constant 0 : i32
      %dma_start3A_412 = tpu.memref_slice %arg4[%add3A, %dma_start3A_410, %dma_start3A_411] : memref<32x79x128xi32, #tpu.memory_space<hbm>> -> memref<1x79x128xi32, #tpu.memory_space<hbm>>
      %dma_start3A_413 = tpu.memref_squeeze %dma_start3A_412 : memref<1x79x128xi32, #tpu.memory_space<hbm>> -> memref<79x128xi32, #tpu.memory_space<hbm>>
      %dma_start3A_414 = arith.constant 0 : i32
      %dma_start3A_415 = arith.constant 0 : i32
      %dma_start3A_416 = tpu.memref_slice %arg7[%dma_start3A_414, %dma_start3A_415] : memref<79x128xi32, #tpu.memory_space<vmem>> -> memref<79x128xi32, #tpu.memory_space<vmem>>
      %dma_start3A_417 = arith.constant 0 : i32
      %dma_start3A_418 = arith.constant 0 : i32
      %dma_start3A_419 = tpu.memref_slice %arg4[%add3A, %dma_start3A_417, %dma_start3A_418] : memref<32x79x128xi32, #tpu.memory_space<hbm>> -> memref<1x79x128xi32, #tpu.memory_space<hbm>>
      %dma_start3A_420 = tpu.memref_squeeze %dma_start3A_419 : memref<1x79x128xi32, #tpu.memory_space<hbm>> -> memref<79x128xi32, #tpu.memory_space<hbm>>
      tpu.enqueue_dma source(%dma_start3A_420 : memref<79x128xi32, #tpu.memory_space<hbm>>) target(%dma_start3A_416 : memref<79x128xi32, #tpu.memory_space<vmem>>) target_semaphore(%run_scoped3A : memref<!tpu.dma_semaphore, #tpu.memory_space<semaphore_mem>>)
      %dma_wait3A = arith.constant 0 : i32
      %dma_wait3A_421 = arith.constant 0 : i32
      %dma_wait3A_422 = tpu.memref_slice %arg7[%dma_wait3A, %dma_wait3A_421] : memref<79x128xi32, #tpu.memory_space<vmem>> -> memref<79x128xi32, #tpu.memory_space<vmem>>
      %dma_wait3A_423 = arith.constant 0 : i32
      %dma_wait3A_424 = arith.constant 0 : i32
      %dma_wait3A_425 = tpu.memref_slice %arg4[%add3A, %dma_wait3A_423, %dma_wait3A_424] : memref<32x79x128xi32, #tpu.memory_space<hbm>> -> memref<1x79x128xi32, #tpu.memory_space<hbm>>
      %dma_wait3A_426 = tpu.memref_squeeze %dma_wait3A_425 : memref<1x79x128xi32, #tpu.memory_space<hbm>> -> memref<79x128xi32, #tpu.memory_space<hbm>>
      %dma_wait3A_427 = arith.constant 0 : i32
      %dma_wait3A_428 = arith.constant 0 : i32
      %dma_wait3A_429 = tpu.memref_slice %arg7[%dma_wait3A_427, %dma_wait3A_428] : memref<79x128xi32, #tpu.memory_space<vmem>> -> memref<79x128xi32, #tpu.memory_space<vmem>>
      %dma_wait3A_430 = arith.constant 0 : i32
      %dma_wait3A_431 = arith.constant 0 : i32
      %dma_wait3A_432 = tpu.memref_slice %arg4[%add3A, %dma_wait3A_430, %dma_wait3A_431] : memref<32x79x128xi32, #tpu.memory_space<hbm>> -> memref<1x79x128xi32, #tpu.memory_space<hbm>>
      %dma_wait3A_433 = tpu.memref_squeeze %dma_wait3A_432 : memref<1x79x128xi32, #tpu.memory_space<hbm>> -> memref<79x128xi32, #tpu.memory_space<hbm>>
      tpu.wait_dma2 semaphore(%run_scoped3A : memref<!tpu.dma_semaphore, #tpu.memory_space<semaphore_mem>>) src(%dma_wait3A_433 : memref<79x128xi32, #tpu.memory_space<hbm>>) dst(%dma_wait3A_429 : memref<79x128xi32, #tpu.memory_space<vmem>>)
      tpu.yield
    }) : () -> ()
    %barrier3A = arith.constant 0 : index
    tpu.barrier barrier_id(%barrier3A)
    %while3A = arith.constant 0 : i32
    %while3A_398 = arith.constant 0 : i32
    %while3A_399 = arith.subi %select_n3A_3, %while3A_398 : i32
    %while3A_400 = arith.addi %while3A_398, %while3A_399 : i32
    %while3A_401 = arith.constant 1 : i32
    %while3A_402 = arith.divsi %while3A_399, %while3A_401 : i32
    %while3A_403 = arith.muli %while3A_402, %while3A_401 : i32
    %while3A_404 = arith.addi %while3A_398, %while3A_403 : i32
    %while3A_405 = arith.constant 1 : i32
    scf.for %while3A_408 = %while3A_398 to %while3A_404 step %while3A_405  : i32 {
      %dma_start3A = arith.constant 0 : i32
      %dma_start3A_409 = arith.constant 0 : i32
      %dma_start3A_410 = arith.constant 0 : i32
      %dma_start3A_411 = tpu.memref_slice %arg8[%dma_start3A, %dma_start3A_409, %dma_start3A_410] : memref<1x128x64xf32, #tpu.memory_space<vmem>> -> memref<1x128x64xf32, #tpu.memory_space<vmem>>
      %dma_start3A_412 = tpu.memref_squeeze %dma_start3A_411 : memref<1x128x64xf32, #tpu.memory_space<vmem>> -> memref<128x64xf32, #tpu.memory_space<vmem>>
      %dma_start3A_413 = arith.constant 0 : i32
      %dma_start3A_414 = tpu.memref_slice %arg6[%while3A_408, %dma_start3A_413] : memref<79x128xi32, #tpu.memory_space<vmem>> -> memref<1x128xi32, #tpu.memory_space<vmem>>
      %dma_start3A_415 = tpu.memref_squeeze %dma_start3A_414 : memref<1x128xi32, #tpu.memory_space<vmem>> -> memref<128xi32, #tpu.memory_space<vmem>>
      %dma_start3A_416 = arith.constant 0 : i32
      %dma_start3A_417 = arith.constant 0 : i32
      %dma_start3A_418 = tpu.memref_slice %arg2[%dma_start3A_416, %dma_start3A_417] : memref<10000x64xf32, #tpu.memory_space<hbm>> -> memref<10000x64xf32, #tpu.memory_space<hbm>>
      tpu.enqueue_indirect_dma source(%dma_start3A_418 : memref<10000x64xf32, #tpu.memory_space<hbm>>) target(%dma_start3A_412 : memref<128x64xf32, #tpu.memory_space<vmem>>) offsets(%dma_start3A_415 : memref<128xi32, #tpu.memory_space<vmem>>) semaphore(%arg11 : memref<!tpu.dma_semaphore, #tpu.memory_space<semaphore_mem>>)
      %dma_wait3A = arith.constant 0 : i32
      %dma_wait3A_419 = arith.constant 0 : i32
      %dma_wait3A_420 = arith.constant 0 : i32
      %dma_wait3A_421 = tpu.memref_slice %arg8[%dma_wait3A, %dma_wait3A_419, %dma_wait3A_420] : memref<1x128x64xf32, #tpu.memory_space<vmem>> -> memref<1x128x64xf32, #tpu.memory_space<vmem>>
      %dma_wait3A_422 = tpu.memref_squeeze %dma_wait3A_421 : memref<1x128x64xf32, #tpu.memory_space<vmem>> -> memref<128x64xf32, #tpu.memory_space<vmem>>
      %dma_wait3A_423 = arith.constant 0 : i32
      %dma_wait3A_424 = tpu.memref_slice %arg6[%while3A_408, %dma_wait3A_423] : memref<79x128xi32, #tpu.memory_space<vmem>> -> memref<1x128xi32, #tpu.memory_space<vmem>>
      %dma_wait3A_425 = tpu.memref_squeeze %dma_wait3A_424 : memref<1x128xi32, #tpu.memory_space<vmem>> -> memref<128xi32, #tpu.memory_space<vmem>>
      %dma_wait3A_426 = arith.constant 0 : i32
      %dma_wait3A_427 = arith.constant 0 : i32
      %dma_wait3A_428 = tpu.memref_slice %arg2[%dma_wait3A_426, %dma_wait3A_427] : memref<10000x64xf32, #tpu.memory_space<hbm>> -> memref<10000x64xf32, #tpu.memory_space<hbm>>
      tpu.wait_indirect_dma semaphore(%arg11 : memref<!tpu.dma_semaphore, #tpu.memory_space<semaphore_mem>>) src(%dma_wait3A_428 : memref<10000x64xf32, #tpu.memory_space<hbm>>) dst(%dma_wait3A_422 : memref<128x64xf32, #tpu.memory_space<vmem>>)
      %run_scoped3A = arith.constant 0 : i32
      "tpu.region"() ({
        %run_scoped3A_429 = tpu.sem_alloc : memref<!tpu.dma_semaphore, #tpu.memory_space<semaphore_mem>>
        %dma_start3A_430 = arith.constant 0 : i32
        %dma_start3A_431 = arith.constant 0 : i32
        %dma_start3A_432 = tpu.memref_slice %arg8[%run_scoped3A, %dma_start3A_430, %dma_start3A_431] : memref<1x128x64xf32, #tpu.memory_space<vmem>> -> memref<1x128x64xf32, #tpu.memory_space<vmem>>
        %dma_start3A_433 = tpu.memref_squeeze %dma_start3A_432 : memref<1x128x64xf32, #tpu.memory_space<vmem>> -> memref<128x64xf32, #tpu.memory_space<vmem>>
        %dma_start3A_434 = arith.constant 0 : i32
        %dma_start3A_435 = tpu.memref_slice %arg7[%while3A_408, %dma_start3A_434] : memref<79x128xi32, #tpu.memory_space<vmem>> -> memref<1x128xi32, #tpu.memory_space<vmem>>
        %dma_start3A_436 = tpu.memref_squeeze %dma_start3A_435 : memref<1x128xi32, #tpu.memory_space<vmem>> -> memref<128xi32, #tpu.memory_space<vmem>>
        %dma_start3A_437 = arith.constant 0 : i32
        %dma_start3A_438 = arith.constant 0 : i32
        %dma_start3A_439 = tpu.memref_slice %arg10[%dma_start3A_437, %dma_start3A_438] : memref<10240x64xf32, #tpu.memory_space<vmem_shared>> -> memref<10240x64xf32, #tpu.memory_space<vmem_shared>>
        tpu.enqueue_indirect_dma source(%dma_start3A_433 : memref<128x64xf32, #tpu.memory_space<vmem>>) target(%dma_start3A_439 : memref<10240x64xf32, #tpu.memory_space<vmem_shared>>) offsets(%dma_start3A_436 : memref<128xi32, #tpu.memory_space<vmem>>) semaphore(%run_scoped3A_429 : memref<!tpu.dma_semaphore, #tpu.memory_space<semaphore_mem>>) {add = true}
        %dma_wait3A_440 = arith.constant 0 : i32
        %dma_wait3A_441 = arith.constant 0 : i32
        %dma_wait3A_442 = tpu.memref_slice %arg8[%run_scoped3A, %dma_wait3A_440, %dma_wait3A_441] : memref<1x128x64xf32, #tpu.memory_space<vmem>> -> memref<1x128x64xf32, #tpu.memory_space<vmem>>
        %dma_wait3A_443 = tpu.memref_squeeze %dma_wait3A_442 : memref<1x128x64xf32, #tpu.memory_space<vmem>> -> memref<128x64xf32, #tpu.memory_space<vmem>>
        %dma_wait3A_444 = arith.constant 0 : i32
        %dma_wait3A_445 = tpu.memref_slice %arg7[%while3A_408, %dma_wait3A_444] : memref<79x128xi32, #tpu.memory_space<vmem>> -> memref<1x128xi32, #tpu.memory_space<vmem>>
        %dma_wait3A_446 = tpu.memref_squeeze %dma_wait3A_445 : memref<1x128xi32, #tpu.memory_space<vmem>> -> memref<128xi32, #tpu.memory_space<vmem>>
        %dma_wait3A_447 = arith.constant 0 : i32
        %dma_wait3A_448 = arith.constant 0 : i32
        %dma_wait3A_449 = tpu.memref_slice %arg10[%dma_wait3A_447, %dma_wait3A_448] : memref<10240x64xf32, #tpu.memory_space<vmem_shared>> -> memref<10240x64xf32, #tpu.memory_space<vmem_shared>>
        tpu.wait_indirect_dma semaphore(%run_scoped3A_429 : memref<!tpu.dma_semaphore, #tpu.memory_space<semaphore_mem>>) src(%dma_wait3A_443 : memref<128x64xf32, #tpu.memory_space<vmem>>) dst(%dma_wait3A_449 : memref<10240x64xf32, #tpu.memory_space<vmem_shared>>)
        tpu.yield
      }) : () -> ()
    }
    %while3A_406 = arith.constant 1 : i32
    scf.for %while3A_408 = %while3A_404 to %while3A_400 step %while3A_406  : i32 {
      %dma_start3A = arith.constant 0 : i32
      %dma_start3A_409 = arith.constant 0 : i32
      %dma_start3A_410 = arith.constant 0 : i32
      %dma_start3A_411 = tpu.memref_slice %arg8[%dma_start3A, %dma_start3A_409, %dma_start3A_410] : memref<1x128x64xf32, #tpu.memory_space<vmem>> -> memref<1x128x64xf32, #tpu.memory_space<vmem>>
      %dma_start3A_412 = tpu.memref_squeeze %dma_start3A_411 : memref<1x128x64xf32, #tpu.memory_space<vmem>> -> memref<128x64xf32, #tpu.memory_space<vmem>>
      %dma_start3A_413 = arith.constant 0 : i32
      %dma_start3A_414 = tpu.memref_slice %arg6[%while3A_408, %dma_start3A_413] : memref<79x128xi32, #tpu.memory_space<vmem>> -> memref<1x128xi32, #tpu.memory_space<vmem>>
      %dma_start3A_415 = tpu.memref_squeeze %dma_start3A_414 : memref<1x128xi32, #tpu.memory_space<vmem>> -> memref<128xi32, #tpu.memory_space<vmem>>
      %dma_start3A_416 = arith.constant 0 : i32
      %dma_start3A_417 = arith.constant 0 : i32
      %dma_start3A_418 = tpu.memref_slice %arg2[%dma_start3A_416, %dma_start3A_417] : memref<10000x64xf32, #tpu.memory_space<hbm>> -> memref<10000x64xf32, #tpu.memory_space<hbm>>
      tpu.enqueue_indirect_dma source(%dma_start3A_418 : memref<10000x64xf32, #tpu.memory_space<hbm>>) target(%dma_start3A_412 : memref<128x64xf32, #tpu.memory_space<vmem>>) offsets(%dma_start3A_415 : memref<128xi32, #tpu.memory_space<vmem>>) semaphore(%arg11 : memref<!tpu.dma_semaphore, #tpu.memory_space<semaphore_mem>>)
      %dma_wait3A = arith.constant 0 : i32
      %dma_wait3A_419 = arith.constant 0 : i32
      %dma_wait3A_420 = arith.constant 0 : i32
      %dma_wait3A_421 = tpu.memref_slice %arg8[%dma_wait3A, %dma_wait3A_419, %dma_wait3A_420] : memref<1x128x64xf32, #tpu.memory_space<vmem>> -> memref<1x128x64xf32, #tpu.memory_space<vmem>>
      %dma_wait3A_422 = tpu.memref_squeeze %dma_wait3A_421 : memref<1x128x64xf32, #tpu.memory_space<vmem>> -> memref<128x64xf32, #tpu.memory_space<vmem>>
      %dma_wait3A_423 = arith.constant 0 : i32
      %dma_wait3A_424 = tpu.memref_slice %arg6[%while3A_408, %dma_wait3A_423] : memref<79x128xi32, #tpu.memory_space<vmem>> -> memref<1x128xi32, #tpu.memory_space<vmem>>
      %dma_wait3A_425 = tpu.memref_squeeze %dma_wait3A_424 : memref<1x128xi32, #tpu.memory_space<vmem>> -> memref<128xi32, #tpu.memory_space<vmem>>
      %dma_wait3A_426 = arith.constant 0 : i32
      %dma_wait3A_427 = arith.constant 0 : i32
      %dma_wait3A_428 = tpu.memref_slice %arg2[%dma_wait3A_426, %dma_wait3A_427] : memref<10000x64xf32, #tpu.memory_space<hbm>> -> memref<10000x64xf32, #tpu.memory_space<hbm>>
      tpu.wait_indirect_dma semaphore(%arg11 : memref<!tpu.dma_semaphore, #tpu.memory_space<semaphore_mem>>) src(%dma_wait3A_428 : memref<10000x64xf32, #tpu.memory_space<hbm>>) dst(%dma_wait3A_422 : memref<128x64xf32, #tpu.memory_space<vmem>>)
      %run_scoped3A = arith.constant 0 : i32
      "tpu.region"() ({
        %run_scoped3A_429 = tpu.sem_alloc : memref<!tpu.dma_semaphore, #tpu.memory_space<semaphore_mem>>
        %dma_start3A_430 = arith.constant 0 : i32
        %dma_start3A_431 = arith.constant 0 : i32
        %dma_start3A_432 = tpu.memref_slice %arg8[%run_scoped3A, %dma_start3A_430, %dma_start3A_431] : memref<1x128x64xf32, #tpu.memory_space<vmem>> -> memref<1x128x64xf32, #tpu.memory_space<vmem>>
        %dma_start3A_433 = tpu.memref_squeeze %dma_start3A_432 : memref<1x128x64xf32, #tpu.memory_space<vmem>> -> memref<128x64xf32, #tpu.memory_space<vmem>>
        %dma_start3A_434 = arith.constant 0 : i32
        %dma_start3A_435 = tpu.memref_slice %arg7[%while3A_408, %dma_start3A_434] : memref<79x128xi32, #tpu.memory_space<vmem>> -> memref<1x128xi32, #tpu.memory_space<vmem>>
        %dma_start3A_436 = tpu.memref_squeeze %dma_start3A_435 : memref<1x128xi32, #tpu.memory_space<vmem>> -> memref<128xi32, #tpu.memory_space<vmem>>
        %dma_start3A_437 = arith.constant 0 : i32
        %dma_start3A_438 = arith.constant 0 : i32
        %dma_start3A_439 = tpu.memref_slice %arg10[%dma_start3A_437, %dma_start3A_438] : memref<10240x64xf32, #tpu.memory_space<vmem_shared>> -> memref<10240x64xf32, #tpu.memory_space<vmem_shared>>
        tpu.enqueue_indirect_dma source(%dma_start3A_433 : memref<128x64xf32, #tpu.memory_space<vmem>>) target(%dma_start3A_439 : memref<10240x64xf32, #tpu.memory_space<vmem_shared>>) offsets(%dma_start3A_436 : memref<128xi32, #tpu.memory_space<vmem>>) semaphore(%run_scoped3A_429 : memref<!tpu.dma_semaphore, #tpu.memory_space<semaphore_mem>>) {add = true}
        %dma_wait3A_440 = arith.constant 0 : i32
        %dma_wait3A_441 = arith.constant 0 : i32
        %dma_wait3A_442 = tpu.memref_slice %arg8[%run_scoped3A, %dma_wait3A_440, %dma_wait3A_441] : memref<1x128x64xf32, #tpu.memory_space<vmem>> -> memref<1x128x64xf32, #tpu.memory_space<vmem>>
        %dma_wait3A_443 = tpu.memref_squeeze %dma_wait3A_442 : memref<1x128x64xf32, #tpu.memory_space<vmem>> -> memref<128x64xf32, #tpu.memory_space<vmem>>
        %dma_wait3A_444 = arith.constant 0 : i32
        %dma_wait3A_445 = tpu.memref_slice %arg7[%while3A_408, %dma_wait3A_444] : memref<79x128xi32, #tpu.memory_space<vmem>> -> memref<1x128xi32, #tpu.memory_space<vmem>>
        %dma_wait3A_446 = tpu.memref_squeeze %dma_wait3A_445 : memref<1x128xi32, #tpu.memory_space<vmem>> -> memref<128xi32, #tpu.memory_space<vmem>>
        %dma_wait3A_447 = arith.constant 0 : i32
        %dma_wait3A_448 = arith.constant 0 : i32
        %dma_wait3A_449 = tpu.memref_slice %arg10[%dma_wait3A_447, %dma_wait3A_448] : memref<10240x64xf32, #tpu.memory_space<vmem_shared>> -> memref<10240x64xf32, #tpu.memory_space<vmem_shared>>
        tpu.wait_indirect_dma semaphore(%run_scoped3A_429 : memref<!tpu.dma_semaphore, #tpu.memory_space<semaphore_mem>>) src(%dma_wait3A_443 : memref<128x64xf32, #tpu.memory_space<vmem>>) dst(%dma_wait3A_449 : memref<10240x64xf32, #tpu.memory_space<vmem_shared>>)
        tpu.yield
      }) : () -> ()
    }
    "tpu.region"() ({
      %run_scoped3A = tpu.sem_alloc : memref<!tpu.dma_semaphore, #tpu.memory_space<semaphore_mem>>
      %dma_start3A = arith.constant 0 : i32
      %dma_start3A_408 = tpu.memref_slice %arg10[%mul3A_389, %dma_start3A] : memref<10240x64xf32, #tpu.memory_space<vmem_shared>> -> memref<16x64xf32, #tpu.memory_space<vmem_shared>>
      %dma_start3A_409 = arith.constant 0 : i32
      %dma_start3A_410 = tpu.memref_slice %arg10[%mul3A_389, %dma_start3A_409] : memref<10240x64xf32, #tpu.memory_space<vmem_shared>> -> memref<16x64xf32, #tpu.memory_space<vmem_shared>>
      tpu.enqueue_dma source(%dma_start3A_410 : memref<16x64xf32, #tpu.memory_space<vmem_shared>>) target(%arg9 : memref<16x64xf32, #tpu.memory_space<vmem>>) target_semaphore(%run_scoped3A : memref<!tpu.dma_semaphore, #tpu.memory_space<semaphore_mem>>)
      %dma_wait3A = arith.constant 0 : i32
      %dma_wait3A_411 = tpu.memref_slice %arg10[%mul3A_389, %dma_wait3A] : memref<10240x64xf32, #tpu.memory_space<vmem_shared>> -> memref<16x64xf32, #tpu.memory_space<vmem_shared>>
      %dma_wait3A_412 = arith.constant 0 : i32
      %dma_wait3A_413 = tpu.memref_slice %arg10[%mul3A_389, %dma_wait3A_412] : memref<10240x64xf32, #tpu.memory_space<vmem_shared>> -> memref<16x64xf32, #tpu.memory_space<vmem_shared>>
      tpu.wait_dma2 semaphore(%run_scoped3A : memref<!tpu.dma_semaphore, #tpu.memory_space<semaphore_mem>>) src(%dma_wait3A_413 : memref<16x64xf32, #tpu.memory_space<vmem_shared>>) dst(%arg9 : memref<16x64xf32, #tpu.memory_space<vmem>>)
      tpu.yield
    }) : () -> ()
    %barrier3A_407 = arith.constant 0 : index
    tpu.barrier barrier_id(%barrier3A_407)
    "tpu.region"() ({
      %run_scoped3A = tpu.sem_alloc : memref<!tpu.dma_semaphore, #tpu.memory_space<semaphore_mem>>
      %dma_start3A = arith.constant 0 : i32
      %dma_start3A_408 = tpu.memref_slice %arg5[%arg0, %mul3A_389, %dma_start3A] : memref<2x10240x64xf32, #tpu.memory_space<hbm>> -> memref<1x640x64xf32, #tpu.memory_space<hbm>>
      %dma_start3A_409 = tpu.memref_squeeze %dma_start3A_408 : memref<1x640x64xf32, #tpu.memory_space<hbm>> -> memref<640x64xf32, #tpu.memory_space<hbm>>
      %dma_start3A_410 = arith.constant 0 : i32
      %dma_start3A_411 = tpu.memref_slice %arg10[%mul3A_389, %dma_start3A_410] : memref<10240x64xf32, #tpu.memory_space<vmem_shared>> -> memref<640x64xf32, #tpu.memory_space<vmem_shared>>
      tpu.enqueue_dma source(%dma_start3A_411 : memref<640x64xf32, #tpu.memory_space<vmem_shared>>) target(%dma_start3A_409 : memref<640x64xf32, #tpu.memory_space<hbm>>) target_semaphore(%run_scoped3A : memref<!tpu.dma_semaphore, #tpu.memory_space<semaphore_mem>>)
      %dma_wait3A = arith.constant 0 : i32
      %dma_wait3A_412 = tpu.memref_slice %arg5[%arg0, %mul3A_389, %dma_wait3A] : memref<2x10240x64xf32, #tpu.memory_space<hbm>> -> memref<1x640x64xf32, #tpu.memory_space<hbm>>
      %dma_wait3A_413 = tpu.memref_squeeze %dma_wait3A_412 : memref<1x640x64xf32, #tpu.memory_space<hbm>> -> memref<640x64xf32, #tpu.memory_space<hbm>>
      %dma_wait3A_414 = arith.constant 0 : i32
      %dma_wait3A_415 = tpu.memref_slice %arg10[%mul3A_389, %dma_wait3A_414] : memref<10240x64xf32, #tpu.memory_space<vmem_shared>> -> memref<640x64xf32, #tpu.memory_space<vmem_shared>>
      tpu.wait_dma2 semaphore(%run_scoped3A : memref<!tpu.dma_semaphore, #tpu.memory_space<semaphore_mem>>) src(%dma_wait3A_415 : memref<640x64xf32, #tpu.memory_space<vmem_shared>>) dst(%dma_wait3A_413 : memref<640x64xf32, #tpu.memory_space<hbm>>)
      tpu.yield
    }) : () -> ()
    return
  }
}

module attributes {stable_mosaic.version = 14 : i64} {
  func.func @body(%arg0: i32, %arg1: memref<2x1000x16xf32, #tpu.memory_space<vmem>>, %arg2: memref<1000x128xf32, #tpu.memory_space<vmem>>, %arg3: memref<128x64xf32, #tpu.memory_space<vmem>>, %arg4: memref<1000x1xf32, #tpu.memory_space<vmem>>, %arg5: memref<1000x64xf32, #tpu.memory_space<vmem>>) attributes {dimension_semantics = [#tpu.dimension_semantics<arbitrary>], iteration_bounds = array<i64: 10>, scalar_prefetch = 0 : i64, scratch_operands = 0 : i64, tpu.core_type = #tpu.core_type<tc>, window_params = [{transform_indices = @transform_0, window_bounds = array<i64: 2, 1000, 16>}, {transform_indices = @transform_1, window_bounds = array<i64: 1000, 128>}, {pipeline_mode = #tpu.pipeline_mode<synchronous>, transform_indices = @transform_2, window_bounds = array<i64: 128, 64>}, {transform_indices = @transform_3, window_bounds = array<i64: 1000, 1>}, {transform_indices = @transform_4, window_bounds = array<i64: 1000, 64>}]} {
    %get3A = arith.constant 0 : index
    %get3A_0 = arith.constant 0 : index
    %get3A_1 = arith.constant 0 : index
    %get3A_2 = vector.load %arg1[%get3A, %get3A_0, %get3A_1] : memref<2x1000x16xf32, #tpu.memory_space<vmem>>, vector<1x1000x1xf32>
    %get3A_3 = vector.shape_cast %get3A_2 : vector<1x1000x1xf32> to vector<1000x1xf32>
    %get3A_4 = arith.constant 1 : index
    %get3A_5 = arith.constant 0 : index
    %get3A_6 = arith.constant 0 : index
    %get3A_7 = vector.load %arg1[%get3A_4, %get3A_5, %get3A_6] : memref<2x1000x16xf32, #tpu.memory_space<vmem>>, vector<1x1000x1xf32>
    %get3A_8 = vector.shape_cast %get3A_7 : vector<1x1000x1xf32> to vector<1000x1xf32>
    %add3A = arith.addf %get3A_3, %get3A_8 : vector<1000x1xf32>
    %add3A_9 = arith.constant 1.000000e+00 : f32
    %add3A_10 = vector.broadcast %add3A_9 : f32 to vector<1000x1xf32>
    %add3A_11 = arith.addf %add3A, %add3A_10 : vector<1000x1xf32>
    %rsqrt3A = math.rsqrt %add3A_11 : vector<1000x1xf32>
    %swap3A = arith.constant 0 : index
    %swap3A_12 = arith.constant 0 : index
    %swap3A_13 = vector.load %arg4[%swap3A, %swap3A_12] : memref<1000x1xf32, #tpu.memory_space<vmem>>, vector<1000x1xf32>
    tpu.vector_store %arg4[%swap3A, %swap3A_12], %rsqrt3A {strides = array<i32>} : memref<1000x1xf32, #tpu.memory_space<vmem>>, vector<1000x1xf32>,
    %get3A_14 = arith.constant 0 : index
    %get3A_15 = arith.constant 0 : index
    %get3A_16 = vector.load %arg2[%get3A_14, %get3A_15] : memref<1000x128xf32, #tpu.memory_space<vmem>>, vector<1000x128xf32>
    %get3A_17 = arith.constant 0 : index
    %get3A_18 = arith.constant 0 : index
    %get3A_19 = vector.load %arg3[%get3A_17, %get3A_18] : memref<128x64xf32, #tpu.memory_space<vmem>>, vector<128x64xf32>
    %dot_general3A = arith.constant dense<0.000000e+00> : vector<1000x64xf32>
    %dot_general3A_20 = tpu.matmul %get3A_16, %get3A_19, %dot_general3A {dimension_numbers = #tpu.dot_dimension_numbers<[1], [0], [0], [1], [0, 0, 1, 1], [], []>, transpose_lhs_hint = false} : vector<1000x128xf32>, vector<128x64xf32>, vector<1000x64xf32> -> vector<1000x64xf32>
    %mul3A = vector.broadcast %rsqrt3A : vector<1000x1xf32> to vector<1000x64xf32>
    %mul3A_21 = arith.mulf %dot_general3A_20, %mul3A : vector<1000x64xf32>
    %swap3A_22 = arith.constant 0 : index
    %swap3A_23 = arith.constant 0 : index
    %swap3A_24 = vector.load %arg5[%swap3A_22, %swap3A_23] : memref<1000x64xf32, #tpu.memory_space<vmem>>, vector<1000x64xf32>
    tpu.vector_store %arg5[%swap3A_22, %swap3A_23], %mul3A_21 {strides = array<i32>} : memref<1000x64xf32, #tpu.memory_space<vmem>>, vector<1000x64xf32>,
    return
  }
  func.func @transform_0(%arg0: i32) -> (i32, i32, i32) {
    %c0_i32 = arith.constant 0 : i32
    %c0_i32_0 = arith.constant 0 : i32
    %c0_i32_1 = arith.constant 0 : i32
    return %c0_i32, %arg0, %c0_i32_0 : i32, i32, i32
  }
  func.func @transform_1(%arg0: i32) -> (i32, i32) {
    %c0_i32 = arith.constant 0 : i32
    %c0_i32_0 = arith.constant 0 : i32
    return %arg0, %c0_i32 : i32, i32
  }
  func.func @transform_2(%arg0: i32) -> (i32, i32) {
    %c0_i32 = arith.constant 0 : i32
    %c0_i32_0 = arith.constant 0 : i32
    %c0_i32_1 = arith.constant 0 : i32
    return %c0_i32, %c0_i32_0 : i32, i32
  }
  func.func @transform_3(%arg0: i32) -> (i32, i32) {
    %c0_i32 = arith.constant 0 : i32
    %c0_i32_0 = arith.constant 0 : i32
    return %arg0, %c0_i32 : i32, i32
  }
  func.func @transform_4(%arg0: i32) -> (i32, i32) {
    %c0_i32 = arith.constant 0 : i32
    %c0_i32_0 = arith.constant 0 : i32
    return %arg0, %c0_i32 : i32, i32
  }
}

module attributes {stable_mosaic.version = 14 : i64} {
  func.func @body(%arg0: i32, %arg1: memref<1000x64xf32, #tpu.memory_space<vmem>>, %arg2: memref<2x1000x64xf32, #tpu.memory_space<vmem>>, %arg3: memref<1000x1xf32, #tpu.memory_space<vmem>>, %arg4: memref<1x64xf32, #tpu.memory_space<vmem>>, %arg5: memref<64x32xf32, #tpu.memory_space<vmem>>, %arg6: memref<1000x32xf32, #tpu.memory_space<vmem>>) attributes {dimension_semantics = [#tpu.dimension_semantics<arbitrary>], iteration_bounds = array<i64: 10>, scalar_prefetch = 0 : i64, scratch_operands = 0 : i64, tpu.core_type = #tpu.core_type<tc>, window_params = [{transform_indices = @transform_0, window_bounds = array<i64: 1000, 64>}, {transform_indices = @transform_1, window_bounds = array<i64: 2, 1000, 64>}, {transform_indices = @transform_2, window_bounds = array<i64: 1000, 1>}, {pipeline_mode = #tpu.pipeline_mode<synchronous>, transform_indices = @transform_3, window_bounds = array<i64: 1, 64>}, {pipeline_mode = #tpu.pipeline_mode<synchronous>, transform_indices = @transform_4, window_bounds = array<i64: 64, 32>}, {transform_indices = @transform_5, window_bounds = array<i64: 1000, 32>}]} {
    %get3A = arith.constant 0 : index
    %get3A_0 = arith.constant 0 : index
    %get3A_1 = vector.load %arg3[%get3A, %get3A_0] : memref<1000x1xf32, #tpu.memory_space<vmem>>, vector<1000x1xf32>
    %get3A_2 = arith.constant 0 : index
    %get3A_3 = arith.constant 0 : index
    %get3A_4 = vector.load %arg1[%get3A_2, %get3A_3] : memref<1000x64xf32, #tpu.memory_space<vmem>>, vector<1000x64xf32>
    %get3A_5 = arith.constant 0 : index
    %get3A_6 = arith.constant 0 : index
    %get3A_7 = arith.constant 0 : index
    %get3A_8 = vector.load %arg2[%get3A_5, %get3A_6, %get3A_7] : memref<2x1000x64xf32, #tpu.memory_space<vmem>>, vector<1x1000x64xf32>
    %get3A_9 = vector.shape_cast %get3A_8 : vector<1x1000x64xf32> to vector<1000x64xf32>
    %add3A = arith.addf %get3A_4, %get3A_9 : vector<1000x64xf32>
    %get3A_10 = arith.constant 1 : index
    %get3A_11 = arith.constant 0 : index
    %get3A_12 = arith.constant 0 : index
    %get3A_13 = vector.load %arg2[%get3A_10, %get3A_11, %get3A_12] : memref<2x1000x64xf32, #tpu.memory_space<vmem>>, vector<1x1000x64xf32>
    %get3A_14 = vector.shape_cast %get3A_13 : vector<1x1000x64xf32> to vector<1000x64xf32>
    %add3A_15 = arith.addf %add3A, %get3A_14 : vector<1000x64xf32>
    %mul3A = vector.broadcast %get3A_1 : vector<1000x1xf32> to vector<1000x64xf32>
    %mul3A_16 = arith.mulf %mul3A, %add3A_15 : vector<1000x64xf32>
    %get3A_17 = arith.constant 0 : index
    %get3A_18 = arith.constant 0 : index
    %get3A_19 = vector.load %arg4[%get3A_17, %get3A_18] : memref<1x64xf32, #tpu.memory_space<vmem>>, vector<1x64xf32>
    %add3A_20 = vector.broadcast %get3A_19 : vector<1x64xf32> to vector<1000x64xf32>
    %add3A_21 = arith.addf %mul3A_16, %add3A_20 : vector<1000x64xf32>
    %max3A = arith.constant 0.000000e+00 : f32
    %max3A_22 = vector.broadcast %max3A : f32 to vector<1000x64xf32>
    %max3A_23 = arith.maximumf %add3A_21, %max3A_22 : vector<1000x64xf32>
    %get3A_24 = arith.constant 0 : index
    %get3A_25 = arith.constant 0 : index
    %get3A_26 = vector.load %arg5[%get3A_24, %get3A_25] : memref<64x32xf32, #tpu.memory_space<vmem>>, vector<64x32xf32>
    %dot_general3A = arith.constant dense<0.000000e+00> : vector<1000x32xf32>
    %dot_general3A_27 = tpu.matmul %max3A_23, %get3A_26, %dot_general3A {dimension_numbers = #tpu.dot_dimension_numbers<[1], [0], [0], [1], [0, 0, 1, 1], [], []>, transpose_lhs_hint = false} : vector<1000x64xf32>, vector<64x32xf32>, vector<1000x32xf32> -> vector<1000x32xf32>
    %mul3A_28 = vector.broadcast %get3A_1 : vector<1000x1xf32> to vector<1000x32xf32>
    %mul3A_29 = arith.mulf %dot_general3A_27, %mul3A_28 : vector<1000x32xf32>
    %swap3A = arith.constant 0 : index
    %swap3A_30 = arith.constant 0 : index
    %swap3A_31 = vector.load %arg6[%swap3A, %swap3A_30] : memref<1000x32xf32, #tpu.memory_space<vmem>>, vector<1000x32xf32>
    tpu.vector_store %arg6[%swap3A, %swap3A_30], %mul3A_29 {strides = array<i32>} : memref<1000x32xf32, #tpu.memory_space<vmem>>, vector<1000x32xf32>,
    return
  }
  func.func @transform_0(%arg0: i32) -> (i32, i32) {
    %c0_i32 = arith.constant 0 : i32
    %c0_i32_0 = arith.constant 0 : i32
    return %arg0, %c0_i32 : i32, i32
  }
  func.func @transform_1(%arg0: i32) -> (i32, i32, i32) {
    %c0_i32 = arith.constant 0 : i32
    %c0_i32_0 = arith.constant 0 : i32
    %c0_i32_1 = arith.constant 0 : i32
    return %c0_i32, %arg0, %c0_i32_0 : i32, i32, i32
  }
  func.func @transform_2(%arg0: i32) -> (i32, i32) {
    %c0_i32 = arith.constant 0 : i32
    %c0_i32_0 = arith.constant 0 : i32
    return %arg0, %c0_i32 : i32, i32
  }
  func.func @transform_3(%arg0: i32) -> (i32, i32) {
    %c0_i32 = arith.constant 0 : i32
    %c0_i32_0 = arith.constant 0 : i32
    %c0_i32_1 = arith.constant 0 : i32
    return %c0_i32, %c0_i32_0 : i32, i32
  }
  func.func @transform_4(%arg0: i32) -> (i32, i32) {
    %c0_i32 = arith.constant 0 : i32
    %c0_i32_0 = arith.constant 0 : i32
    %c0_i32_1 = arith.constant 0 : i32
    return %c0_i32, %c0_i32_0 : i32, i32
  }
  func.func @transform_5(%arg0: i32) -> (i32, i32) {
    %c0_i32 = arith.constant 0 : i32
    %c0_i32_0 = arith.constant 0 : i32
    return %arg0, %c0_i32 : i32, i32
  }
}

module attributes {stable_mosaic.version = 14 : i64} {
  func.func @body(%arg0: i32, %arg1: memref<1000x32xf32, #tpu.memory_space<vmem>>, %arg2: memref<2x1000x32xf32, #tpu.memory_space<vmem>>, %arg3: memref<1000x1xf32, #tpu.memory_space<vmem>>, %arg4: memref<1x32xf32, #tpu.memory_space<vmem>>, %arg5: memref<1000x32xf32, #tpu.memory_space<vmem>>) attributes {dimension_semantics = [#tpu.dimension_semantics<arbitrary>], iteration_bounds = array<i64: 10>, scalar_prefetch = 0 : i64, scratch_operands = 0 : i64, tpu.core_type = #tpu.core_type<tc>, window_params = [{transform_indices = @transform_0, window_bounds = array<i64: 1000, 32>}, {transform_indices = @transform_1, window_bounds = array<i64: 2, 1000, 32>}, {transform_indices = @transform_2, window_bounds = array<i64: 1000, 1>}, {pipeline_mode = #tpu.pipeline_mode<synchronous>, transform_indices = @transform_3, window_bounds = array<i64: 1, 32>}, {transform_indices = @transform_4, window_bounds = array<i64: 1000, 32>}]} {
    %get3A = arith.constant 0 : index
    %get3A_0 = arith.constant 0 : index
    %get3A_1 = vector.load %arg3[%get3A, %get3A_0] : memref<1000x1xf32, #tpu.memory_space<vmem>>, vector<1000x1xf32>
    %get3A_2 = arith.constant 0 : index
    %get3A_3 = arith.constant 0 : index
    %get3A_4 = vector.load %arg1[%get3A_2, %get3A_3] : memref<1000x32xf32, #tpu.memory_space<vmem>>, vector<1000x32xf32>
    %get3A_5 = arith.constant 0 : index
    %get3A_6 = arith.constant 0 : index
    %get3A_7 = arith.constant 0 : index
    %get3A_8 = vector.load %arg2[%get3A_5, %get3A_6, %get3A_7] : memref<2x1000x32xf32, #tpu.memory_space<vmem>>, vector<1x1000x32xf32>
    %get3A_9 = vector.shape_cast %get3A_8 : vector<1x1000x32xf32> to vector<1000x32xf32>
    %add3A = arith.addf %get3A_4, %get3A_9 : vector<1000x32xf32>
    %get3A_10 = arith.constant 1 : index
    %get3A_11 = arith.constant 0 : index
    %get3A_12 = arith.constant 0 : index
    %get3A_13 = vector.load %arg2[%get3A_10, %get3A_11, %get3A_12] : memref<2x1000x32xf32, #tpu.memory_space<vmem>>, vector<1x1000x32xf32>
    %get3A_14 = vector.shape_cast %get3A_13 : vector<1x1000x32xf32> to vector<1000x32xf32>
    %add3A_15 = arith.addf %add3A, %get3A_14 : vector<1000x32xf32>
    %mul3A = vector.broadcast %get3A_1 : vector<1000x1xf32> to vector<1000x32xf32>
    %mul3A_16 = arith.mulf %mul3A, %add3A_15 : vector<1000x32xf32>
    %get3A_17 = arith.constant 0 : index
    %get3A_18 = arith.constant 0 : index
    %get3A_19 = vector.load %arg4[%get3A_17, %get3A_18] : memref<1x32xf32, #tpu.memory_space<vmem>>, vector<1x32xf32>
    %add3A_20 = vector.broadcast %get3A_19 : vector<1x32xf32> to vector<1000x32xf32>
    %add3A_21 = arith.addf %mul3A_16, %add3A_20 : vector<1000x32xf32>
    %mul3A_22 = vector.broadcast %get3A_1 : vector<1000x1xf32> to vector<1000x32xf32>
    %mul3A_23 = arith.mulf %add3A_21, %mul3A_22 : vector<1000x32xf32>
    %swap3A = arith.constant 0 : index
    %swap3A_24 = arith.constant 0 : index
    %swap3A_25 = vector.load %arg5[%swap3A, %swap3A_24] : memref<1000x32xf32, #tpu.memory_space<vmem>>, vector<1000x32xf32>
    tpu.vector_store %arg5[%swap3A, %swap3A_24], %mul3A_23 {strides = array<i32>} : memref<1000x32xf32, #tpu.memory_space<vmem>>, vector<1000x32xf32>,
    return
  }
  func.func @transform_0(%arg0: i32) -> (i32, i32) {
    %c0_i32 = arith.constant 0 : i32
    %c0_i32_0 = arith.constant 0 : i32
    return %arg0, %c0_i32 : i32, i32
  }
  func.func @transform_1(%arg0: i32) -> (i32, i32, i32) {
    %c0_i32 = arith.constant 0 : i32
    %c0_i32_0 = arith.constant 0 : i32
    %c0_i32_1 = arith.constant 0 : i32
    return %c0_i32, %arg0, %c0_i32_0 : i32, i32, i32
  }
  func.func @transform_2(%arg0: i32) -> (i32, i32) {
    %c0_i32 = arith.constant 0 : i32
    %c0_i32_0 = arith.constant 0 : i32
    return %arg0, %c0_i32 : i32, i32
  }
  func.func @transform_3(%arg0: i32) -> (i32, i32) {
    %c0_i32 = arith.constant 0 : i32
    %c0_i32_0 = arith.constant 0 : i32
    %c0_i32_1 = arith.constant 0 : i32
    return %c0_i32, %c0_i32_0 : i32, i32
  }
  func.func @transform_4(%arg0: i32) -> (i32, i32) {
    %c0_i32 = arith.constant 0 : i32
    %c0_i32_0 = arith.constant 0 : i32
    return %arg0, %c0_i32 : i32, i32
  }
}

module attributes {stable_mosaic.version = 14 : i64} {
  func.func @body(%arg0: i32, %arg1: memref<1000x32xf32, #tpu.memory_space<vmem>>, %arg2: memref<2x1000x32xf32, #tpu.memory_space<vmem>>, %arg3: memref<1000x1xf32, #tpu.memory_space<vmem>>, %arg4: memref<32x64xf32, #tpu.memory_space<vmem>>, %arg5: memref<1x64xf32, #tpu.memory_space<vmem>>, %arg6: memref<1000x64xf32, #tpu.memory_space<vmem>>) attributes {dimension_semantics = [#tpu.dimension_semantics<arbitrary>], iteration_bounds = array<i64: 10>, scalar_prefetch = 0 : i64, scratch_operands = 0 : i64, tpu.core_type = #tpu.core_type<tc>, window_params = [{transform_indices = @transform_0, window_bounds = array<i64: 1000, 32>}, {transform_indices = @transform_1, window_bounds = array<i64: 2, 1000, 32>}, {transform_indices = @transform_2, window_bounds = array<i64: 1000, 1>}, {pipeline_mode = #tpu.pipeline_mode<synchronous>, transform_indices = @transform_3, window_bounds = array<i64: 32, 64>}, {pipeline_mode = #tpu.pipeline_mode<synchronous>, transform_indices = @transform_4, window_bounds = array<i64: 1, 64>}, {transform_indices = @transform_5, window_bounds = array<i64: 1000, 64>}]} {
    %get3A = arith.constant 0 : index
    %get3A_0 = arith.constant 0 : index
    %get3A_1 = vector.load %arg3[%get3A, %get3A_0] : memref<1000x1xf32, #tpu.memory_space<vmem>>, vector<1000x1xf32>
    %get3A_2 = arith.constant 0 : index
    %get3A_3 = arith.constant 0 : index
    %get3A_4 = vector.load %arg1[%get3A_2, %get3A_3] : memref<1000x32xf32, #tpu.memory_space<vmem>>, vector<1000x32xf32>
    %get3A_5 = arith.constant 0 : index
    %get3A_6 = arith.constant 0 : index
    %get3A_7 = arith.constant 0 : index
    %get3A_8 = vector.load %arg2[%get3A_5, %get3A_6, %get3A_7] : memref<2x1000x32xf32, #tpu.memory_space<vmem>>, vector<1x1000x32xf32>
    %get3A_9 = vector.shape_cast %get3A_8 : vector<1x1000x32xf32> to vector<1000x32xf32>
    %add3A = arith.addf %get3A_4, %get3A_9 : vector<1000x32xf32>
    %get3A_10 = arith.constant 1 : index
    %get3A_11 = arith.constant 0 : index
    %get3A_12 = arith.constant 0 : index
    %get3A_13 = vector.load %arg2[%get3A_10, %get3A_11, %get3A_12] : memref<2x1000x32xf32, #tpu.memory_space<vmem>>, vector<1x1000x32xf32>
    %get3A_14 = vector.shape_cast %get3A_13 : vector<1x1000x32xf32> to vector<1000x32xf32>
    %add3A_15 = arith.addf %add3A, %get3A_14 : vector<1000x32xf32>
    %mul3A = vector.broadcast %get3A_1 : vector<1000x1xf32> to vector<1000x32xf32>
    %mul3A_16 = arith.mulf %mul3A, %add3A_15 : vector<1000x32xf32>
    %get3A_17 = arith.constant 0 : index
    %get3A_18 = arith.constant 0 : index
    %get3A_19 = vector.load %arg4[%get3A_17, %get3A_18] : memref<32x64xf32, #tpu.memory_space<vmem>>, vector<32x64xf32>
    %dot_general3A = arith.constant dense<0.000000e+00> : vector<1000x64xf32>
    %dot_general3A_20 = tpu.matmul %mul3A_16, %get3A_19, %dot_general3A {dimension_numbers = #tpu.dot_dimension_numbers<[1], [0], [0], [1], [0, 0, 1, 1], [], []>, transpose_lhs_hint = false} : vector<1000x32xf32>, vector<32x64xf32>, vector<1000x64xf32> -> vector<1000x64xf32>
    %get3A_21 = arith.constant 0 : index
    %get3A_22 = arith.constant 0 : index
    %get3A_23 = vector.load %arg5[%get3A_21, %get3A_22] : memref<1x64xf32, #tpu.memory_space<vmem>>, vector<1x64xf32>
    %add3A_24 = vector.broadcast %get3A_23 : vector<1x64xf32> to vector<1000x64xf32>
    %add3A_25 = arith.addf %dot_general3A_20, %add3A_24 : vector<1000x64xf32>
    %max3A = arith.constant 0.000000e+00 : f32
    %max3A_26 = vector.broadcast %max3A : f32 to vector<1000x64xf32>
    %max3A_27 = arith.maximumf %add3A_25, %max3A_26 : vector<1000x64xf32>
    %mul3A_28 = vector.broadcast %get3A_1 : vector<1000x1xf32> to vector<1000x64xf32>
    %mul3A_29 = arith.mulf %max3A_27, %mul3A_28 : vector<1000x64xf32>
    %swap3A = arith.constant 0 : index
    %swap3A_30 = arith.constant 0 : index
    %swap3A_31 = vector.load %arg6[%swap3A, %swap3A_30] : memref<1000x64xf32, #tpu.memory_space<vmem>>, vector<1000x64xf32>
    tpu.vector_store %arg6[%swap3A, %swap3A_30], %mul3A_29 {strides = array<i32>} : memref<1000x64xf32, #tpu.memory_space<vmem>>, vector<1000x64xf32>,
    return
  }
  func.func @transform_0(%arg0: i32) -> (i32, i32) {
    %c0_i32 = arith.constant 0 : i32
    %c0_i32_0 = arith.constant 0 : i32
    return %arg0, %c0_i32 : i32, i32
  }
  func.func @transform_1(%arg0: i32) -> (i32, i32, i32) {
    %c0_i32 = arith.constant 0 : i32
    %c0_i32_0 = arith.constant 0 : i32
    %c0_i32_1 = arith.constant 0 : i32
    return %c0_i32, %arg0, %c0_i32_0 : i32, i32, i32
  }
  func.func @transform_2(%arg0: i32) -> (i32, i32) {
    %c0_i32 = arith.constant 0 : i32
    %c0_i32_0 = arith.constant 0 : i32
    return %arg0, %c0_i32 : i32, i32
  }
  func.func @transform_3(%arg0: i32) -> (i32, i32) {
    %c0_i32 = arith.constant 0 : i32
    %c0_i32_0 = arith.constant 0 : i32
    %c0_i32_1 = arith.constant 0 : i32
    return %c0_i32, %c0_i32_0 : i32, i32
  }
  func.func @transform_4(%arg0: i32) -> (i32, i32) {
    %c0_i32 = arith.constant 0 : i32
    %c0_i32_0 = arith.constant 0 : i32
    %c0_i32_1 = arith.constant 0 : i32
    return %c0_i32, %c0_i32_0 : i32, i32
  }
  func.func @transform_5(%arg0: i32) -> (i32, i32) {
    %c0_i32 = arith.constant 0 : i32
    %c0_i32_0 = arith.constant 0 : i32
    return %arg0, %c0_i32 : i32, i32
  }
}

module attributes {stable_mosaic.version = 14 : i64} {
  func.func @body(%arg0: i32, %arg1: memref<1000x64xf32, #tpu.memory_space<vmem>>, %arg2: memref<2x1000x64xf32, #tpu.memory_space<vmem>>, %arg3: memref<1000x1xf32, #tpu.memory_space<vmem>>, %arg4: memref<64x128xf32, #tpu.memory_space<vmem>>, %arg5: memref<1x128xf32, #tpu.memory_space<vmem>>, %arg6: memref<1000x128xf32, #tpu.memory_space<vmem>>) attributes {dimension_semantics = [#tpu.dimension_semantics<arbitrary>], iteration_bounds = array<i64: 10>, scalar_prefetch = 0 : i64, scratch_operands = 0 : i64, tpu.core_type = #tpu.core_type<tc>, window_params = [{transform_indices = @transform_0, window_bounds = array<i64: 1000, 64>}, {transform_indices = @transform_1, window_bounds = array<i64: 2, 1000, 64>}, {transform_indices = @transform_2, window_bounds = array<i64: 1000, 1>}, {pipeline_mode = #tpu.pipeline_mode<synchronous>, transform_indices = @transform_3, window_bounds = array<i64: 64, 128>}, {pipeline_mode = #tpu.pipeline_mode<synchronous>, transform_indices = @transform_4, window_bounds = array<i64: 1, 128>}, {transform_indices = @transform_5, window_bounds = array<i64: 1000, 128>}]} {
    %get3A = arith.constant 0 : index
    %get3A_0 = arith.constant 0 : index
    %get3A_1 = vector.load %arg3[%get3A, %get3A_0] : memref<1000x1xf32, #tpu.memory_space<vmem>>, vector<1000x1xf32>
    %get3A_2 = arith.constant 0 : index
    %get3A_3 = arith.constant 0 : index
    %get3A_4 = vector.load %arg1[%get3A_2, %get3A_3] : memref<1000x64xf32, #tpu.memory_space<vmem>>, vector<1000x64xf32>
    %get3A_5 = arith.constant 0 : index
    %get3A_6 = arith.constant 0 : index
    %get3A_7 = arith.constant 0 : index
    %get3A_8 = vector.load %arg2[%get3A_5, %get3A_6, %get3A_7] : memref<2x1000x64xf32, #tpu.memory_space<vmem>>, vector<1x1000x64xf32>
    %get3A_9 = vector.shape_cast %get3A_8 : vector<1x1000x64xf32> to vector<1000x64xf32>
    %add3A = arith.addf %get3A_4, %get3A_9 : vector<1000x64xf32>
    %get3A_10 = arith.constant 1 : index
    %get3A_11 = arith.constant 0 : index
    %get3A_12 = arith.constant 0 : index
    %get3A_13 = vector.load %arg2[%get3A_10, %get3A_11, %get3A_12] : memref<2x1000x64xf32, #tpu.memory_space<vmem>>, vector<1x1000x64xf32>
    %get3A_14 = vector.shape_cast %get3A_13 : vector<1x1000x64xf32> to vector<1000x64xf32>
    %add3A_15 = arith.addf %add3A, %get3A_14 : vector<1000x64xf32>
    %mul3A = vector.broadcast %get3A_1 : vector<1000x1xf32> to vector<1000x64xf32>
    %mul3A_16 = arith.mulf %mul3A, %add3A_15 : vector<1000x64xf32>
    %get3A_17 = arith.constant 0 : index
    %get3A_18 = arith.constant 0 : index
    %get3A_19 = vector.load %arg4[%get3A_17, %get3A_18] : memref<64x128xf32, #tpu.memory_space<vmem>>, vector<64x128xf32>
    %dot_general3A = arith.constant dense<0.000000e+00> : vector<1000x128xf32>
    %dot_general3A_20 = tpu.matmul %mul3A_16, %get3A_19, %dot_general3A {dimension_numbers = #tpu.dot_dimension_numbers<[1], [0], [0], [1], [0, 0, 1, 1], [], []>, transpose_lhs_hint = false} : vector<1000x64xf32>, vector<64x128xf32>, vector<1000x128xf32> -> vector<1000x128xf32>
    %get3A_21 = arith.constant 0 : index
    %get3A_22 = arith.constant 0 : index
    %get3A_23 = vector.load %arg5[%get3A_21, %get3A_22] : memref<1x128xf32, #tpu.memory_space<vmem>>, vector<1x128xf32>
    %add3A_24 = vector.broadcast %get3A_23 : vector<1x128xf32> to vector<1000x128xf32>
    %add3A_25 = arith.addf %dot_general3A_20, %add3A_24 : vector<1000x128xf32>
    %swap3A = arith.constant 0 : index
    %swap3A_26 = arith.constant 0 : index
    %swap3A_27 = vector.load %arg6[%swap3A, %swap3A_26] : memref<1000x128xf32, #tpu.memory_space<vmem>>, vector<1000x128xf32>
    tpu.vector_store %arg6[%swap3A, %swap3A_26], %add3A_25 {strides = array<i32>} : memref<1000x128xf32, #tpu.memory_space<vmem>>, vector<1000x128xf32>,
    return
  }
  func.func @transform_0(%arg0: i32) -> (i32, i32) {
    %c0_i32 = arith.constant 0 : i32
    %c0_i32_0 = arith.constant 0 : i32
    return %arg0, %c0_i32 : i32, i32
  }
  func.func @transform_1(%arg0: i32) -> (i32, i32, i32) {
    %c0_i32 = arith.constant 0 : i32
    %c0_i32_0 = arith.constant 0 : i32
    %c0_i32_1 = arith.constant 0 : i32
    return %c0_i32, %arg0, %c0_i32_0 : i32, i32, i32
  }
  func.func @transform_2(%arg0: i32) -> (i32, i32) {
    %c0_i32 = arith.constant 0 : i32
    %c0_i32_0 = arith.constant 0 : i32
    return %arg0, %c0_i32 : i32, i32
  }
  func.func @transform_3(%arg0: i32) -> (i32, i32) {
    %c0_i32 = arith.constant 0 : i32
    %c0_i32_0 = arith.constant 0 : i32
    %c0_i32_1 = arith.constant 0 : i32
    return %c0_i32, %c0_i32_0 : i32, i32
  }
  func.func @transform_4(%arg0: i32) -> (i32, i32) {
    %c0_i32 = arith.constant 0 : i32
    %c0_i32_0 = arith.constant 0 : i32
    %c0_i32_1 = arith.constant 0 : i32
    return %c0_i32, %c0_i32_0 : i32, i32
  }
  func.func @transform_5(%arg0: i32) -> (i32, i32) {
    %c0_i32 = arith.constant 0 : i32
    %c0_i32_0 = arith.constant 0 : i32
    return %arg0, %c0_i32 : i32, i32
  }
}

</mosaic_0001>

<sc_bundles>
// kernel: kernel.12.cloned.1.call-start
scs
__scs_entry_jumppad:
0x0: {  	(pc) =	sbr.rel $0x88, $3  }
0x1: {  	(tag) =	ssettag $0x0;
	lr =	simm.s32 $0x1  }
0x2: {  	[smem:$0x3F97] =	sst lr;
	_ =	strace $0xD0000000  }
0x3: {  	_ = 	snop  }
0x4: {  	_ = 	snop  }
0x5: {  	_ = 	snop  }
0x6: {  	_ = 	snop  }
0x7: {  	_ = 	snop  }
__scs_overlays_trampoline_lowered:
0x8: {  	[smem:$0x3FA6] =	sst s0  }
0x9: {  	[smem:$0x3FA7] =	sst s1  }
0xa: {  	[smem:$0x3FA8] =	sst s2  }
0xb: {  	[smem:$0x3FA9] =	sst s3  }
0xc: {  	[smem:$0x3FAA] =	sst s4  }
0xd: {  	[smem:$0x3FAB] =	sst s5  }
0xe: {  	[smem:$0x3FAC] =	sst s6  }
0xf: {  	[smem:$0x3FAD] =	sst s7  }
0x10: {  	[smem:$0x3FAE] =	sst s8  }
0x11: {  	[smem:$0x3FAF] =	sst s9;
	s0 =	simm.s32 @!p0 $0x0  }
0x12: {  	s1 =	sld [smem:$0x3F95];
	s0 =	simm.s32 @p0 $0x1  }
0x13: {  	[smem:$0x3FB0] =	sst s0;
	s0 =	simm.s32 @!p1 $0x0  }
0x14: {  	s2 =	sld [smem:$0x3F94];
	s0 =	simm.s32 @p1 $0x1  }
0x15: {  	[smem:$0x3FB1] =	sst s0;
	s0 =	simm.s32 @!p2 $0x0  }
0x16: {  	s3 =	sld [smem:$0x3FDB];
	s0 =	simm.s32 @p2 $0x1  }
0x17: {  	s4 =	simm.s32 $0x1BF5;
	[smem:$0x3FB3] =	sst s0  }
0x18: {  	s0 =	sld [smem:$0x3F96];
	_ =	swait.ge [sflag:s4], $0x0  }
0x19: {  	s7 =	sld [smem:$0x3F97]  }
0x1a: {  	s8 =	sadd.s32 $0xFFFFE003, lr  }
0x1b: {  	s9 =	sadd.s32 $0xFFFFFEF7, lr;
	s5 =	simm.s32 $0xFFFFFFFF;
	p2 =	slt.u32 s8, $0xFFFFF086  }
0x1c: {  	p1 =	slt.u32 s9, $0xF7A;
	s5 =	simm.s32 @!p2 $0x0  }
0x1d: {  	s5 =	simm.s32 @p1 $0x1;
	p0 =	seq.s32 s7, s2  }
0x1e: {  	s7 =	smul.u32 @!p0 $0xF7A, s2;
	p2 =	seq.s32 @!p0 s5, $0x0  }
0x1f: {  	s9 =	smul.u32 $0xF7A, s1;
	s8 =	simm.s32 @!p0 $0x1BF5;
	p2 =	por !p2, p0  }
0x20: {  	[sflag:s8] =	ssyncset.s32 @!p0 $0xFFFFF086;
	s6 =	sadd.s32 @!p0 s3, s7;
	s7 =	simm.s32 @!p0 $0x108  }
0x21: {  	s3 =	sadd.s32 s3, s9;
	s6 =	sadd.s32 @!p0 $0x88, s6;
	s7 =	simm.s32 @p2 $0x1082  }
0x22: {  	[simem:s7], [sflag:s8] =	dma.local @!p0 [hbm:s6], $0xF7A  }
0x23: {  	s9 =	sor.u32 $0xD0000000, s2;
	s6 =	simm.s32 $0x108;
	_ =	swait.ge @!p0 [sflag:s8], $0x0  }
0x24: {  	s3 =	sadd.s32 $0x88, s3;
	s6 =	simm.s32 @!p1 $0x1082;
	[sflag:s4] =	ssyncset.s32 $0xFFFFF086  }
0x25: {  	[simem:s6], [sflag:s4] =	dma.local [hbm:s3], $0xF7A  }
0x26: {  	[smem:$0x3F97] =	sst s1;
	(tag) =	ssettag s2;
	_ =	strace s9  }
0x27: {  	s1 =	sld [smem:$0x3FA7]  }
0x28: {  	s2 =	sld [smem:$0x3FA8]  }
0x29: {  	s4 =	sld [smem:$0x3FAA]  }
0x2a: {  	p0 =	seq.s32 s5, $0x0;
	s5 =	sld [smem:$0x3FAB]  }
0x2b: {  	s6 =	sld [smem:$0x3FAC]  }
0x2c: {  	s7 =	sld [smem:$0x3FAD]  }
0x2d: {  	s3 =	simm.s32 $0x108;
	s8 =	sld [smem:$0x3FAE]  }
0x2e: {  	s3 =	simm.s32 @!p0 $0x1082;
	s9 =	sld [smem:$0x3FAF]  }
0x2f: {  	lr =	sadd.s32 s0, s3;
	s0 =	sld [smem:$0x3FA6]  }
0x30: {  	s3 =	sld [smem:$0x3FA9]  }
0x31: {  	[smem:$0x3FB2] =	sst s10  }
0x32: {  	s10 =	sld [smem:$0x3FB0];
	_ =	sdelay $0x3  }
0x33: {  	p0 =	seq.s32 s10, $0x1;
	s10 =	sld [smem:$0x3FB2];
	_ =	sdelay $0x3  }
0x34: {  	[smem:$0x3FB2] =	sst s10  }
0x35: {  	s10 =	sld [smem:$0x3FB1];
	_ =	sdelay $0x3  }
0x36: {  	p1 =	seq.s32 s10, $0x1;
	s10 =	sld [smem:$0x3FB2];
	_ =	sdelay $0x3  }
0x37: {  	[smem:$0x3FB2] =	sst s10  }
0x38: {  	s10 =	sld [smem:$0x3FB3]  }
0x39: {  	_ = 	snop;
	(pc) =	sbr.ind lr, $3  }
0x3a: {  	_ = 	snop  }
0x3b: {  	_ = 	snop  }
0x3c: {  	p2 =	seq.s32 s10, $0x1;
	s10 =	sld [smem:$0x3FB2]  }
0x3d: {  	_ =	shalt  }
0x3e: {  	_ =	shalt  }
0x3f: {  	_ =	shalt  }
0x40: {  	_ =	shalt  }
0x41: {  	_ =	shalt  }
0x42: {  	_ =	shalt  }
0x43: {  	_ =	shalt  }
0x44: {  	_ =	shalt  }
0x45: {  	_ =	shalt  }
0x46: {  	_ =	shalt  }
0x47: {  	_ =	shalt  }
0x48: {  	_ =	shalt  }
0x49: {  	_ =	shalt  }
0x4a: {  	_ =	shalt  }
0x4b: {  	_ =	shalt  }
0x4c: {  	_ =	shalt  }
0x4d: {  	_ =	shalt  }
0x4e: {  	_ =	shalt  }
0x4f: {  	_ =	shalt  }
0x50: {  	_ =	shalt  }
0x51: {  	_ =	shalt  }
0x52: {  	_ =	shalt  }
0x53: {  	_ =	shalt  }
0x54: {  	_ =	shalt  }
0x55: {  	_ =	shalt  }
0x56: {  	_ =	shalt  }
0x57: {  	_ =	shalt  }
0x58: {  	_ =	shalt  }
0x59: {  	_ =	shalt  }
0x5a: {  	_ =	shalt  }
0x5b: {  	_ =	shalt  }
0x5c: {  	_ =	shalt  }
0x5d: {  	_ =	shalt  }
0x5e: {  	_ =	shalt  }
0x5f: {  	_ =	shalt  }
0x60: {  	_ =	shalt  }
0x61: {  	_ =	shalt  }
0x62: {  	_ =	shalt  }
0x63: {  	_ =	shalt  }
0x64: {  	_ =	shalt  }
0x65: {  	_ =	shalt  }
0x66: {  	_ =	shalt  }
0x67: {  	_ =	shalt  }
0x68: {  	_ =	shalt  }
0x69: {  	_ =	shalt  }
0x6a: {  	_ =	shalt  }
0x6b: {  	_ =	shalt  }
0x6c: {  	_ =	shalt  }
0x6d: {  	_ =	shalt  }
0x6e: {  	_ =	shalt  }
0x6f: {  	_ =	shalt  }
0x70: {  	_ =	shalt  }
0x71: {  	_ =	shalt  }
0x72: {  	_ =	shalt  }
0x73: {  	_ =	shalt  }
0x74: {  	_ =	shalt  }
0x75: {  	_ =	shalt  }
0x76: {  	_ =	shalt  }
0x77: {  	_ =	shalt  }
0x78: {  	_ =	shalt  }
0x79: {  	_ =	shalt  }
0x7a: {  	_ =	shalt  }
0x7b: {  	_ =	shalt  }
0x7c: {  	_ =	shalt  }
0x7d: {  	_ =	shalt  }
0x7e: {  	_ =	shalt  }
0x7f: {  	_ =	shalt  }
0x80: {  	_ =	shalt  }
0x81: {  	_ =	shalt  }
0x82: {  	_ =	shalt  }
0x83: {  	_ =	shalt  }
0x84: {  	_ =	shalt  }
0x85: {  	_ =	shalt  }
0x86: {  	_ =	shalt  }
0x87: {  	_ =	shalt  }
.Lfunc_end0:
.L_simem_size_0:
called_computation_lowered:
.L_overlay_start_0:
0x88: {  	s2 =	sld [smem:$0x3FD9]  }
0x89: {  	s3 =	sld [smem:$0x3FFE];
	_ =	sdelay $0x1  }
0x8a: {  	s1 =	srdreg.scid  }
0x8b: {  	s0 =	sand.u32 $0x1, s1  }
0x8c: {  	s17 =	sshll.u32 s0, $0xA;
	s2 =	sadd.s32 s3, s2  }
0x8d: {  	s2 =	sadd.s32 s2, s17  }
0x8e: {  	[smem:$0x3FBE] =	sst s2  }
0x8f: {  	_ = 	snop  }
0x90: {  	s2 =	sld [smem:$0x3FD0];
	(tm) =	ssettm $0x1  }
0x91: {  	s18 =	sld [smem:$0x3FFB];
	_ =	sdelay $0x3  }
0x92: {  	_ =	strace s18  }
0x93: {  	s3 =	sld [smem:$0x3FFC];
	_ =	sdelay $0x3  }
0x94: {  	_ =	strace s3  }
0x95: {  	s3 =	sld [smem:$0x3FFD];
	_ =	sdelay $0x3  }
0x96: {  	_ =	strace s3  }
0x97: {  	_ =	strace $0x8FFFFFFF  }
0x98: {  	s19 =	sld [smem:$0x3FDB];
	_ =	sdelay $0x1  }
0x99: {  	s4 =	simm.s32 $_scs_section_size  }
0x9a: {  	s5 =	simm.s32 $_size__tile_overlayer_lowered;
	s6 =	simm.s32 $_tile_overlayer_lowered  }
0x9b: {  	s22 =	simm.s32 $0x1BFF;
	s21 =	sshll.u32 s6, $0x1;
	s3 =	sadd.s32 s4, s19  }
0x9c: {  	s7 =	simm.s32 $0x0;
	s20 =	sshll.u32 s5, $0x1;
	s5 =	sadd.s32 s21, s3  }
0x9d: {  	[timem:s7], [sflag:s22] =	dma.local [hbm:s5], s20  }
0x9e: {  	_ =	swait.ge [sflag:s22], s20  }
0x9f: {  	s4 =	ssub.s32 $0x0, s20;
	[sflag:s22] =	ssyncset.done $0x0  }
0xa0: {  	[sflag:s22] =	ssyncadd.s32 s4;
	_ =	sdelay $0x1  }
0xa1: {  	s23 =	simm.s32 $0x1B8B  }
0xa2: {  	_ =	swait.ge [sflag:s23], $0x1  }
0xa3: {  	[sflag:s23] =	ssyncset.done $0x0  }
0xa4: {  	s25 =	simm.s32 $0x1B8E;
	s24 =	sld [smem:$0x3FFE];
	[sflag:s23] =	ssyncadd.s32 $0xFFFFFFFF  }
0xa5: {  	s26 =	simm.s32 $execute0_lowered;
	[smem:$0x3FD2] =	sst s25  }
0xa6: {  	s5 =	sshll.u32 s26, $0x1;
	_ =	strace $0x80000046;
	[dreg:$0x1] =	wrdreg $0xFFFFFFFF  }
0xa7: {  	s28 =	simm.s32 $_size_execute0_lowered;
	s3 =	sadd.s32 s3, s5;
	[dreg:$0x0] =	wrdreg $0x0  }
0xa8: {  	s5 =	sshll.u32 s28, $0x1;
	[dreg:$0x2] =	wrdreg s3  }
0xa9: {  	[dreg:$0x3] =	wrdreg s5  }
0xaa: {  	[dreg:$0x4] =	wrdreg $0xC0  }
0xab: {  	_ =	task [dreg:s7], $0x5FFFF  }
0xac: {  	[dreg:$0x1] =	wrdreg $0xFFFFFFFF  }
0xad: {  	[dreg:$0x0] =	wrdreg $0x60  }
0xae: {  	[dreg:$0x2] =	wrdreg s24  }
0xaf: {  	[dreg:$0x3] =	wrdreg s2  }
0xb0: {  	[dreg:$0x4] =	wrdreg $0x30800  }
0xb1: {  	[dreg:$0x5] =	wrdreg $0x9  }
0xb2: {  	_ =	task.clear_ibuf [dreg:s7], $0x6FFFF;
	_ =	strace $0x90000046  }
0xb3: {  	s29 =	simm.s32 $0x9;
	_ =	strace $0x80000048  }
0xb4: {  	_ =	swait.ge [sflag:s29], $0x1  }
0xb5: {  	[sflag:s29] =	ssyncadd.s32 $0xFFFFFFFF  }
0xb6: {  	_ =	strace $0x90000048  }
0xb7: {  	_ =	sfence  }
0xb8: {  	s30 =	sld [smem:$0x0];
	_ =	sdelay $0x2  }
0xb9: {  	s31 =	sshll.u32 s1, $0xD;
	s1 =	sshrl.u32 s1, $0x2  }
0xba: {  	s3 =	sand.u32 $0x4000, s31;
	s1 =	sadd.s32 s1, s30  }
0xbb: {  	s0 =	sor.u32 s3, s0;
	s1 =	sshll.u32 s1, $0x11  }
0xbc: {  	s0 =	sor.u32 s1, s0  }
0xbd: {  	s0 =	sadd.s32 $0x8F2B, s0  }
0xbe: {  	[sflag:s0] =	ssyncadd.remote.s32 $0x1  }
0xbf: {  	_ =	sfence.sel $0xFFFF  }
0xc0: {  	[dreg:$0x0] =	wrdreg $0xFFFFFFFF;
	(pc) =	sbr.abs _section_cstart, $3  }
0xc1: {  	[dreg:$0x1] =	wrdreg $0xFFFFFFFF  }
0xc2: {  	_ =	task.clear_ibuf [dreg:s7], $0x2FFFF;
	_ =	strace $0x9FFFFFFF  }
0xc3: {  	(tm) =	ssettm $0x7FFFFFFF  }
tec
execute0_lowered:
.L_overlay_start_1:
0x0: {  	(tag) =	ssettag $0x1  }
0x1: {  	s4 =	rddreg [dreg:$0x0]  }
0x2: {  	s1 =	srdreg.scid;
	s8 =	rddreg [dreg:$0x1]  }
0x3: {  	s0 =	stileid.u32;
	s2 =	rddreg [dreg:$0x2];
	s3 =	simm.s32 $0x0  }
0x4: {  	s12 =	simm.s32 $0x80;
	s13 =	simm.s32 $0x2780;
	s5 =	sand.u32 $0x1, s1  }
0x5: {  	s29 =	sshll.u32 s0, $0x1;
	s1 =	rddreg [dreg:$0x3];
	s7 =	smul.u32 $0xA000, s0  }
0x6: {  	[smem:$0x7FF] =	sst s3;
	s9 =	smul.u32 $0x2800, s0;
	s14 =	sshll.u32 s0, $0x6  }
0x7: {  	s6 =	sor.u32 s5, s29;
	s10 =	ssub.s32 $0x2, s5;
	s11 =	smul.u32 $0x28000, s5  }
0x8: {  	_ =	strace $0x80000047;
	s6 =	smul.u32 $0x4F0, s6;
	s30 =	sshrl.u32 s10, $0x1  }
0x9: {  	s14 =	sor.u32 $0x1C01, s14;
	s7 =	sshrl.u32 s7, $0x2;
	s10 =	ssub.s32 s10, s30  }
0xa: {  	s11 =	sadd.s32 s9, s11;
	s6 =	sadd.s32 s6, s4;
	s4 =	sadd.s32 s7, s2  }
0xb: {  	s7 =	sadd.s32 s9, s2;
	s31 =	sshrl.u32 s11, $0x3;
	s9 =	smax.u32 s10, $0x1  }
0xc: {  	s10 =	simm.s32 $0x2F80;
	s11 =	simm.s32 $0x1;
	s5 =	sadd.s32 $0x2700, s4  }
0xd: {  	v0 =	vimm.f32 $0.0e+00;
	v1 =	vimm.f32 $1.000000000e+00;
	s6 =	sadd.s32 $0x2600, s6;
	s8 =	sadd.s32 s8, s31;
	s15 =	sshrl.u32 s7, $0x3  }
.LBB2_1:
0xe: {  	[tilespmem:$0x2F80] =	vst v0  }
0xf: {  	[tilespmem:$0x2F90] =	vst v0  }
0x10: {  	[tilespmem:$0x2FA0] =	vst v0  }
0x11: {  	[tilespmem:$0x2FB0] =	vst v0  }
0x12: {  	[tilespmem:$0x2FC0] =	vst v0  }
0x13: {  	[tilespmem:$0x2FD0] =	vst v0  }
0x14: {  	[tilespmem:$0x2FE0] =	vst v0  }
0x15: {  	[tilespmem:$0x2FF0] =	vst v0  }
0x16: {  	[tilespmem:$0x3000] =	vst v0  }
0x17: {  	[tilespmem:$0x3010] =	vst v0  }
0x18: {  	[tilespmem:$0x3020] =	vst v0  }
0x19: {  	[tilespmem:$0x3030] =	vst v0  }
0x1a: {  	[tilespmem:$0x3040] =	vst v0  }
0x1b: {  	[tilespmem:$0x3050] =	vst v0  }
0x1c: {  	[tilespmem:$0x3060] =	vst v0  }
0x1d: {  	[tilespmem:$0x3070] =	vst v0  }
0x1e: {  	[tilespmem:$0x2780] =	vst v1  }
0x1f: {  	[tilespmem:$0x2790] =	vst v1  }
0x20: {  	[tilespmem:$0x27A0] =	vst v1  }
0x21: {  	[tilespmem:$0x27B0] =	vst v1  }
0x22: {  	[tilespmem:$0x27C0] =	vst v1  }
0x23: {  	[tilespmem:$0x27D0] =	vst v1  }
0x24: {  	[tilespmem:$0x27E0] =	vst v1  }
0x25: {  	[tilespmem:$0x27F0] =	vst v1  }
0x26: {  	[tilespmem:$0x2800] =	vst v1  }
0x27: {  	[tilespmem:$0x2810] =	vst v1  }
0x28: {  	[tilespmem:$0x2820] =	vst v1  }
0x29: {  	[tilespmem:$0x2830] =	vst v1  }
0x2a: {  	[tilespmem:$0x2840] =	vst v1  }
0x2b: {  	[tilespmem:$0x2850] =	vst v1  }
0x2c: {  	[tilespmem:$0x2860] =	vst v1  }
0x2d: {  	[tilespmem:$0x2870] =	vst v1  }
0x2e: {  	[tilespmem:$0x2880] =	vst v1  }
0x2f: {  	[tilespmem:$0x2890] =	vst v1  }
0x30: {  	[tilespmem:$0x28A0] =	vst v1  }
0x31: {  	[tilespmem:$0x28B0] =	vst v1  }
0x32: {  	[tilespmem:$0x28C0] =	vst v1  }
0x33: {  	[tilespmem:$0x28D0] =	vst v1  }
0x34: {  	[tilespmem:$0x28E0] =	vst v1  }
0x35: {  	[tilespmem:$0x28F0] =	vst v1  }
0x36: {  	[tilespmem:$0x2900] =	vst v1  }
0x37: {  	[tilespmem:$0x2910] =	vst v1  }
0x38: {  	[tilespmem:$0x2920] =	vst v1  }
0x39: {  	[tilespmem:$0x2930] =	vst v1  }
0x3a: {  	[tilespmem:$0x2940] =	vst v1  }
0x3b: {  	[tilespmem:$0x2950] =	vst v1  }
0x3c: {  	[tilespmem:$0x2960] =	vst v1  }
0x3d: {  	[tilespmem:$0x2970] =	vst v1  }
0x3e: {  	[tilespmem:$0x2980] =	vst v1  }
0x3f: {  	[tilespmem:$0x2990] =	vst v1  }
0x40: {  	[tilespmem:$0x29A0] =	vst v1  }
0x41: {  	[tilespmem:$0x29B0] =	vst v1  }
0x42: {  	[tilespmem:$0x29C0] =	vst v1  }
0x43: {  	[tilespmem:$0x29D0] =	vst v1  }
0x44: {  	[tilespmem:$0x29E0] =	vst v1  }
0x45: {  	[tilespmem:$0x29F0] =	vst v1  }
0x46: {  	[tilespmem:$0x2A00] =	vst v1  }
0x47: {  	[tilespmem:$0x2A10] =	vst v1  }
0x48: {  	[tilespmem:$0x2A20] =	vst v1  }
0x49: {  	[tilespmem:$0x2A30] =	vst v1  }
0x4a: {  	[tilespmem:$0x2A40] =	vst v1  }
0x4b: {  	[tilespmem:$0x2A50] =	vst v1  }
0x4c: {  	[tilespmem:$0x2A60] =	vst v1  }
0x4d: {  	[tilespmem:$0x2A70] =	vst v1  }
0x4e: {  	[tilespmem:$0x2A80] =	vst v1  }
0x4f: {  	[tilespmem:$0x2A90] =	vst v1  }
0x50: {  	[tilespmem:$0x2AA0] =	vst v1  }
0x51: {  	[tilespmem:$0x2AB0] =	vst v1  }
0x52: {  	[tilespmem:$0x2AC0] =	vst v1  }
0x53: {  	[tilespmem:$0x2AD0] =	vst v1  }
0x54: {  	[tilespmem:$0x2AE0] =	vst v1  }
0x55: {  	[tilespmem:$0x2AF0] =	vst v1  }
0x56: {  	[tilespmem:$0x2B00] =	vst v1  }
0x57: {  	[tilespmem:$0x2B10] =	vst v1  }
0x58: {  	[tilespmem:$0x2B20] =	vst v1  }
0x59: {  	[tilespmem:$0x2B30] =	vst v1  }
0x5a: {  	[tilespmem:$0x2B40] =	vst v1  }
0x5b: {  	[tilespmem:$0x2B50] =	vst v1  }
0x5c: {  	[tilespmem:$0x2B60] =	vst v1  }
0x5d: {  	[tilespmem:$0x2B70] =	vst v1  }
0x5e: {  	[tilespmem:$0x2B80] =	vst v1  }
0x5f: {  	[tilespmem:$0x2B90] =	vst v1  }
0x60: {  	[tilespmem:$0x2BA0] =	vst v1  }
0x61: {  	[tilespmem:$0x2BB0] =	vst v1  }
0x62: {  	[tilespmem:$0x2BC0] =	vst v1  }
0x63: {  	[tilespmem:$0x2BD0] =	vst v1  }
0x64: {  	[tilespmem:$0x2BE0] =	vst v1  }
0x65: {  	[tilespmem:$0x2BF0] =	vst v1  }
0x66: {  	[tilespmem:$0x2C00] =	vst v1  }
0x67: {  	[tilespmem:$0x2C10] =	vst v1  }
0x68: {  	[tilespmem:$0x2C20] =	vst v1  }
0x69: {  	[tilespmem:$0x2C30] =	vst v1  }
0x6a: {  	[tilespmem:$0x2C40] =	vst v1  }
0x6b: {  	[tilespmem:$0x2C50] =	vst v1  }
0x6c: {  	[tilespmem:$0x2C60] =	vst v1  }
0x6d: {  	[tilespmem:$0x2C70] =	vst v1  }
0x6e: {  	[tilespmem:$0x2C80] =	vst v1  }
0x6f: {  	[tilespmem:$0x2C90] =	vst v1  }
0x70: {  	[tilespmem:$0x2CA0] =	vst v1  }
0x71: {  	[tilespmem:$0x2CB0] =	vst v1  }
0x72: {  	[tilespmem:$0x2CC0] =	vst v1  }
0x73: {  	[tilespmem:$0x2CD0] =	vst v1  }
0x74: {  	[tilespmem:$0x2CE0] =	vst v1  }
0x75: {  	[tilespmem:$0x2CF0] =	vst v1  }
0x76: {  	[tilespmem:$0x2D00] =	vst v1  }
0x77: {  	[tilespmem:$0x2D10] =	vst v1  }
0x78: {  	[tilespmem:$0x2D20] =	vst v1  }
0x79: {  	[tilespmem:$0x2D30] =	vst v1  }
0x7a: {  	[tilespmem:$0x2D40] =	vst v1  }
0x7b: {  	[tilespmem:$0x2D50] =	vst v1  }
0x7c: {  	[tilespmem:$0x2D60] =	vst v1  }
0x7d: {  	[tilespmem:$0x2D70] =	vst v1  }
0x7e: {  	[tilespmem:$0x2D80] =	vst v1  }
0x7f: {  	[tilespmem:$0x2D90] =	vst v1  }
0x80: {  	[tilespmem:$0x2DA0] =	vst v1  }
0x81: {  	[tilespmem:$0x2DB0] =	vst v1  }
0x82: {  	[tilespmem:$0x2DC0] =	vst v1  }
0x83: {  	[tilespmem:$0x2DD0] =	vst v1  }
0x84: {  	[tilespmem:$0x2DE0] =	vst v1  }
0x85: {  	[tilespmem:$0x2DF0] =	vst v1  }
0x86: {  	[tilespmem:$0x2E00] =	vst v1  }
0x87: {  	[tilespmem:$0x2E10] =	vst v1  }
0x88: {  	[tilespmem:$0x2E20] =	vst v1  }
0x89: {  	[tilespmem:$0x2E30] =	vst v1  }
0x8a: {  	[tilespmem:$0x2E40] =	vst v1  }
0x8b: {  	[tilespmem:$0x2E50] =	vst v1  }
0x8c: {  	[tilespmem:$0x2E60] =	vst v1  }
0x8d: {  	[tilespmem:$0x2E70] =	vst v1  }
0x8e: {  	[tilespmem:$0x2E80] =	vst v1  }
0x8f: {  	[tilespmem:$0x2E90] =	vst v1  }
0x90: {  	[tilespmem:$0x2EA0] =	vst v1  }
0x91: {  	[tilespmem:$0x2EB0] =	vst v1  }
0x92: {  	[tilespmem:$0x2EC0] =	vst v1  }
0x93: {  	[tilespmem:$0x2ED0] =	vst v1  }
0x94: {  	[tilespmem:$0x2EE0] =	vst v1  }
0x95: {  	[tilespmem:$0x2EF0] =	vst v1  }
0x96: {  	[tilespmem:$0x2F00] =	vst v1  }
0x97: {  	[tilespmem:$0x2F10] =	vst v1  }
0x98: {  	[tilespmem:$0x2F20] =	vst v1  }
0x99: {  	[tilespmem:$0x2F30] =	vst v1  }
0x9a: {  	[tilespmem:$0x2F40] =	vst v1  }
0x9b: {  	[tilespmem:$0x2F50] =	vst v1  }
0x9c: {  	[tilespmem:$0x2F60] =	vst v1  }
0x9d: {  	[tilespmem:$0x2F70] =	vst v1;
	s16 =	sadd.s32 $0x0, s4  }
0x9e: {  	[spmem:s16] =	stream.linear.scatter [tilespmem:s10], [sflag:$0x1], $0x100, $0x38;
	[tilespmem:$0x5880] =	vst v63  }
0x9f: {  	s16 =	simm.s32 $0x400;
	_ =	swait.ge [sflag:s11], $0x100  }
.LBB2_2:
0xa0: {  	s17 =	sshra.s32 s16, $0x2;
	[sflag:s11] =	ssyncset.done $0x0;
	p0 =	sne.s32 s16, $0x9C00  }
.Ltmp0:
0xa1: {  	s17 =	sadd.s32 s17, s4;
	[sflag:s11] =	ssyncadd.s32 $0xFFFFFF00;
	(pc) =	sbr.rel @p0 .LBB2_2-.Ltmp0, $3  }
0xa2: {  	[spmem:s17] =	stream.linear.scatter [tilespmem:s10], [sflag:$0x1], $0x100, $0x38;
	[tilespmem:$0x5880] =	vst v63  }
0xa3: {  	s16 =	sadd.s32 $0x400, s16;
	_ =	sdelay $0x1  }
0xa4: {  	_ =	swait.ge [sflag:s11], $0x100  }
0xa5: {  	[sflag:s11] =	ssyncset.done $0x0  }
0xa6: {  	[sflag:s11] =	ssyncadd.s32 $0xFFFFFF00  }
0xa7: {  	[tilespmem:s10], [sflag:$0x1] =	stream.linear.gather [spmem:s5], $0x100, $0x38;
	[tilespmem:$0x5880] =	vst v63  }
0xa8: {  	_ =	swait.ge [sflag:s11], $0x100  }
0xa9: {  	[sflag:s11] =	ssyncset.done $0x0  }
0xaa: {  	s16 =	simm.s32 $0x0;
	[sflag:s11] =	ssyncadd.s32 $0xFFFFFF00  }
0xab: {  	[tilespmem:s16], [sflag:$0x1] =	stream.linear.gather [hbm4b:s6+s16], $0x2780, $0x38;
	[tilespmem:$0x5880] =	vst v63  }
0xac: {  	_ =	swait.ge [sflag:s11], $0x2780  }
0xad: {  	[sflag:s11] =	ssyncset.done $0x0  }
0xae: {  	[sflag:s11] =	ssyncadd.s32 $0xFFFFD880  }
0xaf: {  	s31 =	simm.s32 $0x0;
	[bflag:$0x0] =	sbarrier.arrive $0xFFFF  }
0xb0: {  	[spmem:s2] =	stream.indirect.scatter.add.f32 [tilespmem:s13], [sflag:$0x1], $0x10, s31, s12, $0xb8;
	[tilespmem:$0x5880] =	vst v63  }
0xb1: {  	_ =	swait.ge [sflag:s11], $0x800  }
0xb2: {  	s16 =	simm.s32 $0x200;
	[sflag:s11] =	ssyncset.done $0x0  }
.LBB2_4:
0xb3: {  	s17 =	sshra.s32 s16, $0x2;
	[sflag:s11] =	ssyncadd.s32 $0xFFFFF800;
	p0 =	sne.s32 s16, $0x9C00  }
0xb4: {  	[spmem:s2] =	stream.indirect.scatter.add.f32 [tilespmem:s13], [sflag:$0x1], $0x10, s17, s12, $0xb8;
	[tilespmem:$0x5880] =	vst v63  }
.Ltmp1:
0xb5: {  	_ = 	snop;
	(pc) =	sbr.rel @p0 .LBB2_4-.Ltmp1, $4  }
0xb6: {  	_ = 	snop  }
0xb7: {  	s16 =	sadd.s32 $0x200, s16  }
0xb8: {  	_ =	swait.ge [sflag:s11], $0x800  }
0xb9: {  	[sflag:s11] =	ssyncset.done $0x0  }
0xba: {  	[sflag:s11] =	ssyncadd.s32 $0xFFFFF800  }
0xbb: {  	[tilespmem:s10], [sflag:$0x1] =	stream.linear.gather [spmem:s7], $0x100, $0x38;
	[tilespmem:$0x5880] =	vst v63  }
0xbc: {  	_ =	swait.ge [sflag:s11], $0x100  }
0xbd: {  	s3 =	sadd.s32 $0x1, s3;
	[sflag:s11] =	ssyncset.done $0x0  }
0xbe: {  	p0 =	sne.s32 s3, s9;
	[sflag:s11] =	ssyncadd.s32 $0xFFFFFF00  }
.Ltmp2:
0xbf: {  	[bflag:$0x0] =	sbarrier.arrive $0xFFFF;
	(pc) =	sbr.rel @p0 .LBB2_1-.Ltmp2, $4  }
0xc0: {  	[hbm:s8], [sflag:s14] =	dma.local [spmem:s15], $0x500  }
0xc1: {  	_ =	swait.ge [sflag:s11], $0x500  }
0xc2: {  	[sflag:s11] =	ssyncset.done $0x0  }
0xc3: {  	[sflag:s11] =	ssyncadd.s32 $0xFFFFFB00  }
0xc4: {  	_ =	sfence.sel $0x180000  }
0xc5: {  	[bflag:$0x0] =	sbarrier.arrive $0xFFFF  }
0xc6: {  	p0 =	sne.s32 s0, $0x0;
	_ =	strace $0x90000047  }
0xc7: {  	s0 =	sadd.s32 @!p0 $0x100000, s1;
	[bflag:$0x2] =	sbarrier.arrive $0xFFFF  }
0xc8: {  	[sflag:s0] =	ssyncadd.tile.s32 @!p0 $0x1;
	_ =	shalt  }
.Lfunc_end2:
_tile_overlayer_lowered:
.L_overlay_start_2:
0xc9: {  	(tag) =	ssettag $0x2  }
0xca: {  	s0 =	rddreg [dreg:$0x0];
	s2 =	stileid.u32  }
0xcb: {  	s1 =	rddreg [dreg:$0x1];
	p0 =	sne.s32 s2, $0x0  }
0xcc: {  	s3 =	rddreg [dreg:$0x2];
	[bflag:$0x3] =	sbarrier.arrive $0xFFFF;
	s2 =	simm.s32 @!p0 $0x1C01  }
0xcd: {  	[timem:s3], [sflag:s2] =	dma.local @!p0 [hbm:s0], s1  }
0xce: {  	s0 =	simm.s32 @!p0 $0x1  }
0xcf: {  	_ =	swait.ge @!p0 [sflag:s0], s1  }
0xd0: {  	s1 =	ssub.s32 @!p0 $0x0, s1;
	[sflag:s0] =	ssyncset.done @!p0 $0x0  }
0xd1: {  	[sflag:s0] =	ssyncadd.s32 @!p0 s1  }
0xd2: {  	[bflag:$0x3] =	sbarrier.arrive $0xFFFF  }
0xd3: {  	_ =	shalt  }

// kernel: kernel.15.cloned.1.call-start
scs
__scs_entry_jumppad:
0x0: {  	(pc) =	sbr.rel $0x88, $3  }
0x1: {  	(tag) =	ssettag $0x0;
	lr =	simm.s32 $0x1  }
0x2: {  	[smem:$0x3F97] =	sst lr;
	_ =	strace $0xD0000000  }
0x3: {  	_ = 	snop  }
0x4: {  	_ = 	snop  }
0x5: {  	_ = 	snop  }
0x6: {  	_ = 	snop  }
0x7: {  	_ = 	snop  }
__scs_overlays_trampoline_lowered:
0x8: {  	[smem:$0x3FA6] =	sst s0  }
0x9: {  	[smem:$0x3FA7] =	sst s1  }
0xa: {  	[smem:$0x3FA8] =	sst s2  }
0xb: {  	[smem:$0x3FA9] =	sst s3  }
0xc: {  	[smem:$0x3FAA] =	sst s4  }
0xd: {  	[smem:$0x3FAB] =	sst s5  }
0xe: {  	[smem:$0x3FAC] =	sst s6  }
0xf: {  	[smem:$0x3FAD] =	sst s7  }
0x10: {  	[smem:$0x3FAE] =	sst s8  }
0x11: {  	[smem:$0x3FAF] =	sst s9;
	s0 =	simm.s32 @!p0 $0x0  }
0x12: {  	s1 =	sld [smem:$0x3F95];
	s0 =	simm.s32 @p0 $0x1  }
0x13: {  	[smem:$0x3FB0] =	sst s0;
	s0 =	simm.s32 @!p1 $0x0  }
0x14: {  	s2 =	sld [smem:$0x3F94];
	s0 =	simm.s32 @p1 $0x1  }
0x15: {  	[smem:$0x3FB1] =	sst s0;
	s0 =	simm.s32 @!p2 $0x0  }
0x16: {  	s3 =	sld [smem:$0x3FDB];
	s0 =	simm.s32 @p2 $0x1  }
0x17: {  	s4 =	simm.s32 $0x1BF5;
	[smem:$0x3FB3] =	sst s0  }
0x18: {  	s0 =	sld [smem:$0x3F96];
	_ =	swait.ge [sflag:s4], $0x0  }
0x19: {  	s7 =	sld [smem:$0x3F97]  }
0x1a: {  	s8 =	sadd.s32 $0xFFFFE003, lr  }
0x1b: {  	s9 =	sadd.s32 $0xFFFFFEF7, lr;
	s5 =	simm.s32 $0xFFFFFFFF;
	p2 =	slt.u32 s8, $0xFFFFF086  }
0x1c: {  	p1 =	slt.u32 s9, $0xF7A;
	s5 =	simm.s32 @!p2 $0x0  }
0x1d: {  	s5 =	simm.s32 @p1 $0x1;
	p0 =	seq.s32 s7, s2  }
0x1e: {  	s7 =	smul.u32 @!p0 $0xF7A, s2;
	p2 =	seq.s32 @!p0 s5, $0x0  }
0x1f: {  	s9 =	smul.u32 $0xF7A, s1;
	s8 =	simm.s32 @!p0 $0x1BF5;
	p2 =	por !p2, p0  }
0x20: {  	[sflag:s8] =	ssyncset.s32 @!p0 $0xFFFFF086;
	s6 =	sadd.s32 @!p0 s3, s7;
	s7 =	simm.s32 @!p0 $0x108  }
0x21: {  	s3 =	sadd.s32 s3, s9;
	s6 =	sadd.s32 @!p0 $0x88, s6;
	s7 =	simm.s32 @p2 $0x1082  }
0x22: {  	[simem:s7], [sflag:s8] =	dma.local @!p0 [hbm:s6], $0xF7A  }
0x23: {  	s9 =	sor.u32 $0xD0000000, s2;
	s6 =	simm.s32 $0x108;
	_ =	swait.ge @!p0 [sflag:s8], $0x0  }
0x24: {  	s3 =	sadd.s32 $0x88, s3;
	s6 =	simm.s32 @!p1 $0x1082;
	[sflag:s4] =	ssyncset.s32 $0xFFFFF086  }
0x25: {  	[simem:s6], [sflag:s4] =	dma.local [hbm:s3], $0xF7A  }
0x26: {  	[smem:$0x3F97] =	sst s1;
	(tag) =	ssettag s2;
	_ =	strace s9  }
0x27: {  	s1 =	sld [smem:$0x3FA7]  }
0x28: {  	s2 =	sld [smem:$0x3FA8]  }
0x29: {  	s4 =	sld [smem:$0x3FAA]  }
0x2a: {  	p0 =	seq.s32 s5, $0x0;
	s5 =	sld [smem:$0x3FAB]  }
0x2b: {  	s6 =	sld [smem:$0x3FAC]  }
0x2c: {  	s7 =	sld [smem:$0x3FAD]  }
0x2d: {  	s3 =	simm.s32 $0x108;
	s8 =	sld [smem:$0x3FAE]  }
0x2e: {  	s3 =	simm.s32 @!p0 $0x1082;
	s9 =	sld [smem:$0x3FAF]  }
0x2f: {  	lr =	sadd.s32 s0, s3;
	s0 =	sld [smem:$0x3FA6]  }
0x30: {  	s3 =	sld [smem:$0x3FA9]  }
0x31: {  	[smem:$0x3FB2] =	sst s10  }
0x32: {  	s10 =	sld [smem:$0x3FB0];
	_ =	sdelay $0x3  }
0x33: {  	p0 =	seq.s32 s10, $0x1;
	s10 =	sld [smem:$0x3FB2];
	_ =	sdelay $0x3  }
0x34: {  	[smem:$0x3FB2] =	sst s10  }
0x35: {  	s10 =	sld [smem:$0x3FB1];
	_ =	sdelay $0x3  }
0x36: {  	p1 =	seq.s32 s10, $0x1;
	s10 =	sld [smem:$0x3FB2];
	_ =	sdelay $0x3  }
0x37: {  	[smem:$0x3FB2] =	sst s10  }
0x38: {  	s10 =	sld [smem:$0x3FB3]  }
0x39: {  	_ = 	snop;
	(pc) =	sbr.ind lr, $3  }
0x3a: {  	_ = 	snop  }
0x3b: {  	_ = 	snop  }
0x3c: {  	p2 =	seq.s32 s10, $0x1;
	s10 =	sld [smem:$0x3FB2]  }
0x3d: {  	_ =	shalt  }
0x3e: {  	_ =	shalt  }
0x3f: {  	_ =	shalt  }
0x40: {  	_ =	shalt  }
0x41: {  	_ =	shalt  }
0x42: {  	_ =	shalt  }
0x43: {  	_ =	shalt  }
0x44: {  	_ =	shalt  }
0x45: {  	_ =	shalt  }
0x46: {  	_ =	shalt  }
0x47: {  	_ =	shalt  }
0x48: {  	_ =	shalt  }
0x49: {  	_ =	shalt  }
0x4a: {  	_ =	shalt  }
0x4b: {  	_ =	shalt  }
0x4c: {  	_ =	shalt  }
0x4d: {  	_ =	shalt  }
0x4e: {  	_ =	shalt  }
0x4f: {  	_ =	shalt  }
0x50: {  	_ =	shalt  }
0x51: {  	_ =	shalt  }
0x52: {  	_ =	shalt  }
0x53: {  	_ =	shalt  }
0x54: {  	_ =	shalt  }
0x55: {  	_ =	shalt  }
0x56: {  	_ =	shalt  }
0x57: {  	_ =	shalt  }
0x58: {  	_ =	shalt  }
0x59: {  	_ =	shalt  }
0x5a: {  	_ =	shalt  }
0x5b: {  	_ =	shalt  }
0x5c: {  	_ =	shalt  }
0x5d: {  	_ =	shalt  }
0x5e: {  	_ =	shalt  }
0x5f: {  	_ =	shalt  }
0x60: {  	_ =	shalt  }
0x61: {  	_ =	shalt  }
0x62: {  	_ =	shalt  }
0x63: {  	_ =	shalt  }
0x64: {  	_ =	shalt  }
0x65: {  	_ =	shalt  }
0x66: {  	_ =	shalt  }
0x67: {  	_ =	shalt  }
0x68: {  	_ =	shalt  }
0x69: {  	_ =	shalt  }
0x6a: {  	_ =	shalt  }
0x6b: {  	_ =	shalt  }
0x6c: {  	_ =	shalt  }
0x6d: {  	_ =	shalt  }
0x6e: {  	_ =	shalt  }
0x6f: {  	_ =	shalt  }
0x70: {  	_ =	shalt  }
0x71: {  	_ =	shalt  }
0x72: {  	_ =	shalt  }
0x73: {  	_ =	shalt  }
0x74: {  	_ =	shalt  }
0x75: {  	_ =	shalt  }
0x76: {  	_ =	shalt  }
0x77: {  	_ =	shalt  }
0x78: {  	_ =	shalt  }
0x79: {  	_ =	shalt  }
0x7a: {  	_ =	shalt  }
0x7b: {  	_ =	shalt  }
0x7c: {  	_ =	shalt  }
0x7d: {  	_ =	shalt  }
0x7e: {  	_ =	shalt  }
0x7f: {  	_ =	shalt  }
0x80: {  	_ =	shalt  }
0x81: {  	_ =	shalt  }
0x82: {  	_ =	shalt  }
0x83: {  	_ =	shalt  }
0x84: {  	_ =	shalt  }
0x85: {  	_ =	shalt  }
0x86: {  	_ =	shalt  }
0x87: {  	_ =	shalt  }
.Lfunc_end0:
.L_simem_size_0:
called_computation.1_lowered:
.L_overlay_start_0:
0x88: {  	s2 =	sld [smem:$0x3FD9]  }
0x89: {  	s3 =	sld [smem:$0x3FFE];
	_ =	sdelay $0x1  }
0x8a: {  	s1 =	srdreg.scid  }
0x8b: {  	s0 =	sand.u32 $0x1, s1  }
0x8c: {  	s17 =	sshll.u32 s0, $0xA;
	s2 =	sadd.s32 s3, s2  }
0x8d: {  	s2 =	sadd.s32 s2, s17  }
0x8e: {  	[smem:$0x3FBE] =	sst s2  }
0x8f: {  	_ = 	snop  }
0x90: {  	s2 =	sld [smem:$0x3FD0];
	(tm) =	ssettm $0x1  }
0x91: {  	s18 =	sld [smem:$0x3FFB];
	_ =	sdelay $0x3  }
0x92: {  	_ =	strace s18  }
0x93: {  	s3 =	sld [smem:$0x3FFC];
	_ =	sdelay $0x3  }
0x94: {  	_ =	strace s3  }
0x95: {  	s3 =	sld [smem:$0x3FFD];
	_ =	sdelay $0x3  }
0x96: {  	_ =	strace s3  }
0x97: {  	_ =	strace $0x8FFFFFFF  }
0x98: {  	s19 =	sld [smem:$0x3FDB];
	_ =	sdelay $0x1  }
0x99: {  	s4 =	simm.s32 $_scs_section_size  }
0x9a: {  	s5 =	simm.s32 $_size__tile_overlayer_lowered;
	s6 =	simm.s32 $_tile_overlayer_lowered  }
0x9b: {  	s22 =	simm.s32 $0x1BFF;
	s21 =	sshll.u32 s6, $0x1;
	s3 =	sadd.s32 s4, s19  }
0x9c: {  	s7 =	simm.s32 $0x0;
	s20 =	sshll.u32 s5, $0x1;
	s5 =	sadd.s32 s21, s3  }
0x9d: {  	[timem:s7], [sflag:s22] =	dma.local [hbm:s5], s20  }
0x9e: {  	_ =	swait.ge [sflag:s22], s20  }
0x9f: {  	s4 =	ssub.s32 $0x0, s20;
	[sflag:s22] =	ssyncset.done $0x0  }
0xa0: {  	[sflag:s22] =	ssyncadd.s32 s4;
	_ =	sdelay $0x1  }
0xa1: {  	s23 =	simm.s32 $0x1B8B  }
0xa2: {  	_ =	swait.ge [sflag:s23], $0x1  }
0xa3: {  	[sflag:s23] =	ssyncset.done $0x0  }
0xa4: {  	s25 =	simm.s32 $0x1B8E;
	s24 =	sld [smem:$0x3FFE];
	[sflag:s23] =	ssyncadd.s32 $0xFFFFFFFF  }
0xa5: {  	s26 =	simm.s32 $execute0_lowered;
	[smem:$0x3FD2] =	sst s25  }
0xa6: {  	s5 =	sshll.u32 s26, $0x1;
	_ =	strace $0x80000049;
	[dreg:$0x1] =	wrdreg $0xFFFFFFFF  }
0xa7: {  	s28 =	simm.s32 $_size_execute0_lowered;
	s3 =	sadd.s32 s3, s5;
	[dreg:$0x0] =	wrdreg $0x0  }
0xa8: {  	s5 =	sshll.u32 s28, $0x1;
	[dreg:$0x2] =	wrdreg s3  }
0xa9: {  	[dreg:$0x3] =	wrdreg s5  }
0xaa: {  	[dreg:$0x4] =	wrdreg $0xC0  }
0xab: {  	_ =	task [dreg:s7], $0x5FFFF  }
0xac: {  	[dreg:$0x1] =	wrdreg $0xFFFFFFFF  }
0xad: {  	[dreg:$0x0] =	wrdreg $0x60  }
0xae: {  	[dreg:$0x2] =	wrdreg s2  }
0xaf: {  	[dreg:$0x3] =	wrdreg s24  }
0xb0: {  	[dreg:$0x4] =	wrdreg $0x73000  }
0xb1: {  	[dreg:$0x5] =	wrdreg $0x9  }
0xb2: {  	_ =	task.clear_ibuf [dreg:s7], $0x6FFFF;
	_ =	strace $0x90000049  }
0xb3: {  	s29 =	simm.s32 $0x9;
	_ =	strace $0x8000004B  }
0xb4: {  	_ =	swait.ge [sflag:s29], $0x1  }
0xb5: {  	[sflag:s29] =	ssyncadd.s32 $0xFFFFFFFF  }
0xb6: {  	_ =	strace $0x9000004B  }
0xb7: {  	_ =	sfence  }
0xb8: {  	s30 =	sld [smem:$0x0];
	_ =	sdelay $0x2  }
0xb9: {  	s31 =	sshll.u32 s1, $0xD;
	s1 =	sshrl.u32 s1, $0x2  }
0xba: {  	s3 =	sand.u32 $0x4000, s31;
	s1 =	sadd.s32 s1, s30  }
0xbb: {  	s0 =	sor.u32 s3, s0;
	s1 =	sshll.u32 s1, $0x11  }
0xbc: {  	s0 =	sor.u32 s1, s0  }
0xbd: {  	s0 =	sadd.s32 $0x8F2B, s0  }
0xbe: {  	[sflag:s0] =	ssyncadd.remote.s32 $0x1  }
0xbf: {  	_ =	sfence.sel $0xFFFF  }
0xc0: {  	[dreg:$0x0] =	wrdreg $0xFFFFFFFF;
	(pc) =	sbr.abs _section_cstart, $3  }
0xc1: {  	[dreg:$0x1] =	wrdreg $0xFFFFFFFF  }
0xc2: {  	_ =	task.clear_ibuf [dreg:s7], $0x2FFFF;
	_ =	strace $0x9FFFFFFF  }
0xc3: {  	(tm) =	ssettm $0x7FFFFFFF  }
tec
execute0_lowered:
.L_overlay_start_1:
0x0: {  	(tag) =	ssettag $0x1  }
0x1: {  	s2 =	srdreg.scid;
	s1 =	rddreg [dreg:$0x0]  }
0x2: {  	s0 =	stileid.u32;
	s6 =	rddreg [dreg:$0x1]  }
0x3: {  	s3 =	rddreg [dreg:$0x2];
	s4 =	simm.s32 $0x0;
	s14 =	simm.s32 $0x2780  }
0x4: {  	s15 =	simm.s32 $0x80;
	s16 =	simm.s32 $0x4F00;
	s17 =	simm.s32 $0x1  }
0x5: {  	s5 =	sand.u32 $0x1, s2;
	s29 =	sshll.u32 s0, $0x1;
	s9 =	smul.u32 $0xA000, s0  }
0x6: {  	[smem:$0x7FF] =	sst s4;
	s10 =	smul.u32 $0x28000, s0;
	s18 =	sshll.u32 s0, $0x6  }
0x7: {  	s2 =	sor.u32 s5, s29;
	s8 =	smul.u32 $0xA0000, s5;
	s5 =	ssub.s32 $0x2, s5  }
0x8: {  	s18 =	sor.u32 $0x1C02, s18;
	s7 =	smul.u32 $0x4F0, s2;
	s2 =	rddreg [dreg:$0x3]  }
0x9: {  	_ =	strace $0x8000004A;
	s31 =	sshrl.u32 s5, $0x1;
	s10 =	sshrl.u32 s10, $0x2  }
0xa: {  	s30 =	sadd.s32 s9, s8;
	s13 =	ssub.s32 s5, s31;
	s5 =	sadd.s32 s10, s3  }
0xb: {  	s9 =	sadd.s32 s9, s3;
	s11 =	sadd.s32 s7, s6;
	s7 =	sshrl.u32 s30, $0x3  }
0xc: {  	s19 =	sshrl.u32 s9, $0x3;
	s12 =	sadd.s32 s7, s6;
	s6 =	sadd.s32 $0x9C00, s5  }
0xd: {  	s7 =	sadd.s32 $0xC400, s11;
	s8 =	sadd.s32 $0x2600, s11;
	s11 =	smax.u32 s13, $0x1  }
0xe: {  	v0 =	vimm.f32 $0.0e+00;
	s13 =	simm.s32 $0x2;
	s10 =	sadd.s32 $0x16200, s12;
	s12 =	simm.s32 $0x6F00  }
.LBB2_1:
0xf: {  	[tilespmem:$0x6F00] =	vst v0  }
0x10: {  	[tilespmem:$0x6F10] =	vst v0  }
0x11: {  	[tilespmem:$0x6F20] =	vst v0  }
0x12: {  	[tilespmem:$0x6F30] =	vst v0  }
0x13: {  	[tilespmem:$0x6F40] =	vst v0  }
0x14: {  	[tilespmem:$0x6F50] =	vst v0  }
0x15: {  	[tilespmem:$0x6F60] =	vst v0  }
0x16: {  	[tilespmem:$0x6F70] =	vst v0  }
0x17: {  	[tilespmem:$0x6F80] =	vst v0  }
0x18: {  	[tilespmem:$0x6F90] =	vst v0  }
0x19: {  	[tilespmem:$0x6FA0] =	vst v0  }
0x1a: {  	[tilespmem:$0x6FB0] =	vst v0  }
0x1b: {  	[tilespmem:$0x6FC0] =	vst v0  }
0x1c: {  	[tilespmem:$0x6FD0] =	vst v0  }
0x1d: {  	[tilespmem:$0x6FE0] =	vst v0  }
0x1e: {  	[tilespmem:$0x6FF0] =	vst v0  }
0x1f: {  	[tilespmem:$0x7000] =	vst v0  }
0x20: {  	[tilespmem:$0x7010] =	vst v0  }
0x21: {  	[tilespmem:$0x7020] =	vst v0  }
0x22: {  	[tilespmem:$0x7030] =	vst v0  }
0x23: {  	[tilespmem:$0x7040] =	vst v0  }
0x24: {  	[tilespmem:$0x7050] =	vst v0  }
0x25: {  	[tilespmem:$0x7060] =	vst v0  }
0x26: {  	[tilespmem:$0x7070] =	vst v0  }
0x27: {  	[tilespmem:$0x7080] =	vst v0  }
0x28: {  	[tilespmem:$0x7090] =	vst v0  }
0x29: {  	[tilespmem:$0x70A0] =	vst v0  }
0x2a: {  	[tilespmem:$0x70B0] =	vst v0  }
0x2b: {  	[tilespmem:$0x70C0] =	vst v0  }
0x2c: {  	[tilespmem:$0x70D0] =	vst v0  }
0x2d: {  	[tilespmem:$0x70E0] =	vst v0  }
0x2e: {  	[tilespmem:$0x70F0] =	vst v0  }
0x2f: {  	[tilespmem:$0x7100] =	vst v0  }
0x30: {  	[tilespmem:$0x7110] =	vst v0  }
0x31: {  	[tilespmem:$0x7120] =	vst v0  }
0x32: {  	[tilespmem:$0x7130] =	vst v0  }
0x33: {  	[tilespmem:$0x7140] =	vst v0  }
0x34: {  	[tilespmem:$0x7150] =	vst v0  }
0x35: {  	[tilespmem:$0x7160] =	vst v0  }
0x36: {  	[tilespmem:$0x7170] =	vst v0  }
0x37: {  	[tilespmem:$0x7180] =	vst v0  }
0x38: {  	[tilespmem:$0x7190] =	vst v0  }
0x39: {  	[tilespmem:$0x71A0] =	vst v0  }
0x3a: {  	[tilespmem:$0x71B0] =	vst v0  }
0x3b: {  	[tilespmem:$0x71C0] =	vst v0  }
0x3c: {  	[tilespmem:$0x71D0] =	vst v0  }
0x3d: {  	[tilespmem:$0x71E0] =	vst v0  }
0x3e: {  	[tilespmem:$0x71F0] =	vst v0  }
0x3f: {  	[tilespmem:$0x7200] =	vst v0  }
0x40: {  	[tilespmem:$0x7210] =	vst v0  }
0x41: {  	[tilespmem:$0x7220] =	vst v0  }
0x42: {  	[tilespmem:$0x7230] =	vst v0  }
0x43: {  	[tilespmem:$0x7240] =	vst v0  }
0x44: {  	[tilespmem:$0x7250] =	vst v0  }
0x45: {  	[tilespmem:$0x7260] =	vst v0  }
0x46: {  	[tilespmem:$0x7270] =	vst v0  }
0x47: {  	[tilespmem:$0x7280] =	vst v0  }
0x48: {  	[tilespmem:$0x7290] =	vst v0  }
0x49: {  	[tilespmem:$0x72A0] =	vst v0  }
0x4a: {  	[tilespmem:$0x72B0] =	vst v0  }
0x4b: {  	[tilespmem:$0x72C0] =	vst v0  }
0x4c: {  	[tilespmem:$0x72D0] =	vst v0  }
0x4d: {  	[tilespmem:$0x72E0] =	vst v0  }
0x4e: {  	[tilespmem:$0x72F0] =	vst v0;
	s20 =	sadd.s32 $0x0, s5  }
0x4f: {  	[spmem:s20] =	stream.linear.scatter [tilespmem:s12], [sflag:$0x2], $0x400, $0x38;
	[tilespmem:$0x11300] =	vst v63  }
0x50: {  	s20 =	simm.s32 $0x1000;
	_ =	swait.ge [sflag:s13], $0x400  }
.LBB2_2:
0x51: {  	s21 =	sshra.s32 s20, $0x2;
	[sflag:s13] =	ssyncset.done $0x0;
	p0 =	sne.s32 s20, $0x27000  }
.Ltmp0:
0x52: {  	s21 =	sadd.s32 s21, s5;
	[sflag:s13] =	ssyncadd.s32 $0xFFFFFC00;
	(pc) =	sbr.rel @p0 .LBB2_2-.Ltmp0, $3  }
0x53: {  	[spmem:s21] =	stream.linear.scatter [tilespmem:s12], [sflag:$0x2], $0x400, $0x38;
	[tilespmem:$0x11300] =	vst v63  }
0x54: {  	s20 =	sadd.s32 $0x1000, s20;
	_ =	sdelay $0x1  }
0x55: {  	_ =	swait.ge [sflag:s13], $0x400  }
0x56: {  	[sflag:s13] =	ssyncset.done $0x0  }
0x57: {  	[sflag:s13] =	ssyncadd.s32 $0xFFFFFC00  }
0x58: {  	[tilespmem:s12], [sflag:$0x2] =	stream.linear.gather [spmem:s6], $0x400, $0x38;
	[tilespmem:$0x11300] =	vst v63  }
0x59: {  	_ =	swait.ge [sflag:s13], $0x400  }
0x5a: {  	[sflag:s13] =	ssyncset.done $0x0  }
0x5b: {  	s20 =	simm.s32 $0x0;
	[sflag:s13] =	ssyncadd.s32 $0xFFFFFC00  }
0x5c: {  	[tilespmem:s20], [sflag:$0x2] =	stream.linear.gather [hbm4b:s7+s20], $0x2780, $0x38;
	[tilespmem:$0x11300] =	vst v63  }
0x5d: {  	_ =	swait.ge [sflag:s13], $0x2780  }
0x5e: {  	[sflag:s13] =	ssyncset.done $0x0  }
0x5f: {  	[sflag:s13] =	ssyncadd.s32 $0xFFFFD880  }
0x60: {  	[tilespmem:s14], [sflag:$0x2] =	stream.linear.gather [hbm4b:s8+s20], $0x2780, $0x38;
	[tilespmem:$0x11300] =	vst v63  }
0x61: {  	_ =	swait.ge [sflag:s13], $0x2780  }
0x62: {  	[sflag:s13] =	ssyncset.done $0x0  }
0x63: {  	[sflag:s13] =	ssyncadd.s32 $0xFFFFD880  }
0x64: {  	s30 =	simm.s32 $0x0;
	[bflag:$0x0] =	sbarrier.arrive $0xFFFF  }
0x65: {  	[tilespmem:s16], [sflag:$0x1] =	stream.indirect.gather [hbm4b:s1+s15], $0x40, s30, s15, $0xb8;
	[tilespmem:$0x11300] =	vst v63  }
0x66: {  	_ =	swait.ge [sflag:s17], $0x2000  }
0x67: {  	[sflag:s17] =	ssyncset.done $0x0  }
0x68: {  	s31 =	simm.s32 $0x2780;
	[sflag:s17] =	ssyncadd.s32 $0xFFFFE000  }
0x69: {  	[spmem:s3] =	stream.indirect.scatter.add.f32 [tilespmem:s16], [sflag:$0x2], $0x40, s31, s15, $0xb8;
	[tilespmem:$0x11300] =	vst v63  }
0x6a: {  	_ =	swait.ge [sflag:s13], $0x2000  }
0x6b: {  	s21 =	simm.s32 $0x400;
	s20 =	simm.s32 $0x200;
	[sflag:s13] =	ssyncset.done $0x0  }
.LBB2_4:
0x6c: {  	s22 =	sshra.s32 s20, $0x2  }
0x6d: {  	[sflag:s13] =	ssyncadd.s32 $0xFFFFE000;
	s20 =	smov.u32 s21;
	s23 =	sadd.s32 $0x200, s21  }
0x6e: {  	[tilespmem:s16], [sflag:$0x1] =	stream.indirect.gather [hbm4b:s1+s15], $0x40, s22, s15, $0xb8;
	[tilespmem:$0x11300] =	vst v63  }
0x6f: {  	p0 =	sne.s32 s21, $0x9C00;
	_ =	swait.ge [sflag:s17], $0x2000  }
.Ltmp1:
0x70: {  	[sflag:s17] =	ssyncset.done $0x0;
	(pc) =	sbr.rel @p0 .LBB2_4-.Ltmp1, $4  }
0x71: {  	s21 =	sadd.s32 $0x2780, s22;
	[sflag:s17] =	ssyncadd.s32 $0xFFFFE000  }
0x72: {  	[spmem:s3] =	stream.indirect.scatter.add.f32 [tilespmem:s16], [sflag:$0x2], $0x40, s21, s15, $0xb8;
	[tilespmem:$0x11300] =	vst v63  }
0x73: {  	_ =	swait.ge [sflag:s13], $0x2000  }
0x74: {  	s21 =	smov.u32 s23;
	[sflag:s13] =	ssyncset.done $0x0  }
0x75: {  	s20 =	sshra.s32 s20, $0x2;
	[sflag:s13] =	ssyncadd.s32 $0xFFFFE000  }
0x76: {  	[tilespmem:s16], [sflag:$0x1] =	stream.indirect.gather [hbm4b:s1+s15], $0x40, s20, s15, $0xb8;
	[tilespmem:$0x11300] =	vst v63  }
0x77: {  	_ =	swait.ge [sflag:s17], $0x2000  }
0x78: {  	[sflag:s17] =	ssyncset.done $0x0  }
0x79: {  	s20 =	sadd.s32 $0x2780, s20;
	[sflag:s17] =	ssyncadd.s32 $0xFFFFE000  }
0x7a: {  	[spmem:s3] =	stream.indirect.scatter.add.f32 [tilespmem:s16], [sflag:$0x2], $0x40, s20, s15, $0xb8;
	[tilespmem:$0x11300] =	vst v63  }
0x7b: {  	_ =	swait.ge [sflag:s13], $0x2000  }
0x7c: {  	[sflag:s13] =	ssyncset.done $0x0  }
0x7d: {  	[sflag:s13] =	ssyncadd.s32 $0xFFFFE000  }
0x7e: {  	[tilespmem:s12], [sflag:$0x2] =	stream.linear.gather [spmem:s9], $0x400, $0x38;
	[tilespmem:$0x11300] =	vst v63  }
0x7f: {  	_ =	swait.ge [sflag:s13], $0x400  }
0x80: {  	s4 =	sadd.s32 $0x1, s4;
	[sflag:s13] =	ssyncset.done $0x0  }
0x81: {  	p0 =	sne.s32 s4, s11;
	[sflag:s13] =	ssyncadd.s32 $0xFFFFFC00  }
.Ltmp2:
0x82: {  	[bflag:$0x0] =	sbarrier.arrive $0xFFFF;
	(pc) =	sbr.rel @p0 .LBB2_1-.Ltmp2, $4  }
0x83: {  	[hbm:s10], [sflag:s18] =	dma.local [spmem:s19], $0x1400  }
0x84: {  	_ =	swait.ge [sflag:s13], $0x1400  }
0x85: {  	[sflag:s13] =	ssyncset.done $0x0  }
0x86: {  	[sflag:s13] =	ssyncadd.s32 $0xFFFFEC00  }
0x87: {  	_ =	sfence.sel $0x180000  }
0x88: {  	[bflag:$0x0] =	sbarrier.arrive $0xFFFF  }
0x89: {  	p0 =	sne.s32 s0, $0x0;
	_ =	strace $0x9000004A  }
0x8a: {  	s0 =	sadd.s32 @!p0 $0x100000, s2;
	[bflag:$0x2] =	sbarrier.arrive $0xFFFF  }
0x8b: {  	[sflag:s0] =	ssyncadd.tile.s32 @!p0 $0x1;
	_ =	shalt  }
.Lfunc_end2:
_tile_overlayer_lowered:
.L_overlay_start_2:
0x8c: {  	(tag) =	ssettag $0x2  }
0x8d: {  	s0 =	rddreg [dreg:$0x0];
	s2 =	stileid.u32  }
0x8e: {  	s1 =	rddreg [dreg:$0x1];
	p0 =	sne.s32 s2, $0x0  }
0x8f: {  	s3 =	rddreg [dreg:$0x2];
	[bflag:$0x3] =	sbarrier.arrive $0xFFFF;
	s2 =	simm.s32 @!p0 $0x1C02  }
0x90: {  	[timem:s3], [sflag:s2] =	dma.local @!p0 [hbm:s0], s1  }
0x91: {  	s0 =	simm.s32 @!p0 $0x2  }
0x92: {  	_ =	swait.ge @!p0 [sflag:s0], s1  }
0x93: {  	s1 =	ssub.s32 @!p0 $0x0, s1;
	[sflag:s0] =	ssyncset.done @!p0 $0x0  }
0x94: {  	[sflag:s0] =	ssyncadd.s32 @!p0 s1  }
0x95: {  	[bflag:$0x3] =	sbarrier.arrive $0xFFFF  }
0x96: {  	_ =	shalt  }

// kernel: kernel.18.cloned.1.call-start
scs
__scs_entry_jumppad:
0x0: {  	(pc) =	sbr.rel $0x88, $3  }
0x1: {  	(tag) =	ssettag $0x0;
	lr =	simm.s32 $0x1  }
0x2: {  	[smem:$0x3F97] =	sst lr;
	_ =	strace $0xD0000000  }
0x3: {  	_ = 	snop  }
0x4: {  	_ = 	snop  }
0x5: {  	_ = 	snop  }
0x6: {  	_ = 	snop  }
0x7: {  	_ = 	snop  }
__scs_overlays_trampoline_lowered:
0x8: {  	[smem:$0x3FA6] =	sst s0  }
0x9: {  	[smem:$0x3FA7] =	sst s1  }
0xa: {  	[smem:$0x3FA8] =	sst s2  }
0xb: {  	[smem:$0x3FA9] =	sst s3  }
0xc: {  	[smem:$0x3FAA] =	sst s4  }
0xd: {  	[smem:$0x3FAB] =	sst s5  }
0xe: {  	[smem:$0x3FAC] =	sst s6  }
0xf: {  	[smem:$0x3FAD] =	sst s7  }
0x10: {  	[smem:$0x3FAE] =	sst s8  }
0x11: {  	[smem:$0x3FAF] =	sst s9;
	s0 =	simm.s32 @!p0 $0x0  }
0x12: {  	s1 =	sld [smem:$0x3F95];
	s0 =	simm.s32 @p0 $0x1  }
0x13: {  	[smem:$0x3FB0] =	sst s0;
	s0 =	simm.s32 @!p1 $0x0  }
0x14: {  	s2 =	sld [smem:$0x3F94];
	s0 =	simm.s32 @p1 $0x1  }
0x15: {  	[smem:$0x3FB1] =	sst s0;
	s0 =	simm.s32 @!p2 $0x0  }
0x16: {  	s3 =	sld [smem:$0x3FDB];
	s0 =	simm.s32 @p2 $0x1  }
0x17: {  	s4 =	simm.s32 $0x1BF5;
	[smem:$0x3FB3] =	sst s0  }
0x18: {  	s0 =	sld [smem:$0x3F96];
	_ =	swait.ge [sflag:s4], $0x0  }
0x19: {  	s7 =	sld [smem:$0x3F97]  }
0x1a: {  	s8 =	sadd.s32 $0xFFFFE003, lr  }
0x1b: {  	s9 =	sadd.s32 $0xFFFFFEF7, lr;
	s5 =	simm.s32 $0xFFFFFFFF;
	p2 =	slt.u32 s8, $0xFFFFF086  }
0x1c: {  	p1 =	slt.u32 s9, $0xF7A;
	s5 =	simm.s32 @!p2 $0x0  }
0x1d: {  	s5 =	simm.s32 @p1 $0x1;
	p0 =	seq.s32 s7, s2  }
0x1e: {  	s7 =	smul.u32 @!p0 $0xF7A, s2;
	p2 =	seq.s32 @!p0 s5, $0x0  }
0x1f: {  	s9 =	smul.u32 $0xF7A, s1;
	s8 =	simm.s32 @!p0 $0x1BF5;
	p2 =	por !p2, p0  }
0x20: {  	[sflag:s8] =	ssyncset.s32 @!p0 $0xFFFFF086;
	s6 =	sadd.s32 @!p0 s3, s7;
	s7 =	simm.s32 @!p0 $0x108  }
0x21: {  	s3 =	sadd.s32 s3, s9;
	s6 =	sadd.s32 @!p0 $0x88, s6;
	s7 =	simm.s32 @p2 $0x1082  }
0x22: {  	[simem:s7], [sflag:s8] =	dma.local @!p0 [hbm:s6], $0xF7A  }
0x23: {  	s9 =	sor.u32 $0xD0000000, s2;
	s6 =	simm.s32 $0x108;
	_ =	swait.ge @!p0 [sflag:s8], $0x0  }
0x24: {  	s3 =	sadd.s32 $0x88, s3;
	s6 =	simm.s32 @!p1 $0x1082;
	[sflag:s4] =	ssyncset.s32 $0xFFFFF086  }
0x25: {  	[simem:s6], [sflag:s4] =	dma.local [hbm:s3], $0xF7A  }
0x26: {  	[smem:$0x3F97] =	sst s1;
	(tag) =	ssettag s2;
	_ =	strace s9  }
0x27: {  	s1 =	sld [smem:$0x3FA7]  }
0x28: {  	s2 =	sld [smem:$0x3FA8]  }
0x29: {  	s4 =	sld [smem:$0x3FAA]  }
0x2a: {  	p0 =	seq.s32 s5, $0x0;
	s5 =	sld [smem:$0x3FAB]  }
0x2b: {  	s6 =	sld [smem:$0x3FAC]  }
0x2c: {  	s7 =	sld [smem:$0x3FAD]  }
0x2d: {  	s3 =	simm.s32 $0x108;
	s8 =	sld [smem:$0x3FAE]  }
0x2e: {  	s3 =	simm.s32 @!p0 $0x1082;
	s9 =	sld [smem:$0x3FAF]  }
0x2f: {  	lr =	sadd.s32 s0, s3;
	s0 =	sld [smem:$0x3FA6]  }
0x30: {  	s3 =	sld [smem:$0x3FA9]  }
0x31: {  	[smem:$0x3FB2] =	sst s10  }
0x32: {  	s10 =	sld [smem:$0x3FB0];
	_ =	sdelay $0x3  }
0x33: {  	p0 =	seq.s32 s10, $0x1;
	s10 =	sld [smem:$0x3FB2];
	_ =	sdelay $0x3  }
0x34: {  	[smem:$0x3FB2] =	sst s10  }
0x35: {  	s10 =	sld [smem:$0x3FB1];
	_ =	sdelay $0x3  }
0x36: {  	p1 =	seq.s32 s10, $0x1;
	s10 =	sld [smem:$0x3FB2];
	_ =	sdelay $0x3  }
0x37: {  	[smem:$0x3FB2] =	sst s10  }
0x38: {  	s10 =	sld [smem:$0x3FB3]  }
0x39: {  	_ = 	snop;
	(pc) =	sbr.ind lr, $3  }
0x3a: {  	_ = 	snop  }
0x3b: {  	_ = 	snop  }
0x3c: {  	p2 =	seq.s32 s10, $0x1;
	s10 =	sld [smem:$0x3FB2]  }
0x3d: {  	_ =	shalt  }
0x3e: {  	_ =	shalt  }
0x3f: {  	_ =	shalt  }
0x40: {  	_ =	shalt  }
0x41: {  	_ =	shalt  }
0x42: {  	_ =	shalt  }
0x43: {  	_ =	shalt  }
0x44: {  	_ =	shalt  }
0x45: {  	_ =	shalt  }
0x46: {  	_ =	shalt  }
0x47: {  	_ =	shalt  }
0x48: {  	_ =	shalt  }
0x49: {  	_ =	shalt  }
0x4a: {  	_ =	shalt  }
0x4b: {  	_ =	shalt  }
0x4c: {  	_ =	shalt  }
0x4d: {  	_ =	shalt  }
0x4e: {  	_ =	shalt  }
0x4f: {  	_ =	shalt  }
0x50: {  	_ =	shalt  }
0x51: {  	_ =	shalt  }
0x52: {  	_ =	shalt  }
0x53: {  	_ =	shalt  }
0x54: {  	_ =	shalt  }
0x55: {  	_ =	shalt  }
0x56: {  	_ =	shalt  }
0x57: {  	_ =	shalt  }
0x58: {  	_ =	shalt  }
0x59: {  	_ =	shalt  }
0x5a: {  	_ =	shalt  }
0x5b: {  	_ =	shalt  }
0x5c: {  	_ =	shalt  }
0x5d: {  	_ =	shalt  }
0x5e: {  	_ =	shalt  }
0x5f: {  	_ =	shalt  }
0x60: {  	_ =	shalt  }
0x61: {  	_ =	shalt  }
0x62: {  	_ =	shalt  }
0x63: {  	_ =	shalt  }
0x64: {  	_ =	shalt  }
0x65: {  	_ =	shalt  }
0x66: {  	_ =	shalt  }
0x67: {  	_ =	shalt  }
0x68: {  	_ =	shalt  }
0x69: {  	_ =	shalt  }
0x6a: {  	_ =	shalt  }
0x6b: {  	_ =	shalt  }
0x6c: {  	_ =	shalt  }
0x6d: {  	_ =	shalt  }
0x6e: {  	_ =	shalt  }
0x6f: {  	_ =	shalt  }
0x70: {  	_ =	shalt  }
0x71: {  	_ =	shalt  }
0x72: {  	_ =	shalt  }
0x73: {  	_ =	shalt  }
0x74: {  	_ =	shalt  }
0x75: {  	_ =	shalt  }
0x76: {  	_ =	shalt  }
0x77: {  	_ =	shalt  }
0x78: {  	_ =	shalt  }
0x79: {  	_ =	shalt  }
0x7a: {  	_ =	shalt  }
0x7b: {  	_ =	shalt  }
0x7c: {  	_ =	shalt  }
0x7d: {  	_ =	shalt  }
0x7e: {  	_ =	shalt  }
0x7f: {  	_ =	shalt  }
0x80: {  	_ =	shalt  }
0x81: {  	_ =	shalt  }
0x82: {  	_ =	shalt  }
0x83: {  	_ =	shalt  }
0x84: {  	_ =	shalt  }
0x85: {  	_ =	shalt  }
0x86: {  	_ =	shalt  }
0x87: {  	_ =	shalt  }
.Lfunc_end0:
.L_simem_size_0:
called_computation.2_lowered:
.L_overlay_start_0:
0x88: {  	s2 =	sld [smem:$0x3FD9]  }
0x89: {  	s3 =	sld [smem:$0x3FFE];
	_ =	sdelay $0x1  }
0x8a: {  	s1 =	srdreg.scid  }
0x8b: {  	s0 =	sand.u32 $0x1, s1  }
0x8c: {  	s17 =	sshll.u32 s0, $0xA;
	s2 =	sadd.s32 s3, s2  }
0x8d: {  	s2 =	sadd.s32 s2, s17  }
0x8e: {  	[smem:$0x3FBE] =	sst s2  }
0x8f: {  	_ = 	snop  }
0x90: {  	s2 =	sld [smem:$0x3FD0];
	(tm) =	ssettm $0x1  }
0x91: {  	s18 =	sld [smem:$0x3FFB];
	_ =	sdelay $0x3  }
0x92: {  	_ =	strace s18  }
0x93: {  	s3 =	sld [smem:$0x3FFC];
	_ =	sdelay $0x3  }
0x94: {  	_ =	strace s3  }
0x95: {  	s3 =	sld [smem:$0x3FFD];
	_ =	sdelay $0x3  }
0x96: {  	_ =	strace s3  }
0x97: {  	_ =	strace $0x8FFFFFFF  }
0x98: {  	s19 =	sld [smem:$0x3FDB];
	_ =	sdelay $0x1  }
0x99: {  	s4 =	simm.s32 $_scs_section_size  }
0x9a: {  	s5 =	simm.s32 $_size__tile_overlayer_lowered;
	s6 =	simm.s32 $_tile_overlayer_lowered  }
0x9b: {  	s22 =	simm.s32 $0x1BFF;
	s21 =	sshll.u32 s6, $0x1;
	s3 =	sadd.s32 s4, s19  }
0x9c: {  	s7 =	simm.s32 $0x0;
	s20 =	sshll.u32 s5, $0x1;
	s5 =	sadd.s32 s21, s3  }
0x9d: {  	[timem:s7], [sflag:s22] =	dma.local [hbm:s5], s20  }
0x9e: {  	_ =	swait.ge [sflag:s22], s20  }
0x9f: {  	s4 =	ssub.s32 $0x0, s20;
	[sflag:s22] =	ssyncset.done $0x0  }
0xa0: {  	[sflag:s22] =	ssyncadd.s32 s4;
	_ =	sdelay $0x1  }
0xa1: {  	s23 =	simm.s32 $0x1B8B  }
0xa2: {  	_ =	swait.ge [sflag:s23], $0x1  }
0xa3: {  	[sflag:s23] =	ssyncset.done $0x0  }
0xa4: {  	s25 =	simm.s32 $0x1B8E;
	s24 =	sld [smem:$0x3FFE];
	[sflag:s23] =	ssyncadd.s32 $0xFFFFFFFF  }
0xa5: {  	s26 =	simm.s32 $execute0_lowered;
	[smem:$0x3FD2] =	sst s25  }
0xa6: {  	s5 =	sshll.u32 s26, $0x1;
	_ =	strace $0x8000004C;
	[dreg:$0x1] =	wrdreg $0xFFFFFFFF  }
0xa7: {  	s28 =	simm.s32 $_size_execute0_lowered;
	s3 =	sadd.s32 s3, s5;
	[dreg:$0x0] =	wrdreg $0x0  }
0xa8: {  	s5 =	sshll.u32 s28, $0x1;
	[dreg:$0x2] =	wrdreg s3  }
0xa9: {  	[dreg:$0x3] =	wrdreg s5  }
0xaa: {  	[dreg:$0x4] =	wrdreg $0xC0  }
0xab: {  	_ =	task [dreg:s7], $0x5FFFF  }
0xac: {  	[dreg:$0x1] =	wrdreg $0xFFFFFFFF  }
0xad: {  	[dreg:$0x0] =	wrdreg $0x60  }
0xae: {  	[dreg:$0x2] =	wrdreg s24  }
0xaf: {  	[dreg:$0x3] =	wrdreg s2  }
0xb0: {  	[dreg:$0x4] =	wrdreg $0x61000  }
0xb1: {  	[dreg:$0x5] =	wrdreg $0x9  }
0xb2: {  	_ =	task.clear_ibuf [dreg:s7], $0x6FFFF;
	_ =	strace $0x9000004C  }
0xb3: {  	s29 =	simm.s32 $0x9;
	_ =	strace $0x8000004E  }
0xb4: {  	_ =	swait.ge [sflag:s29], $0x1  }
0xb5: {  	[sflag:s29] =	ssyncadd.s32 $0xFFFFFFFF  }
0xb6: {  	_ =	strace $0x9000004E  }
0xb7: {  	_ =	sfence  }
0xb8: {  	s30 =	sld [smem:$0x0];
	_ =	sdelay $0x2  }
0xb9: {  	s31 =	sshll.u32 s1, $0xD;
	s1 =	sshrl.u32 s1, $0x2  }
0xba: {  	s3 =	sand.u32 $0x4000, s31;
	s1 =	sadd.s32 s1, s30  }
0xbb: {  	s0 =	sor.u32 s3, s0;
	s1 =	sshll.u32 s1, $0x11  }
0xbc: {  	s0 =	sor.u32 s1, s0  }
0xbd: {  	s0 =	sadd.s32 $0x8F2B, s0  }
0xbe: {  	[sflag:s0] =	ssyncadd.remote.s32 $0x1  }
0xbf: {  	_ =	sfence.sel $0xFFFF  }
0xc0: {  	[dreg:$0x0] =	wrdreg $0xFFFFFFFF;
	(pc) =	sbr.abs _section_cstart, $3  }
0xc1: {  	[dreg:$0x1] =	wrdreg $0xFFFFFFFF  }
0xc2: {  	_ =	task.clear_ibuf [dreg:s7], $0x2FFFF;
	_ =	strace $0x9FFFFFFF  }
0xc3: {  	(tm) =	ssettm $0x7FFFFFFF  }
tec
execute0_lowered:
.L_overlay_start_1:
0x0: {  	(tag) =	ssettag $0x1  }
0x1: {  	s5 =	rddreg [dreg:$0x0];
	s1 =	srdreg.scid  }
0x2: {  	s0 =	stileid.u32;
	s10 =	rddreg [dreg:$0x1]  }
0x3: {  	s2 =	rddreg [dreg:$0x2];
	s3 =	simm.s32 $0x0;
	s14 =	simm.s32 $0x2780  }
0x4: {  	s15 =	simm.s32 $0x80;
	s16 =	simm.s32 $0x4F00;
	s17 =	simm.s32 $0x1  }
0x5: {  	s6 =	sand.u32 $0x1, s1;
	s1 =	rddreg [dreg:$0x3];
	s8 =	smul.u32 $0x14000, s0  }
0x6: {  	s30 =	sshll.u32 s0, $0x1;
	[smem:$0x7FF] =	sst s3;
	s9 =	smul.u32 $0x5000, s0  }
0x7: {  	s18 =	sshll.u32 s0, $0x6;
	s4 =	sor.u32 s6, s30;
	_ =	strace $0x8000004D  }
0x8: {  	s11 =	ssub.s32 $0x2, s6;
	s12 =	smul.u32 $0x50000, s6;
	s18 =	sor.u32 $0x1C02, s18  }
0x9: {  	s7 =	smul.u32 $0x4F0, s4;
	s4 =	sadd.s32 $0x16200, s5;
	s31 =	sshrl.u32 s11, $0x1  }
0xa: {  	s8 =	sshrl.u32 s8, $0x2;
	s11 =	ssub.s32 s11, s31;
	s12 =	sadd.s32 s9, s12  }
0xb: {  	s9 =	sadd.s32 s9, s2;
	s13 =	sadd.s32 s7, s5;
	s5 =	sadd.s32 s8, s2  }
0xc: {  	s12 =	sshrl.u32 s12, $0x3;
	s11 =	smax.u32 s11, $0x1;
	s19 =	sshrl.u32 s9, $0x3  }
0xd: {  	s6 =	sadd.s32 $0x4E00, s5;
	s7 =	sadd.s32 $0xC400, s13;
	s8 =	sadd.s32 $0x2600, s13  }
0xe: {  	v0 =	vimm.f32 $0.0e+00;
	s10 =	sadd.s32 s10, s12;
	s12 =	simm.s32 $0x5F00;
	s13 =	simm.s32 $0x2  }
.LBB2_1:
0xf: {  	[tilespmem:$0x5F00] =	vst v0  }
0x10: {  	[tilespmem:$0x5F10] =	vst v0  }
0x11: {  	[tilespmem:$0x5F20] =	vst v0  }
0x12: {  	[tilespmem:$0x5F30] =	vst v0  }
0x13: {  	[tilespmem:$0x5F40] =	vst v0  }
0x14: {  	[tilespmem:$0x5F50] =	vst v0  }
0x15: {  	[tilespmem:$0x5F60] =	vst v0  }
0x16: {  	[tilespmem:$0x5F70] =	vst v0  }
0x17: {  	[tilespmem:$0x5F80] =	vst v0  }
0x18: {  	[tilespmem:$0x5F90] =	vst v0  }
0x19: {  	[tilespmem:$0x5FA0] =	vst v0  }
0x1a: {  	[tilespmem:$0x5FB0] =	vst v0  }
0x1b: {  	[tilespmem:$0x5FC0] =	vst v0  }
0x1c: {  	[tilespmem:$0x5FD0] =	vst v0  }
0x1d: {  	[tilespmem:$0x5FE0] =	vst v0  }
0x1e: {  	[tilespmem:$0x5FF0] =	vst v0  }
0x1f: {  	[tilespmem:$0x6000] =	vst v0  }
0x20: {  	[tilespmem:$0x6010] =	vst v0  }
0x21: {  	[tilespmem:$0x6020] =	vst v0  }
0x22: {  	[tilespmem:$0x6030] =	vst v0  }
0x23: {  	[tilespmem:$0x6040] =	vst v0  }
0x24: {  	[tilespmem:$0x6050] =	vst v0  }
0x25: {  	[tilespmem:$0x6060] =	vst v0  }
0x26: {  	[tilespmem:$0x6070] =	vst v0  }
0x27: {  	[tilespmem:$0x6080] =	vst v0  }
0x28: {  	[tilespmem:$0x6090] =	vst v0  }
0x29: {  	[tilespmem:$0x60A0] =	vst v0  }
0x2a: {  	[tilespmem:$0x60B0] =	vst v0  }
0x2b: {  	[tilespmem:$0x60C0] =	vst v0  }
0x2c: {  	[tilespmem:$0x60D0] =	vst v0  }
0x2d: {  	[tilespmem:$0x60E0] =	vst v0  }
0x2e: {  	[tilespmem:$0x60F0] =	vst v0;
	s20 =	sadd.s32 $0x0, s5  }
0x2f: {  	[spmem:s20] =	stream.linear.scatter [tilespmem:s12], [sflag:$0x2], $0x200, $0x38;
	[tilespmem:$0xB100] =	vst v63  }
0x30: {  	s20 =	simm.s32 $0x800;
	_ =	swait.ge [sflag:s13], $0x200  }
.LBB2_2:
0x31: {  	s21 =	sshra.s32 s20, $0x2;
	[sflag:s13] =	ssyncset.done $0x0;
	p0 =	sne.s32 s20, $0x13800  }
.Ltmp0:
0x32: {  	s21 =	sadd.s32 s21, s5;
	[sflag:s13] =	ssyncadd.s32 $0xFFFFFE00;
	(pc) =	sbr.rel @p0 .LBB2_2-.Ltmp0, $3  }
0x33: {  	[spmem:s21] =	stream.linear.scatter [tilespmem:s12], [sflag:$0x2], $0x200, $0x38;
	[tilespmem:$0xB100] =	vst v63  }
0x34: {  	s20 =	sadd.s32 $0x800, s20;
	_ =	sdelay $0x1  }
0x35: {  	_ =	swait.ge [sflag:s13], $0x200  }
0x36: {  	[sflag:s13] =	ssyncset.done $0x0  }
0x37: {  	[sflag:s13] =	ssyncadd.s32 $0xFFFFFE00  }
0x38: {  	[tilespmem:s12], [sflag:$0x2] =	stream.linear.gather [spmem:s6], $0x200, $0x38;
	[tilespmem:$0xB100] =	vst v63  }
0x39: {  	_ =	swait.ge [sflag:s13], $0x200  }
0x3a: {  	[sflag:s13] =	ssyncset.done $0x0  }
0x3b: {  	s20 =	simm.s32 $0x0;
	[sflag:s13] =	ssyncadd.s32 $0xFFFFFE00  }
0x3c: {  	[tilespmem:s20], [sflag:$0x2] =	stream.linear.gather [hbm4b:s7+s20], $0x2780, $0x38;
	[tilespmem:$0xB100] =	vst v63  }
0x3d: {  	_ =	swait.ge [sflag:s13], $0x2780  }
0x3e: {  	[sflag:s13] =	ssyncset.done $0x0  }
0x3f: {  	[sflag:s13] =	ssyncadd.s32 $0xFFFFD880  }
0x40: {  	[tilespmem:s14], [sflag:$0x2] =	stream.linear.gather [hbm4b:s8+s20], $0x2780, $0x38;
	[tilespmem:$0xB100] =	vst v63  }
0x41: {  	_ =	swait.ge [sflag:s13], $0x2780  }
0x42: {  	[sflag:s13] =	ssyncset.done $0x0  }
0x43: {  	[sflag:s13] =	ssyncadd.s32 $0xFFFFD880  }
0x44: {  	s30 =	simm.s32 $0x0;
	[bflag:$0x0] =	sbarrier.arrive $0xFFFF  }
0x45: {  	[tilespmem:s16], [sflag:$0x1] =	stream.indirect.gather [hbm4b:s4+s15], $0x20, s30, s15, $0xb8;
	[tilespmem:$0xB100] =	vst v63  }
0x46: {  	_ =	swait.ge [sflag:s17], $0x1000  }
0x47: {  	[sflag:s17] =	ssyncset.done $0x0  }
0x48: {  	s31 =	simm.s32 $0x2780;
	[sflag:s17] =	ssyncadd.s32 $0xFFFFF000  }
0x49: {  	[spmem:s2] =	stream.indirect.scatter.add.f32 [tilespmem:s16], [sflag:$0x2], $0x20, s31, s15, $0xb8;
	[tilespmem:$0xB100] =	vst v63  }
0x4a: {  	_ =	swait.ge [sflag:s13], $0x1000  }
0x4b: {  	s21 =	simm.s32 $0x400;
	s20 =	simm.s32 $0x200;
	[sflag:s13] =	ssyncset.done $0x0  }
.LBB2_4:
0x4c: {  	s22 =	sshra.s32 s20, $0x2  }
0x4d: {  	[sflag:s13] =	ssyncadd.s32 $0xFFFFF000;
	s20 =	smov.u32 s21;
	s23 =	sadd.s32 $0x200, s21  }
0x4e: {  	[tilespmem:s16], [sflag:$0x1] =	stream.indirect.gather [hbm4b:s4+s15], $0x20, s22, s15, $0xb8;
	[tilespmem:$0xB100] =	vst v63  }
0x4f: {  	p0 =	sne.s32 s21, $0x9C00;
	_ =	swait.ge [sflag:s17], $0x1000  }
.Ltmp1:
0x50: {  	[sflag:s17] =	ssyncset.done $0x0;
	(pc) =	sbr.rel @p0 .LBB2_4-.Ltmp1, $4  }
0x51: {  	s21 =	sadd.s32 $0x2780, s22;
	[sflag:s17] =	ssyncadd.s32 $0xFFFFF000  }
0x52: {  	[spmem:s2] =	stream.indirect.scatter.add.f32 [tilespmem:s16], [sflag:$0x2], $0x20, s21, s15, $0xb8;
	[tilespmem:$0xB100] =	vst v63  }
0x53: {  	_ =	swait.ge [sflag:s13], $0x1000  }
0x54: {  	s21 =	smov.u32 s23;
	[sflag:s13] =	ssyncset.done $0x0  }
0x55: {  	s20 =	sshra.s32 s20, $0x2;
	[sflag:s13] =	ssyncadd.s32 $0xFFFFF000  }
0x56: {  	[tilespmem:s16], [sflag:$0x1] =	stream.indirect.gather [hbm4b:s4+s15], $0x20, s20, s15, $0xb8;
	[tilespmem:$0xB100] =	vst v63  }
0x57: {  	_ =	swait.ge [sflag:s17], $0x1000  }
0x58: {  	[sflag:s17] =	ssyncset.done $0x0  }
0x59: {  	s20 =	sadd.s32 $0x2780, s20;
	[sflag:s17] =	ssyncadd.s32 $0xFFFFF000  }
0x5a: {  	[spmem:s2] =	stream.indirect.scatter.add.f32 [tilespmem:s16], [sflag:$0x2], $0x20, s20, s15, $0xb8;
	[tilespmem:$0xB100] =	vst v63  }
0x5b: {  	_ =	swait.ge [sflag:s13], $0x1000  }
0x5c: {  	[sflag:s13] =	ssyncset.done $0x0  }
0x5d: {  	[sflag:s13] =	ssyncadd.s32 $0xFFFFF000  }
0x5e: {  	[tilespmem:s12], [sflag:$0x2] =	stream.linear.gather [spmem:s9], $0x200, $0x38;
	[tilespmem:$0xB100] =	vst v63  }
0x5f: {  	_ =	swait.ge [sflag:s13], $0x200  }
0x60: {  	s3 =	sadd.s32 $0x1, s3;
	[sflag:s13] =	ssyncset.done $0x0  }
0x61: {  	p0 =	sne.s32 s3, s11;
	[sflag:s13] =	ssyncadd.s32 $0xFFFFFE00  }
.Ltmp2:
0x62: {  	[bflag:$0x0] =	sbarrier.arrive $0xFFFF;
	(pc) =	sbr.rel @p0 .LBB2_1-.Ltmp2, $4  }
0x63: {  	[hbm:s10], [sflag:s18] =	dma.local [spmem:s19], $0xA00  }
0x64: {  	_ =	swait.ge [sflag:s13], $0xA00  }
0x65: {  	[sflag:s13] =	ssyncset.done $0x0  }
0x66: {  	[sflag:s13] =	ssyncadd.s32 $0xFFFFF600  }
0x67: {  	_ =	sfence.sel $0x180000  }
0x68: {  	[bflag:$0x0] =	sbarrier.arrive $0xFFFF  }
0x69: {  	p0 =	sne.s32 s0, $0x0;
	_ =	strace $0x9000004D  }
0x6a: {  	s0 =	sadd.s32 @!p0 $0x100000, s1;
	[bflag:$0x2] =	sbarrier.arrive $0xFFFF  }
0x6b: {  	[sflag:s0] =	ssyncadd.tile.s32 @!p0 $0x1;
	_ =	shalt  }
.Lfunc_end2:
_tile_overlayer_lowered:
.L_overlay_start_2:
0x6c: {  	(tag) =	ssettag $0x2  }
0x6d: {  	s0 =	rddreg [dreg:$0x0];
	s2 =	stileid.u32  }
0x6e: {  	s1 =	rddreg [dreg:$0x1];
	p0 =	sne.s32 s2, $0x0  }
0x6f: {  	s3 =	rddreg [dreg:$0x2];
	[bflag:$0x3] =	sbarrier.arrive $0xFFFF;
	s2 =	simm.s32 @!p0 $0x1C02  }
0x70: {  	[timem:s3], [sflag:s2] =	dma.local @!p0 [hbm:s0], s1  }
0x71: {  	s0 =	simm.s32 @!p0 $0x2  }
0x72: {  	_ =	swait.ge @!p0 [sflag:s0], s1  }
0x73: {  	s1 =	ssub.s32 @!p0 $0x0, s1;
	[sflag:s0] =	ssyncset.done @!p0 $0x0  }
0x74: {  	[sflag:s0] =	ssyncadd.s32 @!p0 s1  }
0x75: {  	[bflag:$0x3] =	sbarrier.arrive $0xFFFF  }
0x76: {  	_ =	shalt  }

// kernel: kernel.21.cloned.1.call-start
scs
__scs_entry_jumppad:
0x0: {  	(pc) =	sbr.rel $0x88, $3  }
0x1: {  	(tag) =	ssettag $0x0;
	lr =	simm.s32 $0x1  }
0x2: {  	[smem:$0x3F97] =	sst lr;
	_ =	strace $0xD0000000  }
0x3: {  	_ = 	snop  }
0x4: {  	_ = 	snop  }
0x5: {  	_ = 	snop  }
0x6: {  	_ = 	snop  }
0x7: {  	_ = 	snop  }
__scs_overlays_trampoline_lowered:
0x8: {  	[smem:$0x3FA6] =	sst s0  }
0x9: {  	[smem:$0x3FA7] =	sst s1  }
0xa: {  	[smem:$0x3FA8] =	sst s2  }
0xb: {  	[smem:$0x3FA9] =	sst s3  }
0xc: {  	[smem:$0x3FAA] =	sst s4  }
0xd: {  	[smem:$0x3FAB] =	sst s5  }
0xe: {  	[smem:$0x3FAC] =	sst s6  }
0xf: {  	[smem:$0x3FAD] =	sst s7  }
0x10: {  	[smem:$0x3FAE] =	sst s8  }
0x11: {  	[smem:$0x3FAF] =	sst s9;
	s0 =	simm.s32 @!p0 $0x0  }
0x12: {  	s1 =	sld [smem:$0x3F95];
	s0 =	simm.s32 @p0 $0x1  }
0x13: {  	[smem:$0x3FB0] =	sst s0;
	s0 =	simm.s32 @!p1 $0x0  }
0x14: {  	s2 =	sld [smem:$0x3F94];
	s0 =	simm.s32 @p1 $0x1  }
0x15: {  	[smem:$0x3FB1] =	sst s0;
	s0 =	simm.s32 @!p2 $0x0  }
0x16: {  	s3 =	sld [smem:$0x3FDB];
	s0 =	simm.s32 @p2 $0x1  }
0x17: {  	s4 =	simm.s32 $0x1BF5;
	[smem:$0x3FB3] =	sst s0  }
0x18: {  	s0 =	sld [smem:$0x3F96];
	_ =	swait.ge [sflag:s4], $0x0  }
0x19: {  	s7 =	sld [smem:$0x3F97]  }
0x1a: {  	s8 =	sadd.s32 $0xFFFFE003, lr  }
0x1b: {  	s9 =	sadd.s32 $0xFFFFFEF7, lr;
	s5 =	simm.s32 $0xFFFFFFFF;
	p2 =	slt.u32 s8, $0xFFFFF086  }
0x1c: {  	p1 =	slt.u32 s9, $0xF7A;
	s5 =	simm.s32 @!p2 $0x0  }
0x1d: {  	s5 =	simm.s32 @p1 $0x1;
	p0 =	seq.s32 s7, s2  }
0x1e: {  	s7 =	smul.u32 @!p0 $0xF7A, s2;
	p2 =	seq.s32 @!p0 s5, $0x0  }
0x1f: {  	s9 =	smul.u32 $0xF7A, s1;
	s8 =	simm.s32 @!p0 $0x1BF5;
	p2 =	por !p2, p0  }
0x20: {  	[sflag:s8] =	ssyncset.s32 @!p0 $0xFFFFF086;
	s6 =	sadd.s32 @!p0 s3, s7;
	s7 =	simm.s32 @!p0 $0x108  }
0x21: {  	s3 =	sadd.s32 s3, s9;
	s6 =	sadd.s32 @!p0 $0x88, s6;
	s7 =	simm.s32 @p2 $0x1082  }
0x22: {  	[simem:s7], [sflag:s8] =	dma.local @!p0 [hbm:s6], $0xF7A  }
0x23: {  	s9 =	sor.u32 $0xD0000000, s2;
	s6 =	simm.s32 $0x108;
	_ =	swait.ge @!p0 [sflag:s8], $0x0  }
0x24: {  	s3 =	sadd.s32 $0x88, s3;
	s6 =	simm.s32 @!p1 $0x1082;
	[sflag:s4] =	ssyncset.s32 $0xFFFFF086  }
0x25: {  	[simem:s6], [sflag:s4] =	dma.local [hbm:s3], $0xF7A  }
0x26: {  	[smem:$0x3F97] =	sst s1;
	(tag) =	ssettag s2;
	_ =	strace s9  }
0x27: {  	s1 =	sld [smem:$0x3FA7]  }
0x28: {  	s2 =	sld [smem:$0x3FA8]  }
0x29: {  	s4 =	sld [smem:$0x3FAA]  }
0x2a: {  	p0 =	seq.s32 s5, $0x0;
	s5 =	sld [smem:$0x3FAB]  }
0x2b: {  	s6 =	sld [smem:$0x3FAC]  }
0x2c: {  	s7 =	sld [smem:$0x3FAD]  }
0x2d: {  	s3 =	simm.s32 $0x108;
	s8 =	sld [smem:$0x3FAE]  }
0x2e: {  	s3 =	simm.s32 @!p0 $0x1082;
	s9 =	sld [smem:$0x3FAF]  }
0x2f: {  	lr =	sadd.s32 s0, s3;
	s0 =	sld [smem:$0x3FA6]  }
0x30: {  	s3 =	sld [smem:$0x3FA9]  }
0x31: {  	[smem:$0x3FB2] =	sst s10  }
0x32: {  	s10 =	sld [smem:$0x3FB0];
	_ =	sdelay $0x3  }
0x33: {  	p0 =	seq.s32 s10, $0x1;
	s10 =	sld [smem:$0x3FB2];
	_ =	sdelay $0x3  }
0x34: {  	[smem:$0x3FB2] =	sst s10  }
0x35: {  	s10 =	sld [smem:$0x3FB1];
	_ =	sdelay $0x3  }
0x36: {  	p1 =	seq.s32 s10, $0x1;
	s10 =	sld [smem:$0x3FB2];
	_ =	sdelay $0x3  }
0x37: {  	[smem:$0x3FB2] =	sst s10  }
0x38: {  	s10 =	sld [smem:$0x3FB3]  }
0x39: {  	_ = 	snop;
	(pc) =	sbr.ind lr, $3  }
0x3a: {  	_ = 	snop  }
0x3b: {  	_ = 	snop  }
0x3c: {  	p2 =	seq.s32 s10, $0x1;
	s10 =	sld [smem:$0x3FB2]  }
0x3d: {  	_ =	shalt  }
0x3e: {  	_ =	shalt  }
0x3f: {  	_ =	shalt  }
0x40: {  	_ =	shalt  }
0x41: {  	_ =	shalt  }
0x42: {  	_ =	shalt  }
0x43: {  	_ =	shalt  }
0x44: {  	_ =	shalt  }
0x45: {  	_ =	shalt  }
0x46: {  	_ =	shalt  }
0x47: {  	_ =	shalt  }
0x48: {  	_ =	shalt  }
0x49: {  	_ =	shalt  }
0x4a: {  	_ =	shalt  }
0x4b: {  	_ =	shalt  }
0x4c: {  	_ =	shalt  }
0x4d: {  	_ =	shalt  }
0x4e: {  	_ =	shalt  }
0x4f: {  	_ =	shalt  }
0x50: {  	_ =	shalt  }
0x51: {  	_ =	shalt  }
0x52: {  	_ =	shalt  }
0x53: {  	_ =	shalt  }
0x54: {  	_ =	shalt  }
0x55: {  	_ =	shalt  }
0x56: {  	_ =	shalt  }
0x57: {  	_ =	shalt  }
0x58: {  	_ =	shalt  }
0x59: {  	_ =	shalt  }
0x5a: {  	_ =	shalt  }
0x5b: {  	_ =	shalt  }
0x5c: {  	_ =	shalt  }
0x5d: {  	_ =	shalt  }
0x5e: {  	_ =	shalt  }
0x5f: {  	_ =	shalt  }
0x60: {  	_ =	shalt  }
0x61: {  	_ =	shalt  }
0x62: {  	_ =	shalt  }
0x63: {  	_ =	shalt  }
0x64: {  	_ =	shalt  }
0x65: {  	_ =	shalt  }
0x66: {  	_ =	shalt  }
0x67: {  	_ =	shalt  }
0x68: {  	_ =	shalt  }
0x69: {  	_ =	shalt  }
0x6a: {  	_ =	shalt  }
0x6b: {  	_ =	shalt  }
0x6c: {  	_ =	shalt  }
0x6d: {  	_ =	shalt  }
0x6e: {  	_ =	shalt  }
0x6f: {  	_ =	shalt  }
0x70: {  	_ =	shalt  }
0x71: {  	_ =	shalt  }
0x72: {  	_ =	shalt  }
0x73: {  	_ =	shalt  }
0x74: {  	_ =	shalt  }
0x75: {  	_ =	shalt  }
0x76: {  	_ =	shalt  }
0x77: {  	_ =	shalt  }
0x78: {  	_ =	shalt  }
0x79: {  	_ =	shalt  }
0x7a: {  	_ =	shalt  }
0x7b: {  	_ =	shalt  }
0x7c: {  	_ =	shalt  }
0x7d: {  	_ =	shalt  }
0x7e: {  	_ =	shalt  }
0x7f: {  	_ =	shalt  }
0x80: {  	_ =	shalt  }
0x81: {  	_ =	shalt  }
0x82: {  	_ =	shalt  }
0x83: {  	_ =	shalt  }
0x84: {  	_ =	shalt  }
0x85: {  	_ =	shalt  }
0x86: {  	_ =	shalt  }
0x87: {  	_ =	shalt  }
.Lfunc_end0:
.L_simem_size_0:
called_computation.3_lowered:
.L_overlay_start_0:
0x88: {  	s2 =	sld [smem:$0x3FD9]  }
0x89: {  	s3 =	sld [smem:$0x3FFE];
	_ =	sdelay $0x1  }
0x8a: {  	s1 =	srdreg.scid  }
0x8b: {  	s0 =	sand.u32 $0x1, s1  }
0x8c: {  	s17 =	sshll.u32 s0, $0xA;
	s2 =	sadd.s32 s3, s2  }
0x8d: {  	s2 =	sadd.s32 s2, s17  }
0x8e: {  	[smem:$0x3FBE] =	sst s2  }
0x8f: {  	_ = 	snop  }
0x90: {  	s2 =	sld [smem:$0x3FD0];
	(tm) =	ssettm $0x1  }
0x91: {  	s18 =	sld [smem:$0x3FFB];
	_ =	sdelay $0x3  }
0x92: {  	_ =	strace s18  }
0x93: {  	s3 =	sld [smem:$0x3FFC];
	_ =	sdelay $0x3  }
0x94: {  	_ =	strace s3  }
0x95: {  	s3 =	sld [smem:$0x3FFD];
	_ =	sdelay $0x3  }
0x96: {  	_ =	strace s3  }
0x97: {  	_ =	strace $0x8FFFFFFF  }
0x98: {  	s19 =	sld [smem:$0x3FDB];
	_ =	sdelay $0x1  }
0x99: {  	s4 =	simm.s32 $_scs_section_size  }
0x9a: {  	s5 =	simm.s32 $_size__tile_overlayer_lowered;
	s6 =	simm.s32 $_tile_overlayer_lowered  }
0x9b: {  	s22 =	simm.s32 $0x1BFF;
	s21 =	sshll.u32 s6, $0x1;
	s3 =	sadd.s32 s4, s19  }
0x9c: {  	s7 =	simm.s32 $0x0;
	s20 =	sshll.u32 s5, $0x1;
	s5 =	sadd.s32 s21, s3  }
0x9d: {  	[timem:s7], [sflag:s22] =	dma.local [hbm:s5], s20  }
0x9e: {  	_ =	swait.ge [sflag:s22], s20  }
0x9f: {  	s4 =	ssub.s32 $0x0, s20;
	[sflag:s22] =	ssyncset.done $0x0  }
0xa0: {  	[sflag:s22] =	ssyncadd.s32 s4;
	_ =	sdelay $0x1  }
0xa1: {  	s23 =	simm.s32 $0x1B8B  }
0xa2: {  	_ =	swait.ge [sflag:s23], $0x1  }
0xa3: {  	[sflag:s23] =	ssyncset.done $0x0  }
0xa4: {  	s25 =	simm.s32 $0x1B8E;
	s24 =	sld [smem:$0x3FFE];
	[sflag:s23] =	ssyncadd.s32 $0xFFFFFFFF  }
0xa5: {  	s26 =	simm.s32 $execute0_lowered;
	[smem:$0x3FD2] =	sst s25  }
0xa6: {  	s5 =	sshll.u32 s26, $0x1;
	_ =	strace $0x8000004F;
	[dreg:$0x1] =	wrdreg $0xFFFFFFFF  }
0xa7: {  	s28 =	simm.s32 $_size_execute0_lowered;
	s3 =	sadd.s32 s3, s5;
	[dreg:$0x0] =	wrdreg $0x0  }
0xa8: {  	s5 =	sshll.u32 s28, $0x1;
	[dreg:$0x2] =	wrdreg s3  }
0xa9: {  	[dreg:$0x3] =	wrdreg s5  }
0xaa: {  	[dreg:$0x4] =	wrdreg $0xC0  }
0xab: {  	_ =	task [dreg:s7], $0x5FFFF  }
0xac: {  	[dreg:$0x1] =	wrdreg $0xFFFFFFFF  }
0xad: {  	[dreg:$0x0] =	wrdreg $0x60  }
0xae: {  	[dreg:$0x2] =	wrdreg s24  }
0xaf: {  	[dreg:$0x3] =	wrdreg s2  }
0xb0: {  	[dreg:$0x4] =	wrdreg $0x61000  }
0xb1: {  	[dreg:$0x5] =	wrdreg $0x9  }
0xb2: {  	_ =	task.clear_ibuf [dreg:s7], $0x6FFFF;
	_ =	strace $0x9000004F  }
0xb3: {  	s29 =	simm.s32 $0x9;
	_ =	strace $0x80000051  }
0xb4: {  	_ =	swait.ge [sflag:s29], $0x1  }
0xb5: {  	[sflag:s29] =	ssyncadd.s32 $0xFFFFFFFF  }
0xb6: {  	_ =	strace $0x90000051  }
0xb7: {  	_ =	sfence  }
0xb8: {  	s30 =	sld [smem:$0x0];
	_ =	sdelay $0x2  }
0xb9: {  	s31 =	sshll.u32 s1, $0xD;
	s1 =	sshrl.u32 s1, $0x2  }
0xba: {  	s3 =	sand.u32 $0x4000, s31;
	s1 =	sadd.s32 s1, s30  }
0xbb: {  	s0 =	sor.u32 s3, s0;
	s1 =	sshll.u32 s1, $0x11  }
0xbc: {  	s0 =	sor.u32 s1, s0  }
0xbd: {  	s0 =	sadd.s32 $0x8F2B, s0  }
0xbe: {  	[sflag:s0] =	ssyncadd.remote.s32 $0x1  }
0xbf: {  	_ =	sfence.sel $0xFFFF  }
0xc0: {  	[dreg:$0x0] =	wrdreg $0xFFFFFFFF;
	(pc) =	sbr.abs _section_cstart, $3  }
0xc1: {  	[dreg:$0x1] =	wrdreg $0xFFFFFFFF  }
0xc2: {  	_ =	task.clear_ibuf [dreg:s7], $0x2FFFF;
	_ =	strace $0x9FFFFFFF  }
0xc3: {  	(tm) =	ssettm $0x7FFFFFFF  }
tec
execute0_lowered:
.L_overlay_start_1:
0x0: {  	(tag) =	ssettag $0x1  }
0x1: {  	s5 =	rddreg [dreg:$0x0];
	s1 =	srdreg.scid  }
0x2: {  	s0 =	stileid.u32;
	s10 =	rddreg [dreg:$0x1]  }
0x3: {  	s2 =	rddreg [dreg:$0x2];
	s3 =	simm.s32 $0x0;
	s14 =	simm.s32 $0x2780  }
0x4: {  	s15 =	simm.s32 $0x80;
	s16 =	simm.s32 $0x4F00;
	s17 =	simm.s32 $0x1  }
0x5: {  	s6 =	sand.u32 $0x1, s1;
	s1 =	rddreg [dreg:$0x3];
	s8 =	smul.u32 $0x14000, s0  }
0x6: {  	s30 =	sshll.u32 s0, $0x1;
	[smem:$0x7FF] =	sst s3;
	s9 =	smul.u32 $0x5000, s0  }
0x7: {  	s18 =	sshll.u32 s0, $0x6;
	s4 =	sor.u32 s6, s30;
	_ =	strace $0x80000050  }
0x8: {  	s11 =	ssub.s32 $0x2, s6;
	s12 =	smul.u32 $0x50000, s6;
	s18 =	sor.u32 $0x1C02, s18  }
0x9: {  	s7 =	smul.u32 $0x4F0, s4;
	s4 =	sadd.s32 $0x16200, s5;
	s31 =	sshrl.u32 s11, $0x1  }
0xa: {  	s8 =	sshrl.u32 s8, $0x2;
	s11 =	ssub.s32 s11, s31;
	s12 =	sadd.s32 s9, s12  }
0xb: {  	s9 =	sadd.s32 s9, s2;
	s13 =	sadd.s32 s7, s5;
	s5 =	sadd.s32 s8, s2  }
0xc: {  	s12 =	sshrl.u32 s12, $0x3;
	s11 =	smax.u32 s11, $0x1;
	s19 =	sshrl.u32 s9, $0x3  }
0xd: {  	s6 =	sadd.s32 $0x4E00, s5;
	s7 =	sadd.s32 $0xC400, s13;
	s8 =	sadd.s32 $0x2600, s13  }
0xe: {  	v0 =	vimm.f32 $0.0e+00;
	s10 =	sadd.s32 s10, s12;
	s12 =	simm.s32 $0x5F00;
	s13 =	simm.s32 $0x2  }
.LBB2_1:
0xf: {  	[tilespmem:$0x5F00] =	vst v0  }
0x10: {  	[tilespmem:$0x5F10] =	vst v0  }
0x11: {  	[tilespmem:$0x5F20] =	vst v0  }
0x12: {  	[tilespmem:$0x5F30] =	vst v0  }
0x13: {  	[tilespmem:$0x5F40] =	vst v0  }
0x14: {  	[tilespmem:$0x5F50] =	vst v0  }
0x15: {  	[tilespmem:$0x5F60] =	vst v0  }
0x16: {  	[tilespmem:$0x5F70] =	vst v0  }
0x17: {  	[tilespmem:$0x5F80] =	vst v0  }
0x18: {  	[tilespmem:$0x5F90] =	vst v0  }
0x19: {  	[tilespmem:$0x5FA0] =	vst v0  }
0x1a: {  	[tilespmem:$0x5FB0] =	vst v0  }
0x1b: {  	[tilespmem:$0x5FC0] =	vst v0  }
0x1c: {  	[tilespmem:$0x5FD0] =	vst v0  }
0x1d: {  	[tilespmem:$0x5FE0] =	vst v0  }
0x1e: {  	[tilespmem:$0x5FF0] =	vst v0  }
0x1f: {  	[tilespmem:$0x6000] =	vst v0  }
0x20: {  	[tilespmem:$0x6010] =	vst v0  }
0x21: {  	[tilespmem:$0x6020] =	vst v0  }
0x22: {  	[tilespmem:$0x6030] =	vst v0  }
0x23: {  	[tilespmem:$0x6040] =	vst v0  }
0x24: {  	[tilespmem:$0x6050] =	vst v0  }
0x25: {  	[tilespmem:$0x6060] =	vst v0  }
0x26: {  	[tilespmem:$0x6070] =	vst v0  }
0x27: {  	[tilespmem:$0x6080] =	vst v0  }
0x28: {  	[tilespmem:$0x6090] =	vst v0  }
0x29: {  	[tilespmem:$0x60A0] =	vst v0  }
0x2a: {  	[tilespmem:$0x60B0] =	vst v0  }
0x2b: {  	[tilespmem:$0x60C0] =	vst v0  }
0x2c: {  	[tilespmem:$0x60D0] =	vst v0  }
0x2d: {  	[tilespmem:$0x60E0] =	vst v0  }
0x2e: {  	[tilespmem:$0x60F0] =	vst v0;
	s20 =	sadd.s32 $0x0, s5  }
0x2f: {  	[spmem:s20] =	stream.linear.scatter [tilespmem:s12], [sflag:$0x2], $0x200, $0x38;
	[tilespmem:$0xB100] =	vst v63  }
0x30: {  	s20 =	simm.s32 $0x800;
	_ =	swait.ge [sflag:s13], $0x200  }
.LBB2_2:
0x31: {  	s21 =	sshra.s32 s20, $0x2;
	[sflag:s13] =	ssyncset.done $0x0;
	p0 =	sne.s32 s20, $0x13800  }
.Ltmp0:
0x32: {  	s21 =	sadd.s32 s21, s5;
	[sflag:s13] =	ssyncadd.s32 $0xFFFFFE00;
	(pc) =	sbr.rel @p0 .LBB2_2-.Ltmp0, $3  }
0x33: {  	[spmem:s21] =	stream.linear.scatter [tilespmem:s12], [sflag:$0x2], $0x200, $0x38;
	[tilespmem:$0xB100] =	vst v63  }
0x34: {  	s20 =	sadd.s32 $0x800, s20;
	_ =	sdelay $0x1  }
0x35: {  	_ =	swait.ge [sflag:s13], $0x200  }
0x36: {  	[sflag:s13] =	ssyncset.done $0x0  }
0x37: {  	[sflag:s13] =	ssyncadd.s32 $0xFFFFFE00  }
0x38: {  	[tilespmem:s12], [sflag:$0x2] =	stream.linear.gather [spmem:s6], $0x200, $0x38;
	[tilespmem:$0xB100] =	vst v63  }
0x39: {  	_ =	swait.ge [sflag:s13], $0x200  }
0x3a: {  	[sflag:s13] =	ssyncset.done $0x0  }
0x3b: {  	s20 =	simm.s32 $0x0;
	[sflag:s13] =	ssyncadd.s32 $0xFFFFFE00  }
0x3c: {  	[tilespmem:s20], [sflag:$0x2] =	stream.linear.gather [hbm4b:s7+s20], $0x2780, $0x38;
	[tilespmem:$0xB100] =	vst v63  }
0x3d: {  	_ =	swait.ge [sflag:s13], $0x2780  }
0x3e: {  	[sflag:s13] =	ssyncset.done $0x0  }
0x3f: {  	[sflag:s13] =	ssyncadd.s32 $0xFFFFD880  }
0x40: {  	[tilespmem:s14], [sflag:$0x2] =	stream.linear.gather [hbm4b:s8+s20], $0x2780, $0x38;
	[tilespmem:$0xB100] =	vst v63  }
0x41: {  	_ =	swait.ge [sflag:s13], $0x2780  }
0x42: {  	[sflag:s13] =	ssyncset.done $0x0  }
0x43: {  	[sflag:s13] =	ssyncadd.s32 $0xFFFFD880  }
0x44: {  	s30 =	simm.s32 $0x0;
	[bflag:$0x0] =	sbarrier.arrive $0xFFFF  }
0x45: {  	[tilespmem:s16], [sflag:$0x1] =	stream.indirect.gather [hbm4b:s4+s15], $0x20, s30, s15, $0xb8;
	[tilespmem:$0xB100] =	vst v63  }
0x46: {  	_ =	swait.ge [sflag:s17], $0x1000  }
0x47: {  	[sflag:s17] =	ssyncset.done $0x0  }
0x48: {  	s31 =	simm.s32 $0x2780;
	[sflag:s17] =	ssyncadd.s32 $0xFFFFF000  }
0x49: {  	[spmem:s2] =	stream.indirect.scatter.add.f32 [tilespmem:s16], [sflag:$0x2], $0x20, s31, s15, $0xb8;
	[tilespmem:$0xB100] =	vst v63  }
0x4a: {  	_ =	swait.ge [sflag:s13], $0x1000  }
0x4b: {  	s21 =	simm.s32 $0x400;
	s20 =	simm.s32 $0x200;
	[sflag:s13] =	ssyncset.done $0x0  }
.LBB2_4:
0x4c: {  	s22 =	sshra.s32 s20, $0x2  }
0x4d: {  	[sflag:s13] =	ssyncadd.s32 $0xFFFFF000;
	s20 =	smov.u32 s21;
	s23 =	sadd.s32 $0x200, s21  }
0x4e: {  	[tilespmem:s16], [sflag:$0x1] =	stream.indirect.gather [hbm4b:s4+s15], $0x20, s22, s15, $0xb8;
	[tilespmem:$0xB100] =	vst v63  }
0x4f: {  	p0 =	sne.s32 s21, $0x9C00;
	_ =	swait.ge [sflag:s17], $0x1000  }
.Ltmp1:
0x50: {  	[sflag:s17] =	ssyncset.done $0x0;
	(pc) =	sbr.rel @p0 .LBB2_4-.Ltmp1, $4  }
0x51: {  	s21 =	sadd.s32 $0x2780, s22;
	[sflag:s17] =	ssyncadd.s32 $0xFFFFF000  }
0x52: {  	[spmem:s2] =	stream.indirect.scatter.add.f32 [tilespmem:s16], [sflag:$0x2], $0x20, s21, s15, $0xb8;
	[tilespmem:$0xB100] =	vst v63  }
0x53: {  	_ =	swait.ge [sflag:s13], $0x1000  }
0x54: {  	s21 =	smov.u32 s23;
	[sflag:s13] =	ssyncset.done $0x0  }
0x55: {  	s20 =	sshra.s32 s20, $0x2;
	[sflag:s13] =	ssyncadd.s32 $0xFFFFF000  }
0x56: {  	[tilespmem:s16], [sflag:$0x1] =	stream.indirect.gather [hbm4b:s4+s15], $0x20, s20, s15, $0xb8;
	[tilespmem:$0xB100] =	vst v63  }
0x57: {  	_ =	swait.ge [sflag:s17], $0x1000  }
0x58: {  	[sflag:s17] =	ssyncset.done $0x0  }
0x59: {  	s20 =	sadd.s32 $0x2780, s20;
	[sflag:s17] =	ssyncadd.s32 $0xFFFFF000  }
0x5a: {  	[spmem:s2] =	stream.indirect.scatter.add.f32 [tilespmem:s16], [sflag:$0x2], $0x20, s20, s15, $0xb8;
	[tilespmem:$0xB100] =	vst v63  }
0x5b: {  	_ =	swait.ge [sflag:s13], $0x1000  }
0x5c: {  	[sflag:s13] =	ssyncset.done $0x0  }
0x5d: {  	[sflag:s13] =	ssyncadd.s32 $0xFFFFF000  }
0x5e: {  	[tilespmem:s12], [sflag:$0x2] =	stream.linear.gather [spmem:s9], $0x200, $0x38;
	[tilespmem:$0xB100] =	vst v63  }
0x5f: {  	_ =	swait.ge [sflag:s13], $0x200  }
0x60: {  	s3 =	sadd.s32 $0x1, s3;
	[sflag:s13] =	ssyncset.done $0x0  }
0x61: {  	p0 =	sne.s32 s3, s11;
	[sflag:s13] =	ssyncadd.s32 $0xFFFFFE00  }
.Ltmp2:
0x62: {  	[bflag:$0x0] =	sbarrier.arrive $0xFFFF;
	(pc) =	sbr.rel @p0 .LBB2_1-.Ltmp2, $4  }
0x63: {  	[hbm:s10], [sflag:s18] =	dma.local [spmem:s19], $0xA00  }
0x64: {  	_ =	swait.ge [sflag:s13], $0xA00  }
0x65: {  	[sflag:s13] =	ssyncset.done $0x0  }
0x66: {  	[sflag:s13] =	ssyncadd.s32 $0xFFFFF600  }
0x67: {  	_ =	sfence.sel $0x180000  }
0x68: {  	[bflag:$0x0] =	sbarrier.arrive $0xFFFF  }
0x69: {  	p0 =	sne.s32 s0, $0x0;
	_ =	strace $0x90000050  }
0x6a: {  	s0 =	sadd.s32 @!p0 $0x100000, s1;
	[bflag:$0x2] =	sbarrier.arrive $0xFFFF  }
0x6b: {  	[sflag:s0] =	ssyncadd.tile.s32 @!p0 $0x1;
	_ =	shalt  }
.Lfunc_end2:
_tile_overlayer_lowered:
.L_overlay_start_2:
0x6c: {  	(tag) =	ssettag $0x2  }
0x6d: {  	s0 =	rddreg [dreg:$0x0];
	s2 =	stileid.u32  }
0x6e: {  	s1 =	rddreg [dreg:$0x1];
	p0 =	sne.s32 s2, $0x0  }
0x6f: {  	s3 =	rddreg [dreg:$0x2];
	[bflag:$0x3] =	sbarrier.arrive $0xFFFF;
	s2 =	simm.s32 @!p0 $0x1C02  }
0x70: {  	[timem:s3], [sflag:s2] =	dma.local @!p0 [hbm:s0], s1  }
0x71: {  	s0 =	simm.s32 @!p0 $0x2  }
0x72: {  	_ =	swait.ge @!p0 [sflag:s0], s1  }
0x73: {  	s1 =	ssub.s32 @!p0 $0x0, s1;
	[sflag:s0] =	ssyncset.done @!p0 $0x0  }
0x74: {  	[sflag:s0] =	ssyncadd.s32 @!p0 s1  }
0x75: {  	[bflag:$0x3] =	sbarrier.arrive $0xFFFF  }
0x76: {  	_ =	shalt  }

// kernel: kernel.24.cloned.1.call-start
scs
__scs_entry_jumppad:
0x0: {  	(pc) =	sbr.rel $0x88, $3  }
0x1: {  	(tag) =	ssettag $0x0;
	lr =	simm.s32 $0x1  }
0x2: {  	[smem:$0x3F97] =	sst lr;
	_ =	strace $0xD0000000  }
0x3: {  	_ = 	snop  }
0x4: {  	_ = 	snop  }
0x5: {  	_ = 	snop  }
0x6: {  	_ = 	snop  }
0x7: {  	_ = 	snop  }
__scs_overlays_trampoline_lowered:
0x8: {  	[smem:$0x3FA6] =	sst s0  }
0x9: {  	[smem:$0x3FA7] =	sst s1  }
0xa: {  	[smem:$0x3FA8] =	sst s2  }
0xb: {  	[smem:$0x3FA9] =	sst s3  }
0xc: {  	[smem:$0x3FAA] =	sst s4  }
0xd: {  	[smem:$0x3FAB] =	sst s5  }
0xe: {  	[smem:$0x3FAC] =	sst s6  }
0xf: {  	[smem:$0x3FAD] =	sst s7  }
0x10: {  	[smem:$0x3FAE] =	sst s8  }
0x11: {  	[smem:$0x3FAF] =	sst s9;
	s0 =	simm.s32 @!p0 $0x0  }
0x12: {  	s1 =	sld [smem:$0x3F95];
	s0 =	simm.s32 @p0 $0x1  }
0x13: {  	[smem:$0x3FB0] =	sst s0;
	s0 =	simm.s32 @!p1 $0x0  }
0x14: {  	s2 =	sld [smem:$0x3F94];
	s0 =	simm.s32 @p1 $0x1  }
0x15: {  	[smem:$0x3FB1] =	sst s0;
	s0 =	simm.s32 @!p2 $0x0  }
0x16: {  	s3 =	sld [smem:$0x3FDB];
	s0 =	simm.s32 @p2 $0x1  }
0x17: {  	s4 =	simm.s32 $0x1BF5;
	[smem:$0x3FB3] =	sst s0  }
0x18: {  	s0 =	sld [smem:$0x3F96];
	_ =	swait.ge [sflag:s4], $0x0  }
0x19: {  	s7 =	sld [smem:$0x3F97]  }
0x1a: {  	s8 =	sadd.s32 $0xFFFFE003, lr  }
0x1b: {  	s9 =	sadd.s32 $0xFFFFFEF7, lr;
	s5 =	simm.s32 $0xFFFFFFFF;
	p2 =	slt.u32 s8, $0xFFFFF086  }
0x1c: {  	p1 =	slt.u32 s9, $0xF7A;
	s5 =	simm.s32 @!p2 $0x0  }
0x1d: {  	s5 =	simm.s32 @p1 $0x1;
	p0 =	seq.s32 s7, s2  }
0x1e: {  	s7 =	smul.u32 @!p0 $0xF7A, s2;
	p2 =	seq.s32 @!p0 s5, $0x0  }
0x1f: {  	s9 =	smul.u32 $0xF7A, s1;
	s8 =	simm.s32 @!p0 $0x1BF5;
	p2 =	por !p2, p0  }
0x20: {  	[sflag:s8] =	ssyncset.s32 @!p0 $0xFFFFF086;
	s6 =	sadd.s32 @!p0 s3, s7;
	s7 =	simm.s32 @!p0 $0x108  }
0x21: {  	s3 =	sadd.s32 s3, s9;
	s6 =	sadd.s32 @!p0 $0x88, s6;
	s7 =	simm.s32 @p2 $0x1082  }
0x22: {  	[simem:s7], [sflag:s8] =	dma.local @!p0 [hbm:s6], $0xF7A  }
0x23: {  	s9 =	sor.u32 $0xD0000000, s2;
	s6 =	simm.s32 $0x108;
	_ =	swait.ge @!p0 [sflag:s8], $0x0  }
0x24: {  	s3 =	sadd.s32 $0x88, s3;
	s6 =	simm.s32 @!p1 $0x1082;
	[sflag:s4] =	ssyncset.s32 $0xFFFFF086  }
0x25: {  	[simem:s6], [sflag:s4] =	dma.local [hbm:s3], $0xF7A  }
0x26: {  	[smem:$0x3F97] =	sst s1;
	(tag) =	ssettag s2;
	_ =	strace s9  }
0x27: {  	s1 =	sld [smem:$0x3FA7]  }
0x28: {  	s2 =	sld [smem:$0x3FA8]  }
0x29: {  	s4 =	sld [smem:$0x3FAA]  }
0x2a: {  	p0 =	seq.s32 s5, $0x0;
	s5 =	sld [smem:$0x3FAB]  }
0x2b: {  	s6 =	sld [smem:$0x3FAC]  }
0x2c: {  	s7 =	sld [smem:$0x3FAD]  }
0x2d: {  	s3 =	simm.s32 $0x108;
	s8 =	sld [smem:$0x3FAE]  }
0x2e: {  	s3 =	simm.s32 @!p0 $0x1082;
	s9 =	sld [smem:$0x3FAF]  }
0x2f: {  	lr =	sadd.s32 s0, s3;
	s0 =	sld [smem:$0x3FA6]  }
0x30: {  	s3 =	sld [smem:$0x3FA9]  }
0x31: {  	[smem:$0x3FB2] =	sst s10  }
0x32: {  	s10 =	sld [smem:$0x3FB0];
	_ =	sdelay $0x3  }
0x33: {  	p0 =	seq.s32 s10, $0x1;
	s10 =	sld [smem:$0x3FB2];
	_ =	sdelay $0x3  }
0x34: {  	[smem:$0x3FB2] =	sst s10  }
0x35: {  	s10 =	sld [smem:$0x3FB1];
	_ =	sdelay $0x3  }
0x36: {  	p1 =	seq.s32 s10, $0x1;
	s10 =	sld [smem:$0x3FB2];
	_ =	sdelay $0x3  }
0x37: {  	[smem:$0x3FB2] =	sst s10  }
0x38: {  	s10 =	sld [smem:$0x3FB3]  }
0x39: {  	_ = 	snop;
	(pc) =	sbr.ind lr, $3  }
0x3a: {  	_ = 	snop  }
0x3b: {  	_ = 	snop  }
0x3c: {  	p2 =	seq.s32 s10, $0x1;
	s10 =	sld [smem:$0x3FB2]  }
0x3d: {  	_ =	shalt  }
0x3e: {  	_ =	shalt  }
0x3f: {  	_ =	shalt  }
0x40: {  	_ =	shalt  }
0x41: {  	_ =	shalt  }
0x42: {  	_ =	shalt  }
0x43: {  	_ =	shalt  }
0x44: {  	_ =	shalt  }
0x45: {  	_ =	shalt  }
0x46: {  	_ =	shalt  }
0x47: {  	_ =	shalt  }
0x48: {  	_ =	shalt  }
0x49: {  	_ =	shalt  }
0x4a: {  	_ =	shalt  }
0x4b: {  	_ =	shalt  }
0x4c: {  	_ =	shalt  }
0x4d: {  	_ =	shalt  }
0x4e: {  	_ =	shalt  }
0x4f: {  	_ =	shalt  }
0x50: {  	_ =	shalt  }
0x51: {  	_ =	shalt  }
0x52: {  	_ =	shalt  }
0x53: {  	_ =	shalt  }
0x54: {  	_ =	shalt  }
0x55: {  	_ =	shalt  }
0x56: {  	_ =	shalt  }
0x57: {  	_ =	shalt  }
0x58: {  	_ =	shalt  }
0x59: {  	_ =	shalt  }
0x5a: {  	_ =	shalt  }
0x5b: {  	_ =	shalt  }
0x5c: {  	_ =	shalt  }
0x5d: {  	_ =	shalt  }
0x5e: {  	_ =	shalt  }
0x5f: {  	_ =	shalt  }
0x60: {  	_ =	shalt  }
0x61: {  	_ =	shalt  }
0x62: {  	_ =	shalt  }
0x63: {  	_ =	shalt  }
0x64: {  	_ =	shalt  }
0x65: {  	_ =	shalt  }
0x66: {  	_ =	shalt  }
0x67: {  	_ =	shalt  }
0x68: {  	_ =	shalt  }
0x69: {  	_ =	shalt  }
0x6a: {  	_ =	shalt  }
0x6b: {  	_ =	shalt  }
0x6c: {  	_ =	shalt  }
0x6d: {  	_ =	shalt  }
0x6e: {  	_ =	shalt  }
0x6f: {  	_ =	shalt  }
0x70: {  	_ =	shalt  }
0x71: {  	_ =	shalt  }
0x72: {  	_ =	shalt  }
0x73: {  	_ =	shalt  }
0x74: {  	_ =	shalt  }
0x75: {  	_ =	shalt  }
0x76: {  	_ =	shalt  }
0x77: {  	_ =	shalt  }
0x78: {  	_ =	shalt  }
0x79: {  	_ =	shalt  }
0x7a: {  	_ =	shalt  }
0x7b: {  	_ =	shalt  }
0x7c: {  	_ =	shalt  }
0x7d: {  	_ =	shalt  }
0x7e: {  	_ =	shalt  }
0x7f: {  	_ =	shalt  }
0x80: {  	_ =	shalt  }
0x81: {  	_ =	shalt  }
0x82: {  	_ =	shalt  }
0x83: {  	_ =	shalt  }
0x84: {  	_ =	shalt  }
0x85: {  	_ =	shalt  }
0x86: {  	_ =	shalt  }
0x87: {  	_ =	shalt  }
.Lfunc_end0:
.L_simem_size_0:
called_computation.4_lowered:
.L_overlay_start_0:
0x88: {  	s2 =	sld [smem:$0x3FD9]  }
0x89: {  	s3 =	sld [smem:$0x3FFE];
	_ =	sdelay $0x1  }
0x8a: {  	s1 =	srdreg.scid  }
0x8b: {  	s0 =	sand.u32 $0x1, s1  }
0x8c: {  	s17 =	sshll.u32 s0, $0xA;
	s2 =	sadd.s32 s3, s2  }
0x8d: {  	s2 =	sadd.s32 s2, s17  }
0x8e: {  	[smem:$0x3FBE] =	sst s2  }
0x8f: {  	_ = 	snop  }
0x90: {  	s2 =	sld [smem:$0x3FD0];
	(tm) =	ssettm $0x1  }
0x91: {  	s18 =	sld [smem:$0x3FFB];
	_ =	sdelay $0x3  }
0x92: {  	_ =	strace s18  }
0x93: {  	s3 =	sld [smem:$0x3FFC];
	_ =	sdelay $0x3  }
0x94: {  	_ =	strace s3  }
0x95: {  	s3 =	sld [smem:$0x3FFD];
	_ =	sdelay $0x3  }
0x96: {  	_ =	strace s3  }
0x97: {  	_ =	strace $0x8FFFFFFF  }
0x98: {  	s19 =	sld [smem:$0x3FDB];
	_ =	sdelay $0x1  }
0x99: {  	s4 =	simm.s32 $_scs_section_size  }
0x9a: {  	s5 =	simm.s32 $_size__tile_overlayer_lowered;
	s6 =	simm.s32 $_tile_overlayer_lowered  }
0x9b: {  	s22 =	simm.s32 $0x1BFF;
	s21 =	sshll.u32 s6, $0x1;
	s3 =	sadd.s32 s4, s19  }
0x9c: {  	s7 =	simm.s32 $0x0;
	s20 =	sshll.u32 s5, $0x1;
	s5 =	sadd.s32 s21, s3  }
0x9d: {  	[timem:s7], [sflag:s22] =	dma.local [hbm:s5], s20  }
0x9e: {  	_ =	swait.ge [sflag:s22], s20  }
0x9f: {  	s4 =	ssub.s32 $0x0, s20;
	[sflag:s22] =	ssyncset.done $0x0  }
0xa0: {  	[sflag:s22] =	ssyncadd.s32 s4;
	_ =	sdelay $0x1  }
0xa1: {  	s23 =	simm.s32 $0x1B8B  }
0xa2: {  	_ =	swait.ge [sflag:s23], $0x1  }
0xa3: {  	[sflag:s23] =	ssyncset.done $0x0  }
0xa4: {  	s25 =	simm.s32 $0x1B8E;
	s24 =	sld [smem:$0x3FFE];
	[sflag:s23] =	ssyncadd.s32 $0xFFFFFFFF  }
0xa5: {  	s26 =	simm.s32 $execute0_lowered;
	[smem:$0x3FD2] =	sst s25  }
0xa6: {  	s5 =	sshll.u32 s26, $0x1;
	_ =	strace $0x80000052;
	[dreg:$0x1] =	wrdreg $0xFFFFFFFF  }
0xa7: {  	s28 =	simm.s32 $_size_execute0_lowered;
	s3 =	sadd.s32 s3, s5;
	[dreg:$0x0] =	wrdreg $0x0  }
0xa8: {  	s5 =	sshll.u32 s28, $0x1;
	[dreg:$0x2] =	wrdreg s3  }
0xa9: {  	[dreg:$0x3] =	wrdreg s5  }
0xaa: {  	[dreg:$0x4] =	wrdreg $0xC0  }
0xab: {  	_ =	task [dreg:s7], $0x5FFFF  }
0xac: {  	[dreg:$0x1] =	wrdreg $0xFFFFFFFF  }
0xad: {  	[dreg:$0x0] =	wrdreg $0x60  }
0xae: {  	[dreg:$0x2] =	wrdreg s2  }
0xaf: {  	[dreg:$0x3] =	wrdreg s24  }
0xb0: {  	[dreg:$0x4] =	wrdreg $0x73000  }
0xb1: {  	[dreg:$0x5] =	wrdreg $0x9  }
0xb2: {  	_ =	task.clear_ibuf [dreg:s7], $0x6FFFF;
	_ =	strace $0x90000052  }
0xb3: {  	s29 =	simm.s32 $0x9;
	_ =	strace $0x80000054  }
0xb4: {  	_ =	swait.ge [sflag:s29], $0x1  }
0xb5: {  	[sflag:s29] =	ssyncadd.s32 $0xFFFFFFFF  }
0xb6: {  	_ =	strace $0x90000054  }
0xb7: {  	_ =	sfence  }
0xb8: {  	s30 =	sld [smem:$0x0];
	_ =	sdelay $0x2  }
0xb9: {  	s31 =	sshll.u32 s1, $0xD;
	s1 =	sshrl.u32 s1, $0x2  }
0xba: {  	s3 =	sand.u32 $0x4000, s31;
	s1 =	sadd.s32 s1, s30  }
0xbb: {  	s0 =	sor.u32 s3, s0;
	s1 =	sshll.u32 s1, $0x11  }
0xbc: {  	s0 =	sor.u32 s1, s0  }
0xbd: {  	s0 =	sadd.s32 $0x8F2B, s0  }
0xbe: {  	[sflag:s0] =	ssyncadd.remote.s32 $0x1  }
0xbf: {  	_ =	sfence.sel $0xFFFF  }
0xc0: {  	[dreg:$0x0] =	wrdreg $0xFFFFFFFF;
	(pc) =	sbr.abs _section_cstart, $3  }
0xc1: {  	[dreg:$0x1] =	wrdreg $0xFFFFFFFF  }
0xc2: {  	_ =	task.clear_ibuf [dreg:s7], $0x2FFFF;
	_ =	strace $0x9FFFFFFF  }
0xc3: {  	(tm) =	ssettm $0x7FFFFFFF  }
tec
execute0_lowered:
.L_overlay_start_1:
0x0: {  	(tag) =	ssettag $0x1  }
0x1: {  	s2 =	srdreg.scid;
	s1 =	rddreg [dreg:$0x0]  }
0x2: {  	s0 =	stileid.u32;
	s6 =	rddreg [dreg:$0x1]  }
0x3: {  	s3 =	rddreg [dreg:$0x2];
	s4 =	simm.s32 $0x0;
	s14 =	simm.s32 $0x2780  }
0x4: {  	s15 =	simm.s32 $0x80;
	s16 =	simm.s32 $0x4F00;
	s17 =	simm.s32 $0x1  }
0x5: {  	s5 =	sand.u32 $0x1, s2;
	s29 =	sshll.u32 s0, $0x1;
	s9 =	smul.u32 $0xA000, s0  }
0x6: {  	[smem:$0x7FF] =	sst s4;
	s10 =	smul.u32 $0x28000, s0;
	s18 =	sshll.u32 s0, $0x6  }
0x7: {  	s2 =	sor.u32 s5, s29;
	s8 =	smul.u32 $0xA0000, s5;
	s5 =	ssub.s32 $0x2, s5  }
0x8: {  	s18 =	sor.u32 $0x1C02, s18;
	s7 =	smul.u32 $0x4F0, s2;
	s2 =	rddreg [dreg:$0x3]  }
0x9: {  	_ =	strace $0x80000053;
	s31 =	sshrl.u32 s5, $0x1;
	s10 =	sshrl.u32 s10, $0x2  }
0xa: {  	s30 =	sadd.s32 s9, s8;
	s13 =	ssub.s32 s5, s31;
	s5 =	sadd.s32 s10, s3  }
0xb: {  	s9 =	sadd.s32 s9, s3;
	s11 =	sadd.s32 s7, s6;
	s7 =	sshrl.u32 s30, $0x3  }
0xc: {  	s19 =	sshrl.u32 s9, $0x3;
	s12 =	sadd.s32 s7, s6;
	s6 =	sadd.s32 $0x9C00, s5  }
0xd: {  	s7 =	sadd.s32 $0xC400, s11;
	s8 =	sadd.s32 $0x2600, s11;
	s11 =	smax.u32 s13, $0x1  }
0xe: {  	v0 =	vimm.f32 $0.0e+00;
	s13 =	simm.s32 $0x2;
	s10 =	sadd.s32 $0x16200, s12;
	s12 =	simm.s32 $0x6F00  }
.LBB2_1:
0xf: {  	[tilespmem:$0x6F00] =	vst v0  }
0x10: {  	[tilespmem:$0x6F10] =	vst v0  }
0x11: {  	[tilespmem:$0x6F20] =	vst v0  }
0x12: {  	[tilespmem:$0x6F30] =	vst v0  }
0x13: {  	[tilespmem:$0x6F40] =	vst v0  }
0x14: {  	[tilespmem:$0x6F50] =	vst v0  }
0x15: {  	[tilespmem:$0x6F60] =	vst v0  }
0x16: {  	[tilespmem:$0x6F70] =	vst v0  }
0x17: {  	[tilespmem:$0x6F80] =	vst v0  }
0x18: {  	[tilespmem:$0x6F90] =	vst v0  }
0x19: {  	[tilespmem:$0x6FA0] =	vst v0  }
0x1a: {  	[tilespmem:$0x6FB0] =	vst v0  }
0x1b: {  	[tilespmem:$0x6FC0] =	vst v0  }
0x1c: {  	[tilespmem:$0x6FD0] =	vst v0  }
0x1d: {  	[tilespmem:$0x6FE0] =	vst v0  }
0x1e: {  	[tilespmem:$0x6FF0] =	vst v0  }
0x1f: {  	[tilespmem:$0x7000] =	vst v0  }
0x20: {  	[tilespmem:$0x7010] =	vst v0  }
0x21: {  	[tilespmem:$0x7020] =	vst v0  }
0x22: {  	[tilespmem:$0x7030] =	vst v0  }
0x23: {  	[tilespmem:$0x7040] =	vst v0  }
0x24: {  	[tilespmem:$0x7050] =	vst v0  }
0x25: {  	[tilespmem:$0x7060] =	vst v0  }
0x26: {  	[tilespmem:$0x7070] =	vst v0  }
0x27: {  	[tilespmem:$0x7080] =	vst v0  }
0x28: {  	[tilespmem:$0x7090] =	vst v0  }
0x29: {  	[tilespmem:$0x70A0] =	vst v0  }
0x2a: {  	[tilespmem:$0x70B0] =	vst v0  }
0x2b: {  	[tilespmem:$0x70C0] =	vst v0  }
0x2c: {  	[tilespmem:$0x70D0] =	vst v0  }
0x2d: {  	[tilespmem:$0x70E0] =	vst v0  }
0x2e: {  	[tilespmem:$0x70F0] =	vst v0  }
0x2f: {  	[tilespmem:$0x7100] =	vst v0  }
0x30: {  	[tilespmem:$0x7110] =	vst v0  }
0x31: {  	[tilespmem:$0x7120] =	vst v0  }
0x32: {  	[tilespmem:$0x7130] =	vst v0  }
0x33: {  	[tilespmem:$0x7140] =	vst v0  }
0x34: {  	[tilespmem:$0x7150] =	vst v0  }
0x35: {  	[tilespmem:$0x7160] =	vst v0  }
0x36: {  	[tilespmem:$0x7170] =	vst v0  }
0x37: {  	[tilespmem:$0x7180] =	vst v0  }
0x38: {  	[tilespmem:$0x7190] =	vst v0  }
0x39: {  	[tilespmem:$0x71A0] =	vst v0  }
0x3a: {  	[tilespmem:$0x71B0] =	vst v0  }
0x3b: {  	[tilespmem:$0x71C0] =	vst v0  }
0x3c: {  	[tilespmem:$0x71D0] =	vst v0  }
0x3d: {  	[tilespmem:$0x71E0] =	vst v0  }
0x3e: {  	[tilespmem:$0x71F0] =	vst v0  }
0x3f: {  	[tilespmem:$0x7200] =	vst v0  }
0x40: {  	[tilespmem:$0x7210] =	vst v0  }
0x41: {  	[tilespmem:$0x7220] =	vst v0  }
0x42: {  	[tilespmem:$0x7230] =	vst v0  }
0x43: {  	[tilespmem:$0x7240] =	vst v0  }
0x44: {  	[tilespmem:$0x7250] =	vst v0  }
0x45: {  	[tilespmem:$0x7260] =	vst v0  }
0x46: {  	[tilespmem:$0x7270] =	vst v0  }
0x47: {  	[tilespmem:$0x7280] =	vst v0  }
0x48: {  	[tilespmem:$0x7290] =	vst v0  }
0x49: {  	[tilespmem:$0x72A0] =	vst v0  }
0x4a: {  	[tilespmem:$0x72B0] =	vst v0  }
0x4b: {  	[tilespmem:$0x72C0] =	vst v0  }
0x4c: {  	[tilespmem:$0x72D0] =	vst v0  }
0x4d: {  	[tilespmem:$0x72E0] =	vst v0  }
0x4e: {  	[tilespmem:$0x72F0] =	vst v0;
	s20 =	sadd.s32 $0x0, s5  }
0x4f: {  	[spmem:s20] =	stream.linear.scatter [tilespmem:s12], [sflag:$0x2], $0x400, $0x38;
	[tilespmem:$0x11300] =	vst v63  }
0x50: {  	s20 =	simm.s32 $0x1000;
	_ =	swait.ge [sflag:s13], $0x400  }
.LBB2_2:
0x51: {  	s21 =	sshra.s32 s20, $0x2;
	[sflag:s13] =	ssyncset.done $0x0;
	p0 =	sne.s32 s20, $0x27000  }
.Ltmp0:
0x52: {  	s21 =	sadd.s32 s21, s5;
	[sflag:s13] =	ssyncadd.s32 $0xFFFFFC00;
	(pc) =	sbr.rel @p0 .LBB2_2-.Ltmp0, $3  }
0x53: {  	[spmem:s21] =	stream.linear.scatter [tilespmem:s12], [sflag:$0x2], $0x400, $0x38;
	[tilespmem:$0x11300] =	vst v63  }
0x54: {  	s20 =	sadd.s32 $0x1000, s20;
	_ =	sdelay $0x1  }
0x55: {  	_ =	swait.ge [sflag:s13], $0x400  }
0x56: {  	[sflag:s13] =	ssyncset.done $0x0  }
0x57: {  	[sflag:s13] =	ssyncadd.s32 $0xFFFFFC00  }
0x58: {  	[tilespmem:s12], [sflag:$0x2] =	stream.linear.gather [spmem:s6], $0x400, $0x38;
	[tilespmem:$0x11300] =	vst v63  }
0x59: {  	_ =	swait.ge [sflag:s13], $0x400  }
0x5a: {  	[sflag:s13] =	ssyncset.done $0x0  }
0x5b: {  	s20 =	simm.s32 $0x0;
	[sflag:s13] =	ssyncadd.s32 $0xFFFFFC00  }
0x5c: {  	[tilespmem:s20], [sflag:$0x2] =	stream.linear.gather [hbm4b:s7+s20], $0x2780, $0x38;
	[tilespmem:$0x11300] =	vst v63  }
0x5d: {  	_ =	swait.ge [sflag:s13], $0x2780  }
0x5e: {  	[sflag:s13] =	ssyncset.done $0x0  }
0x5f: {  	[sflag:s13] =	ssyncadd.s32 $0xFFFFD880  }
0x60: {  	[tilespmem:s14], [sflag:$0x2] =	stream.linear.gather [hbm4b:s8+s20], $0x2780, $0x38;
	[tilespmem:$0x11300] =	vst v63  }
0x61: {  	_ =	swait.ge [sflag:s13], $0x2780  }
0x62: {  	[sflag:s13] =	ssyncset.done $0x0  }
0x63: {  	[sflag:s13] =	ssyncadd.s32 $0xFFFFD880  }
0x64: {  	s30 =	simm.s32 $0x0;
	[bflag:$0x0] =	sbarrier.arrive $0xFFFF  }
0x65: {  	[tilespmem:s16], [sflag:$0x1] =	stream.indirect.gather [hbm4b:s1+s15], $0x40, s30, s15, $0xb8;
	[tilespmem:$0x11300] =	vst v63  }
0x66: {  	_ =	swait.ge [sflag:s17], $0x2000  }
0x67: {  	[sflag:s17] =	ssyncset.done $0x0  }
0x68: {  	s31 =	simm.s32 $0x2780;
	[sflag:s17] =	ssyncadd.s32 $0xFFFFE000  }
0x69: {  	[spmem:s3] =	stream.indirect.scatter.add.f32 [tilespmem:s16], [sflag:$0x2], $0x40, s31, s15, $0xb8;
	[tilespmem:$0x11300] =	vst v63  }
0x6a: {  	_ =	swait.ge [sflag:s13], $0x2000  }
0x6b: {  	s21 =	simm.s32 $0x400;
	s20 =	simm.s32 $0x200;
	[sflag:s13] =	ssyncset.done $0x0  }
.LBB2_4:
0x6c: {  	s22 =	sshra.s32 s20, $0x2  }
0x6d: {  	[sflag:s13] =	ssyncadd.s32 $0xFFFFE000;
	s20 =	smov.u32 s21;
	s23 =	sadd.s32 $0x200, s21  }
0x6e: {  	[tilespmem:s16], [sflag:$0x1] =	stream.indirect.gather [hbm4b:s1+s15], $0x40, s22, s15, $0xb8;
	[tilespmem:$0x11300] =	vst v63  }
0x6f: {  	p0 =	sne.s32 s21, $0x9C00;
	_ =	swait.ge [sflag:s17], $0x2000  }
.Ltmp1:
0x70: {  	[sflag:s17] =	ssyncset.done $0x0;
	(pc) =	sbr.rel @p0 .LBB2_4-.Ltmp1, $4  }
0x71: {  	s21 =	sadd.s32 $0x2780, s22;
	[sflag:s17] =	ssyncadd.s32 $0xFFFFE000  }
0x72: {  	[spmem:s3] =	stream.indirect.scatter.add.f32 [tilespmem:s16], [sflag:$0x2], $0x40, s21, s15, $0xb8;
	[tilespmem:$0x11300] =	vst v63  }
0x73: {  	_ =	swait.ge [sflag:s13], $0x2000  }
0x74: {  	s21 =	smov.u32 s23;
	[sflag:s13] =	ssyncset.done $0x0  }
0x75: {  	s20 =	sshra.s32 s20, $0x2;
	[sflag:s13] =	ssyncadd.s32 $0xFFFFE000  }
0x76: {  	[tilespmem:s16], [sflag:$0x1] =	stream.indirect.gather [hbm4b:s1+s15], $0x40, s20, s15, $0xb8;
	[tilespmem:$0x11300] =	vst v63  }
0x77: {  	_ =	swait.ge [sflag:s17], $0x2000  }
0x78: {  	[sflag:s17] =	ssyncset.done $0x0  }
0x79: {  	s20 =	sadd.s32 $0x2780, s20;
	[sflag:s17] =	ssyncadd.s32 $0xFFFFE000  }
0x7a: {  	[spmem:s3] =	stream.indirect.scatter.add.f32 [tilespmem:s16], [sflag:$0x2], $0x40, s20, s15, $0xb8;
	[tilespmem:$0x11300] =	vst v63  }
0x7b: {  	_ =	swait.ge [sflag:s13], $0x2000  }
0x7c: {  	[sflag:s13] =	ssyncset.done $0x0  }
0x7d: {  	[sflag:s13] =	ssyncadd.s32 $0xFFFFE000  }
0x7e: {  	[tilespmem:s12], [sflag:$0x2] =	stream.linear.gather [spmem:s9], $0x400, $0x38;
	[tilespmem:$0x11300] =	vst v63  }
0x7f: {  	_ =	swait.ge [sflag:s13], $0x400  }
0x80: {  	s4 =	sadd.s32 $0x1, s4;
	[sflag:s13] =	ssyncset.done $0x0  }
0x81: {  	p0 =	sne.s32 s4, s11;
	[sflag:s13] =	ssyncadd.s32 $0xFFFFFC00  }
.Ltmp2:
0x82: {  	[bflag:$0x0] =	sbarrier.arrive $0xFFFF;
	(pc) =	sbr.rel @p0 .LBB2_1-.Ltmp2, $4  }
0x83: {  	[hbm:s10], [sflag:s18] =	dma.local [spmem:s19], $0x1400  }
0x84: {  	_ =	swait.ge [sflag:s13], $0x1400  }
0x85: {  	[sflag:s13] =	ssyncset.done $0x0  }
0x86: {  	[sflag:s13] =	ssyncadd.s32 $0xFFFFEC00  }
0x87: {  	_ =	sfence.sel $0x180000  }
0x88: {  	[bflag:$0x0] =	sbarrier.arrive $0xFFFF  }
0x89: {  	p0 =	sne.s32 s0, $0x0;
	_ =	strace $0x90000053  }
0x8a: {  	s0 =	sadd.s32 @!p0 $0x100000, s2;
	[bflag:$0x2] =	sbarrier.arrive $0xFFFF  }
0x8b: {  	[sflag:s0] =	ssyncadd.tile.s32 @!p0 $0x1;
	_ =	shalt  }
.Lfunc_end2:
_tile_overlayer_lowered:
.L_overlay_start_2:
0x8c: {  	(tag) =	ssettag $0x2  }
0x8d: {  	s0 =	rddreg [dreg:$0x0];
	s2 =	stileid.u32  }
0x8e: {  	s1 =	rddreg [dreg:$0x1];
	p0 =	sne.s32 s2, $0x0  }
0x8f: {  	s3 =	rddreg [dreg:$0x2];
	[bflag:$0x3] =	sbarrier.arrive $0xFFFF;
	s2 =	simm.s32 @!p0 $0x1C02  }
0x90: {  	[timem:s3], [sflag:s2] =	dma.local @!p0 [hbm:s0], s1  }
0x91: {  	s0 =	simm.s32 @!p0 $0x2  }
0x92: {  	_ =	swait.ge @!p0 [sflag:s0], s1  }
0x93: {  	s1 =	ssub.s32 @!p0 $0x0, s1;
	[sflag:s0] =	ssyncset.done @!p0 $0x0  }
0x94: {  	[sflag:s0] =	ssyncadd.s32 @!p0 s1  }
0x95: {  	[bflag:$0x3] =	sbarrier.arrive $0xFFFF  }
0x96: {  	_ =	shalt  }

</sc_bundles>
